<compile_context>
chip_gen: v7x
topology: tpu7x:2x2x1
jax: 0.10.2.dev20260603
libtpu: 0.0.44.dev20260713+nightly
codegen_flags: <defaults>
</compile_context>

<pallas_src>
import functools

import jax
import jax.numpy as jnp
from jax import lax
from jax.experimental import pallas as pl
from jax.experimental.pallas import tpu as pltpu
from jax.experimental.pallas import tpu_sc as plsc

N_NODES = 10000
N_EDGES = 320000
D = 128
N_GRAPHS = 64
D_OUT = 40

NPAD = 10240
NW = 32
CHUNK = 80
NCH = 125
EP = NW * NCH * CHUNK
EPW = NCH * CHUNK
ROWS_PT = NPAD // 16

@functools.cache
def _sc_kernels():
    mesh = plsc.VectorSubcoreMesh(core_axis_name="c", subcore_axis_name="s")
    deg_call = functools.partial(
        pl.kernel,
        out_type=jax.ShapeDtypeStruct((2, NPAD), jnp.float32),
        mesh=mesh,
        scratch_types=[
            pltpu.VMEM((NCH // 5, 5, CHUNK), jnp.int32),
            pltpu.VMEM((CHUNK,), jnp.float32),
            pltpu.VMEM((ROWS_PT,), jnp.float32),
            pltpu.VMEM_SHARED((NPAD,), jnp.float32),
        ],
    )(_deg_body)
    spmm_call = functools.partial(
        pl.kernel,
        out_type=jax.ShapeDtypeStruct((2, NPAD, D), jnp.float32),
        mesh=mesh,
        scratch_types=(
            [pltpu.VMEM((5, CHUNK), jnp.int32)] * 3
            + [pltpu.VMEM((5, CHUNK), jnp.int32)] * 3
            + [pltpu.VMEM((CHUNK, D), jnp.float32)] * 3
            + [pltpu.VMEM_SHARED((NPAD, D), jnp.float32)]
            + [pltpu.SemaphoreType.DMA] * 9
        ),
    )(_spmm_body)
    return deg_call, spmm_call


def _deg_body(eidx_hbm, out_hbm, dstv, onesv, zrow, dacc):
    cid = lax.axis_index("c")
    sid = lax.axis_index("s")
    wid = sid * 2 + cid
    pltpu.sync_copy(eidx_hbm.at[1, wid], dstv)
    for k in range(CHUNK // 16):
        onesv[pl.ds(16 * k, 16)] = jnp.ones((16,), jnp.float32)

    def _zb(j, carry):
        zrow[pl.ds(j * 16, 16)] = jnp.zeros((16,), jnp.float32)
        return carry

    lax.fori_loop(0, ROWS_PT // 16, _zb, 0)
    pltpu.sync_copy(zrow, dacc.at[pl.ds(sid * ROWS_PT, ROWS_PT)])

    plsc.subcore_barrier()

    def body(j, carry):
        pltpu.sync_copy(onesv, dacc.at[dstv.at[j // 5, j % 5]], add=True)
        return carry

    lax.fori_loop(0, NCH, body, 0)
    plsc.subcore_barrier()
    pltpu.sync_copy(dacc.at[pl.ds(sid * ROWS_PT, ROWS_PT)],
                    out_hbm.at[cid, pl.ds(sid * ROWS_PT, ROWS_PT)])


def _spmm_body(hp_hbm, eidx_hbm, out_hbm, *refs):
    cid = lax.axis_index("c")
    sid = lax.axis_index("s")
    wid = sid * 2 + cid
    srcb = refs[0:3]
    dstb = refs[3:6]
    rows = refs[6:9]
    acc = refs[9]
    si = refs[10:13]
    sg = refs[13:16]
    ss = refs[16:19]

    @pl.when(cid == 0)
    def _():
        pltpu.sync_copy(hp_hbm.at[pl.ds(sid * ROWS_PT, ROWS_PT)],
                        acc.at[pl.ds(sid * ROWS_PT, ROWS_PT)])

    @pl.when(cid == 1)
    def _():
        def _zb(j, carry):
            for k in range(D // 16):
                rows[0][j, pl.ds(16 * k, 16)] = jnp.zeros((16,), jnp.float32)
            return carry

        lax.fori_loop(0, CHUNK, _zb, 0)
        base = sid * ROWS_PT
        for r in range(ROWS_PT // CHUNK):
            pltpu.sync_copy(rows[0], acc.at[pl.ds(base + r * CHUNK, CHUNK)])
        rem = ROWS_PT % CHUNK
        if rem:
            pltpu.sync_copy(
                rows[0].at[pl.ds(0, rem)],
                acc.at[pl.ds(base + (ROWS_PT // CHUNK) * CHUNK, rem)])

    plsc.subcore_barrier()

    def i_start(s5, b):
        pltpu.async_copy(eidx_hbm.at[0, wid, s5], srcb[b], si[b])
        pltpu.async_copy(eidx_hbm.at[1, wid, s5], dstb[b], si[b])

    def i_wait(b):
        pltpu.make_async_copy(eidx_hbm.at[0, 0, 0], srcb[b], si[b]).wait()
        pltpu.make_async_copy(eidx_hbm.at[0, 0, 0], dstb[b], si[b]).wait()

    def g_start(rb, ib, row):
        pltpu.async_copy(hp_hbm.at[srcb[ib].at[row]], rows[rb], sg[rb])

    def g_wait(b):
        pltpu.make_async_copy(hp_hbm.at[pl.ds(0, CHUNK)], rows[b],
                              sg[b]).wait()

    def s_start(rb, ib, row):
        pltpu.async_copy(rows[rb], acc.at[dstb[ib].at[row]], ss[rb],
                         add=True)

    def s_wait(b):
        pltpu.make_async_copy(hp_hbm.at[pl.ds(0, CHUNK)], rows[b],
                              ss[b]).wait()

    i_start(0, 0)
    i_start(1, 1)
    i_wait(0)
    g_start(0, 0, 0)

    def step(c, b):
        @pl.when(c - 2 >= 0)
        def _():
            s_wait((b + 1) % 3)

        if b % 5 == 2:
            @pl.when(c + 8 < NCH)
            def _():
                i_start((c + 8) // 5, (b // 5 + 2) % 3)

        if b % 5 == 4:
            i_wait((b // 5 + 1) % 3)

        g_start((b + 1) % 3, ((b + 1) // 5) % 3, (b + 1) % 5)
        g_wait(b % 3)
        s_start(b % 3, (b // 5) % 3, b % 5)

    def body(i, carry):
        c0 = 15 * i
        for b in range(15):
            step(c0 + b, b)
        return carry

    lax.fori_loop(0, (NCH - 5) // 15, body, 0)
    for c in range(NCH - 5, NCH):
        s_wait((c - 2) % 3)
        if c + 1 < NCH:
            g_start((c + 1) % 3, 0, (c + 1) % 5)
        g_wait(c % 3)
        s_start(c % 3, 0, c % 5)
    s_wait((NCH - 2) % 3)
    s_wait((NCH - 1) % 3)
    plsc.subcore_barrier()
    pltpu.sync_copy(acc.at[pl.ds(sid * ROWS_PT, ROWS_PT)],
                    out_hbm.at[cid, pl.ds(sid * ROWS_PT, ROWS_PT)])


BR = 1024
GRID = NPAD // BR


def _dinv_of(deg_ref, i):
    deg = deg_ref[0, :] + deg_ref[1, :] + 1.0
    row = i * BR + lax.broadcasted_iota(jnp.int32, (BR,), 0)
    return jnp.where(row < N_NODES, lax.rsqrt(deg), 0.0)


def _mm_scale_body(deg_ref, x_ref, w_ref, o_ref):
    i = pl.program_id(0)
    dinv = _dinv_of(deg_ref, i)
    h = jax.lax.dot_general(x_ref[...], w_ref[...], (((1,), (0,)), ((), ())),
                            preferred_element_type=jnp.float32)
    o_ref[...] = dinv[:, None] * h


def _mm_scale(deg2, xp, W):
    return pl.pallas_call(
        _mm_scale_body,
        grid=(GRID,),
        in_specs=[
            pl.BlockSpec((2, BR), lambda i: (0, i)),
            pl.BlockSpec((BR, D), lambda i: (i, 0)),
            pl.BlockSpec((D, D), lambda i: (0, 0)),
        ],
        out_specs=pl.BlockSpec((BR, D), lambda i: (i, 0)),
        out_shape=jax.ShapeDtypeStruct((NPAD, D), jnp.float32),
    )(deg2, xp, W)


def _mid_body(deg_ref, acc_ref, w_ref, b_ref, o_ref):
    i = pl.program_id(0)
    dinv = _dinv_of(deg_ref, i)
    s = acc_ref[0] + acc_ref[1]
    a = jnp.maximum(dinv[:, None] * s + b_ref[...], 0.0)
    h = jax.lax.dot_general(a, w_ref[...], (((1,), (0,)), ((), ())),
                            preferred_element_type=jnp.float32)
    o_ref[...] = dinv[:, None] * h


def _mid(deg2, acc, W, b):
    return pl.pallas_call(
        _mid_body,
        grid=(GRID,),
        in_specs=[
            pl.BlockSpec((2, BR), lambda i: (0, i)),
            pl.BlockSpec((2, BR, D), lambda i: (0, i, 0)),
            pl.BlockSpec((D, D), lambda i: (0, 0)),
            pl.BlockSpec((1, D), lambda i: (0, 0)),
        ],
        out_specs=pl.BlockSpec((BR, D), lambda i: (i, 0)),
        out_shape=jax.ShapeDtypeStruct((NPAD, D), jnp.float32),
    )(deg2, acc, W, b)


def _final_body(deg_ref, acc_ref, b_ref, batch_ref, wl_ref, bl_ref,
                o_ref, sums, cnts):
    i = pl.program_id(0)
    dinv = _dinv_of(deg_ref, i)
    s = acc_ref[0] + acc_ref[1]
    a = jnp.maximum(dinv[:, None] * s + b_ref[...], 0.0)
    g = batch_ref[...]
    onehot_t = (lax.broadcasted_iota(jnp.int32, (N_GRAPHS, BR), 0)
                == g).astype(jnp.float32)
    s_blk = jax.lax.dot_general(onehot_t, a, (((1,), (0,)), ((), ())),
                                preferred_element_type=jnp.float32)
    c_blk = jax.lax.dot_general(onehot_t, jnp.ones((BR, D), jnp.float32),
                                (((1,), (0,)), ((), ())),
                                preferred_element_type=jnp.float32)

    @pl.when(i == 0)
    def _():
        sums[...] = jnp.zeros_like(sums)
        cnts[...] = jnp.zeros_like(cnts)

    sums[...] += s_blk
    cnts[...] += c_blk

    @pl.when(i == GRID - 1)
    def _():
        p = sums[...] / jnp.maximum(cnts[...], 1.0)
        logits = jax.lax.dot_general(p, wl_ref[...], (((1,), (0,)), ((), ())),
                                     preferred_element_type=jnp.float32)
        logits = logits + bl_ref[...]
        m = jnp.max(logits, axis=1, keepdims=True)
        lse = m + jnp.log(jnp.sum(jnp.exp(logits - m), axis=1, keepdims=True))
        o_ref[...] = logits - lse


def _final(deg2, acc, b, batch2, Wlp, blp):
    return pl.pallas_call(
        _final_body,
        grid=(GRID,),
        in_specs=[
            pl.BlockSpec((2, BR), lambda i: (0, i)),
            pl.BlockSpec((2, BR, D), lambda i: (0, i, 0)),
            pl.BlockSpec((1, D), lambda i: (0, 0)),
            pl.BlockSpec((1, BR), lambda i: (0, i)),
            pl.BlockSpec((D, D), lambda i: (0, 0)),
            pl.BlockSpec((1, D), lambda i: (0, 0)),
        ],
        out_specs=pl.BlockSpec((N_GRAPHS, D), lambda i: (0, 0)),
        out_shape=jax.ShapeDtypeStruct((N_GRAPHS, D), jnp.float32),
        scratch_shapes=[
            pltpu.VMEM((N_GRAPHS, D), jnp.float32),
            pltpu.VMEM((N_GRAPHS, D), jnp.float32),
        ],
    )(deg2, acc, b, batch2, Wlp, blp)


def kernel(x, edge_index, batch, W1, b1, W2, b2, Wl, bl):
    xp = jnp.pad(x, ((0, NPAD - N_NODES), (0, 0)))
    eidx4 = edge_index.astype(jnp.int32).reshape(2, NW, NCH // 5, 5, CHUNK)
    batch2 = jnp.pad(batch.astype(jnp.int32), (0, NPAD - N_NODES),
                     constant_values=N_GRAPHS).reshape(1, NPAD)
    b1r = b1.reshape(1, D)
    b2r = b2.reshape(1, D)
    Wlp = jnp.pad(Wl, ((0, 0), (0, D - D_OUT)))
    blp = jnp.pad(bl, (0, D - D_OUT), constant_values=-1e30).reshape(1, D)

    deg_call, spmm_call = _sc_kernels()
    deg2 = deg_call(eidx4)
    hp1 = _mm_scale(deg2, xp, W1)
    acc1 = spmm_call(hp1, eidx4)
    hp2 = _mid(deg2, acc1, W2, b1r)
    acc2 = spmm_call(hp2, eidx4)
    out128 = _final(deg2, acc2, b2r, batch2, Wlp, blp)
    return out128[:, :D_OUT]

# --- scband reference (transcript-rebuilt; emitter-appended) ---
"""Pipeline reference for scband-gnnmodule-45698452029719 (READ-ONLY COPY).

The authoritative reference and input builder live on the scoring server;
editing this copy changes nothing except your own understanding.
"""

import jax, jax.numpy as jnp
import numpy as np

N_NODES = 10000
N_EDGES = 320000
D_IN = 128
D_HID = 128
D_OUT = 40
N_GRAPHS = 64


def setup_inputs(seed: int = 0) -> dict:
    key = jax.random.key(seed)
    k = jax.random.split(key, 10)
    x = jax.random.normal(k[0], (N_NODES, D_IN), dtype=jnp.float32)
    edge_index = jax.random.randint(k[1], (2, N_EDGES), 0, N_NODES, dtype=jnp.int64)
    batch = jnp.sort(jax.random.randint(k[2], (N_NODES,), 0, N_GRAPHS, dtype=jnp.int64))
    s1 = 1.0 / np.sqrt(D_IN)
    s2 = 1.0 / np.sqrt(D_HID)
    W1 = jax.random.uniform(k[3], (D_IN, D_HID), dtype=jnp.float32, minval=-s1, maxval=s1)
    b1 = jnp.zeros((D_HID,), dtype=jnp.float32)
    W2 = jax.random.uniform(k[4], (D_HID, D_HID), dtype=jnp.float32, minval=-s2, maxval=s2)
    b2 = jnp.zeros((D_HID,), dtype=jnp.float32)
    Wl = jax.random.uniform(k[5], (D_HID, D_OUT), dtype=jnp.float32, minval=-s2, maxval=s2)
    bl = jax.random.uniform(k[6], (D_OUT,), dtype=jnp.float32, minval=-s2, maxval=s2)
    return {"x": x, "edge_index": edge_index, "batch": batch,
            "W1": W1, "b1": b1, "W2": W2, "b2": b2, "Wl": Wl, "bl": bl}


def _gcn_conv(x, edge_index, W, b):
    # GCNConv with self-loops and symmetric normalization: D^-1/2 (A+I) D^-1/2 X W + b
    N = x.shape[0]
    loop = jnp.arange(N, dtype=edge_index.dtype)
    src = jnp.concatenate([edge_index[0], loop])
    dst = jnp.concatenate([edge_index[1], loop])
    deg = jax.ops.segment_sum(jnp.ones_like(src, dtype=x.dtype), dst, num_segments=N)
    dinv = jnp.where(deg > 0, 1.0 / jnp.sqrt(deg), 0.0)
    norm = dinv[src] * dinv[dst]
    h = x @ W
    msg = jnp.take(h, src, axis=0) * norm[:, None]
    out = jax.ops.segment_sum(msg, dst, num_segments=N)
    return out + b


def _global_mean_pool(x, batch, num_graphs):
    ones = jnp.ones((x.shape[0],), dtype=x.dtype)
    counts = jax.ops.segment_sum(ones, batch, num_segments=num_graphs)
    sums = jax.ops.segment_sum(x, batch, num_segments=num_graphs)
    return sums / jnp.clip(counts, 1.0)[:, None]


def reference(x, edge_index, batch, W1, b1, W2, b2, Wl, bl):
    # layer 1: conv -> relu -> dropout (eval mode: identity)
    h = _gcn_conv(x, edge_index, W1, b1)
    h = jax.nn.relu(h)
    # layer 2: conv -> relu -> dropout (eval mode: identity)
    h = _gcn_conv(h, edge_index, W2, b2)
    h = jax.nn.relu(h)
    # final: global mean pool over graphs, then linear
    p = _global_mean_pool(h, batch, N_GRAPHS)
    logits = p @ Wl + bl
    return jax.nn.log_softmax(logits, axis=1)

if __name__ == "__main__":
    import jax
    _d = setup_inputs()
    print(jax.jit(kernel)(*tuple(_d.values())))

</pallas_src>

<mosaic_0001>
#map = affine_map<(d0, d1) -> (0, 0)>
#map1 = affine_map<(d0, d1) -> (0, 0, 0, 0, 0)>
#map2 = affine_map<(d0, d1) -> (0, 0, 0)>
module attributes {stable_mosaic.version = 14 : i64} {
  func.func @_spmm_body(%arg0: i32, %arg1: i32, %arg2: memref<10240x128xf32, #tpu.memory_space<hbm>>, %arg3: memref<2x32x25x5x80xi32, #tpu.memory_space<hbm>>, %arg4: memref<2x10240x128xf32, #tpu.memory_space<hbm>>, %arg5: memref<5x80xi32, #tpu.memory_space<vmem>>, %arg6: memref<5x80xi32, #tpu.memory_space<vmem>>, %arg7: memref<5x80xi32, #tpu.memory_space<vmem>>, %arg8: memref<5x80xi32, #tpu.memory_space<vmem>>, %arg9: memref<5x80xi32, #tpu.memory_space<vmem>>, %arg10: memref<5x80xi32, #tpu.memory_space<vmem>>, %arg11: memref<80x128xf32, #tpu.memory_space<vmem>>, %arg12: memref<80x128xf32, #tpu.memory_space<vmem>>, %arg13: memref<80x128xf32, #tpu.memory_space<vmem>>, %arg14: memref<10240x128xf32, #tpu.memory_space<vmem_shared>>, %arg15: memref<!tpu.dma_semaphore, #tpu.memory_space<semaphore_mem>>, %arg16: memref<!tpu.dma_semaphore, #tpu.memory_space<semaphore_mem>>, %arg17: memref<!tpu.dma_semaphore, #tpu.memory_space<semaphore_mem>>, %arg18: memref<!tpu.dma_semaphore, #tpu.memory_space<semaphore_mem>>, %arg19: memref<!tpu.dma_semaphore, #tpu.memory_space<semaphore_mem>>, %arg20: memref<!tpu.dma_semaphore, #tpu.memory_space<semaphore_mem>>, %arg21: memref<!tpu.dma_semaphore, #tpu.memory_space<semaphore_mem>>, %arg22: memref<!tpu.dma_semaphore, #tpu.memory_space<semaphore_mem>>, %arg23: memref<!tpu.dma_semaphore, #tpu.memory_space<semaphore_mem>>) attributes {dimension_semantics = [#tpu.dimension_semantics<core_parallel>, #tpu.dimension_semantics<subcore_parallel>], iteration_bounds = array<i64: 2, 16>, scalar_prefetch = 0 : i64, scratch_operands = 19 : i64, tpu.core_type = #tpu.core_type<sc_vector_subcore>, window_params = [{transform_indices = #map}, {transform_indices = #map1}, {transform_indices = #map2}]} {
    %mul3A = arith.constant 2 : i32
    %mul3A_0 = arith.muli %arg1, %mul3A : i32
    %add3A = arith.addi %mul3A_0, %arg0 : i32
    %eq3A = arith.constant 0 : i32
    %eq3A_1 = arith.cmpi eq, %arg0, %eq3A : i32
    %convert_element_type3A = arith.extui %eq3A_1 : i1 to i32
    %cond3A = arith.constant 0 : i32
    %cond3A_2 = arith.cmpi ne, %convert_element_type3A, %cond3A : i32
    scf.if %cond3A_2 {
      %mul3A_220 = arith.constant 640 : i32
      %mul3A_221 = arith.muli %arg1, %mul3A_220 : i32
      %mul3A_222 = arith.constant 640 : i32
      %mul3A_223 = arith.muli %arg1, %mul3A_222 : i32
      "tpu.region"() ({
        %run_scoped3A = tpu.sem_alloc : memref<!tpu.dma_semaphore, #tpu.memory_space<semaphore_mem>>
        %dma_start3A_224 = arith.constant 0 : i32
        %dma_start3A_225 = tpu.memref_slice %arg14[%mul3A_223, %dma_start3A_224] : memref<10240x128xf32, #tpu.memory_space<vmem_shared>> -> memref<640x128xf32, #tpu.memory_space<vmem_shared>>
        %dma_start3A_226 = arith.constant 0 : i32
        %dma_start3A_227 = tpu.memref_slice %arg2[%mul3A_221, %dma_start3A_226] : memref<10240x128xf32, #tpu.memory_space<hbm>> -> memref<640x128xf32, #tpu.memory_space<hbm>>
        tpu.enqueue_dma source(%dma_start3A_227 : memref<640x128xf32, #tpu.memory_space<hbm>>) target(%dma_start3A_225 : memref<640x128xf32, #tpu.memory_space<vmem_shared>>) target_semaphore(%run_scoped3A : memref<!tpu.dma_semaphore, #tpu.memory_space<semaphore_mem>>)
        %dma_wait3A_228 = arith.constant 0 : i32
        %dma_wait3A_229 = tpu.memref_slice %arg14[%mul3A_223, %dma_wait3A_228] : memref<10240x128xf32, #tpu.memory_space<vmem_shared>> -> memref<640x128xf32, #tpu.memory_space<vmem_shared>>
        %dma_wait3A_230 = arith.constant 0 : i32
        %dma_wait3A_231 = tpu.memref_slice %arg2[%mul3A_221, %dma_wait3A_230] : memref<10240x128xf32, #tpu.memory_space<hbm>> -> memref<640x128xf32, #tpu.memory_space<hbm>>
        tpu.wait_dma2 semaphore(%run_scoped3A : memref<!tpu.dma_semaphore, #tpu.memory_space<semaphore_mem>>) src(%dma_wait3A_231 : memref<640x128xf32, #tpu.memory_space<hbm>>) dst(%dma_wait3A_229 : memref<640x128xf32, #tpu.memory_space<vmem_shared>>)
        tpu.yield
      }) : () -> ()
    } else {
    }
    %eq3A_3 = arith.constant 1 : i32
    %eq3A_4 = arith.cmpi eq, %arg0, %eq3A_3 : i32
    %convert_element_type3A_5 = arith.extui %eq3A_4 : i1 to i32
    %cond3A_6 = arith.constant 0 : i32
    %cond3A_7 = arith.cmpi ne, %convert_element_type3A_5, %cond3A_6 : i32
    scf.if %cond3A_7 {
      %scan3A_220 = arith.constant 0 : i32
      %scan3A_221 = arith.constant 0 : i32
      %scan3A_222 = arith.constant 80 : i32
      %scan3A_223 = arith.addi %scan3A_221, %scan3A_222 : i32
      %scan3A_224 = arith.constant 1 : i32
      scf.for %scan3A_244 = %scan3A_221 to %scan3A_223 step %scan3A_224  : i32 {
        %broadcast_in_dim3A = arith.constant 0.000000e+00 : f32
        %broadcast_in_dim3A_245 = vector.broadcast %broadcast_in_dim3A : f32 to vector<16xf32>
        %swap3A = arith.index_cast %scan3A_244 : i32 to index
        %swap3A_246 = arith.constant 0 : index
        %swap3A_247 = tpu.vector_load %arg11[%swap3A, %swap3A_246] {strides = array<i32>} : memref<80x128xf32, #tpu.memory_space<vmem>>, vector<1x16xf32>,
        %swap3A_248 = vector.shape_cast %swap3A_247 : vector<1x16xf32> to vector<16xf32>
        %swap3A_249 = vector.shape_cast %broadcast_in_dim3A_245 : vector<16xf32> to vector<1x16xf32>
        tpu.vector_store %arg11[%swap3A, %swap3A_246], %swap3A_249 {strides = array<i32>} : memref<80x128xf32, #tpu.memory_space<vmem>>, vector<1x16xf32>,
        %broadcast_in_dim3A_250 = arith.constant 0.000000e+00 : f32
        %broadcast_in_dim3A_251 = vector.broadcast %broadcast_in_dim3A_250 : f32 to vector<16xf32>
        %swap3A_252 = arith.index_cast %scan3A_244 : i32 to index
        %swap3A_253 = arith.constant 16 : index
        %swap3A_254 = tpu.vector_load %arg11[%swap3A_252, %swap3A_253] {strides = array<i32>} : memref<80x128xf32, #tpu.memory_space<vmem>>, vector<1x16xf32>,
        %swap3A_255 = vector.shape_cast %swap3A_254 : vector<1x16xf32> to vector<16xf32>
        %swap3A_256 = vector.shape_cast %broadcast_in_dim3A_251 : vector<16xf32> to vector<1x16xf32>
        tpu.vector_store %arg11[%swap3A_252, %swap3A_253], %swap3A_256 {strides = array<i32>} : memref<80x128xf32, #tpu.memory_space<vmem>>, vector<1x16xf32>,
        %broadcast_in_dim3A_257 = arith.constant 0.000000e+00 : f32
        %broadcast_in_dim3A_258 = vector.broadcast %broadcast_in_dim3A_257 : f32 to vector<16xf32>
        %swap3A_259 = arith.index_cast %scan3A_244 : i32 to index
        %swap3A_260 = arith.constant 32 : index
        %swap3A_261 = tpu.vector_load %arg11[%swap3A_259, %swap3A_260] {strides = array<i32>} : memref<80x128xf32, #tpu.memory_space<vmem>>, vector<1x16xf32>,
        %swap3A_262 = vector.shape_cast %swap3A_261 : vector<1x16xf32> to vector<16xf32>
        %swap3A_263 = vector.shape_cast %broadcast_in_dim3A_258 : vector<16xf32> to vector<1x16xf32>
        tpu.vector_store %arg11[%swap3A_259, %swap3A_260], %swap3A_263 {strides = array<i32>} : memref<80x128xf32, #tpu.memory_space<vmem>>, vector<1x16xf32>,
        %broadcast_in_dim3A_264 = arith.constant 0.000000e+00 : f32
        %broadcast_in_dim3A_265 = vector.broadcast %broadcast_in_dim3A_264 : f32 to vector<16xf32>
        %swap3A_266 = arith.index_cast %scan3A_244 : i32 to index
        %swap3A_267 = arith.constant 48 : index
        %swap3A_268 = tpu.vector_load %arg11[%swap3A_266, %swap3A_267] {strides = array<i32>} : memref<80x128xf32, #tpu.memory_space<vmem>>, vector<1x16xf32>,
        %swap3A_269 = vector.shape_cast %swap3A_268 : vector<1x16xf32> to vector<16xf32>
        %swap3A_270 = vector.shape_cast %broadcast_in_dim3A_265 : vector<16xf32> to vector<1x16xf32>
        tpu.vector_store %arg11[%swap3A_266, %swap3A_267], %swap3A_270 {strides = array<i32>} : memref<80x128xf32, #tpu.memory_space<vmem>>, vector<1x16xf32>,
        %broadcast_in_dim3A_271 = arith.constant 0.000000e+00 : f32
        %broadcast_in_dim3A_272 = vector.broadcast %broadcast_in_dim3A_271 : f32 to vector<16xf32>
        %swap3A_273 = arith.index_cast %scan3A_244 : i32 to index
        %swap3A_274 = arith.constant 64 : index
        %swap3A_275 = tpu.vector_load %arg11[%swap3A_273, %swap3A_274] {strides = array<i32>} : memref<80x128xf32, #tpu.memory_space<vmem>>, vector<1x16xf32>,
        %swap3A_276 = vector.shape_cast %swap3A_275 : vector<1x16xf32> to vector<16xf32>
        %swap3A_277 = vector.shape_cast %broadcast_in_dim3A_272 : vector<16xf32> to vector<1x16xf32>
        tpu.vector_store %arg11[%swap3A_273, %swap3A_274], %swap3A_277 {strides = array<i32>} : memref<80x128xf32, #tpu.memory_space<vmem>>, vector<1x16xf32>,
        %broadcast_in_dim3A_278 = arith.constant 0.000000e+00 : f32
        %broadcast_in_dim3A_279 = vector.broadcast %broadcast_in_dim3A_278 : f32 to vector<16xf32>
        %swap3A_280 = arith.index_cast %scan3A_244 : i32 to index
        %swap3A_281 = arith.constant 80 : index
        %swap3A_282 = tpu.vector_load %arg11[%swap3A_280, %swap3A_281] {strides = array<i32>} : memref<80x128xf32, #tpu.memory_space<vmem>>, vector<1x16xf32>,
        %swap3A_283 = vector.shape_cast %swap3A_282 : vector<1x16xf32> to vector<16xf32>
        %swap3A_284 = vector.shape_cast %broadcast_in_dim3A_279 : vector<16xf32> to vector<1x16xf32>
        tpu.vector_store %arg11[%swap3A_280, %swap3A_281], %swap3A_284 {strides = array<i32>} : memref<80x128xf32, #tpu.memory_space<vmem>>, vector<1x16xf32>,
        %broadcast_in_dim3A_285 = arith.constant 0.000000e+00 : f32
        %broadcast_in_dim3A_286 = vector.broadcast %broadcast_in_dim3A_285 : f32 to vector<16xf32>
        %swap3A_287 = arith.index_cast %scan3A_244 : i32 to index
        %swap3A_288 = arith.constant 96 : index
        %swap3A_289 = tpu.vector_load %arg11[%swap3A_287, %swap3A_288] {strides = array<i32>} : memref<80x128xf32, #tpu.memory_space<vmem>>, vector<1x16xf32>,
        %swap3A_290 = vector.shape_cast %swap3A_289 : vector<1x16xf32> to vector<16xf32>
        %swap3A_291 = vector.shape_cast %broadcast_in_dim3A_286 : vector<16xf32> to vector<1x16xf32>
        tpu.vector_store %arg11[%swap3A_287, %swap3A_288], %swap3A_291 {strides = array<i32>} : memref<80x128xf32, #tpu.memory_space<vmem>>, vector<1x16xf32>,
        %broadcast_in_dim3A_292 = arith.constant 0.000000e+00 : f32
        %broadcast_in_dim3A_293 = vector.broadcast %broadcast_in_dim3A_292 : f32 to vector<16xf32>
        %swap3A_294 = arith.index_cast %scan3A_244 : i32 to index
        %swap3A_295 = arith.constant 112 : index
        %swap3A_296 = tpu.vector_load %arg11[%swap3A_294, %swap3A_295] {strides = array<i32>} : memref<80x128xf32, #tpu.memory_space<vmem>>, vector<1x16xf32>,
        %swap3A_297 = vector.shape_cast %swap3A_296 : vector<1x16xf32> to vector<16xf32>
        %swap3A_298 = vector.shape_cast %broadcast_in_dim3A_293 : vector<16xf32> to vector<1x16xf32>
        tpu.vector_store %arg11[%swap3A_294, %swap3A_295], %swap3A_298 {strides = array<i32>} : memref<80x128xf32, #tpu.memory_space<vmem>>, vector<1x16xf32>,
      }
      %scan3A_225 = arith.constant 80 : i32
      %mul3A_226 = arith.constant 640 : i32
      %mul3A_227 = arith.muli %arg1, %mul3A_226 : i32
      %add3A_228 = arith.constant 0 : i32
      %add3A_229 = arith.addi %mul3A_227, %add3A_228 : i32
      "tpu.region"() ({
        %run_scoped3A = tpu.sem_alloc : memref<!tpu.dma_semaphore, #tpu.memory_space<semaphore_mem>>
        %dma_start3A_244 = arith.constant 0 : i32
        %dma_start3A_245 = tpu.memref_slice %arg14[%add3A_229, %dma_start3A_244] : memref<10240x128xf32, #tpu.memory_space<vmem_shared>> -> memref<80x128xf32, #tpu.memory_space<vmem_shared>>
        %dma_start3A_246 = arith.constant 0 : i32
        %dma_start3A_247 = tpu.memref_slice %arg14[%add3A_229, %dma_start3A_246] : memref<10240x128xf32, #tpu.memory_space<vmem_shared>> -> memref<80x128xf32, #tpu.memory_space<vmem_shared>>
        tpu.enqueue_dma source(%arg11 : memref<80x128xf32, #tpu.memory_space<vmem>>) target(%dma_start3A_247 : memref<80x128xf32, #tpu.memory_space<vmem_shared>>) target_semaphore(%run_scoped3A : memref<!tpu.dma_semaphore, #tpu.memory_space<semaphore_mem>>)
        %dma_wait3A_248 = arith.constant 0 : i32
        %dma_wait3A_249 = tpu.memref_slice %arg14[%add3A_229, %dma_wait3A_248] : memref<10240x128xf32, #tpu.memory_space<vmem_shared>> -> memref<80x128xf32, #tpu.memory_space<vmem_shared>>
        %dma_wait3A_250 = arith.constant 0 : i32
        %dma_wait3A_251 = tpu.memref_slice %arg14[%add3A_229, %dma_wait3A_250] : memref<10240x128xf32, #tpu.memory_space<vmem_shared>> -> memref<80x128xf32, #tpu.memory_space<vmem_shared>>
        tpu.wait_dma2 semaphore(%run_scoped3A : memref<!tpu.dma_semaphore, #tpu.memory_space<semaphore_mem>>) src(%arg11 : memref<80x128xf32, #tpu.memory_space<vmem>>) dst(%dma_wait3A_251 : memref<80x128xf32, #tpu.memory_space<vmem_shared>>)
        tpu.yield
      }) : () -> ()
      %add3A_230 = arith.constant 80 : i32
      %add3A_231 = arith.addi %mul3A_227, %add3A_230 : i32
      "tpu.region"() ({
        %run_scoped3A = tpu.sem_alloc : memref<!tpu.dma_semaphore, #tpu.memory_space<semaphore_mem>>
        %dma_start3A_244 = arith.constant 0 : i32
        %dma_start3A_245 = tpu.memref_slice %arg14[%add3A_231, %dma_start3A_244] : memref<10240x128xf32, #tpu.memory_space<vmem_shared>> -> memref<80x128xf32, #tpu.memory_space<vmem_shared>>
        %dma_start3A_246 = arith.constant 0 : i32
        %dma_start3A_247 = tpu.memref_slice %arg14[%add3A_231, %dma_start3A_246] : memref<10240x128xf32, #tpu.memory_space<vmem_shared>> -> memref<80x128xf32, #tpu.memory_space<vmem_shared>>
        tpu.enqueue_dma source(%arg11 : memref<80x128xf32, #tpu.memory_space<vmem>>) target(%dma_start3A_247 : memref<80x128xf32, #tpu.memory_space<vmem_shared>>) target_semaphore(%run_scoped3A : memref<!tpu.dma_semaphore, #tpu.memory_space<semaphore_mem>>)
        %dma_wait3A_248 = arith.constant 0 : i32
        %dma_wait3A_249 = tpu.memref_slice %arg14[%add3A_231, %dma_wait3A_248] : memref<10240x128xf32, #tpu.memory_space<vmem_shared>> -> memref<80x128xf32, #tpu.memory_space<vmem_shared>>
        %dma_wait3A_250 = arith.constant 0 : i32
        %dma_wait3A_251 = tpu.memref_slice %arg14[%add3A_231, %dma_wait3A_250] : memref<10240x128xf32, #tpu.memory_space<vmem_shared>> -> memref<80x128xf32, #tpu.memory_space<vmem_shared>>
        tpu.wait_dma2 semaphore(%run_scoped3A : memref<!tpu.dma_semaphore, #tpu.memory_space<semaphore_mem>>) src(%arg11 : memref<80x128xf32, #tpu.memory_space<vmem>>) dst(%dma_wait3A_251 : memref<80x128xf32, #tpu.memory_space<vmem_shared>>)
        tpu.yield
      }) : () -> ()
      %add3A_232 = arith.constant 160 : i32
      %add3A_233 = arith.addi %mul3A_227, %add3A_232 : i32
      "tpu.region"() ({
        %run_scoped3A = tpu.sem_alloc : memref<!tpu.dma_semaphore, #tpu.memory_space<semaphore_mem>>
        %dma_start3A_244 = arith.constant 0 : i32
        %dma_start3A_245 = tpu.memref_slice %arg14[%add3A_233, %dma_start3A_244] : memref<10240x128xf32, #tpu.memory_space<vmem_shared>> -> memref<80x128xf32, #tpu.memory_space<vmem_shared>>
        %dma_start3A_246 = arith.constant 0 : i32
        %dma_start3A_247 = tpu.memref_slice %arg14[%add3A_233, %dma_start3A_246] : memref<10240x128xf32, #tpu.memory_space<vmem_shared>> -> memref<80x128xf32, #tpu.memory_space<vmem_shared>>
        tpu.enqueue_dma source(%arg11 : memref<80x128xf32, #tpu.memory_space<vmem>>) target(%dma_start3A_247 : memref<80x128xf32, #tpu.memory_space<vmem_shared>>) target_semaphore(%run_scoped3A : memref<!tpu.dma_semaphore, #tpu.memory_space<semaphore_mem>>)
        %dma_wait3A_248 = arith.constant 0 : i32
        %dma_wait3A_249 = tpu.memref_slice %arg14[%add3A_233, %dma_wait3A_248] : memref<10240x128xf32, #tpu.memory_space<vmem_shared>> -> memref<80x128xf32, #tpu.memory_space<vmem_shared>>
        %dma_wait3A_250 = arith.constant 0 : i32
        %dma_wait3A_251 = tpu.memref_slice %arg14[%add3A_233, %dma_wait3A_250] : memref<10240x128xf32, #tpu.memory_space<vmem_shared>> -> memref<80x128xf32, #tpu.memory_space<vmem_shared>>
        tpu.wait_dma2 semaphore(%run_scoped3A : memref<!tpu.dma_semaphore, #tpu.memory_space<semaphore_mem>>) src(%arg11 : memref<80x128xf32, #tpu.memory_space<vmem>>) dst(%dma_wait3A_251 : memref<80x128xf32, #tpu.memory_space<vmem_shared>>)
        tpu.yield
      }) : () -> ()
      %add3A_234 = arith.constant 240 : i32
      %add3A_235 = arith.addi %mul3A_227, %add3A_234 : i32
      "tpu.region"() ({
        %run_scoped3A = tpu.sem_alloc : memref<!tpu.dma_semaphore, #tpu.memory_space<semaphore_mem>>
        %dma_start3A_244 = arith.constant 0 : i32
        %dma_start3A_245 = tpu.memref_slice %arg14[%add3A_235, %dma_start3A_244] : memref<10240x128xf32, #tpu.memory_space<vmem_shared>> -> memref<80x128xf32, #tpu.memory_space<vmem_shared>>
        %dma_start3A_246 = arith.constant 0 : i32
        %dma_start3A_247 = tpu.memref_slice %arg14[%add3A_235, %dma_start3A_246] : memref<10240x128xf32, #tpu.memory_space<vmem_shared>> -> memref<80x128xf32, #tpu.memory_space<vmem_shared>>
        tpu.enqueue_dma source(%arg11 : memref<80x128xf32, #tpu.memory_space<vmem>>) target(%dma_start3A_247 : memref<80x128xf32, #tpu.memory_space<vmem_shared>>) target_semaphore(%run_scoped3A : memref<!tpu.dma_semaphore, #tpu.memory_space<semaphore_mem>>)
        %dma_wait3A_248 = arith.constant 0 : i32
        %dma_wait3A_249 = tpu.memref_slice %arg14[%add3A_235, %dma_wait3A_248] : memref<10240x128xf32, #tpu.memory_space<vmem_shared>> -> memref<80x128xf32, #tpu.memory_space<vmem_shared>>
        %dma_wait3A_250 = arith.constant 0 : i32
        %dma_wait3A_251 = tpu.memref_slice %arg14[%add3A_235, %dma_wait3A_250] : memref<10240x128xf32, #tpu.memory_space<vmem_shared>> -> memref<80x128xf32, #tpu.memory_space<vmem_shared>>
        tpu.wait_dma2 semaphore(%run_scoped3A : memref<!tpu.dma_semaphore, #tpu.memory_space<semaphore_mem>>) src(%arg11 : memref<80x128xf32, #tpu.memory_space<vmem>>) dst(%dma_wait3A_251 : memref<80x128xf32, #tpu.memory_space<vmem_shared>>)
        tpu.yield
      }) : () -> ()
      %add3A_236 = arith.constant 320 : i32
      %add3A_237 = arith.addi %mul3A_227, %add3A_236 : i32
      "tpu.region"() ({
        %run_scoped3A = tpu.sem_alloc : memref<!tpu.dma_semaphore, #tpu.memory_space<semaphore_mem>>
        %dma_start3A_244 = arith.constant 0 : i32
        %dma_start3A_245 = tpu.memref_slice %arg14[%add3A_237, %dma_start3A_244] : memref<10240x128xf32, #tpu.memory_space<vmem_shared>> -> memref<80x128xf32, #tpu.memory_space<vmem_shared>>
        %dma_start3A_246 = arith.constant 0 : i32
        %dma_start3A_247 = tpu.memref_slice %arg14[%add3A_237, %dma_start3A_246] : memref<10240x128xf32, #tpu.memory_space<vmem_shared>> -> memref<80x128xf32, #tpu.memory_space<vmem_shared>>
        tpu.enqueue_dma source(%arg11 : memref<80x128xf32, #tpu.memory_space<vmem>>) target(%dma_start3A_247 : memref<80x128xf32, #tpu.memory_space<vmem_shared>>) target_semaphore(%run_scoped3A : memref<!tpu.dma_semaphore, #tpu.memory_space<semaphore_mem>>)
        %dma_wait3A_248 = arith.constant 0 : i32
        %dma_wait3A_249 = tpu.memref_slice %arg14[%add3A_237, %dma_wait3A_248] : memref<10240x128xf32, #tpu.memory_space<vmem_shared>> -> memref<80x128xf32, #tpu.memory_space<vmem_shared>>
        %dma_wait3A_250 = arith.constant 0 : i32
        %dma_wait3A_251 = tpu.memref_slice %arg14[%add3A_237, %dma_wait3A_250] : memref<10240x128xf32, #tpu.memory_space<vmem_shared>> -> memref<80x128xf32, #tpu.memory_space<vmem_shared>>
        tpu.wait_dma2 semaphore(%run_scoped3A : memref<!tpu.dma_semaphore, #tpu.memory_space<semaphore_mem>>) src(%arg11 : memref<80x128xf32, #tpu.memory_space<vmem>>) dst(%dma_wait3A_251 : memref<80x128xf32, #tpu.memory_space<vmem_shared>>)
        tpu.yield
      }) : () -> ()
      %add3A_238 = arith.constant 400 : i32
      %add3A_239 = arith.addi %mul3A_227, %add3A_238 : i32
      "tpu.region"() ({
        %run_scoped3A = tpu.sem_alloc : memref<!tpu.dma_semaphore, #tpu.memory_space<semaphore_mem>>
        %dma_start3A_244 = arith.constant 0 : i32
        %dma_start3A_245 = tpu.memref_slice %arg14[%add3A_239, %dma_start3A_244] : memref<10240x128xf32, #tpu.memory_space<vmem_shared>> -> memref<80x128xf32, #tpu.memory_space<vmem_shared>>
        %dma_start3A_246 = arith.constant 0 : i32
        %dma_start3A_247 = tpu.memref_slice %arg14[%add3A_239, %dma_start3A_246] : memref<10240x128xf32, #tpu.memory_space<vmem_shared>> -> memref<80x128xf32, #tpu.memory_space<vmem_shared>>
        tpu.enqueue_dma source(%arg11 : memref<80x128xf32, #tpu.memory_space<vmem>>) target(%dma_start3A_247 : memref<80x128xf32, #tpu.memory_space<vmem_shared>>) target_semaphore(%run_scoped3A : memref<!tpu.dma_semaphore, #tpu.memory_space<semaphore_mem>>)
        %dma_wait3A_248 = arith.constant 0 : i32
        %dma_wait3A_249 = tpu.memref_slice %arg14[%add3A_239, %dma_wait3A_248] : memref<10240x128xf32, #tpu.memory_space<vmem_shared>> -> memref<80x128xf32, #tpu.memory_space<vmem_shared>>
        %dma_wait3A_250 = arith.constant 0 : i32
        %dma_wait3A_251 = tpu.memref_slice %arg14[%add3A_239, %dma_wait3A_250] : memref<10240x128xf32, #tpu.memory_space<vmem_shared>> -> memref<80x128xf32, #tpu.memory_space<vmem_shared>>
        tpu.wait_dma2 semaphore(%run_scoped3A : memref<!tpu.dma_semaphore, #tpu.memory_space<semaphore_mem>>) src(%arg11 : memref<80x128xf32, #tpu.memory_space<vmem>>) dst(%dma_wait3A_251 : memref<80x128xf32, #tpu.memory_space<vmem_shared>>)
        tpu.yield
      }) : () -> ()
      %add3A_240 = arith.constant 480 : i32
      %add3A_241 = arith.addi %mul3A_227, %add3A_240 : i32
      "tpu.region"() ({
        %run_scoped3A = tpu.sem_alloc : memref<!tpu.dma_semaphore, #tpu.memory_space<semaphore_mem>>
        %dma_start3A_244 = arith.constant 0 : i32
        %dma_start3A_245 = tpu.memref_slice %arg14[%add3A_241, %dma_start3A_244] : memref<10240x128xf32, #tpu.memory_space<vmem_shared>> -> memref<80x128xf32, #tpu.memory_space<vmem_shared>>
        %dma_start3A_246 = arith.constant 0 : i32
        %dma_start3A_247 = tpu.memref_slice %arg14[%add3A_241, %dma_start3A_246] : memref<10240x128xf32, #tpu.memory_space<vmem_shared>> -> memref<80x128xf32, #tpu.memory_space<vmem_shared>>
        tpu.enqueue_dma source(%arg11 : memref<80x128xf32, #tpu.memory_space<vmem>>) target(%dma_start3A_247 : memref<80x128xf32, #tpu.memory_space<vmem_shared>>) target_semaphore(%run_scoped3A : memref<!tpu.dma_semaphore, #tpu.memory_space<semaphore_mem>>)
        %dma_wait3A_248 = arith.constant 0 : i32
        %dma_wait3A_249 = tpu.memref_slice %arg14[%add3A_241, %dma_wait3A_248] : memref<10240x128xf32, #tpu.memory_space<vmem_shared>> -> memref<80x128xf32, #tpu.memory_space<vmem_shared>>
        %dma_wait3A_250 = arith.constant 0 : i32
        %dma_wait3A_251 = tpu.memref_slice %arg14[%add3A_241, %dma_wait3A_250] : memref<10240x128xf32, #tpu.memory_space<vmem_shared>> -> memref<80x128xf32, #tpu.memory_space<vmem_shared>>
        tpu.wait_dma2 semaphore(%run_scoped3A : memref<!tpu.dma_semaphore, #tpu.memory_space<semaphore_mem>>) src(%arg11 : memref<80x128xf32, #tpu.memory_space<vmem>>) dst(%dma_wait3A_251 : memref<80x128xf32, #tpu.memory_space<vmem_shared>>)
        tpu.yield
      }) : () -> ()
      %add3A_242 = arith.constant 560 : i32
      %add3A_243 = arith.addi %mul3A_227, %add3A_242 : i32
      "tpu.region"() ({
        %run_scoped3A = tpu.sem_alloc : memref<!tpu.dma_semaphore, #tpu.memory_space<semaphore_mem>>
        %dma_start3A_244 = arith.constant 0 : i32
        %dma_start3A_245 = tpu.memref_slice %arg14[%add3A_243, %dma_start3A_244] : memref<10240x128xf32, #tpu.memory_space<vmem_shared>> -> memref<80x128xf32, #tpu.memory_space<vmem_shared>>
        %dma_start3A_246 = arith.constant 0 : i32
        %dma_start3A_247 = tpu.memref_slice %arg14[%add3A_243, %dma_start3A_246] : memref<10240x128xf32, #tpu.memory_space<vmem_shared>> -> memref<80x128xf32, #tpu.memory_space<vmem_shared>>
        tpu.enqueue_dma source(%arg11 : memref<80x128xf32, #tpu.memory_space<vmem>>) target(%dma_start3A_247 : memref<80x128xf32, #tpu.memory_space<vmem_shared>>) target_semaphore(%run_scoped3A : memref<!tpu.dma_semaphore, #tpu.memory_space<semaphore_mem>>)
        %dma_wait3A_248 = arith.constant 0 : i32
        %dma_wait3A_249 = tpu.memref_slice %arg14[%add3A_243, %dma_wait3A_248] : memref<10240x128xf32, #tpu.memory_space<vmem_shared>> -> memref<80x128xf32, #tpu.memory_space<vmem_shared>>
        %dma_wait3A_250 = arith.constant 0 : i32
        %dma_wait3A_251 = tpu.memref_slice %arg14[%add3A_243, %dma_wait3A_250] : memref<10240x128xf32, #tpu.memory_space<vmem_shared>> -> memref<80x128xf32, #tpu.memory_space<vmem_shared>>
        tpu.wait_dma2 semaphore(%run_scoped3A : memref<!tpu.dma_semaphore, #tpu.memory_space<semaphore_mem>>) src(%arg11 : memref<80x128xf32, #tpu.memory_space<vmem>>) dst(%dma_wait3A_251 : memref<80x128xf32, #tpu.memory_space<vmem_shared>>)
        tpu.yield
      }) : () -> ()
    } else {
    }
    %barrier3A = arith.constant 0 : index
    tpu.barrier barrier_id(%barrier3A)
    %dma_start3A = arith.constant 0 : i32
    %dma_start3A_8 = arith.constant 0 : i32
    %dma_start3A_9 = arith.constant 0 : i32
    %dma_start3A_10 = arith.constant 0 : i32
    %dma_start3A_11 = tpu.memref_slice %arg3[%dma_start3A, %add3A, %dma_start3A_8, %dma_start3A_9, %dma_start3A_10] : memref<2x32x25x5x80xi32, #tpu.memory_space<hbm>> -> memref<1x1x1x5x80xi32, #tpu.memory_space<hbm>>
    %dma_start3A_12 = tpu.memref_squeeze %dma_start3A_11 : memref<1x1x1x5x80xi32, #tpu.memory_space<hbm>> -> memref<5x80xi32, #tpu.memory_space<hbm>>
    %dma_start3A_13 = arith.constant 0 : i32
    %dma_start3A_14 = arith.constant 0 : i32
    %dma_start3A_15 = tpu.memref_slice %arg3[%dma_start3A, %add3A, %dma_start3A_8, %dma_start3A_13, %dma_start3A_14] : memref<2x32x25x5x80xi32, #tpu.memory_space<hbm>> -> memref<1x1x1x5x80xi32, #tpu.memory_space<hbm>>
    %dma_start3A_16 = tpu.memref_squeeze %dma_start3A_15 : memref<1x1x1x5x80xi32, #tpu.memory_space<hbm>> -> memref<5x80xi32, #tpu.memory_space<hbm>>
    tpu.enqueue_dma source(%dma_start3A_16 : memref<5x80xi32, #tpu.memory_space<hbm>>) target(%arg5 : memref<5x80xi32, #tpu.memory_space<vmem>>) target_semaphore(%arg15 : memref<!tpu.dma_semaphore, #tpu.memory_space<semaphore_mem>>)
    %dma_start3A_17 = arith.constant 1 : i32
    %dma_start3A_18 = arith.constant 0 : i32
    %dma_start3A_19 = arith.constant 0 : i32
    %dma_start3A_20 = arith.constant 0 : i32
    %dma_start3A_21 = tpu.memref_slice %arg3[%dma_start3A_17, %add3A, %dma_start3A_18, %dma_start3A_19, %dma_start3A_20] : memref<2x32x25x5x80xi32, #tpu.memory_space<hbm>> -> memref<1x1x1x5x80xi32, #tpu.memory_space<hbm>>
    %dma_start3A_22 = tpu.memref_squeeze %dma_start3A_21 : memref<1x1x1x5x80xi32, #tpu.memory_space<hbm>> -> memref<5x80xi32, #tpu.memory_space<hbm>>
    %dma_start3A_23 = arith.constant 0 : i32
    %dma_start3A_24 = arith.constant 0 : i32
    %dma_start3A_25 = tpu.memref_slice %arg3[%dma_start3A_17, %add3A, %dma_start3A_18, %dma_start3A_23, %dma_start3A_24] : memref<2x32x25x5x80xi32, #tpu.memory_space<hbm>> -> memref<1x1x1x5x80xi32, #tpu.memory_space<hbm>>
    %dma_start3A_26 = tpu.memref_squeeze %dma_start3A_25 : memref<1x1x1x5x80xi32, #tpu.memory_space<hbm>> -> memref<5x80xi32, #tpu.memory_space<hbm>>
    tpu.enqueue_dma source(%dma_start3A_26 : memref<5x80xi32, #tpu.memory_space<hbm>>) target(%arg8 : memref<5x80xi32, #tpu.memory_space<vmem>>) target_semaphore(%arg15 : memref<!tpu.dma_semaphore, #tpu.memory_space<semaphore_mem>>)
    %dma_start3A_27 = arith.constant 0 : i32
    %dma_start3A_28 = arith.constant 1 : i32
    %dma_start3A_29 = arith.constant 0 : i32
    %dma_start3A_30 = arith.constant 0 : i32
    %dma_start3A_31 = tpu.memref_slice %arg3[%dma_start3A_27, %add3A, %dma_start3A_28, %dma_start3A_29, %dma_start3A_30] : memref<2x32x25x5x80xi32, #tpu.memory_space<hbm>> -> memref<1x1x1x5x80xi32, #tpu.memory_space<hbm>>
    %dma_start3A_32 = tpu.memref_squeeze %dma_start3A_31 : memref<1x1x1x5x80xi32, #tpu.memory_space<hbm>> -> memref<5x80xi32, #tpu.memory_space<hbm>>
    %dma_start3A_33 = arith.constant 0 : i32
    %dma_start3A_34 = arith.constant 0 : i32
    %dma_start3A_35 = tpu.memref_slice %arg3[%dma_start3A_27, %add3A, %dma_start3A_28, %dma_start3A_33, %dma_start3A_34] : memref<2x32x25x5x80xi32, #tpu.memory_space<hbm>> -> memref<1x1x1x5x80xi32, #tpu.memory_space<hbm>>
    %dma_start3A_36 = tpu.memref_squeeze %dma_start3A_35 : memref<1x1x1x5x80xi32, #tpu.memory_space<hbm>> -> memref<5x80xi32, #tpu.memory_space<hbm>>
    tpu.enqueue_dma source(%dma_start3A_36 : memref<5x80xi32, #tpu.memory_space<hbm>>) target(%arg6 : memref<5x80xi32, #tpu.memory_space<vmem>>) target_semaphore(%arg16 : memref<!tpu.dma_semaphore, #tpu.memory_space<semaphore_mem>>)
    %dma_start3A_37 = arith.constant 1 : i32
    %dma_start3A_38 = arith.constant 1 : i32
    %dma_start3A_39 = arith.constant 0 : i32
    %dma_start3A_40 = arith.constant 0 : i32
    %dma_start3A_41 = tpu.memref_slice %arg3[%dma_start3A_37, %add3A, %dma_start3A_38, %dma_start3A_39, %dma_start3A_40] : memref<2x32x25x5x80xi32, #tpu.memory_space<hbm>> -> memref<1x1x1x5x80xi32, #tpu.memory_space<hbm>>
    %dma_start3A_42 = tpu.memref_squeeze %dma_start3A_41 : memref<1x1x1x5x80xi32, #tpu.memory_space<hbm>> -> memref<5x80xi32, #tpu.memory_space<hbm>>
    %dma_start3A_43 = arith.constant 0 : i32
    %dma_start3A_44 = arith.constant 0 : i32
    %dma_start3A_45 = tpu.memref_slice %arg3[%dma_start3A_37, %add3A, %dma_start3A_38, %dma_start3A_43, %dma_start3A_44] : memref<2x32x25x5x80xi32, #tpu.memory_space<hbm>> -> memref<1x1x1x5x80xi32, #tpu.memory_space<hbm>>
    %dma_start3A_46 = tpu.memref_squeeze %dma_start3A_45 : memref<1x1x1x5x80xi32, #tpu.memory_space<hbm>> -> memref<5x80xi32, #tpu.memory_space<hbm>>
    tpu.enqueue_dma source(%dma_start3A_46 : memref<5x80xi32, #tpu.memory_space<hbm>>) target(%arg9 : memref<5x80xi32, #tpu.memory_space<vmem>>) target_semaphore(%arg16 : memref<!tpu.dma_semaphore, #tpu.memory_space<semaphore_mem>>)
    %dma_wait3A = arith.constant 0 : i32
    %dma_wait3A_47 = arith.constant 0 : i32
    %dma_wait3A_48 = arith.constant 0 : i32
    %dma_wait3A_49 = arith.constant 0 : i32
    %dma_wait3A_50 = arith.constant 0 : i32
    %dma_wait3A_51 = tpu.memref_slice %arg3[%dma_wait3A, %dma_wait3A_47, %dma_wait3A_48, %dma_wait3A_49, %dma_wait3A_50] : memref<2x32x25x5x80xi32, #tpu.memory_space<hbm>> -> memref<1x1x1x5x80xi32, #tpu.memory_space<hbm>>
    %dma_wait3A_52 = tpu.memref_squeeze %dma_wait3A_51 : memref<1x1x1x5x80xi32, #tpu.memory_space<hbm>> -> memref<5x80xi32, #tpu.memory_space<hbm>>
    %dma_wait3A_53 = arith.constant 0 : i32
    %dma_wait3A_54 = arith.constant 0 : i32
    %dma_wait3A_55 = tpu.memref_slice %arg3[%dma_wait3A, %dma_wait3A_47, %dma_wait3A_48, %dma_wait3A_53, %dma_wait3A_54] : memref<2x32x25x5x80xi32, #tpu.memory_space<hbm>> -> memref<1x1x1x5x80xi32, #tpu.memory_space<hbm>>
    %dma_wait3A_56 = tpu.memref_squeeze %dma_wait3A_55 : memref<1x1x1x5x80xi32, #tpu.memory_space<hbm>> -> memref<5x80xi32, #tpu.memory_space<hbm>>
    tpu.wait_dma2 semaphore(%arg15 : memref<!tpu.dma_semaphore, #tpu.memory_space<semaphore_mem>>) src(%dma_wait3A_56 : memref<5x80xi32, #tpu.memory_space<hbm>>) dst(%arg5 : memref<5x80xi32, #tpu.memory_space<vmem>>)
    %dma_wait3A_57 = arith.constant 0 : i32
    %dma_wait3A_58 = arith.constant 0 : i32
    %dma_wait3A_59 = arith.constant 0 : i32
    %dma_wait3A_60 = arith.constant 0 : i32
    %dma_wait3A_61 = arith.constant 0 : i32
    %dma_wait3A_62 = tpu.memref_slice %arg3[%dma_wait3A_57, %dma_wait3A_58, %dma_wait3A_59, %dma_wait3A_60, %dma_wait3A_61] : memref<2x32x25x5x80xi32, #tpu.memory_space<hbm>> -> memref<1x1x1x5x80xi32, #tpu.memory_space<hbm>>
    %dma_wait3A_63 = tpu.memref_squeeze %dma_wait3A_62 : memref<1x1x1x5x80xi32, #tpu.memory_space<hbm>> -> memref<5x80xi32, #tpu.memory_space<hbm>>
    %dma_wait3A_64 = arith.constant 0 : i32
    %dma_wait3A_65 = arith.constant 0 : i32
    %dma_wait3A_66 = tpu.memref_slice %arg3[%dma_wait3A_57, %dma_wait3A_58, %dma_wait3A_59, %dma_wait3A_64, %dma_wait3A_65] : memref<2x32x25x5x80xi32, #tpu.memory_space<hbm>> -> memref<1x1x1x5x80xi32, #tpu.memory_space<hbm>>
    %dma_wait3A_67 = tpu.memref_squeeze %dma_wait3A_66 : memref<1x1x1x5x80xi32, #tpu.memory_space<hbm>> -> memref<5x80xi32, #tpu.memory_space<hbm>>
    tpu.wait_dma2 semaphore(%arg15 : memref<!tpu.dma_semaphore, #tpu.memory_space<semaphore_mem>>) src(%dma_wait3A_67 : memref<5x80xi32, #tpu.memory_space<hbm>>) dst(%arg8 : memref<5x80xi32, #tpu.memory_space<vmem>>)
    %dma_start3A_68 = arith.constant 0 : i32
    %dma_start3A_69 = arith.constant 0 : i32
    %dma_start3A_70 = tpu.memref_slice %arg5[%dma_start3A_68, %dma_start3A_69] : memref<5x80xi32, #tpu.memory_space<vmem>> -> memref<1x80xi32, #tpu.memory_space<vmem>>
    %dma_start3A_71 = tpu.memref_squeeze %dma_start3A_70 : memref<1x80xi32, #tpu.memory_space<vmem>> -> memref<80xi32, #tpu.memory_space<vmem>>
    %dma_start3A_72 = arith.constant 0 : i32
    %dma_start3A_73 = arith.constant 0 : i32
    %dma_start3A_74 = tpu.memref_slice %arg2[%dma_start3A_72, %dma_start3A_73] : memref<10240x128xf32, #tpu.memory_space<hbm>> -> memref<10240x128xf32, #tpu.memory_space<hbm>>
    tpu.enqueue_indirect_dma source(%dma_start3A_74 : memref<10240x128xf32, #tpu.memory_space<hbm>>) target(%arg11 : memref<80x128xf32, #tpu.memory_space<vmem>>) offsets(%dma_start3A_71 : memref<80xi32, #tpu.memory_space<vmem>>) semaphore(%arg18 : memref<!tpu.dma_semaphore, #tpu.memory_space<semaphore_mem>>)
    %scan3A = arith.constant 0 : i32
    %scan3A_75 = arith.constant 0 : i32
    %scan3A_76 = arith.constant 8 : i32
    %scan3A_77 = arith.addi %scan3A_75, %scan3A_76 : i32
    %scan3A_78 = arith.constant 1 : i32
    scf.for %scan3A_220 = %scan3A_75 to %scan3A_77 step %scan3A_78  : i32 {
      %mul3A_221 = arith.constant 15 : i32
      %mul3A_222 = arith.muli %mul3A_221, %scan3A_220 : i32
      %add3A_223 = arith.constant 0 : i32
      %add3A_224 = arith.addi %mul3A_222, %add3A_223 : i32
      %sub3A = arith.constant 2 : i32
      %sub3A_225 = arith.subi %add3A_224, %sub3A : i32
      %ge3A = arith.constant 0 : i32
      %ge3A_226 = arith.cmpi sge, %sub3A_225, %ge3A : i32
      %convert_element_type3A_227 = arith.extui %ge3A_226 : i1 to i32
      %cond3A_228 = arith.constant 0 : i32
      %cond3A_229 = arith.cmpi ne, %convert_element_type3A_227, %cond3A_228 : i32
      scf.if %cond3A_229 {
        %dma_wait3A_742 = arith.constant 0 : i32
        %dma_wait3A_743 = arith.constant 0 : i32
        %dma_wait3A_744 = tpu.memref_slice %arg2[%dma_wait3A_742, %dma_wait3A_743] : memref<10240x128xf32, #tpu.memory_space<hbm>> -> memref<80x128xf32, #tpu.memory_space<hbm>>
        %dma_wait3A_745 = arith.constant 0 : i32
        %dma_wait3A_746 = arith.constant 0 : i32
        %dma_wait3A_747 = tpu.memref_slice %arg2[%dma_wait3A_745, %dma_wait3A_746] : memref<10240x128xf32, #tpu.memory_space<hbm>> -> memref<80x128xf32, #tpu.memory_space<hbm>>
        tpu.wait_dma2 semaphore(%arg22 : memref<!tpu.dma_semaphore, #tpu.memory_space<semaphore_mem>>) src(%dma_wait3A_747 : memref<80x128xf32, #tpu.memory_space<hbm>>) dst(%arg12 : memref<80x128xf32, #tpu.memory_space<vmem>>)
      } else {
      }
      %dma_start3A_230 = arith.constant 1 : i32
      %dma_start3A_231 = arith.constant 0 : i32
      %dma_start3A_232 = tpu.memref_slice %arg5[%dma_start3A_230, %dma_start3A_231] : memref<5x80xi32, #tpu.memory_space<vmem>> -> memref<1x80xi32, #tpu.memory_space<vmem>>
      %dma_start3A_233 = tpu.memref_squeeze %dma_start3A_232 : memref<1x80xi32, #tpu.memory_space<vmem>> -> memref<80xi32, #tpu.memory_space<vmem>>
      %dma_start3A_234 = arith.constant 0 : i32
      %dma_start3A_235 = arith.constant 0 : i32
      %dma_start3A_236 = tpu.memref_slice %arg2[%dma_start3A_234, %dma_start3A_235] : memref<10240x128xf32, #tpu.memory_space<hbm>> -> memref<10240x128xf32, #tpu.memory_space<hbm>>
      tpu.enqueue_indirect_dma source(%dma_start3A_236 : memref<10240x128xf32, #tpu.memory_space<hbm>>) target(%arg12 : memref<80x128xf32, #tpu.memory_space<vmem>>) offsets(%dma_start3A_233 : memref<80xi32, #tpu.memory_space<vmem>>) semaphore(%arg19 : memref<!tpu.dma_semaphore, #tpu.memory_space<semaphore_mem>>)
      %dma_wait3A_237 = arith.constant 0 : i32
      %dma_wait3A_238 = arith.constant 0 : i32
      %dma_wait3A_239 = tpu.memref_slice %arg2[%dma_wait3A_237, %dma_wait3A_238] : memref<10240x128xf32, #tpu.memory_space<hbm>> -> memref<80x128xf32, #tpu.memory_space<hbm>>
      %dma_wait3A_240 = arith.constant 0 : i32
      %dma_wait3A_241 = arith.constant 0 : i32
      %dma_wait3A_242 = tpu.memref_slice %arg2[%dma_wait3A_240, %dma_wait3A_241] : memref<10240x128xf32, #tpu.memory_space<hbm>> -> memref<80x128xf32, #tpu.memory_space<hbm>>
      tpu.wait_dma2 semaphore(%arg18 : memref<!tpu.dma_semaphore, #tpu.memory_space<semaphore_mem>>) src(%dma_wait3A_242 : memref<80x128xf32, #tpu.memory_space<hbm>>) dst(%arg11 : memref<80x128xf32, #tpu.memory_space<vmem>>)
      %dma_start3A_243 = arith.constant 0 : i32
      %dma_start3A_244 = arith.constant 0 : i32
      %dma_start3A_245 = tpu.memref_slice %arg8[%dma_start3A_243, %dma_start3A_244] : memref<5x80xi32, #tpu.memory_space<vmem>> -> memref<1x80xi32, #tpu.memory_space<vmem>>
      %dma_start3A_246 = tpu.memref_squeeze %dma_start3A_245 : memref<1x80xi32, #tpu.memory_space<vmem>> -> memref<80xi32, #tpu.memory_space<vmem>>
      %dma_start3A_247 = arith.constant 0 : i32
      %dma_start3A_248 = arith.constant 0 : i32
      %dma_start3A_249 = tpu.memref_slice %arg14[%dma_start3A_247, %dma_start3A_248] : memref<10240x128xf32, #tpu.memory_space<vmem_shared>> -> memref<10240x128xf32, #tpu.memory_space<vmem_shared>>
      tpu.enqueue_indirect_dma source(%arg11 : memref<80x128xf32, #tpu.memory_space<vmem>>) target(%dma_start3A_249 : memref<10240x128xf32, #tpu.memory_space<vmem_shared>>) offsets(%dma_start3A_246 : memref<80xi32, #tpu.memory_space<vmem>>) semaphore(%arg21 : memref<!tpu.dma_semaphore, #tpu.memory_space<semaphore_mem>>) {add = true}
      %add3A_250 = arith.constant 1 : i32
      %add3A_251 = arith.addi %mul3A_222, %add3A_250 : i32
      %sub3A_252 = arith.constant 2 : i32
      %sub3A_253 = arith.subi %add3A_251, %sub3A_252 : i32
      %ge3A_254 = arith.constant 0 : i32
      %ge3A_255 = arith.cmpi sge, %sub3A_253, %ge3A_254 : i32
      %convert_element_type3A_256 = arith.extui %ge3A_255 : i1 to i32
      %cond3A_257 = arith.constant 0 : i32
      %cond3A_258 = arith.cmpi ne, %convert_element_type3A_256, %cond3A_257 : i32
      scf.if %cond3A_258 {
        %dma_wait3A_742 = arith.constant 0 : i32
        %dma_wait3A_743 = arith.constant 0 : i32
        %dma_wait3A_744 = tpu.memref_slice %arg2[%dma_wait3A_742, %dma_wait3A_743] : memref<10240x128xf32, #tpu.memory_space<hbm>> -> memref<80x128xf32, #tpu.memory_space<hbm>>
        %dma_wait3A_745 = arith.constant 0 : i32
        %dma_wait3A_746 = arith.constant 0 : i32
        %dma_wait3A_747 = tpu.memref_slice %arg2[%dma_wait3A_745, %dma_wait3A_746] : memref<10240x128xf32, #tpu.memory_space<hbm>> -> memref<80x128xf32, #tpu.memory_space<hbm>>
        tpu.wait_dma2 semaphore(%arg23 : memref<!tpu.dma_semaphore, #tpu.memory_space<semaphore_mem>>) src(%dma_wait3A_747 : memref<80x128xf32, #tpu.memory_space<hbm>>) dst(%arg13 : memref<80x128xf32, #tpu.memory_space<vmem>>)
      } else {
      }
      %dma_start3A_259 = arith.constant 2 : i32
      %dma_start3A_260 = arith.constant 0 : i32
      %dma_start3A_261 = tpu.memref_slice %arg5[%dma_start3A_259, %dma_start3A_260] : memref<5x80xi32, #tpu.memory_space<vmem>> -> memref<1x80xi32, #tpu.memory_space<vmem>>
      %dma_start3A_262 = tpu.memref_squeeze %dma_start3A_261 : memref<1x80xi32, #tpu.memory_space<vmem>> -> memref<80xi32, #tpu.memory_space<vmem>>
      %dma_start3A_263 = arith.constant 0 : i32
      %dma_start3A_264 = arith.constant 0 : i32
      %dma_start3A_265 = tpu.memref_slice %arg2[%dma_start3A_263, %dma_start3A_264] : memref<10240x128xf32, #tpu.memory_space<hbm>> -> memref<10240x128xf32, #tpu.memory_space<hbm>>
      tpu.enqueue_indirect_dma source(%dma_start3A_265 : memref<10240x128xf32, #tpu.memory_space<hbm>>) target(%arg13 : memref<80x128xf32, #tpu.memory_space<vmem>>) offsets(%dma_start3A_262 : memref<80xi32, #tpu.memory_space<vmem>>) semaphore(%arg20 : memref<!tpu.dma_semaphore, #tpu.memory_space<semaphore_mem>>)
      %dma_wait3A_266 = arith.constant 0 : i32
      %dma_wait3A_267 = arith.constant 0 : i32
      %dma_wait3A_268 = tpu.memref_slice %arg2[%dma_wait3A_266, %dma_wait3A_267] : memref<10240x128xf32, #tpu.memory_space<hbm>> -> memref<80x128xf32, #tpu.memory_space<hbm>>
      %dma_wait3A_269 = arith.constant 0 : i32
      %dma_wait3A_270 = arith.constant 0 : i32
      %dma_wait3A_271 = tpu.memref_slice %arg2[%dma_wait3A_269, %dma_wait3A_270] : memref<10240x128xf32, #tpu.memory_space<hbm>> -> memref<80x128xf32, #tpu.memory_space<hbm>>
      tpu.wait_dma2 semaphore(%arg19 : memref<!tpu.dma_semaphore, #tpu.memory_space<semaphore_mem>>) src(%dma_wait3A_271 : memref<80x128xf32, #tpu.memory_space<hbm>>) dst(%arg12 : memref<80x128xf32, #tpu.memory_space<vmem>>)
      %dma_start3A_272 = arith.constant 1 : i32
      %dma_start3A_273 = arith.constant 0 : i32
      %dma_start3A_274 = tpu.memref_slice %arg8[%dma_start3A_272, %dma_start3A_273] : memref<5x80xi32, #tpu.memory_space<vmem>> -> memref<1x80xi32, #tpu.memory_space<vmem>>
      %dma_start3A_275 = tpu.memref_squeeze %dma_start3A_274 : memref<1x80xi32, #tpu.memory_space<vmem>> -> memref<80xi32, #tpu.memory_space<vmem>>
      %dma_start3A_276 = arith.constant 0 : i32
      %dma_start3A_277 = arith.constant 0 : i32
      %dma_start3A_278 = tpu.memref_slice %arg14[%dma_start3A_276, %dma_start3A_277] : memref<10240x128xf32, #tpu.memory_space<vmem_shared>> -> memref<10240x128xf32, #tpu.memory_space<vmem_shared>>
      tpu.enqueue_indirect_dma source(%arg12 : memref<80x128xf32, #tpu.memory_space<vmem>>) target(%dma_start3A_278 : memref<10240x128xf32, #tpu.memory_space<vmem_shared>>) offsets(%dma_start3A_275 : memref<80xi32, #tpu.memory_space<vmem>>) semaphore(%arg22 : memref<!tpu.dma_semaphore, #tpu.memory_space<semaphore_mem>>) {add = true}
      %add3A_279 = arith.constant 2 : i32
      %add3A_280 = arith.addi %mul3A_222, %add3A_279 : i32
      %sub3A_281 = arith.constant 2 : i32
      %sub3A_282 = arith.subi %add3A_280, %sub3A_281 : i32
      %ge3A_283 = arith.constant 0 : i32
      %ge3A_284 = arith.cmpi sge, %sub3A_282, %ge3A_283 : i32
      %convert_element_type3A_285 = arith.extui %ge3A_284 : i1 to i32
      %cond3A_286 = arith.constant 0 : i32
      %cond3A_287 = arith.cmpi ne, %convert_element_type3A_285, %cond3A_286 : i32
      scf.if %cond3A_287 {
        %dma_wait3A_742 = arith.constant 0 : i32
        %dma_wait3A_743 = arith.constant 0 : i32
        %dma_wait3A_744 = tpu.memref_slice %arg2[%dma_wait3A_742, %dma_wait3A_743] : memref<10240x128xf32, #tpu.memory_space<hbm>> -> memref<80x128xf32, #tpu.memory_space<hbm>>
        %dma_wait3A_745 = arith.constant 0 : i32
        %dma_wait3A_746 = arith.constant 0 : i32
        %dma_wait3A_747 = tpu.memref_slice %arg2[%dma_wait3A_745, %dma_wait3A_746] : memref<10240x128xf32, #tpu.memory_space<hbm>> -> memref<80x128xf32, #tpu.memory_space<hbm>>
        tpu.wait_dma2 semaphore(%arg21 : memref<!tpu.dma_semaphore, #tpu.memory_space<semaphore_mem>>) src(%dma_wait3A_747 : memref<80x128xf32, #tpu.memory_space<hbm>>) dst(%arg11 : memref<80x128xf32, #tpu.memory_space<vmem>>)
      } else {
      }
      %add3A_288 = arith.constant 8 : i32
      %add3A_289 = arith.addi %add3A_280, %add3A_288 : i32
      %lt3A = arith.constant 125 : i32
      %lt3A_290 = arith.cmpi slt, %add3A_289, %lt3A : i32
      %convert_element_type3A_291 = arith.extui %lt3A_290 : i1 to i32
      %cond3A_292 = arith.constant 0 : i32
      %cond3A_293 = arith.cmpi ne, %convert_element_type3A_291, %cond3A_292 : i32
      scf.if %cond3A_293 {
        %add3A_742 = arith.constant 8 : i32
        %add3A_743 = arith.addi %add3A_280, %add3A_742 : i32
        %jit3A = arith.constant 5 : i32
        %div3A = arith.divsi %add3A_743, %jit3A : i32
        %sign3A = arith.constant 0 : i32
        %sign3A_744 = arith.cmpi sgt, %add3A_743, %sign3A : i32
        %sign3A_745 = arith.extui %sign3A_744 : i1 to i32
        %sign3A_746 = arith.constant 0 : i32
        %sign3A_747 = arith.cmpi slt, %add3A_743, %sign3A_746 : i32
        %sign3A_748 = arith.extui %sign3A_747 : i1 to i32
        %sign3A_749 = arith.subi %sign3A_745, %sign3A_748 : i32
        %sign3A_750 = arith.constant 0 : i32
        %sign3A_751 = arith.cmpi sgt, %jit3A, %sign3A_750 : i32
        %sign3A_752 = arith.extui %sign3A_751 : i1 to i32
        %sign3A_753 = arith.constant 0 : i32
        %sign3A_754 = arith.cmpi slt, %jit3A, %sign3A_753 : i32
        %sign3A_755 = arith.extui %sign3A_754 : i1 to i32
        %sign3A_756 = arith.subi %sign3A_752, %sign3A_755 : i32
        %ne3A = arith.cmpi ne, %sign3A_749, %sign3A_756 : i32
        %rem3A = arith.remsi %add3A_743, %jit3A : i32
        %ne3A_757 = arith.constant 0 : i32
        %ne3A_758 = arith.cmpi ne, %rem3A, %ne3A_757 : i32
        %and3A = arith.andi %ne3A, %ne3A_758 : i1
        %sub3A_759 = arith.constant 1 : i32
        %sub3A_760 = arith.subi %div3A, %sub3A_759 : i32
        %select_n3A = arith.select %and3A, %sub3A_760, %div3A : i32
        %dma_start3A_761 = arith.constant 0 : i32
        %dma_start3A_762 = arith.constant 0 : i32
        %dma_start3A_763 = arith.constant 0 : i32
        %dma_start3A_764 = tpu.memref_slice %arg3[%dma_start3A_761, %add3A, %select_n3A, %dma_start3A_762, %dma_start3A_763] : memref<2x32x25x5x80xi32, #tpu.memory_space<hbm>> -> memref<1x1x1x5x80xi32, #tpu.memory_space<hbm>>
        %dma_start3A_765 = tpu.memref_squeeze %dma_start3A_764 : memref<1x1x1x5x80xi32, #tpu.memory_space<hbm>> -> memref<5x80xi32, #tpu.memory_space<hbm>>
        %dma_start3A_766 = arith.constant 0 : i32
        %dma_start3A_767 = arith.constant 0 : i32
        %dma_start3A_768 = tpu.memref_slice %arg3[%dma_start3A_761, %add3A, %select_n3A, %dma_start3A_766, %dma_start3A_767] : memref<2x32x25x5x80xi32, #tpu.memory_space<hbm>> -> memref<1x1x1x5x80xi32, #tpu.memory_space<hbm>>
        %dma_start3A_769 = tpu.memref_squeeze %dma_start3A_768 : memref<1x1x1x5x80xi32, #tpu.memory_space<hbm>> -> memref<5x80xi32, #tpu.memory_space<hbm>>
        tpu.enqueue_dma source(%dma_start3A_769 : memref<5x80xi32, #tpu.memory_space<hbm>>) target(%arg7 : memref<5x80xi32, #tpu.memory_space<vmem>>) target_semaphore(%arg17 : memref<!tpu.dma_semaphore, #tpu.memory_space<semaphore_mem>>)
        %dma_start3A_770 = arith.constant 1 : i32
        %dma_start3A_771 = arith.constant 0 : i32
        %dma_start3A_772 = arith.constant 0 : i32
        %dma_start3A_773 = tpu.memref_slice %arg3[%dma_start3A_770, %add3A, %select_n3A, %dma_start3A_771, %dma_start3A_772] : memref<2x32x25x5x80xi32, #tpu.memory_space<hbm>> -> memref<1x1x1x5x80xi32, #tpu.memory_space<hbm>>
        %dma_start3A_774 = tpu.memref_squeeze %dma_start3A_773 : memref<1x1x1x5x80xi32, #tpu.memory_space<hbm>> -> memref<5x80xi32, #tpu.memory_space<hbm>>
        %dma_start3A_775 = arith.constant 0 : i32
        %dma_start3A_776 = arith.constant 0 : i32
        %dma_start3A_777 = tpu.memref_slice %arg3[%dma_start3A_770, %add3A, %select_n3A, %dma_start3A_775, %dma_start3A_776] : memref<2x32x25x5x80xi32, #tpu.memory_space<hbm>> -> memref<1x1x1x5x80xi32, #tpu.memory_space<hbm>>
        %dma_start3A_778 = tpu.memref_squeeze %dma_start3A_777 : memref<1x1x1x5x80xi32, #tpu.memory_space<hbm>> -> memref<5x80xi32, #tpu.memory_space<hbm>>
        tpu.enqueue_dma source(%dma_start3A_778 : memref<5x80xi32, #tpu.memory_space<hbm>>) target(%arg10 : memref<5x80xi32, #tpu.memory_space<vmem>>) target_semaphore(%arg17 : memref<!tpu.dma_semaphore, #tpu.memory_space<semaphore_mem>>)
      } else {
      }
      %dma_start3A_294 = arith.constant 3 : i32
      %dma_start3A_295 = arith.constant 0 : i32
      %dma_start3A_296 = tpu.memref_slice %arg5[%dma_start3A_294, %dma_start3A_295] : memref<5x80xi32, #tpu.memory_space<vmem>> -> memref<1x80xi32, #tpu.memory_space<vmem>>
      %dma_start3A_297 = tpu.memref_squeeze %dma_start3A_296 : memref<1x80xi32, #tpu.memory_space<vmem>> -> memref<80xi32, #tpu.memory_space<vmem>>
      %dma_start3A_298 = arith.constant 0 : i32
      %dma_start3A_299 = arith.constant 0 : i32
      %dma_start3A_300 = tpu.memref_slice %arg2[%dma_start3A_298, %dma_start3A_299] : memref<10240x128xf32, #tpu.memory_space<hbm>> -> memref<10240x128xf32, #tpu.memory_space<hbm>>
      tpu.enqueue_indirect_dma source(%dma_start3A_300 : memref<10240x128xf32, #tpu.memory_space<hbm>>) target(%arg11 : memref<80x128xf32, #tpu.memory_space<vmem>>) offsets(%dma_start3A_297 : memref<80xi32, #tpu.memory_space<vmem>>) semaphore(%arg18 : memref<!tpu.dma_semaphore, #tpu.memory_space<semaphore_mem>>)
      %dma_wait3A_301 = arith.constant 0 : i32
      %dma_wait3A_302 = arith.constant 0 : i32
      %dma_wait3A_303 = tpu.memref_slice %arg2[%dma_wait3A_301, %dma_wait3A_302] : memref<10240x128xf32, #tpu.memory_space<hbm>> -> memref<80x128xf32, #tpu.memory_space<hbm>>
      %dma_wait3A_304 = arith.constant 0 : i32
      %dma_wait3A_305 = arith.constant 0 : i32
      %dma_wait3A_306 = tpu.memref_slice %arg2[%dma_wait3A_304, %dma_wait3A_305] : memref<10240x128xf32, #tpu.memory_space<hbm>> -> memref<80x128xf32, #tpu.memory_space<hbm>>
      tpu.wait_dma2 semaphore(%arg20 : memref<!tpu.dma_semaphore, #tpu.memory_space<semaphore_mem>>) src(%dma_wait3A_306 : memref<80x128xf32, #tpu.memory_space<hbm>>) dst(%arg13 : memref<80x128xf32, #tpu.memory_space<vmem>>)
      %dma_start3A_307 = arith.constant 2 : i32
      %dma_start3A_308 = arith.constant 0 : i32
      %dma_start3A_309 = tpu.memref_slice %arg8[%dma_start3A_307, %dma_start3A_308] : memref<5x80xi32, #tpu.memory_space<vmem>> -> memref<1x80xi32, #tpu.memory_space<vmem>>
      %dma_start3A_310 = tpu.memref_squeeze %dma_start3A_309 : memref<1x80xi32, #tpu.memory_space<vmem>> -> memref<80xi32, #tpu.memory_space<vmem>>
      %dma_start3A_311 = arith.constant 0 : i32
      %dma_start3A_312 = arith.constant 0 : i32
      %dma_start3A_313 = tpu.memref_slice %arg14[%dma_start3A_311, %dma_start3A_312] : memref<10240x128xf32, #tpu.memory_space<vmem_shared>> -> memref<10240x128xf32, #tpu.memory_space<vmem_shared>>
      tpu.enqueue_indirect_dma source(%arg13 : memref<80x128xf32, #tpu.memory_space<vmem>>) target(%dma_start3A_313 : memref<10240x128xf32, #tpu.memory_space<vmem_shared>>) offsets(%dma_start3A_310 : memref<80xi32, #tpu.memory_space<vmem>>) semaphore(%arg23 : memref<!tpu.dma_semaphore, #tpu.memory_space<semaphore_mem>>) {add = true}
      %add3A_314 = arith.constant 3 : i32
      %add3A_315 = arith.addi %mul3A_222, %add3A_314 : i32
      %sub3A_316 = arith.constant 2 : i32
      %sub3A_317 = arith.subi %add3A_315, %sub3A_316 : i32
      %ge3A_318 = arith.constant 0 : i32
      %ge3A_319 = arith.cmpi sge, %sub3A_317, %ge3A_318 : i32
      %convert_element_type3A_320 = arith.extui %ge3A_319 : i1 to i32
      %cond3A_321 = arith.constant 0 : i32
      %cond3A_322 = arith.cmpi ne, %convert_element_type3A_320, %cond3A_321 : i32
      scf.if %cond3A_322 {
        %dma_wait3A_742 = arith.constant 0 : i32
        %dma_wait3A_743 = arith.constant 0 : i32
        %dma_wait3A_744 = tpu.memref_slice %arg2[%dma_wait3A_742, %dma_wait3A_743] : memref<10240x128xf32, #tpu.memory_space<hbm>> -> memref<80x128xf32, #tpu.memory_space<hbm>>
        %dma_wait3A_745 = arith.constant 0 : i32
        %dma_wait3A_746 = arith.constant 0 : i32
        %dma_wait3A_747 = tpu.memref_slice %arg2[%dma_wait3A_745, %dma_wait3A_746] : memref<10240x128xf32, #tpu.memory_space<hbm>> -> memref<80x128xf32, #tpu.memory_space<hbm>>
        tpu.wait_dma2 semaphore(%arg22 : memref<!tpu.dma_semaphore, #tpu.memory_space<semaphore_mem>>) src(%dma_wait3A_747 : memref<80x128xf32, #tpu.memory_space<hbm>>) dst(%arg12 : memref<80x128xf32, #tpu.memory_space<vmem>>)
      } else {
      }
      %dma_start3A_323 = arith.constant 4 : i32
      %dma_start3A_324 = arith.constant 0 : i32
      %dma_start3A_325 = tpu.memref_slice %arg5[%dma_start3A_323, %dma_start3A_324] : memref<5x80xi32, #tpu.memory_space<vmem>> -> memref<1x80xi32, #tpu.memory_space<vmem>>
      %dma_start3A_326 = tpu.memref_squeeze %dma_start3A_325 : memref<1x80xi32, #tpu.memory_space<vmem>> -> memref<80xi32, #tpu.memory_space<vmem>>
      %dma_start3A_327 = arith.constant 0 : i32
      %dma_start3A_328 = arith.constant 0 : i32
      %dma_start3A_329 = tpu.memref_slice %arg2[%dma_start3A_327, %dma_start3A_328] : memref<10240x128xf32, #tpu.memory_space<hbm>> -> memref<10240x128xf32, #tpu.memory_space<hbm>>
      tpu.enqueue_indirect_dma source(%dma_start3A_329 : memref<10240x128xf32, #tpu.memory_space<hbm>>) target(%arg12 : memref<80x128xf32, #tpu.memory_space<vmem>>) offsets(%dma_start3A_326 : memref<80xi32, #tpu.memory_space<vmem>>) semaphore(%arg19 : memref<!tpu.dma_semaphore, #tpu.memory_space<semaphore_mem>>)
      %dma_wait3A_330 = arith.constant 0 : i32
      %dma_wait3A_331 = arith.constant 0 : i32
      %dma_wait3A_332 = tpu.memref_slice %arg2[%dma_wait3A_330, %dma_wait3A_331] : memref<10240x128xf32, #tpu.memory_space<hbm>> -> memref<80x128xf32, #tpu.memory_space<hbm>>
      %dma_wait3A_333 = arith.constant 0 : i32
      %dma_wait3A_334 = arith.constant 0 : i32
      %dma_wait3A_335 = tpu.memref_slice %arg2[%dma_wait3A_333, %dma_wait3A_334] : memref<10240x128xf32, #tpu.memory_space<hbm>> -> memref<80x128xf32, #tpu.memory_space<hbm>>
      tpu.wait_dma2 semaphore(%arg18 : memref<!tpu.dma_semaphore, #tpu.memory_space<semaphore_mem>>) src(%dma_wait3A_335 : memref<80x128xf32, #tpu.memory_space<hbm>>) dst(%arg11 : memref<80x128xf32, #tpu.memory_space<vmem>>)
      %dma_start3A_336 = arith.constant 3 : i32
      %dma_start3A_337 = arith.constant 0 : i32
      %dma_start3A_338 = tpu.memref_slice %arg8[%dma_start3A_336, %dma_start3A_337] : memref<5x80xi32, #tpu.memory_space<vmem>> -> memref<1x80xi32, #tpu.memory_space<vmem>>
      %dma_start3A_339 = tpu.memref_squeeze %dma_start3A_338 : memref<1x80xi32, #tpu.memory_space<vmem>> -> memref<80xi32, #tpu.memory_space<vmem>>
      %dma_start3A_340 = arith.constant 0 : i32
      %dma_start3A_341 = arith.constant 0 : i32
      %dma_start3A_342 = tpu.memref_slice %arg14[%dma_start3A_340, %dma_start3A_341] : memref<10240x128xf32, #tpu.memory_space<vmem_shared>> -> memref<10240x128xf32, #tpu.memory_space<vmem_shared>>
      tpu.enqueue_indirect_dma source(%arg11 : memref<80x128xf32, #tpu.memory_space<vmem>>) target(%dma_start3A_342 : memref<10240x128xf32, #tpu.memory_space<vmem_shared>>) offsets(%dma_start3A_339 : memref<80xi32, #tpu.memory_space<vmem>>) semaphore(%arg21 : memref<!tpu.dma_semaphore, #tpu.memory_space<semaphore_mem>>) {add = true}
      %add3A_343 = arith.constant 4 : i32
      %add3A_344 = arith.addi %mul3A_222, %add3A_343 : i32
      %sub3A_345 = arith.constant 2 : i32
      %sub3A_346 = arith.subi %add3A_344, %sub3A_345 : i32
      %ge3A_347 = arith.constant 0 : i32
      %ge3A_348 = arith.cmpi sge, %sub3A_346, %ge3A_347 : i32
      %convert_element_type3A_349 = arith.extui %ge3A_348 : i1 to i32
      %cond3A_350 = arith.constant 0 : i32
      %cond3A_351 = arith.cmpi ne, %convert_element_type3A_349, %cond3A_350 : i32
      scf.if %cond3A_351 {
        %dma_wait3A_742 = arith.constant 0 : i32
        %dma_wait3A_743 = arith.constant 0 : i32
        %dma_wait3A_744 = tpu.memref_slice %arg2[%dma_wait3A_742, %dma_wait3A_743] : memref<10240x128xf32, #tpu.memory_space<hbm>> -> memref<80x128xf32, #tpu.memory_space<hbm>>
        %dma_wait3A_745 = arith.constant 0 : i32
        %dma_wait3A_746 = arith.constant 0 : i32
        %dma_wait3A_747 = tpu.memref_slice %arg2[%dma_wait3A_745, %dma_wait3A_746] : memref<10240x128xf32, #tpu.memory_space<hbm>> -> memref<80x128xf32, #tpu.memory_space<hbm>>
        tpu.wait_dma2 semaphore(%arg23 : memref<!tpu.dma_semaphore, #tpu.memory_space<semaphore_mem>>) src(%dma_wait3A_747 : memref<80x128xf32, #tpu.memory_space<hbm>>) dst(%arg13 : memref<80x128xf32, #tpu.memory_space<vmem>>)
      } else {
      }
      %dma_wait3A_352 = arith.constant 0 : i32
      %dma_wait3A_353 = arith.constant 0 : i32
      %dma_wait3A_354 = arith.constant 0 : i32
      %dma_wait3A_355 = arith.constant 0 : i32
      %dma_wait3A_356 = arith.constant 0 : i32
      %dma_wait3A_357 = tpu.memref_slice %arg3[%dma_wait3A_352, %dma_wait3A_353, %dma_wait3A_354, %dma_wait3A_355, %dma_wait3A_356] : memref<2x32x25x5x80xi32, #tpu.memory_space<hbm>> -> memref<1x1x1x5x80xi32, #tpu.memory_space<hbm>>
      %dma_wait3A_358 = tpu.memref_squeeze %dma_wait3A_357 : memref<1x1x1x5x80xi32, #tpu.memory_space<hbm>> -> memref<5x80xi32, #tpu.memory_space<hbm>>
      %dma_wait3A_359 = arith.constant 0 : i32
      %dma_wait3A_360 = arith.constant 0 : i32
      %dma_wait3A_361 = tpu.memref_slice %arg3[%dma_wait3A_352, %dma_wait3A_353, %dma_wait3A_354, %dma_wait3A_359, %dma_wait3A_360] : memref<2x32x25x5x80xi32, #tpu.memory_space<hbm>> -> memref<1x1x1x5x80xi32, #tpu.memory_space<hbm>>
      %dma_wait3A_362 = tpu.memref_squeeze %dma_wait3A_361 : memref<1x1x1x5x80xi32, #tpu.memory_space<hbm>> -> memref<5x80xi32, #tpu.memory_space<hbm>>
      tpu.wait_dma2 semaphore(%arg16 : memref<!tpu.dma_semaphore, #tpu.memory_space<semaphore_mem>>) src(%dma_wait3A_362 : memref<5x80xi32, #tpu.memory_space<hbm>>) dst(%arg6 : memref<5x80xi32, #tpu.memory_space<vmem>>)
      %dma_wait3A_363 = arith.constant 0 : i32
      %dma_wait3A_364 = arith.constant 0 : i32
      %dma_wait3A_365 = arith.constant 0 : i32
      %dma_wait3A_366 = arith.constant 0 : i32
      %dma_wait3A_367 = arith.constant 0 : i32
      %dma_wait3A_368 = tpu.memref_slice %arg3[%dma_wait3A_363, %dma_wait3A_364, %dma_wait3A_365, %dma_wait3A_366, %dma_wait3A_367] : memref<2x32x25x5x80xi32, #tpu.memory_space<hbm>> -> memref<1x1x1x5x80xi32, #tpu.memory_space<hbm>>
      %dma_wait3A_369 = tpu.memref_squeeze %dma_wait3A_368 : memref<1x1x1x5x80xi32, #tpu.memory_space<hbm>> -> memref<5x80xi32, #tpu.memory_space<hbm>>
      %dma_wait3A_370 = arith.constant 0 : i32
      %dma_wait3A_371 = arith.constant 0 : i32
      %dma_wait3A_372 = tpu.memref_slice %arg3[%dma_wait3A_363, %dma_wait3A_364, %dma_wait3A_365, %dma_wait3A_370, %dma_wait3A_371] : memref<2x32x25x5x80xi32, #tpu.memory_space<hbm>> -> memref<1x1x1x5x80xi32, #tpu.memory_space<hbm>>
      %dma_wait3A_373 = tpu.memref_squeeze %dma_wait3A_372 : memref<1x1x1x5x80xi32, #tpu.memory_space<hbm>> -> memref<5x80xi32, #tpu.memory_space<hbm>>
      tpu.wait_dma2 semaphore(%arg16 : memref<!tpu.dma_semaphore, #tpu.memory_space<semaphore_mem>>) src(%dma_wait3A_373 : memref<5x80xi32, #tpu.memory_space<hbm>>) dst(%arg9 : memref<5x80xi32, #tpu.memory_space<vmem>>)
      %dma_start3A_374 = arith.constant 0 : i32
      %dma_start3A_375 = arith.constant 0 : i32
      %dma_start3A_376 = tpu.memref_slice %arg6[%dma_start3A_374, %dma_start3A_375] : memref<5x80xi32, #tpu.memory_space<vmem>> -> memref<1x80xi32, #tpu.memory_space<vmem>>
      %dma_start3A_377 = tpu.memref_squeeze %dma_start3A_376 : memref<1x80xi32, #tpu.memory_space<vmem>> -> memref<80xi32, #tpu.memory_space<vmem>>
      %dma_start3A_378 = arith.constant 0 : i32
      %dma_start3A_379 = arith.constant 0 : i32
      %dma_start3A_380 = tpu.memref_slice %arg2[%dma_start3A_378, %dma_start3A_379] : memref<10240x128xf32, #tpu.memory_space<hbm>> -> memref<10240x128xf32, #tpu.memory_space<hbm>>
      tpu.enqueue_indirect_dma source(%dma_start3A_380 : memref<10240x128xf32, #tpu.memory_space<hbm>>) target(%arg13 : memref<80x128xf32, #tpu.memory_space<vmem>>) offsets(%dma_start3A_377 : memref<80xi32, #tpu.memory_space<vmem>>) semaphore(%arg20 : memref<!tpu.dma_semaphore, #tpu.memory_space<semaphore_mem>>)
      %dma_wait3A_381 = arith.constant 0 : i32
      %dma_wait3A_382 = arith.constant 0 : i32
      %dma_wait3A_383 = tpu.memref_slice %arg2[%dma_wait3A_381, %dma_wait3A_382] : memref<10240x128xf32, #tpu.memory_space<hbm>> -> memref<80x128xf32, #tpu.memory_space<hbm>>
      %dma_wait3A_384 = arith.constant 0 : i32
      %dma_wait3A_385 = arith.constant 0 : i32
      %dma_wait3A_386 = tpu.memref_slice %arg2[%dma_wait3A_384, %dma_wait3A_385] : memref<10240x128xf32, #tpu.memory_space<hbm>> -> memref<80x128xf32, #tpu.memory_space<hbm>>
      tpu.wait_dma2 semaphore(%arg19 : memref<!tpu.dma_semaphore, #tpu.memory_space<semaphore_mem>>) src(%dma_wait3A_386 : memref<80x128xf32, #tpu.memory_space<hbm>>) dst(%arg12 : memref<80x128xf32, #tpu.memory_space<vmem>>)
      %dma_start3A_387 = arith.constant 4 : i32
      %dma_start3A_388 = arith.constant 0 : i32
      %dma_start3A_389 = tpu.memref_slice %arg8[%dma_start3A_387, %dma_start3A_388] : memref<5x80xi32, #tpu.memory_space<vmem>> -> memref<1x80xi32, #tpu.memory_space<vmem>>
      %dma_start3A_390 = tpu.memref_squeeze %dma_start3A_389 : memref<1x80xi32, #tpu.memory_space<vmem>> -> memref<80xi32, #tpu.memory_space<vmem>>
      %dma_start3A_391 = arith.constant 0 : i32
      %dma_start3A_392 = arith.constant 0 : i32
      %dma_start3A_393 = tpu.memref_slice %arg14[%dma_start3A_391, %dma_start3A_392] : memref<10240x128xf32, #tpu.memory_space<vmem_shared>> -> memref<10240x128xf32, #tpu.memory_space<vmem_shared>>
      tpu.enqueue_indirect_dma source(%arg12 : memref<80x128xf32, #tpu.memory_space<vmem>>) target(%dma_start3A_393 : memref<10240x128xf32, #tpu.memory_space<vmem_shared>>) offsets(%dma_start3A_390 : memref<80xi32, #tpu.memory_space<vmem>>) semaphore(%arg22 : memref<!tpu.dma_semaphore, #tpu.memory_space<semaphore_mem>>) {add = true}
      %add3A_394 = arith.constant 5 : i32
      %add3A_395 = arith.addi %mul3A_222, %add3A_394 : i32
      %sub3A_396 = arith.constant 2 : i32
      %sub3A_397 = arith.subi %add3A_395, %sub3A_396 : i32
      %ge3A_398 = arith.constant 0 : i32
      %ge3A_399 = arith.cmpi sge, %sub3A_397, %ge3A_398 : i32
      %convert_element_type3A_400 = arith.extui %ge3A_399 : i1 to i32
      %cond3A_401 = arith.constant 0 : i32
      %cond3A_402 = arith.cmpi ne, %convert_element_type3A_400, %cond3A_401 : i32
      scf.if %cond3A_402 {
        %dma_wait3A_742 = arith.constant 0 : i32
        %dma_wait3A_743 = arith.constant 0 : i32
        %dma_wait3A_744 = tpu.memref_slice %arg2[%dma_wait3A_742, %dma_wait3A_743] : memref<10240x128xf32, #tpu.memory_space<hbm>> -> memref<80x128xf32, #tpu.memory_space<hbm>>
        %dma_wait3A_745 = arith.constant 0 : i32
        %dma_wait3A_746 = arith.constant 0 : i32
        %dma_wait3A_747 = tpu.memref_slice %arg2[%dma_wait3A_745, %dma_wait3A_746] : memref<10240x128xf32, #tpu.memory_space<hbm>> -> memref<80x128xf32, #tpu.memory_space<hbm>>
        tpu.wait_dma2 semaphore(%arg21 : memref<!tpu.dma_semaphore, #tpu.memory_space<semaphore_mem>>) src(%dma_wait3A_747 : memref<80x128xf32, #tpu.memory_space<hbm>>) dst(%arg11 : memref<80x128xf32, #tpu.memory_space<vmem>>)
      } else {
      }
      %dma_start3A_403 = arith.constant 1 : i32
      %dma_start3A_404 = arith.constant 0 : i32
      %dma_start3A_405 = tpu.memref_slice %arg6[%dma_start3A_403, %dma_start3A_404] : memref<5x80xi32, #tpu.memory_space<vmem>> -> memref<1x80xi32, #tpu.memory_space<vmem>>
      %dma_start3A_406 = tpu.memref_squeeze %dma_start3A_405 : memref<1x80xi32, #tpu.memory_space<vmem>> -> memref<80xi32, #tpu.memory_space<vmem>>
      %dma_start3A_407 = arith.constant 0 : i32
      %dma_start3A_408 = arith.constant 0 : i32
      %dma_start3A_409 = tpu.memref_slice %arg2[%dma_start3A_407, %dma_start3A_408] : memref<10240x128xf32, #tpu.memory_space<hbm>> -> memref<10240x128xf32, #tpu.memory_space<hbm>>
      tpu.enqueue_indirect_dma source(%dma_start3A_409 : memref<10240x128xf32, #tpu.memory_space<hbm>>) target(%arg11 : memref<80x128xf32, #tpu.memory_space<vmem>>) offsets(%dma_start3A_406 : memref<80xi32, #tpu.memory_space<vmem>>) semaphore(%arg18 : memref<!tpu.dma_semaphore, #tpu.memory_space<semaphore_mem>>)
      %dma_wait3A_410 = arith.constant 0 : i32
      %dma_wait3A_411 = arith.constant 0 : i32
      %dma_wait3A_412 = tpu.memref_slice %arg2[%dma_wait3A_410, %dma_wait3A_411] : memref<10240x128xf32, #tpu.memory_space<hbm>> -> memref<80x128xf32, #tpu.memory_space<hbm>>
      %dma_wait3A_413 = arith.constant 0 : i32
      %dma_wait3A_414 = arith.constant 0 : i32
      %dma_wait3A_415 = tpu.memref_slice %arg2[%dma_wait3A_413, %dma_wait3A_414] : memref<10240x128xf32, #tpu.memory_space<hbm>> -> memref<80x128xf32, #tpu.memory_space<hbm>>
      tpu.wait_dma2 semaphore(%arg20 : memref<!tpu.dma_semaphore, #tpu.memory_space<semaphore_mem>>) src(%dma_wait3A_415 : memref<80x128xf32, #tpu.memory_space<hbm>>) dst(%arg13 : memref<80x128xf32, #tpu.memory_space<vmem>>)
      %dma_start3A_416 = arith.constant 0 : i32
      %dma_start3A_417 = arith.constant 0 : i32
      %dma_start3A_418 = tpu.memref_slice %arg9[%dma_start3A_416, %dma_start3A_417] : memref<5x80xi32, #tpu.memory_space<vmem>> -> memref<1x80xi32, #tpu.memory_space<vmem>>
      %dma_start3A_419 = tpu.memref_squeeze %dma_start3A_418 : memref<1x80xi32, #tpu.memory_space<vmem>> -> memref<80xi32, #tpu.memory_space<vmem>>
      %dma_start3A_420 = arith.constant 0 : i32
      %dma_start3A_421 = arith.constant 0 : i32
      %dma_start3A_422 = tpu.memref_slice %arg14[%dma_start3A_420, %dma_start3A_421] : memref<10240x128xf32, #tpu.memory_space<vmem_shared>> -> memref<10240x128xf32, #tpu.memory_space<vmem_shared>>
      tpu.enqueue_indirect_dma source(%arg13 : memref<80x128xf32, #tpu.memory_space<vmem>>) target(%dma_start3A_422 : memref<10240x128xf32, #tpu.memory_space<vmem_shared>>) offsets(%dma_start3A_419 : memref<80xi32, #tpu.memory_space<vmem>>) semaphore(%arg23 : memref<!tpu.dma_semaphore, #tpu.memory_space<semaphore_mem>>) {add = true}
      %add3A_423 = arith.constant 6 : i32
      %add3A_424 = arith.addi %mul3A_222, %add3A_423 : i32
      %sub3A_425 = arith.constant 2 : i32
      %sub3A_426 = arith.subi %add3A_424, %sub3A_425 : i32
      %ge3A_427 = arith.constant 0 : i32
      %ge3A_428 = arith.cmpi sge, %sub3A_426, %ge3A_427 : i32
      %convert_element_type3A_429 = arith.extui %ge3A_428 : i1 to i32
      %cond3A_430 = arith.constant 0 : i32
      %cond3A_431 = arith.cmpi ne, %convert_element_type3A_429, %cond3A_430 : i32
      scf.if %cond3A_431 {
        %dma_wait3A_742 = arith.constant 0 : i32
        %dma_wait3A_743 = arith.constant 0 : i32
        %dma_wait3A_744 = tpu.memref_slice %arg2[%dma_wait3A_742, %dma_wait3A_743] : memref<10240x128xf32, #tpu.memory_space<hbm>> -> memref<80x128xf32, #tpu.memory_space<hbm>>
        %dma_wait3A_745 = arith.constant 0 : i32
        %dma_wait3A_746 = arith.constant 0 : i32
        %dma_wait3A_747 = tpu.memref_slice %arg2[%dma_wait3A_745, %dma_wait3A_746] : memref<10240x128xf32, #tpu.memory_space<hbm>> -> memref<80x128xf32, #tpu.memory_space<hbm>>
        tpu.wait_dma2 semaphore(%arg22 : memref<!tpu.dma_semaphore, #tpu.memory_space<semaphore_mem>>) src(%dma_wait3A_747 : memref<80x128xf32, #tpu.memory_space<hbm>>) dst(%arg12 : memref<80x128xf32, #tpu.memory_space<vmem>>)
      } else {
      }
      %dma_start3A_432 = arith.constant 2 : i32
      %dma_start3A_433 = arith.constant 0 : i32
      %dma_start3A_434 = tpu.memref_slice %arg6[%dma_start3A_432, %dma_start3A_433] : memref<5x80xi32, #tpu.memory_space<vmem>> -> memref<1x80xi32, #tpu.memory_space<vmem>>
      %dma_start3A_435 = tpu.memref_squeeze %dma_start3A_434 : memref<1x80xi32, #tpu.memory_space<vmem>> -> memref<80xi32, #tpu.memory_space<vmem>>
      %dma_start3A_436 = arith.constant 0 : i32
      %dma_start3A_437 = arith.constant 0 : i32
      %dma_start3A_438 = tpu.memref_slice %arg2[%dma_start3A_436, %dma_start3A_437] : memref<10240x128xf32, #tpu.memory_space<hbm>> -> memref<10240x128xf32, #tpu.memory_space<hbm>>
      tpu.enqueue_indirect_dma source(%dma_start3A_438 : memref<10240x128xf32, #tpu.memory_space<hbm>>) target(%arg12 : memref<80x128xf32, #tpu.memory_space<vmem>>) offsets(%dma_start3A_435 : memref<80xi32, #tpu.memory_space<vmem>>) semaphore(%arg19 : memref<!tpu.dma_semaphore, #tpu.memory_space<semaphore_mem>>)
      %dma_wait3A_439 = arith.constant 0 : i32
      %dma_wait3A_440 = arith.constant 0 : i32
      %dma_wait3A_441 = tpu.memref_slice %arg2[%dma_wait3A_439, %dma_wait3A_440] : memref<10240x128xf32, #tpu.memory_space<hbm>> -> memref<80x128xf32, #tpu.memory_space<hbm>>
      %dma_wait3A_442 = arith.constant 0 : i32
      %dma_wait3A_443 = arith.constant 0 : i32
      %dma_wait3A_444 = tpu.memref_slice %arg2[%dma_wait3A_442, %dma_wait3A_443] : memref<10240x128xf32, #tpu.memory_space<hbm>> -> memref<80x128xf32, #tpu.memory_space<hbm>>
      tpu.wait_dma2 semaphore(%arg18 : memref<!tpu.dma_semaphore, #tpu.memory_space<semaphore_mem>>) src(%dma_wait3A_444 : memref<80x128xf32, #tpu.memory_space<hbm>>) dst(%arg11 : memref<80x128xf32, #tpu.memory_space<vmem>>)
      %dma_start3A_445 = arith.constant 1 : i32
      %dma_start3A_446 = arith.constant 0 : i32
      %dma_start3A_447 = tpu.memref_slice %arg9[%dma_start3A_445, %dma_start3A_446] : memref<5x80xi32, #tpu.memory_space<vmem>> -> memref<1x80xi32, #tpu.memory_space<vmem>>
      %dma_start3A_448 = tpu.memref_squeeze %dma_start3A_447 : memref<1x80xi32, #tpu.memory_space<vmem>> -> memref<80xi32, #tpu.memory_space<vmem>>
      %dma_start3A_449 = arith.constant 0 : i32
      %dma_start3A_450 = arith.constant 0 : i32
      %dma_start3A_451 = tpu.memref_slice %arg14[%dma_start3A_449, %dma_start3A_450] : memref<10240x128xf32, #tpu.memory_space<vmem_shared>> -> memref<10240x128xf32, #tpu.memory_space<vmem_shared>>
      tpu.enqueue_indirect_dma source(%arg11 : memref<80x128xf32, #tpu.memory_space<vmem>>) target(%dma_start3A_451 : memref<10240x128xf32, #tpu.memory_space<vmem_shared>>) offsets(%dma_start3A_448 : memref<80xi32, #tpu.memory_space<vmem>>) semaphore(%arg21 : memref<!tpu.dma_semaphore, #tpu.memory_space<semaphore_mem>>) {add = true}
      %add3A_452 = arith.constant 7 : i32
      %add3A_453 = arith.addi %mul3A_222, %add3A_452 : i32
      %sub3A_454 = arith.constant 2 : i32
      %sub3A_455 = arith.subi %add3A_453, %sub3A_454 : i32
      %ge3A_456 = arith.constant 0 : i32
      %ge3A_457 = arith.cmpi sge, %sub3A_455, %ge3A_456 : i32
      %convert_element_type3A_458 = arith.extui %ge3A_457 : i1 to i32
      %cond3A_459 = arith.constant 0 : i32
      %cond3A_460 = arith.cmpi ne, %convert_element_type3A_458, %cond3A_459 : i32
      scf.if %cond3A_460 {
        %dma_wait3A_742 = arith.constant 0 : i32
        %dma_wait3A_743 = arith.constant 0 : i32
        %dma_wait3A_744 = tpu.memref_slice %arg2[%dma_wait3A_742, %dma_wait3A_743] : memref<10240x128xf32, #tpu.memory_space<hbm>> -> memref<80x128xf32, #tpu.memory_space<hbm>>
        %dma_wait3A_745 = arith.constant 0 : i32
        %dma_wait3A_746 = arith.constant 0 : i32
        %dma_wait3A_747 = tpu.memref_slice %arg2[%dma_wait3A_745, %dma_wait3A_746] : memref<10240x128xf32, #tpu.memory_space<hbm>> -> memref<80x128xf32, #tpu.memory_space<hbm>>
        tpu.wait_dma2 semaphore(%arg23 : memref<!tpu.dma_semaphore, #tpu.memory_space<semaphore_mem>>) src(%dma_wait3A_747 : memref<80x128xf32, #tpu.memory_space<hbm>>) dst(%arg13 : memref<80x128xf32, #tpu.memory_space<vmem>>)
      } else {
      }
      %add3A_461 = arith.constant 8 : i32
      %add3A_462 = arith.addi %add3A_453, %add3A_461 : i32
      %lt3A_463 = arith.constant 125 : i32
      %lt3A_464 = arith.cmpi slt, %add3A_462, %lt3A_463 : i32
      %convert_element_type3A_465 = arith.extui %lt3A_464 : i1 to i32
      %cond3A_466 = arith.constant 0 : i32
      %cond3A_467 = arith.cmpi ne, %convert_element_type3A_465, %cond3A_466 : i32
      scf.if %cond3A_467 {
        %add3A_742 = arith.constant 8 : i32
        %add3A_743 = arith.addi %add3A_453, %add3A_742 : i32
        %jit3A = arith.constant 5 : i32
        %div3A = arith.divsi %add3A_743, %jit3A : i32
        %sign3A = arith.constant 0 : i32
        %sign3A_744 = arith.cmpi sgt, %add3A_743, %sign3A : i32
        %sign3A_745 = arith.extui %sign3A_744 : i1 to i32
        %sign3A_746 = arith.constant 0 : i32
        %sign3A_747 = arith.cmpi slt, %add3A_743, %sign3A_746 : i32
        %sign3A_748 = arith.extui %sign3A_747 : i1 to i32
        %sign3A_749 = arith.subi %sign3A_745, %sign3A_748 : i32
        %sign3A_750 = arith.constant 0 : i32
        %sign3A_751 = arith.cmpi sgt, %jit3A, %sign3A_750 : i32
        %sign3A_752 = arith.extui %sign3A_751 : i1 to i32
        %sign3A_753 = arith.constant 0 : i32
        %sign3A_754 = arith.cmpi slt, %jit3A, %sign3A_753 : i32
        %sign3A_755 = arith.extui %sign3A_754 : i1 to i32
        %sign3A_756 = arith.subi %sign3A_752, %sign3A_755 : i32
        %ne3A = arith.cmpi ne, %sign3A_749, %sign3A_756 : i32
        %rem3A = arith.remsi %add3A_743, %jit3A : i32
        %ne3A_757 = arith.constant 0 : i32
        %ne3A_758 = arith.cmpi ne, %rem3A, %ne3A_757 : i32
        %and3A = arith.andi %ne3A, %ne3A_758 : i1
        %sub3A_759 = arith.constant 1 : i32
        %sub3A_760 = arith.subi %div3A, %sub3A_759 : i32
        %select_n3A = arith.select %and3A, %sub3A_760, %div3A : i32
        %dma_start3A_761 = arith.constant 0 : i32
        %dma_start3A_762 = arith.constant 0 : i32
        %dma_start3A_763 = arith.constant 0 : i32
        %dma_start3A_764 = tpu.memref_slice %arg3[%dma_start3A_761, %add3A, %select_n3A, %dma_start3A_762, %dma_start3A_763] : memref<2x32x25x5x80xi32, #tpu.memory_space<hbm>> -> memref<1x1x1x5x80xi32, #tpu.memory_space<hbm>>
        %dma_start3A_765 = tpu.memref_squeeze %dma_start3A_764 : memref<1x1x1x5x80xi32, #tpu.memory_space<hbm>> -> memref<5x80xi32, #tpu.memory_space<hbm>>
        %dma_start3A_766 = arith.constant 0 : i32
        %dma_start3A_767 = arith.constant 0 : i32
        %dma_start3A_768 = tpu.memref_slice %arg3[%dma_start3A_761, %add3A, %select_n3A, %dma_start3A_766, %dma_start3A_767] : memref<2x32x25x5x80xi32, #tpu.memory_space<hbm>> -> memref<1x1x1x5x80xi32, #tpu.memory_space<hbm>>
        %dma_start3A_769 = tpu.memref_squeeze %dma_start3A_768 : memref<1x1x1x5x80xi32, #tpu.memory_space<hbm>> -> memref<5x80xi32, #tpu.memory_space<hbm>>
        tpu.enqueue_dma source(%dma_start3A_769 : memref<5x80xi32, #tpu.memory_space<hbm>>) target(%arg5 : memref<5x80xi32, #tpu.memory_space<vmem>>) target_semaphore(%arg15 : memref<!tpu.dma_semaphore, #tpu.memory_space<semaphore_mem>>)
        %dma_start3A_770 = arith.constant 1 : i32
        %dma_start3A_771 = arith.constant 0 : i32
        %dma_start3A_772 = arith.constant 0 : i32
        %dma_start3A_773 = tpu.memref_slice %arg3[%dma_start3A_770, %add3A, %select_n3A, %dma_start3A_771, %dma_start3A_772] : memref<2x32x25x5x80xi32, #tpu.memory_space<hbm>> -> memref<1x1x1x5x80xi32, #tpu.memory_space<hbm>>
        %dma_start3A_774 = tpu.memref_squeeze %dma_start3A_773 : memref<1x1x1x5x80xi32, #tpu.memory_space<hbm>> -> memref<5x80xi32, #tpu.memory_space<hbm>>
        %dma_start3A_775 = arith.constant 0 : i32
        %dma_start3A_776 = arith.constant 0 : i32
        %dma_start3A_777 = tpu.memref_slice %arg3[%dma_start3A_770, %add3A, %select_n3A, %dma_start3A_775, %dma_start3A_776] : memref<2x32x25x5x80xi32, #tpu.memory_space<hbm>> -> memref<1x1x1x5x80xi32, #tpu.memory_space<hbm>>
        %dma_start3A_778 = tpu.memref_squeeze %dma_start3A_777 : memref<1x1x1x5x80xi32, #tpu.memory_space<hbm>> -> memref<5x80xi32, #tpu.memory_space<hbm>>
        tpu.enqueue_dma source(%dma_start3A_778 : memref<5x80xi32, #tpu.memory_space<hbm>>) target(%arg8 : memref<5x80xi32, #tpu.memory_space<vmem>>) target_semaphore(%arg15 : memref<!tpu.dma_semaphore, #tpu.memory_space<semaphore_mem>>)
      } else {
      }
      %dma_start3A_468 = arith.constant 3 : i32
      %dma_start3A_469 = arith.constant 0 : i32
      %dma_start3A_470 = tpu.memref_slice %arg6[%dma_start3A_468, %dma_start3A_469] : memref<5x80xi32, #tpu.memory_space<vmem>> -> memref<1x80xi32, #tpu.memory_space<vmem>>
      %dma_start3A_471 = tpu.memref_squeeze %dma_start3A_470 : memref<1x80xi32, #tpu.memory_space<vmem>> -> memref<80xi32, #tpu.memory_space<vmem>>
      %dma_start3A_472 = arith.constant 0 : i32
      %dma_start3A_473 = arith.constant 0 : i32
      %dma_start3A_474 = tpu.memref_slice %arg2[%dma_start3A_472, %dma_start3A_473] : memref<10240x128xf32, #tpu.memory_space<hbm>> -> memref<10240x128xf32, #tpu.memory_space<hbm>>
      tpu.enqueue_indirect_dma source(%dma_start3A_474 : memref<10240x128xf32, #tpu.memory_space<hbm>>) target(%arg13 : memref<80x128xf32, #tpu.memory_space<vmem>>) offsets(%dma_start3A_471 : memref<80xi32, #tpu.memory_space<vmem>>) semaphore(%arg20 : memref<!tpu.dma_semaphore, #tpu.memory_space<semaphore_mem>>)
      %dma_wait3A_475 = arith.constant 0 : i32
      %dma_wait3A_476 = arith.constant 0 : i32
      %dma_wait3A_477 = tpu.memref_slice %arg2[%dma_wait3A_475, %dma_wait3A_476] : memref<10240x128xf32, #tpu.memory_space<hbm>> -> memref<80x128xf32, #tpu.memory_space<hbm>>
      %dma_wait3A_478 = arith.constant 0 : i32
      %dma_wait3A_479 = arith.constant 0 : i32
      %dma_wait3A_480 = tpu.memref_slice %arg2[%dma_wait3A_478, %dma_wait3A_479] : memref<10240x128xf32, #tpu.memory_space<hbm>> -> memref<80x128xf32, #tpu.memory_space<hbm>>
      tpu.wait_dma2 semaphore(%arg19 : memref<!tpu.dma_semaphore, #tpu.memory_space<semaphore_mem>>) src(%dma_wait3A_480 : memref<80x128xf32, #tpu.memory_space<hbm>>) dst(%arg12 : memref<80x128xf32, #tpu.memory_space<vmem>>)
      %dma_start3A_481 = arith.constant 2 : i32
      %dma_start3A_482 = arith.constant 0 : i32
      %dma_start3A_483 = tpu.memref_slice %arg9[%dma_start3A_481, %dma_start3A_482] : memref<5x80xi32, #tpu.memory_space<vmem>> -> memref<1x80xi32, #tpu.memory_space<vmem>>
      %dma_start3A_484 = tpu.memref_squeeze %dma_start3A_483 : memref<1x80xi32, #tpu.memory_space<vmem>> -> memref<80xi32, #tpu.memory_space<vmem>>
      %dma_start3A_485 = arith.constant 0 : i32
      %dma_start3A_486 = arith.constant 0 : i32
      %dma_start3A_487 = tpu.memref_slice %arg14[%dma_start3A_485, %dma_start3A_486] : memref<10240x128xf32, #tpu.memory_space<vmem_shared>> -> memref<10240x128xf32, #tpu.memory_space<vmem_shared>>
      tpu.enqueue_indirect_dma source(%arg12 : memref<80x128xf32, #tpu.memory_space<vmem>>) target(%dma_start3A_487 : memref<10240x128xf32, #tpu.memory_space<vmem_shared>>) offsets(%dma_start3A_484 : memref<80xi32, #tpu.memory_space<vmem>>) semaphore(%arg22 : memref<!tpu.dma_semaphore, #tpu.memory_space<semaphore_mem>>) {add = true}
      %add3A_488 = arith.constant 8 : i32
      %add3A_489 = arith.addi %mul3A_222, %add3A_488 : i32
      %sub3A_490 = arith.constant 2 : i32
      %sub3A_491 = arith.subi %add3A_489, %sub3A_490 : i32
      %ge3A_492 = arith.constant 0 : i32
      %ge3A_493 = arith.cmpi sge, %sub3A_491, %ge3A_492 : i32
      %convert_element_type3A_494 = arith.extui %ge3A_493 : i1 to i32
      %cond3A_495 = arith.constant 0 : i32
      %cond3A_496 = arith.cmpi ne, %convert_element_type3A_494, %cond3A_495 : i32
      scf.if %cond3A_496 {
        %dma_wait3A_742 = arith.constant 0 : i32
        %dma_wait3A_743 = arith.constant 0 : i32
        %dma_wait3A_744 = tpu.memref_slice %arg2[%dma_wait3A_742, %dma_wait3A_743] : memref<10240x128xf32, #tpu.memory_space<hbm>> -> memref<80x128xf32, #tpu.memory_space<hbm>>
        %dma_wait3A_745 = arith.constant 0 : i32
        %dma_wait3A_746 = arith.constant 0 : i32
        %dma_wait3A_747 = tpu.memref_slice %arg2[%dma_wait3A_745, %dma_wait3A_746] : memref<10240x128xf32, #tpu.memory_space<hbm>> -> memref<80x128xf32, #tpu.memory_space<hbm>>
        tpu.wait_dma2 semaphore(%arg21 : memref<!tpu.dma_semaphore, #tpu.memory_space<semaphore_mem>>) src(%dma_wait3A_747 : memref<80x128xf32, #tpu.memory_space<hbm>>) dst(%arg11 : memref<80x128xf32, #tpu.memory_space<vmem>>)
      } else {
      }
      %dma_start3A_497 = arith.constant 4 : i32
      %dma_start3A_498 = arith.constant 0 : i32
      %dma_start3A_499 = tpu.memref_slice %arg6[%dma_start3A_497, %dma_start3A_498] : memref<5x80xi32, #tpu.memory_space<vmem>> -> memref<1x80xi32, #tpu.memory_space<vmem>>
      %dma_start3A_500 = tpu.memref_squeeze %dma_start3A_499 : memref<1x80xi32, #tpu.memory_space<vmem>> -> memref<80xi32, #tpu.memory_space<vmem>>
      %dma_start3A_501 = arith.constant 0 : i32
      %dma_start3A_502 = arith.constant 0 : i32
      %dma_start3A_503 = tpu.memref_slice %arg2[%dma_start3A_501, %dma_start3A_502] : memref<10240x128xf32, #tpu.memory_space<hbm>> -> memref<10240x128xf32, #tpu.memory_space<hbm>>
      tpu.enqueue_indirect_dma source(%dma_start3A_503 : memref<10240x128xf32, #tpu.memory_space<hbm>>) target(%arg11 : memref<80x128xf32, #tpu.memory_space<vmem>>) offsets(%dma_start3A_500 : memref<80xi32, #tpu.memory_space<vmem>>) semaphore(%arg18 : memref<!tpu.dma_semaphore, #tpu.memory_space<semaphore_mem>>)
      %dma_wait3A_504 = arith.constant 0 : i32
      %dma_wait3A_505 = arith.constant 0 : i32
      %dma_wait3A_506 = tpu.memref_slice %arg2[%dma_wait3A_504, %dma_wait3A_505] : memref<10240x128xf32, #tpu.memory_space<hbm>> -> memref<80x128xf32, #tpu.memory_space<hbm>>
      %dma_wait3A_507 = arith.constant 0 : i32
      %dma_wait3A_508 = arith.constant 0 : i32
      %dma_wait3A_509 = tpu.memref_slice %arg2[%dma_wait3A_507, %dma_wait3A_508] : memref<10240x128xf32, #tpu.memory_space<hbm>> -> memref<80x128xf32, #tpu.memory_space<hbm>>
      tpu.wait_dma2 semaphore(%arg20 : memref<!tpu.dma_semaphore, #tpu.memory_space<semaphore_mem>>) src(%dma_wait3A_509 : memref<80x128xf32, #tpu.memory_space<hbm>>) dst(%arg13 : memref<80x128xf32, #tpu.memory_space<vmem>>)
      %dma_start3A_510 = arith.constant 3 : i32
      %dma_start3A_511 = arith.constant 0 : i32
      %dma_start3A_512 = tpu.memref_slice %arg9[%dma_start3A_510, %dma_start3A_511] : memref<5x80xi32, #tpu.memory_space<vmem>> -> memref<1x80xi32, #tpu.memory_space<vmem>>
      %dma_start3A_513 = tpu.memref_squeeze %dma_start3A_512 : memref<1x80xi32, #tpu.memory_space<vmem>> -> memref<80xi32, #tpu.memory_space<vmem>>
      %dma_start3A_514 = arith.constant 0 : i32
      %dma_start3A_515 = arith.constant 0 : i32
      %dma_start3A_516 = tpu.memref_slice %arg14[%dma_start3A_514, %dma_start3A_515] : memref<10240x128xf32, #tpu.memory_space<vmem_shared>> -> memref<10240x128xf32, #tpu.memory_space<vmem_shared>>
      tpu.enqueue_indirect_dma source(%arg13 : memref<80x128xf32, #tpu.memory_space<vmem>>) target(%dma_start3A_516 : memref<10240x128xf32, #tpu.memory_space<vmem_shared>>) offsets(%dma_start3A_513 : memref<80xi32, #tpu.memory_space<vmem>>) semaphore(%arg23 : memref<!tpu.dma_semaphore, #tpu.memory_space<semaphore_mem>>) {add = true}
      %add3A_517 = arith.constant 9 : i32
      %add3A_518 = arith.addi %mul3A_222, %add3A_517 : i32
      %sub3A_519 = arith.constant 2 : i32
      %sub3A_520 = arith.subi %add3A_518, %sub3A_519 : i32
      %ge3A_521 = arith.constant 0 : i32
      %ge3A_522 = arith.cmpi sge, %sub3A_520, %ge3A_521 : i32
      %convert_element_type3A_523 = arith.extui %ge3A_522 : i1 to i32
      %cond3A_524 = arith.constant 0 : i32
      %cond3A_525 = arith.cmpi ne, %convert_element_type3A_523, %cond3A_524 : i32
      scf.if %cond3A_525 {
        %dma_wait3A_742 = arith.constant 0 : i32
        %dma_wait3A_743 = arith.constant 0 : i32
        %dma_wait3A_744 = tpu.memref_slice %arg2[%dma_wait3A_742, %dma_wait3A_743] : memref<10240x128xf32, #tpu.memory_space<hbm>> -> memref<80x128xf32, #tpu.memory_space<hbm>>
        %dma_wait3A_745 = arith.constant 0 : i32
        %dma_wait3A_746 = arith.constant 0 : i32
        %dma_wait3A_747 = tpu.memref_slice %arg2[%dma_wait3A_745, %dma_wait3A_746] : memref<10240x128xf32, #tpu.memory_space<hbm>> -> memref<80x128xf32, #tpu.memory_space<hbm>>
        tpu.wait_dma2 semaphore(%arg22 : memref<!tpu.dma_semaphore, #tpu.memory_space<semaphore_mem>>) src(%dma_wait3A_747 : memref<80x128xf32, #tpu.memory_space<hbm>>) dst(%arg12 : memref<80x128xf32, #tpu.memory_space<vmem>>)
      } else {
      }
      %dma_wait3A_526 = arith.constant 0 : i32
      %dma_wait3A_527 = arith.constant 0 : i32
      %dma_wait3A_528 = arith.constant 0 : i32
      %dma_wait3A_529 = arith.constant 0 : i32
      %dma_wait3A_530 = arith.constant 0 : i32
      %dma_wait3A_531 = tpu.memref_slice %arg3[%dma_wait3A_526, %dma_wait3A_527, %dma_wait3A_528, %dma_wait3A_529, %dma_wait3A_530] : memref<2x32x25x5x80xi32, #tpu.memory_space<hbm>> -> memref<1x1x1x5x80xi32, #tpu.memory_space<hbm>>
      %dma_wait3A_532 = tpu.memref_squeeze %dma_wait3A_531 : memref<1x1x1x5x80xi32, #tpu.memory_space<hbm>> -> memref<5x80xi32, #tpu.memory_space<hbm>>
      %dma_wait3A_533 = arith.constant 0 : i32
      %dma_wait3A_534 = arith.constant 0 : i32
      %dma_wait3A_535 = tpu.memref_slice %arg3[%dma_wait3A_526, %dma_wait3A_527, %dma_wait3A_528, %dma_wait3A_533, %dma_wait3A_534] : memref<2x32x25x5x80xi32, #tpu.memory_space<hbm>> -> memref<1x1x1x5x80xi32, #tpu.memory_space<hbm>>
      %dma_wait3A_536 = tpu.memref_squeeze %dma_wait3A_535 : memref<1x1x1x5x80xi32, #tpu.memory_space<hbm>> -> memref<5x80xi32, #tpu.memory_space<hbm>>
      tpu.wait_dma2 semaphore(%arg17 : memref<!tpu.dma_semaphore, #tpu.memory_space<semaphore_mem>>) src(%dma_wait3A_536 : memref<5x80xi32, #tpu.memory_space<hbm>>) dst(%arg7 : memref<5x80xi32, #tpu.memory_space<vmem>>)
      %dma_wait3A_537 = arith.constant 0 : i32
      %dma_wait3A_538 = arith.constant 0 : i32
      %dma_wait3A_539 = arith.constant 0 : i32
      %dma_wait3A_540 = arith.constant 0 : i32
      %dma_wait3A_541 = arith.constant 0 : i32
      %dma_wait3A_542 = tpu.memref_slice %arg3[%dma_wait3A_537, %dma_wait3A_538, %dma_wait3A_539, %dma_wait3A_540, %dma_wait3A_541] : memref<2x32x25x5x80xi32, #tpu.memory_space<hbm>> -> memref<1x1x1x5x80xi32, #tpu.memory_space<hbm>>
      %dma_wait3A_543 = tpu.memref_squeeze %dma_wait3A_542 : memref<1x1x1x5x80xi32, #tpu.memory_space<hbm>> -> memref<5x80xi32, #tpu.memory_space<hbm>>
      %dma_wait3A_544 = arith.constant 0 : i32
      %dma_wait3A_545 = arith.constant 0 : i32
      %dma_wait3A_546 = tpu.memref_slice %arg3[%dma_wait3A_537, %dma_wait3A_538, %dma_wait3A_539, %dma_wait3A_544, %dma_wait3A_545] : memref<2x32x25x5x80xi32, #tpu.memory_space<hbm>> -> memref<1x1x1x5x80xi32, #tpu.memory_space<hbm>>
      %dma_wait3A_547 = tpu.memref_squeeze %dma_wait3A_546 : memref<1x1x1x5x80xi32, #tpu.memory_space<hbm>> -> memref<5x80xi32, #tpu.memory_space<hbm>>
      tpu.wait_dma2 semaphore(%arg17 : memref<!tpu.dma_semaphore, #tpu.memory_space<semaphore_mem>>) src(%dma_wait3A_547 : memref<5x80xi32, #tpu.memory_space<hbm>>) dst(%arg10 : memref<5x80xi32, #tpu.memory_space<vmem>>)
      %dma_start3A_548 = arith.constant 0 : i32
      %dma_start3A_549 = arith.constant 0 : i32
      %dma_start3A_550 = tpu.memref_slice %arg7[%dma_start3A_548, %dma_start3A_549] : memref<5x80xi32, #tpu.memory_space<vmem>> -> memref<1x80xi32, #tpu.memory_space<vmem>>
      %dma_start3A_551 = tpu.memref_squeeze %dma_start3A_550 : memref<1x80xi32, #tpu.memory_space<vmem>> -> memref<80xi32, #tpu.memory_space<vmem>>
      %dma_start3A_552 = arith.constant 0 : i32
      %dma_start3A_553 = arith.constant 0 : i32
      %dma_start3A_554 = tpu.memref_slice %arg2[%dma_start3A_552, %dma_start3A_553] : memref<10240x128xf32, #tpu.memory_space<hbm>> -> memref<10240x128xf32, #tpu.memory_space<hbm>>
      tpu.enqueue_indirect_dma source(%dma_start3A_554 : memref<10240x128xf32, #tpu.memory_space<hbm>>) target(%arg12 : memref<80x128xf32, #tpu.memory_space<vmem>>) offsets(%dma_start3A_551 : memref<80xi32, #tpu.memory_space<vmem>>) semaphore(%arg19 : memref<!tpu.dma_semaphore, #tpu.memory_space<semaphore_mem>>)
      %dma_wait3A_555 = arith.constant 0 : i32
      %dma_wait3A_556 = arith.constant 0 : i32
      %dma_wait3A_557 = tpu.memref_slice %arg2[%dma_wait3A_555, %dma_wait3A_556] : memref<10240x128xf32, #tpu.memory_space<hbm>> -> memref<80x128xf32, #tpu.memory_space<hbm>>
      %dma_wait3A_558 = arith.constant 0 : i32
      %dma_wait3A_559 = arith.constant 0 : i32
      %dma_wait3A_560 = tpu.memref_slice %arg2[%dma_wait3A_558, %dma_wait3A_559] : memref<10240x128xf32, #tpu.memory_space<hbm>> -> memref<80x128xf32, #tpu.memory_space<hbm>>
      tpu.wait_dma2 semaphore(%arg18 : memref<!tpu.dma_semaphore, #tpu.memory_space<semaphore_mem>>) src(%dma_wait3A_560 : memref<80x128xf32, #tpu.memory_space<hbm>>) dst(%arg11 : memref<80x128xf32, #tpu.memory_space<vmem>>)
      %dma_start3A_561 = arith.constant 4 : i32
      %dma_start3A_562 = arith.constant 0 : i32
      %dma_start3A_563 = tpu.memref_slice %arg9[%dma_start3A_561, %dma_start3A_562] : memref<5x80xi32, #tpu.memory_space<vmem>> -> memref<1x80xi32, #tpu.memory_space<vmem>>
      %dma_start3A_564 = tpu.memref_squeeze %dma_start3A_563 : memref<1x80xi32, #tpu.memory_space<vmem>> -> memref<80xi32, #tpu.memory_space<vmem>>
      %dma_start3A_565 = arith.constant 0 : i32
      %dma_start3A_566 = arith.constant 0 : i32
      %dma_start3A_567 = tpu.memref_slice %arg14[%dma_start3A_565, %dma_start3A_566] : memref<10240x128xf32, #tpu.memory_space<vmem_shared>> -> memref<10240x128xf32, #tpu.memory_space<vmem_shared>>
      tpu.enqueue_indirect_dma source(%arg11 : memref<80x128xf32, #tpu.memory_space<vmem>>) target(%dma_start3A_567 : memref<10240x128xf32, #tpu.memory_space<vmem_shared>>) offsets(%dma_start3A_564 : memref<80xi32, #tpu.memory_space<vmem>>) semaphore(%arg21 : memref<!tpu.dma_semaphore, #tpu.memory_space<semaphore_mem>>) {add = true}
      %add3A_568 = arith.constant 10 : i32
      %add3A_569 = arith.addi %mul3A_222, %add3A_568 : i32
      %sub3A_570 = arith.constant 2 : i32
      %sub3A_571 = arith.subi %add3A_569, %sub3A_570 : i32
      %ge3A_572 = arith.constant 0 : i32
      %ge3A_573 = arith.cmpi sge, %sub3A_571, %ge3A_572 : i32
      %convert_element_type3A_574 = arith.extui %ge3A_573 : i1 to i32
      %cond3A_575 = arith.constant 0 : i32
      %cond3A_576 = arith.cmpi ne, %convert_element_type3A_574, %cond3A_575 : i32
      scf.if %cond3A_576 {
        %dma_wait3A_742 = arith.constant 0 : i32
        %dma_wait3A_743 = arith.constant 0 : i32
        %dma_wait3A_744 = tpu.memref_slice %arg2[%dma_wait3A_742, %dma_wait3A_743] : memref<10240x128xf32, #tpu.memory_space<hbm>> -> memref<80x128xf32, #tpu.memory_space<hbm>>
        %dma_wait3A_745 = arith.constant 0 : i32
        %dma_wait3A_746 = arith.constant 0 : i32
        %dma_wait3A_747 = tpu.memref_slice %arg2[%dma_wait3A_745, %dma_wait3A_746] : memref<10240x128xf32, #tpu.memory_space<hbm>> -> memref<80x128xf32, #tpu.memory_space<hbm>>
        tpu.wait_dma2 semaphore(%arg23 : memref<!tpu.dma_semaphore, #tpu.memory_space<semaphore_mem>>) src(%dma_wait3A_747 : memref<80x128xf32, #tpu.memory_space<hbm>>) dst(%arg13 : memref<80x128xf32, #tpu.memory_space<vmem>>)
      } else {
      }
      %dma_start3A_577 = arith.constant 1 : i32
      %dma_start3A_578 = arith.constant 0 : i32
      %dma_start3A_579 = tpu.memref_slice %arg7[%dma_start3A_577, %dma_start3A_578] : memref<5x80xi32, #tpu.memory_space<vmem>> -> memref<1x80xi32, #tpu.memory_space<vmem>>
      %dma_start3A_580 = tpu.memref_squeeze %dma_start3A_579 : memref<1x80xi32, #tpu.memory_space<vmem>> -> memref<80xi32, #tpu.memory_space<vmem>>
      %dma_start3A_581 = arith.constant 0 : i32
      %dma_start3A_582 = arith.constant 0 : i32
      %dma_start3A_583 = tpu.memref_slice %arg2[%dma_start3A_581, %dma_start3A_582] : memref<10240x128xf32, #tpu.memory_space<hbm>> -> memref<10240x128xf32, #tpu.memory_space<hbm>>
      tpu.enqueue_indirect_dma source(%dma_start3A_583 : memref<10240x128xf32, #tpu.memory_space<hbm>>) target(%arg13 : memref<80x128xf32, #tpu.memory_space<vmem>>) offsets(%dma_start3A_580 : memref<80xi32, #tpu.memory_space<vmem>>) semaphore(%arg20 : memref<!tpu.dma_semaphore, #tpu.memory_space<semaphore_mem>>)
      %dma_wait3A_584 = arith.constant 0 : i32
      %dma_wait3A_585 = arith.constant 0 : i32
      %dma_wait3A_586 = tpu.memref_slice %arg2[%dma_wait3A_584, %dma_wait3A_585] : memref<10240x128xf32, #tpu.memory_space<hbm>> -> memref<80x128xf32, #tpu.memory_space<hbm>>
      %dma_wait3A_587 = arith.constant 0 : i32
      %dma_wait3A_588 = arith.constant 0 : i32
      %dma_wait3A_589 = tpu.memref_slice %arg2[%dma_wait3A_587, %dma_wait3A_588] : memref<10240x128xf32, #tpu.memory_space<hbm>> -> memref<80x128xf32, #tpu.memory_space<hbm>>
      tpu.wait_dma2 semaphore(%arg19 : memref<!tpu.dma_semaphore, #tpu.memory_space<semaphore_mem>>) src(%dma_wait3A_589 : memref<80x128xf32, #tpu.memory_space<hbm>>) dst(%arg12 : memref<80x128xf32, #tpu.memory_space<vmem>>)
      %dma_start3A_590 = arith.constant 0 : i32
      %dma_start3A_591 = arith.constant 0 : i32
      %dma_start3A_592 = tpu.memref_slice %arg10[%dma_start3A_590, %dma_start3A_591] : memref<5x80xi32, #tpu.memory_space<vmem>> -> memref<1x80xi32, #tpu.memory_space<vmem>>
      %dma_start3A_593 = tpu.memref_squeeze %dma_start3A_592 : memref<1x80xi32, #tpu.memory_space<vmem>> -> memref<80xi32, #tpu.memory_space<vmem>>
      %dma_start3A_594 = arith.constant 0 : i32
      %dma_start3A_595 = arith.constant 0 : i32
      %dma_start3A_596 = tpu.memref_slice %arg14[%dma_start3A_594, %dma_start3A_595] : memref<10240x128xf32, #tpu.memory_space<vmem_shared>> -> memref<10240x128xf32, #tpu.memory_space<vmem_shared>>
      tpu.enqueue_indirect_dma source(%arg12 : memref<80x128xf32, #tpu.memory_space<vmem>>) target(%dma_start3A_596 : memref<10240x128xf32, #tpu.memory_space<vmem_shared>>) offsets(%dma_start3A_593 : memref<80xi32, #tpu.memory_space<vmem>>) semaphore(%arg22 : memref<!tpu.dma_semaphore, #tpu.memory_space<semaphore_mem>>) {add = true}
      %add3A_597 = arith.constant 11 : i32
      %add3A_598 = arith.addi %mul3A_222, %add3A_597 : i32
      %sub3A_599 = arith.constant 2 : i32
      %sub3A_600 = arith.subi %add3A_598, %sub3A_599 : i32
      %ge3A_601 = arith.constant 0 : i32
      %ge3A_602 = arith.cmpi sge, %sub3A_600, %ge3A_601 : i32
      %convert_element_type3A_603 = arith.extui %ge3A_602 : i1 to i32
      %cond3A_604 = arith.constant 0 : i32
      %cond3A_605 = arith.cmpi ne, %convert_element_type3A_603, %cond3A_604 : i32
      scf.if %cond3A_605 {
        %dma_wait3A_742 = arith.constant 0 : i32
        %dma_wait3A_743 = arith.constant 0 : i32
        %dma_wait3A_744 = tpu.memref_slice %arg2[%dma_wait3A_742, %dma_wait3A_743] : memref<10240x128xf32, #tpu.memory_space<hbm>> -> memref<80x128xf32, #tpu.memory_space<hbm>>
        %dma_wait3A_745 = arith.constant 0 : i32
        %dma_wait3A_746 = arith.constant 0 : i32
        %dma_wait3A_747 = tpu.memref_slice %arg2[%dma_wait3A_745, %dma_wait3A_746] : memref<10240x128xf32, #tpu.memory_space<hbm>> -> memref<80x128xf32, #tpu.memory_space<hbm>>
        tpu.wait_dma2 semaphore(%arg21 : memref<!tpu.dma_semaphore, #tpu.memory_space<semaphore_mem>>) src(%dma_wait3A_747 : memref<80x128xf32, #tpu.memory_space<hbm>>) dst(%arg11 : memref<80x128xf32, #tpu.memory_space<vmem>>)
      } else {
      }
      %dma_start3A_606 = arith.constant 2 : i32
      %dma_start3A_607 = arith.constant 0 : i32
      %dma_start3A_608 = tpu.memref_slice %arg7[%dma_start3A_606, %dma_start3A_607] : memref<5x80xi32, #tpu.memory_space<vmem>> -> memref<1x80xi32, #tpu.memory_space<vmem>>
      %dma_start3A_609 = tpu.memref_squeeze %dma_start3A_608 : memref<1x80xi32, #tpu.memory_space<vmem>> -> memref<80xi32, #tpu.memory_space<vmem>>
      %dma_start3A_610 = arith.constant 0 : i32
      %dma_start3A_611 = arith.constant 0 : i32
      %dma_start3A_612 = tpu.memref_slice %arg2[%dma_start3A_610, %dma_start3A_611] : memref<10240x128xf32, #tpu.memory_space<hbm>> -> memref<10240x128xf32, #tpu.memory_space<hbm>>
      tpu.enqueue_indirect_dma source(%dma_start3A_612 : memref<10240x128xf32, #tpu.memory_space<hbm>>) target(%arg11 : memref<80x128xf32, #tpu.memory_space<vmem>>) offsets(%dma_start3A_609 : memref<80xi32, #tpu.memory_space<vmem>>) semaphore(%arg18 : memref<!tpu.dma_semaphore, #tpu.memory_space<semaphore_mem>>)
      %dma_wait3A_613 = arith.constant 0 : i32
      %dma_wait3A_614 = arith.constant 0 : i32
      %dma_wait3A_615 = tpu.memref_slice %arg2[%dma_wait3A_613, %dma_wait3A_614] : memref<10240x128xf32, #tpu.memory_space<hbm>> -> memref<80x128xf32, #tpu.memory_space<hbm>>
      %dma_wait3A_616 = arith.constant 0 : i32
      %dma_wait3A_617 = arith.constant 0 : i32
      %dma_wait3A_618 = tpu.memref_slice %arg2[%dma_wait3A_616, %dma_wait3A_617] : memref<10240x128xf32, #tpu.memory_space<hbm>> -> memref<80x128xf32, #tpu.memory_space<hbm>>
      tpu.wait_dma2 semaphore(%arg20 : memref<!tpu.dma_semaphore, #tpu.memory_space<semaphore_mem>>) src(%dma_wait3A_618 : memref<80x128xf32, #tpu.memory_space<hbm>>) dst(%arg13 : memref<80x128xf32, #tpu.memory_space<vmem>>)
      %dma_start3A_619 = arith.constant 1 : i32
      %dma_start3A_620 = arith.constant 0 : i32
      %dma_start3A_621 = tpu.memref_slice %arg10[%dma_start3A_619, %dma_start3A_620] : memref<5x80xi32, #tpu.memory_space<vmem>> -> memref<1x80xi32, #tpu.memory_space<vmem>>
      %dma_start3A_622 = tpu.memref_squeeze %dma_start3A_621 : memref<1x80xi32, #tpu.memory_space<vmem>> -> memref<80xi32, #tpu.memory_space<vmem>>
      %dma_start3A_623 = arith.constant 0 : i32
      %dma_start3A_624 = arith.constant 0 : i32
      %dma_start3A_625 = tpu.memref_slice %arg14[%dma_start3A_623, %dma_start3A_624] : memref<10240x128xf32, #tpu.memory_space<vmem_shared>> -> memref<10240x128xf32, #tpu.memory_space<vmem_shared>>
      tpu.enqueue_indirect_dma source(%arg13 : memref<80x128xf32, #tpu.memory_space<vmem>>) target(%dma_start3A_625 : memref<10240x128xf32, #tpu.memory_space<vmem_shared>>) offsets(%dma_start3A_622 : memref<80xi32, #tpu.memory_space<vmem>>) semaphore(%arg23 : memref<!tpu.dma_semaphore, #tpu.memory_space<semaphore_mem>>) {add = true}
      %add3A_626 = arith.constant 12 : i32
      %add3A_627 = arith.addi %mul3A_222, %add3A_626 : i32
      %sub3A_628 = arith.constant 2 : i32
      %sub3A_629 = arith.subi %add3A_627, %sub3A_628 : i32
      %ge3A_630 = arith.constant 0 : i32
      %ge3A_631 = arith.cmpi sge, %sub3A_629, %ge3A_630 : i32
      %convert_element_type3A_632 = arith.extui %ge3A_631 : i1 to i32
      %cond3A_633 = arith.constant 0 : i32
      %cond3A_634 = arith.cmpi ne, %convert_element_type3A_632, %cond3A_633 : i32
      scf.if %cond3A_634 {
        %dma_wait3A_742 = arith.constant 0 : i32
        %dma_wait3A_743 = arith.constant 0 : i32
        %dma_wait3A_744 = tpu.memref_slice %arg2[%dma_wait3A_742, %dma_wait3A_743] : memref<10240x128xf32, #tpu.memory_space<hbm>> -> memref<80x128xf32, #tpu.memory_space<hbm>>
        %dma_wait3A_745 = arith.constant 0 : i32
        %dma_wait3A_746 = arith.constant 0 : i32
        %dma_wait3A_747 = tpu.memref_slice %arg2[%dma_wait3A_745, %dma_wait3A_746] : memref<10240x128xf32, #tpu.memory_space<hbm>> -> memref<80x128xf32, #tpu.memory_space<hbm>>
        tpu.wait_dma2 semaphore(%arg22 : memref<!tpu.dma_semaphore, #tpu.memory_space<semaphore_mem>>) src(%dma_wait3A_747 : memref<80x128xf32, #tpu.memory_space<hbm>>) dst(%arg12 : memref<80x128xf32, #tpu.memory_space<vmem>>)
      } else {
      }
      %add3A_635 = arith.constant 8 : i32
      %add3A_636 = arith.addi %add3A_627, %add3A_635 : i32
      %lt3A_637 = arith.constant 125 : i32
      %lt3A_638 = arith.cmpi slt, %add3A_636, %lt3A_637 : i32
      %convert_element_type3A_639 = arith.extui %lt3A_638 : i1 to i32
      %cond3A_640 = arith.constant 0 : i32
      %cond3A_641 = arith.cmpi ne, %convert_element_type3A_639, %cond3A_640 : i32
      scf.if %cond3A_641 {
        %add3A_742 = arith.constant 8 : i32
        %add3A_743 = arith.addi %add3A_627, %add3A_742 : i32
        %jit3A = arith.constant 5 : i32
        %div3A = arith.divsi %add3A_743, %jit3A : i32
        %sign3A = arith.constant 0 : i32
        %sign3A_744 = arith.cmpi sgt, %add3A_743, %sign3A : i32
        %sign3A_745 = arith.extui %sign3A_744 : i1 to i32
        %sign3A_746 = arith.constant 0 : i32
        %sign3A_747 = arith.cmpi slt, %add3A_743, %sign3A_746 : i32
        %sign3A_748 = arith.extui %sign3A_747 : i1 to i32
        %sign3A_749 = arith.subi %sign3A_745, %sign3A_748 : i32
        %sign3A_750 = arith.constant 0 : i32
        %sign3A_751 = arith.cmpi sgt, %jit3A, %sign3A_750 : i32
        %sign3A_752 = arith.extui %sign3A_751 : i1 to i32
        %sign3A_753 = arith.constant 0 : i32
        %sign3A_754 = arith.cmpi slt, %jit3A, %sign3A_753 : i32
        %sign3A_755 = arith.extui %sign3A_754 : i1 to i32
        %sign3A_756 = arith.subi %sign3A_752, %sign3A_755 : i32
        %ne3A = arith.cmpi ne, %sign3A_749, %sign3A_756 : i32
        %rem3A = arith.remsi %add3A_743, %jit3A : i32
        %ne3A_757 = arith.constant 0 : i32
        %ne3A_758 = arith.cmpi ne, %rem3A, %ne3A_757 : i32
        %and3A = arith.andi %ne3A, %ne3A_758 : i1
        %sub3A_759 = arith.constant 1 : i32
        %sub3A_760 = arith.subi %div3A, %sub3A_759 : i32
        %select_n3A = arith.select %and3A, %sub3A_760, %div3A : i32
        %dma_start3A_761 = arith.constant 0 : i32
        %dma_start3A_762 = arith.constant 0 : i32
        %dma_start3A_763 = arith.constant 0 : i32
        %dma_start3A_764 = tpu.memref_slice %arg3[%dma_start3A_761, %add3A, %select_n3A, %dma_start3A_762, %dma_start3A_763] : memref<2x32x25x5x80xi32, #tpu.memory_space<hbm>> -> memref<1x1x1x5x80xi32, #tpu.memory_space<hbm>>
        %dma_start3A_765 = tpu.memref_squeeze %dma_start3A_764 : memref<1x1x1x5x80xi32, #tpu.memory_space<hbm>> -> memref<5x80xi32, #tpu.memory_space<hbm>>
        %dma_start3A_766 = arith.constant 0 : i32
        %dma_start3A_767 = arith.constant 0 : i32
        %dma_start3A_768 = tpu.memref_slice %arg3[%dma_start3A_761, %add3A, %select_n3A, %dma_start3A_766, %dma_start3A_767] : memref<2x32x25x5x80xi32, #tpu.memory_space<hbm>> -> memref<1x1x1x5x80xi32, #tpu.memory_space<hbm>>
        %dma_start3A_769 = tpu.memref_squeeze %dma_start3A_768 : memref<1x1x1x5x80xi32, #tpu.memory_space<hbm>> -> memref<5x80xi32, #tpu.memory_space<hbm>>
        tpu.enqueue_dma source(%dma_start3A_769 : memref<5x80xi32, #tpu.memory_space<hbm>>) target(%arg6 : memref<5x80xi32, #tpu.memory_space<vmem>>) target_semaphore(%arg16 : memref<!tpu.dma_semaphore, #tpu.memory_space<semaphore_mem>>)
        %dma_start3A_770 = arith.constant 1 : i32
        %dma_start3A_771 = arith.constant 0 : i32
        %dma_start3A_772 = arith.constant 0 : i32
        %dma_start3A_773 = tpu.memref_slice %arg3[%dma_start3A_770, %add3A, %select_n3A, %dma_start3A_771, %dma_start3A_772] : memref<2x32x25x5x80xi32, #tpu.memory_space<hbm>> -> memref<1x1x1x5x80xi32, #tpu.memory_space<hbm>>
        %dma_start3A_774 = tpu.memref_squeeze %dma_start3A_773 : memref<1x1x1x5x80xi32, #tpu.memory_space<hbm>> -> memref<5x80xi32, #tpu.memory_space<hbm>>
        %dma_start3A_775 = arith.constant 0 : i32
        %dma_start3A_776 = arith.constant 0 : i32
        %dma_start3A_777 = tpu.memref_slice %arg3[%dma_start3A_770, %add3A, %select_n3A, %dma_start3A_775, %dma_start3A_776] : memref<2x32x25x5x80xi32, #tpu.memory_space<hbm>> -> memref<1x1x1x5x80xi32, #tpu.memory_space<hbm>>
        %dma_start3A_778 = tpu.memref_squeeze %dma_start3A_777 : memref<1x1x1x5x80xi32, #tpu.memory_space<hbm>> -> memref<5x80xi32, #tpu.memory_space<hbm>>
        tpu.enqueue_dma source(%dma_start3A_778 : memref<5x80xi32, #tpu.memory_space<hbm>>) target(%arg9 : memref<5x80xi32, #tpu.memory_space<vmem>>) target_semaphore(%arg16 : memref<!tpu.dma_semaphore, #tpu.memory_space<semaphore_mem>>)
      } else {
      }
      %dma_start3A_642 = arith.constant 3 : i32
      %dma_start3A_643 = arith.constant 0 : i32
      %dma_start3A_644 = tpu.memref_slice %arg7[%dma_start3A_642, %dma_start3A_643] : memref<5x80xi32, #tpu.memory_space<vmem>> -> memref<1x80xi32, #tpu.memory_space<vmem>>
      %dma_start3A_645 = tpu.memref_squeeze %dma_start3A_644 : memref<1x80xi32, #tpu.memory_space<vmem>> -> memref<80xi32, #tpu.memory_space<vmem>>
      %dma_start3A_646 = arith.constant 0 : i32
      %dma_start3A_647 = arith.constant 0 : i32
      %dma_start3A_648 = tpu.memref_slice %arg2[%dma_start3A_646, %dma_start3A_647] : memref<10240x128xf32, #tpu.memory_space<hbm>> -> memref<10240x128xf32, #tpu.memory_space<hbm>>
      tpu.enqueue_indirect_dma source(%dma_start3A_648 : memref<10240x128xf32, #tpu.memory_space<hbm>>) target(%arg12 : memref<80x128xf32, #tpu.memory_space<vmem>>) offsets(%dma_start3A_645 : memref<80xi32, #tpu.memory_space<vmem>>) semaphore(%arg19 : memref<!tpu.dma_semaphore, #tpu.memory_space<semaphore_mem>>)
      %dma_wait3A_649 = arith.constant 0 : i32
      %dma_wait3A_650 = arith.constant 0 : i32
      %dma_wait3A_651 = tpu.memref_slice %arg2[%dma_wait3A_649, %dma_wait3A_650] : memref<10240x128xf32, #tpu.memory_space<hbm>> -> memref<80x128xf32, #tpu.memory_space<hbm>>
      %dma_wait3A_652 = arith.constant 0 : i32
      %dma_wait3A_653 = arith.constant 0 : i32
      %dma_wait3A_654 = tpu.memref_slice %arg2[%dma_wait3A_652, %dma_wait3A_653] : memref<10240x128xf32, #tpu.memory_space<hbm>> -> memref<80x128xf32, #tpu.memory_space<hbm>>
      tpu.wait_dma2 semaphore(%arg18 : memref<!tpu.dma_semaphore, #tpu.memory_space<semaphore_mem>>) src(%dma_wait3A_654 : memref<80x128xf32, #tpu.memory_space<hbm>>) dst(%arg11 : memref<80x128xf32, #tpu.memory_space<vmem>>)
      %dma_start3A_655 = arith.constant 2 : i32
      %dma_start3A_656 = arith.constant 0 : i32
      %dma_start3A_657 = tpu.memref_slice %arg10[%dma_start3A_655, %dma_start3A_656] : memref<5x80xi32, #tpu.memory_space<vmem>> -> memref<1x80xi32, #tpu.memory_space<vmem>>
      %dma_start3A_658 = tpu.memref_squeeze %dma_start3A_657 : memref<1x80xi32, #tpu.memory_space<vmem>> -> memref<80xi32, #tpu.memory_space<vmem>>
      %dma_start3A_659 = arith.constant 0 : i32
      %dma_start3A_660 = arith.constant 0 : i32
      %dma_start3A_661 = tpu.memref_slice %arg14[%dma_start3A_659, %dma_start3A_660] : memref<10240x128xf32, #tpu.memory_space<vmem_shared>> -> memref<10240x128xf32, #tpu.memory_space<vmem_shared>>
      tpu.enqueue_indirect_dma source(%arg11 : memref<80x128xf32, #tpu.memory_space<vmem>>) target(%dma_start3A_661 : memref<10240x128xf32, #tpu.memory_space<vmem_shared>>) offsets(%dma_start3A_658 : memref<80xi32, #tpu.memory_space<vmem>>) semaphore(%arg21 : memref<!tpu.dma_semaphore, #tpu.memory_space<semaphore_mem>>) {add = true}
      %add3A_662 = arith.constant 13 : i32
      %add3A_663 = arith.addi %mul3A_222, %add3A_662 : i32
      %sub3A_664 = arith.constant 2 : i32
      %sub3A_665 = arith.subi %add3A_663, %sub3A_664 : i32
      %ge3A_666 = arith.constant 0 : i32
      %ge3A_667 = arith.cmpi sge, %sub3A_665, %ge3A_666 : i32
      %convert_element_type3A_668 = arith.extui %ge3A_667 : i1 to i32
      %cond3A_669 = arith.constant 0 : i32
      %cond3A_670 = arith.cmpi ne, %convert_element_type3A_668, %cond3A_669 : i32
      scf.if %cond3A_670 {
        %dma_wait3A_742 = arith.constant 0 : i32
        %dma_wait3A_743 = arith.constant 0 : i32
        %dma_wait3A_744 = tpu.memref_slice %arg2[%dma_wait3A_742, %dma_wait3A_743] : memref<10240x128xf32, #tpu.memory_space<hbm>> -> memref<80x128xf32, #tpu.memory_space<hbm>>
        %dma_wait3A_745 = arith.constant 0 : i32
        %dma_wait3A_746 = arith.constant 0 : i32
        %dma_wait3A_747 = tpu.memref_slice %arg2[%dma_wait3A_745, %dma_wait3A_746] : memref<10240x128xf32, #tpu.memory_space<hbm>> -> memref<80x128xf32, #tpu.memory_space<hbm>>
        tpu.wait_dma2 semaphore(%arg23 : memref<!tpu.dma_semaphore, #tpu.memory_space<semaphore_mem>>) src(%dma_wait3A_747 : memref<80x128xf32, #tpu.memory_space<hbm>>) dst(%arg13 : memref<80x128xf32, #tpu.memory_space<vmem>>)
      } else {
      }
      %dma_start3A_671 = arith.constant 4 : i32
      %dma_start3A_672 = arith.constant 0 : i32
      %dma_start3A_673 = tpu.memref_slice %arg7[%dma_start3A_671, %dma_start3A_672] : memref<5x80xi32, #tpu.memory_space<vmem>> -> memref<1x80xi32, #tpu.memory_space<vmem>>
      %dma_start3A_674 = tpu.memref_squeeze %dma_start3A_673 : memref<1x80xi32, #tpu.memory_space<vmem>> -> memref<80xi32, #tpu.memory_space<vmem>>
      %dma_start3A_675 = arith.constant 0 : i32
      %dma_start3A_676 = arith.constant 0 : i32
      %dma_start3A_677 = tpu.memref_slice %arg2[%dma_start3A_675, %dma_start3A_676] : memref<10240x128xf32, #tpu.memory_space<hbm>> -> memref<10240x128xf32, #tpu.memory_space<hbm>>
      tpu.enqueue_indirect_dma source(%dma_start3A_677 : memref<10240x128xf32, #tpu.memory_space<hbm>>) target(%arg13 : memref<80x128xf32, #tpu.memory_space<vmem>>) offsets(%dma_start3A_674 : memref<80xi32, #tpu.memory_space<vmem>>) semaphore(%arg20 : memref<!tpu.dma_semaphore, #tpu.memory_space<semaphore_mem>>)
      %dma_wait3A_678 = arith.constant 0 : i32
      %dma_wait3A_679 = arith.constant 0 : i32
      %dma_wait3A_680 = tpu.memref_slice %arg2[%dma_wait3A_678, %dma_wait3A_679] : memref<10240x128xf32, #tpu.memory_space<hbm>> -> memref<80x128xf32, #tpu.memory_space<hbm>>
      %dma_wait3A_681 = arith.constant 0 : i32
      %dma_wait3A_682 = arith.constant 0 : i32
      %dma_wait3A_683 = tpu.memref_slice %arg2[%dma_wait3A_681, %dma_wait3A_682] : memref<10240x128xf32, #tpu.memory_space<hbm>> -> memref<80x128xf32, #tpu.memory_space<hbm>>
      tpu.wait_dma2 semaphore(%arg19 : memref<!tpu.dma_semaphore, #tpu.memory_space<semaphore_mem>>) src(%dma_wait3A_683 : memref<80x128xf32, #tpu.memory_space<hbm>>) dst(%arg12 : memref<80x128xf32, #tpu.memory_space<vmem>>)
      %dma_start3A_684 = arith.constant 3 : i32
      %dma_start3A_685 = arith.constant 0 : i32
      %dma_start3A_686 = tpu.memref_slice %arg10[%dma_start3A_684, %dma_start3A_685] : memref<5x80xi32, #tpu.memory_space<vmem>> -> memref<1x80xi32, #tpu.memory_space<vmem>>
      %dma_start3A_687 = tpu.memref_squeeze %dma_start3A_686 : memref<1x80xi32, #tpu.memory_space<vmem>> -> memref<80xi32, #tpu.memory_space<vmem>>
      %dma_start3A_688 = arith.constant 0 : i32
      %dma_start3A_689 = arith.constant 0 : i32
      %dma_start3A_690 = tpu.memref_slice %arg14[%dma_start3A_688, %dma_start3A_689] : memref<10240x128xf32, #tpu.memory_space<vmem_shared>> -> memref<10240x128xf32, #tpu.memory_space<vmem_shared>>
      tpu.enqueue_indirect_dma source(%arg12 : memref<80x128xf32, #tpu.memory_space<vmem>>) target(%dma_start3A_690 : memref<10240x128xf32, #tpu.memory_space<vmem_shared>>) offsets(%dma_start3A_687 : memref<80xi32, #tpu.memory_space<vmem>>) semaphore(%arg22 : memref<!tpu.dma_semaphore, #tpu.memory_space<semaphore_mem>>) {add = true}
      %add3A_691 = arith.constant 14 : i32
      %add3A_692 = arith.addi %mul3A_222, %add3A_691 : i32
      %sub3A_693 = arith.constant 2 : i32
      %sub3A_694 = arith.subi %add3A_692, %sub3A_693 : i32
      %ge3A_695 = arith.constant 0 : i32
      %ge3A_696 = arith.cmpi sge, %sub3A_694, %ge3A_695 : i32
      %convert_element_type3A_697 = arith.extui %ge3A_696 : i1 to i32
      %cond3A_698 = arith.constant 0 : i32
      %cond3A_699 = arith.cmpi ne, %convert_element_type3A_697, %cond3A_698 : i32
      scf.if %cond3A_699 {
        %dma_wait3A_742 = arith.constant 0 : i32
        %dma_wait3A_743 = arith.constant 0 : i32
        %dma_wait3A_744 = tpu.memref_slice %arg2[%dma_wait3A_742, %dma_wait3A_743] : memref<10240x128xf32, #tpu.memory_space<hbm>> -> memref<80x128xf32, #tpu.memory_space<hbm>>
        %dma_wait3A_745 = arith.constant 0 : i32
        %dma_wait3A_746 = arith.constant 0 : i32
        %dma_wait3A_747 = tpu.memref_slice %arg2[%dma_wait3A_745, %dma_wait3A_746] : memref<10240x128xf32, #tpu.memory_space<hbm>> -> memref<80x128xf32, #tpu.memory_space<hbm>>
        tpu.wait_dma2 semaphore(%arg21 : memref<!tpu.dma_semaphore, #tpu.memory_space<semaphore_mem>>) src(%dma_wait3A_747 : memref<80x128xf32, #tpu.memory_space<hbm>>) dst(%arg11 : memref<80x128xf32, #tpu.memory_space<vmem>>)
      } else {
      }
      %dma_wait3A_700 = arith.constant 0 : i32
      %dma_wait3A_701 = arith.constant 0 : i32
      %dma_wait3A_702 = arith.constant 0 : i32
      %dma_wait3A_703 = arith.constant 0 : i32
      %dma_wait3A_704 = arith.constant 0 : i32
      %dma_wait3A_705 = tpu.memref_slice %arg3[%dma_wait3A_700, %dma_wait3A_701, %dma_wait3A_702, %dma_wait3A_703, %dma_wait3A_704] : memref<2x32x25x5x80xi32, #tpu.memory_space<hbm>> -> memref<1x1x1x5x80xi32, #tpu.memory_space<hbm>>
      %dma_wait3A_706 = tpu.memref_squeeze %dma_wait3A_705 : memref<1x1x1x5x80xi32, #tpu.memory_space<hbm>> -> memref<5x80xi32, #tpu.memory_space<hbm>>
      %dma_wait3A_707 = arith.constant 0 : i32
      %dma_wait3A_708 = arith.constant 0 : i32
      %dma_wait3A_709 = tpu.memref_slice %arg3[%dma_wait3A_700, %dma_wait3A_701, %dma_wait3A_702, %dma_wait3A_707, %dma_wait3A_708] : memref<2x32x25x5x80xi32, #tpu.memory_space<hbm>> -> memref<1x1x1x5x80xi32, #tpu.memory_space<hbm>>
      %dma_wait3A_710 = tpu.memref_squeeze %dma_wait3A_709 : memref<1x1x1x5x80xi32, #tpu.memory_space<hbm>> -> memref<5x80xi32, #tpu.memory_space<hbm>>
      tpu.wait_dma2 semaphore(%arg15 : memref<!tpu.dma_semaphore, #tpu.memory_space<semaphore_mem>>) src(%dma_wait3A_710 : memref<5x80xi32, #tpu.memory_space<hbm>>) dst(%arg5 : memref<5x80xi32, #tpu.memory_space<vmem>>)
      %dma_wait3A_711 = arith.constant 0 : i32
      %dma_wait3A_712 = arith.constant 0 : i32
      %dma_wait3A_713 = arith.constant 0 : i32
      %dma_wait3A_714 = arith.constant 0 : i32
      %dma_wait3A_715 = arith.constant 0 : i32
      %dma_wait3A_716 = tpu.memref_slice %arg3[%dma_wait3A_711, %dma_wait3A_712, %dma_wait3A_713, %dma_wait3A_714, %dma_wait3A_715] : memref<2x32x25x5x80xi32, #tpu.memory_space<hbm>> -> memref<1x1x1x5x80xi32, #tpu.memory_space<hbm>>
      %dma_wait3A_717 = tpu.memref_squeeze %dma_wait3A_716 : memref<1x1x1x5x80xi32, #tpu.memory_space<hbm>> -> memref<5x80xi32, #tpu.memory_space<hbm>>
      %dma_wait3A_718 = arith.constant 0 : i32
      %dma_wait3A_719 = arith.constant 0 : i32
      %dma_wait3A_720 = tpu.memref_slice %arg3[%dma_wait3A_711, %dma_wait3A_712, %dma_wait3A_713, %dma_wait3A_718, %dma_wait3A_719] : memref<2x32x25x5x80xi32, #tpu.memory_space<hbm>> -> memref<1x1x1x5x80xi32, #tpu.memory_space<hbm>>
      %dma_wait3A_721 = tpu.memref_squeeze %dma_wait3A_720 : memref<1x1x1x5x80xi32, #tpu.memory_space<hbm>> -> memref<5x80xi32, #tpu.memory_space<hbm>>
      tpu.wait_dma2 semaphore(%arg15 : memref<!tpu.dma_semaphore, #tpu.memory_space<semaphore_mem>>) src(%dma_wait3A_721 : memref<5x80xi32, #tpu.memory_space<hbm>>) dst(%arg8 : memref<5x80xi32, #tpu.memory_space<vmem>>)
      %dma_start3A_722 = arith.constant 0 : i32
      %dma_start3A_723 = arith.constant 0 : i32
      %dma_start3A_724 = tpu.memref_slice %arg5[%dma_start3A_722, %dma_start3A_723] : memref<5x80xi32, #tpu.memory_space<vmem>> -> memref<1x80xi32, #tpu.memory_space<vmem>>
      %dma_start3A_725 = tpu.memref_squeeze %dma_start3A_724 : memref<1x80xi32, #tpu.memory_space<vmem>> -> memref<80xi32, #tpu.memory_space<vmem>>
      %dma_start3A_726 = arith.constant 0 : i32
      %dma_start3A_727 = arith.constant 0 : i32
      %dma_start3A_728 = tpu.memref_slice %arg2[%dma_start3A_726, %dma_start3A_727] : memref<10240x128xf32, #tpu.memory_space<hbm>> -> memref<10240x128xf32, #tpu.memory_space<hbm>>
      tpu.enqueue_indirect_dma source(%dma_start3A_728 : memref<10240x128xf32, #tpu.memory_space<hbm>>) target(%arg11 : memref<80x128xf32, #tpu.memory_space<vmem>>) offsets(%dma_start3A_725 : memref<80xi32, #tpu.memory_space<vmem>>) semaphore(%arg18 : memref<!tpu.dma_semaphore, #tpu.memory_space<semaphore_mem>>)
      %dma_wait3A_729 = arith.constant 0 : i32
      %dma_wait3A_730 = arith.constant 0 : i32
      %dma_wait3A_731 = tpu.memref_slice %arg2[%dma_wait3A_729, %dma_wait3A_730] : memref<10240x128xf32, #tpu.memory_space<hbm>> -> memref<80x128xf32, #tpu.memory_space<hbm>>
      %dma_wait3A_732 = arith.constant 0 : i32
      %dma_wait3A_733 = arith.constant 0 : i32
      %dma_wait3A_734 = tpu.memref_slice %arg2[%dma_wait3A_732, %dma_wait3A_733] : memref<10240x128xf32, #tpu.memory_space<hbm>> -> memref<80x128xf32, #tpu.memory_space<hbm>>
      tpu.wait_dma2 semaphore(%arg20 : memref<!tpu.dma_semaphore, #tpu.memory_space<semaphore_mem>>) src(%dma_wait3A_734 : memref<80x128xf32, #tpu.memory_space<hbm>>) dst(%arg13 : memref<80x128xf32, #tpu.memory_space<vmem>>)
      %dma_start3A_735 = arith.constant 4 : i32
      %dma_start3A_736 = arith.constant 0 : i32
      %dma_start3A_737 = tpu.memref_slice %arg10[%dma_start3A_735, %dma_start3A_736] : memref<5x80xi32, #tpu.memory_space<vmem>> -> memref<1x80xi32, #tpu.memory_space<vmem>>
      %dma_start3A_738 = tpu.memref_squeeze %dma_start3A_737 : memref<1x80xi32, #tpu.memory_space<vmem>> -> memref<80xi32, #tpu.memory_space<vmem>>
      %dma_start3A_739 = arith.constant 0 : i32
      %dma_start3A_740 = arith.constant 0 : i32
      %dma_start3A_741 = tpu.memref_slice %arg14[%dma_start3A_739, %dma_start3A_740] : memref<10240x128xf32, #tpu.memory_space<vmem_shared>> -> memref<10240x128xf32, #tpu.memory_space<vmem_shared>>
      tpu.enqueue_indirect_dma source(%arg13 : memref<80x128xf32, #tpu.memory_space<vmem>>) target(%dma_start3A_741 : memref<10240x128xf32, #tpu.memory_space<vmem_shared>>) offsets(%dma_start3A_738 : memref<80xi32, #tpu.memory_space<vmem>>) semaphore(%arg23 : memref<!tpu.dma_semaphore, #tpu.memory_space<semaphore_mem>>) {add = true}
    }
    %scan3A_79 = arith.constant 8 : i32
    %dma_wait3A_80 = arith.constant 0 : i32
    %dma_wait3A_81 = arith.constant 0 : i32
    %dma_wait3A_82 = tpu.memref_slice %arg2[%dma_wait3A_80, %dma_wait3A_81] : memref<10240x128xf32, #tpu.memory_space<hbm>> -> memref<80x128xf32, #tpu.memory_space<hbm>>
    %dma_wait3A_83 = arith.constant 0 : i32
    %dma_wait3A_84 = arith.constant 0 : i32
    %dma_wait3A_85 = tpu.memref_slice %arg2[%dma_wait3A_83, %dma_wait3A_84] : memref<10240x128xf32, #tpu.memory_space<hbm>> -> memref<80x128xf32, #tpu.memory_space<hbm>>
    tpu.wait_dma2 semaphore(%arg22 : memref<!tpu.dma_semaphore, #tpu.memory_space<semaphore_mem>>) src(%dma_wait3A_85 : memref<80x128xf32, #tpu.memory_space<hbm>>) dst(%arg12 : memref<80x128xf32, #tpu.memory_space<vmem>>)
    %dma_start3A_86 = arith.constant 1 : i32
    %dma_start3A_87 = arith.constant 0 : i32
    %dma_start3A_88 = tpu.memref_slice %arg5[%dma_start3A_86, %dma_start3A_87] : memref<5x80xi32, #tpu.memory_space<vmem>> -> memref<1x80xi32, #tpu.memory_space<vmem>>
    %dma_start3A_89 = tpu.memref_squeeze %dma_start3A_88 : memref<1x80xi32, #tpu.memory_space<vmem>> -> memref<80xi32, #tpu.memory_space<vmem>>
    %dma_start3A_90 = arith.constant 0 : i32
    %dma_start3A_91 = arith.constant 0 : i32
    %dma_start3A_92 = tpu.memref_slice %arg2[%dma_start3A_90, %dma_start3A_91] : memref<10240x128xf32, #tpu.memory_space<hbm>> -> memref<10240x128xf32, #tpu.memory_space<hbm>>
    tpu.enqueue_indirect_dma source(%dma_start3A_92 : memref<10240x128xf32, #tpu.memory_space<hbm>>) target(%arg12 : memref<80x128xf32, #tpu.memory_space<vmem>>) offsets(%dma_start3A_89 : memref<80xi32, #tpu.memory_space<vmem>>) semaphore(%arg19 : memref<!tpu.dma_semaphore, #tpu.memory_space<semaphore_mem>>)
    %dma_wait3A_93 = arith.constant 0 : i32
    %dma_wait3A_94 = arith.constant 0 : i32
    %dma_wait3A_95 = tpu.memref_slice %arg2[%dma_wait3A_93, %dma_wait3A_94] : memref<10240x128xf32, #tpu.memory_space<hbm>> -> memref<80x128xf32, #tpu.memory_space<hbm>>
    %dma_wait3A_96 = arith.constant 0 : i32
    %dma_wait3A_97 = arith.constant 0 : i32
    %dma_wait3A_98 = tpu.memref_slice %arg2[%dma_wait3A_96, %dma_wait3A_97] : memref<10240x128xf32, #tpu.memory_space<hbm>> -> memref<80x128xf32, #tpu.memory_space<hbm>>
    tpu.wait_dma2 semaphore(%arg18 : memref<!tpu.dma_semaphore, #tpu.memory_space<semaphore_mem>>) src(%dma_wait3A_98 : memref<80x128xf32, #tpu.memory_space<hbm>>) dst(%arg11 : memref<80x128xf32, #tpu.memory_space<vmem>>)
    %dma_start3A_99 = arith.constant 0 : i32
    %dma_start3A_100 = arith.constant 0 : i32
    %dma_start3A_101 = tpu.memref_slice %arg8[%dma_start3A_99, %dma_start3A_100] : memref<5x80xi32, #tpu.memory_space<vmem>> -> memref<1x80xi32, #tpu.memory_space<vmem>>
    %dma_start3A_102 = tpu.memref_squeeze %dma_start3A_101 : memref<1x80xi32, #tpu.memory_space<vmem>> -> memref<80xi32, #tpu.memory_space<vmem>>
    %dma_start3A_103 = arith.constant 0 : i32
    %dma_start3A_104 = arith.constant 0 : i32
    %dma_start3A_105 = tpu.memref_slice %arg14[%dma_start3A_103, %dma_start3A_104] : memref<10240x128xf32, #tpu.memory_space<vmem_shared>> -> memref<10240x128xf32, #tpu.memory_space<vmem_shared>>
    tpu.enqueue_indirect_dma source(%arg11 : memref<80x128xf32, #tpu.memory_space<vmem>>) target(%dma_start3A_105 : memref<10240x128xf32, #tpu.memory_space<vmem_shared>>) offsets(%dma_start3A_102 : memref<80xi32, #tpu.memory_space<vmem>>) semaphore(%arg21 : memref<!tpu.dma_semaphore, #tpu.memory_space<semaphore_mem>>) {add = true}
    %dma_wait3A_106 = arith.constant 0 : i32
    %dma_wait3A_107 = arith.constant 0 : i32
    %dma_wait3A_108 = tpu.memref_slice %arg2[%dma_wait3A_106, %dma_wait3A_107] : memref<10240x128xf32, #tpu.memory_space<hbm>> -> memref<80x128xf32, #tpu.memory_space<hbm>>
    %dma_wait3A_109 = arith.constant 0 : i32
    %dma_wait3A_110 = arith.constant 0 : i32
    %dma_wait3A_111 = tpu.memref_slice %arg2[%dma_wait3A_109, %dma_wait3A_110] : memref<10240x128xf32, #tpu.memory_space<hbm>> -> memref<80x128xf32, #tpu.memory_space<hbm>>
    tpu.wait_dma2 semaphore(%arg23 : memref<!tpu.dma_semaphore, #tpu.memory_space<semaphore_mem>>) src(%dma_wait3A_111 : memref<80x128xf32, #tpu.memory_space<hbm>>) dst(%arg13 : memref<80x128xf32, #tpu.memory_space<vmem>>)
    %dma_start3A_112 = arith.constant 2 : i32
    %dma_start3A_113 = arith.constant 0 : i32
    %dma_start3A_114 = tpu.memref_slice %arg5[%dma_start3A_112, %dma_start3A_113] : memref<5x80xi32, #tpu.memory_space<vmem>> -> memref<1x80xi32, #tpu.memory_space<vmem>>
    %dma_start3A_115 = tpu.memref_squeeze %dma_start3A_114 : memref<1x80xi32, #tpu.memory_space<vmem>> -> memref<80xi32, #tpu.memory_space<vmem>>
    %dma_start3A_116 = arith.constant 0 : i32
    %dma_start3A_117 = arith.constant 0 : i32
    %dma_start3A_118 = tpu.memref_slice %arg2[%dma_start3A_116, %dma_start3A_117] : memref<10240x128xf32, #tpu.memory_space<hbm>> -> memref<10240x128xf32, #tpu.memory_space<hbm>>
    tpu.enqueue_indirect_dma source(%dma_start3A_118 : memref<10240x128xf32, #tpu.memory_space<hbm>>) target(%arg13 : memref<80x128xf32, #tpu.memory_space<vmem>>) offsets(%dma_start3A_115 : memref<80xi32, #tpu.memory_space<vmem>>) semaphore(%arg20 : memref<!tpu.dma_semaphore, #tpu.memory_space<semaphore_mem>>)
    %dma_wait3A_119 = arith.constant 0 : i32
    %dma_wait3A_120 = arith.constant 0 : i32
    %dma_wait3A_121 = tpu.memref_slice %arg2[%dma_wait3A_119, %dma_wait3A_120] : memref<10240x128xf32, #tpu.memory_space<hbm>> -> memref<80x128xf32, #tpu.memory_space<hbm>>
    %dma_wait3A_122 = arith.constant 0 : i32
    %dma_wait3A_123 = arith.constant 0 : i32
    %dma_wait3A_124 = tpu.memref_slice %arg2[%dma_wait3A_122, %dma_wait3A_123] : memref<10240x128xf32, #tpu.memory_space<hbm>> -> memref<80x128xf32, #tpu.memory_space<hbm>>
    tpu.wait_dma2 semaphore(%arg19 : memref<!tpu.dma_semaphore, #tpu.memory_space<semaphore_mem>>) src(%dma_wait3A_124 : memref<80x128xf32, #tpu.memory_space<hbm>>) dst(%arg12 : memref<80x128xf32, #tpu.memory_space<vmem>>)
    %dma_start3A_125 = arith.constant 1 : i32
    %dma_start3A_126 = arith.constant 0 : i32
    %dma_start3A_127 = tpu.memref_slice %arg8[%dma_start3A_125, %dma_start3A_126] : memref<5x80xi32, #tpu.memory_space<vmem>> -> memref<1x80xi32, #tpu.memory_space<vmem>>
    %dma_start3A_128 = tpu.memref_squeeze %dma_start3A_127 : memref<1x80xi32, #tpu.memory_space<vmem>> -> memref<80xi32, #tpu.memory_space<vmem>>
    %dma_start3A_129 = arith.constant 0 : i32
    %dma_start3A_130 = arith.constant 0 : i32
    %dma_start3A_131 = tpu.memref_slice %arg14[%dma_start3A_129, %dma_start3A_130] : memref<10240x128xf32, #tpu.memory_space<vmem_shared>> -> memref<10240x128xf32, #tpu.memory_space<vmem_shared>>
    tpu.enqueue_indirect_dma source(%arg12 : memref<80x128xf32, #tpu.memory_space<vmem>>) target(%dma_start3A_131 : memref<10240x128xf32, #tpu.memory_space<vmem_shared>>) offsets(%dma_start3A_128 : memref<80xi32, #tpu.memory_space<vmem>>) semaphore(%arg22 : memref<!tpu.dma_semaphore, #tpu.memory_space<semaphore_mem>>) {add = true}
    %dma_wait3A_132 = arith.constant 0 : i32
    %dma_wait3A_133 = arith.constant 0 : i32
    %dma_wait3A_134 = tpu.memref_slice %arg2[%dma_wait3A_132, %dma_wait3A_133] : memref<10240x128xf32, #tpu.memory_space<hbm>> -> memref<80x128xf32, #tpu.memory_space<hbm>>
    %dma_wait3A_135 = arith.constant 0 : i32
    %dma_wait3A_136 = arith.constant 0 : i32
    %dma_wait3A_137 = tpu.memref_slice %arg2[%dma_wait3A_135, %dma_wait3A_136] : memref<10240x128xf32, #tpu.memory_space<hbm>> -> memref<80x128xf32, #tpu.memory_space<hbm>>
    tpu.wait_dma2 semaphore(%arg21 : memref<!tpu.dma_semaphore, #tpu.memory_space<semaphore_mem>>) src(%dma_wait3A_137 : memref<80x128xf32, #tpu.memory_space<hbm>>) dst(%arg11 : memref<80x128xf32, #tpu.memory_space<vmem>>)
    %dma_start3A_138 = arith.constant 3 : i32
    %dma_start3A_139 = arith.constant 0 : i32
    %dma_start3A_140 = tpu.memref_slice %arg5[%dma_start3A_138, %dma_start3A_139] : memref<5x80xi32, #tpu.memory_space<vmem>> -> memref<1x80xi32, #tpu.memory_space<vmem>>
    %dma_start3A_141 = tpu.memref_squeeze %dma_start3A_140 : memref<1x80xi32, #tpu.memory_space<vmem>> -> memref<80xi32, #tpu.memory_space<vmem>>
    %dma_start3A_142 = arith.constant 0 : i32
    %dma_start3A_143 = arith.constant 0 : i32
    %dma_start3A_144 = tpu.memref_slice %arg2[%dma_start3A_142, %dma_start3A_143] : memref<10240x128xf32, #tpu.memory_space<hbm>> -> memref<10240x128xf32, #tpu.memory_space<hbm>>
    tpu.enqueue_indirect_dma source(%dma_start3A_144 : memref<10240x128xf32, #tpu.memory_space<hbm>>) target(%arg11 : memref<80x128xf32, #tpu.memory_space<vmem>>) offsets(%dma_start3A_141 : memref<80xi32, #tpu.memory_space<vmem>>) semaphore(%arg18 : memref<!tpu.dma_semaphore, #tpu.memory_space<semaphore_mem>>)
    %dma_wait3A_145 = arith.constant 0 : i32
    %dma_wait3A_146 = arith.constant 0 : i32
    %dma_wait3A_147 = tpu.memref_slice %arg2[%dma_wait3A_145, %dma_wait3A_146] : memref<10240x128xf32, #tpu.memory_space<hbm>> -> memref<80x128xf32, #tpu.memory_space<hbm>>
    %dma_wait3A_148 = arith.constant 0 : i32
    %dma_wait3A_149 = arith.constant 0 : i32
    %dma_wait3A_150 = tpu.memref_slice %arg2[%dma_wait3A_148, %dma_wait3A_149] : memref<10240x128xf32, #tpu.memory_space<hbm>> -> memref<80x128xf32, #tpu.memory_space<hbm>>
    tpu.wait_dma2 semaphore(%arg20 : memref<!tpu.dma_semaphore, #tpu.memory_space<semaphore_mem>>) src(%dma_wait3A_150 : memref<80x128xf32, #tpu.memory_space<hbm>>) dst(%arg13 : memref<80x128xf32, #tpu.memory_space<vmem>>)
    %dma_start3A_151 = arith.constant 2 : i32
    %dma_start3A_152 = arith.constant 0 : i32
    %dma_start3A_153 = tpu.memref_slice %arg8[%dma_start3A_151, %dma_start3A_152] : memref<5x80xi32, #tpu.memory_space<vmem>> -> memref<1x80xi32, #tpu.memory_space<vmem>>
    %dma_start3A_154 = tpu.memref_squeeze %dma_start3A_153 : memref<1x80xi32, #tpu.memory_space<vmem>> -> memref<80xi32, #tpu.memory_space<vmem>>
    %dma_start3A_155 = arith.constant 0 : i32
    %dma_start3A_156 = arith.constant 0 : i32
    %dma_start3A_157 = tpu.memref_slice %arg14[%dma_start3A_155, %dma_start3A_156] : memref<10240x128xf32, #tpu.memory_space<vmem_shared>> -> memref<10240x128xf32, #tpu.memory_space<vmem_shared>>
    tpu.enqueue_indirect_dma source(%arg13 : memref<80x128xf32, #tpu.memory_space<vmem>>) target(%dma_start3A_157 : memref<10240x128xf32, #tpu.memory_space<vmem_shared>>) offsets(%dma_start3A_154 : memref<80xi32, #tpu.memory_space<vmem>>) semaphore(%arg23 : memref<!tpu.dma_semaphore, #tpu.memory_space<semaphore_mem>>) {add = true}
    %dma_wait3A_158 = arith.constant 0 : i32
    %dma_wait3A_159 = arith.constant 0 : i32
    %dma_wait3A_160 = tpu.memref_slice %arg2[%dma_wait3A_158, %dma_wait3A_159] : memref<10240x128xf32, #tpu.memory_space<hbm>> -> memref<80x128xf32, #tpu.memory_space<hbm>>
    %dma_wait3A_161 = arith.constant 0 : i32
    %dma_wait3A_162 = arith.constant 0 : i32
    %dma_wait3A_163 = tpu.memref_slice %arg2[%dma_wait3A_161, %dma_wait3A_162] : memref<10240x128xf32, #tpu.memory_space<hbm>> -> memref<80x128xf32, #tpu.memory_space<hbm>>
    tpu.wait_dma2 semaphore(%arg22 : memref<!tpu.dma_semaphore, #tpu.memory_space<semaphore_mem>>) src(%dma_wait3A_163 : memref<80x128xf32, #tpu.memory_space<hbm>>) dst(%arg12 : memref<80x128xf32, #tpu.memory_space<vmem>>)
    %dma_start3A_164 = arith.constant 4 : i32
    %dma_start3A_165 = arith.constant 0 : i32
    %dma_start3A_166 = tpu.memref_slice %arg5[%dma_start3A_164, %dma_start3A_165] : memref<5x80xi32, #tpu.memory_space<vmem>> -> memref<1x80xi32, #tpu.memory_space<vmem>>
    %dma_start3A_167 = tpu.memref_squeeze %dma_start3A_166 : memref<1x80xi32, #tpu.memory_space<vmem>> -> memref<80xi32, #tpu.memory_space<vmem>>
    %dma_start3A_168 = arith.constant 0 : i32
    %dma_start3A_169 = arith.constant 0 : i32
    %dma_start3A_170 = tpu.memref_slice %arg2[%dma_start3A_168, %dma_start3A_169] : memref<10240x128xf32, #tpu.memory_space<hbm>> -> memref<10240x128xf32, #tpu.memory_space<hbm>>
    tpu.enqueue_indirect_dma source(%dma_start3A_170 : memref<10240x128xf32, #tpu.memory_space<hbm>>) target(%arg12 : memref<80x128xf32, #tpu.memory_space<vmem>>) offsets(%dma_start3A_167 : memref<80xi32, #tpu.memory_space<vmem>>) semaphore(%arg19 : memref<!tpu.dma_semaphore, #tpu.memory_space<semaphore_mem>>)
    %dma_wait3A_171 = arith.constant 0 : i32
    %dma_wait3A_172 = arith.constant 0 : i32
    %dma_wait3A_173 = tpu.memref_slice %arg2[%dma_wait3A_171, %dma_wait3A_172] : memref<10240x128xf32, #tpu.memory_space<hbm>> -> memref<80x128xf32, #tpu.memory_space<hbm>>
    %dma_wait3A_174 = arith.constant 0 : i32
    %dma_wait3A_175 = arith.constant 0 : i32
    %dma_wait3A_176 = tpu.memref_slice %arg2[%dma_wait3A_174, %dma_wait3A_175] : memref<10240x128xf32, #tpu.memory_space<hbm>> -> memref<80x128xf32, #tpu.memory_space<hbm>>
    tpu.wait_dma2 semaphore(%arg18 : memref<!tpu.dma_semaphore, #tpu.memory_space<semaphore_mem>>) src(%dma_wait3A_176 : memref<80x128xf32, #tpu.memory_space<hbm>>) dst(%arg11 : memref<80x128xf32, #tpu.memory_space<vmem>>)
    %dma_start3A_177 = arith.constant 3 : i32
    %dma_start3A_178 = arith.constant 0 : i32
    %dma_start3A_179 = tpu.memref_slice %arg8[%dma_start3A_177, %dma_start3A_178] : memref<5x80xi32, #tpu.memory_space<vmem>> -> memref<1x80xi32, #tpu.memory_space<vmem>>
    %dma_start3A_180 = tpu.memref_squeeze %dma_start3A_179 : memref<1x80xi32, #tpu.memory_space<vmem>> -> memref<80xi32, #tpu.memory_space<vmem>>
    %dma_start3A_181 = arith.constant 0 : i32
    %dma_start3A_182 = arith.constant 0 : i32
    %dma_start3A_183 = tpu.memref_slice %arg14[%dma_start3A_181, %dma_start3A_182] : memref<10240x128xf32, #tpu.memory_space<vmem_shared>> -> memref<10240x128xf32, #tpu.memory_space<vmem_shared>>
    tpu.enqueue_indirect_dma source(%arg11 : memref<80x128xf32, #tpu.memory_space<vmem>>) target(%dma_start3A_183 : memref<10240x128xf32, #tpu.memory_space<vmem_shared>>) offsets(%dma_start3A_180 : memref<80xi32, #tpu.memory_space<vmem>>) semaphore(%arg21 : memref<!tpu.dma_semaphore, #tpu.memory_space<semaphore_mem>>) {add = true}
    %dma_wait3A_184 = arith.constant 0 : i32
    %dma_wait3A_185 = arith.constant 0 : i32
    %dma_wait3A_186 = tpu.memref_slice %arg2[%dma_wait3A_184, %dma_wait3A_185] : memref<10240x128xf32, #tpu.memory_space<hbm>> -> memref<80x128xf32, #tpu.memory_space<hbm>>
    %dma_wait3A_187 = arith.constant 0 : i32
    %dma_wait3A_188 = arith.constant 0 : i32
    %dma_wait3A_189 = tpu.memref_slice %arg2[%dma_wait3A_187, %dma_wait3A_188] : memref<10240x128xf32, #tpu.memory_space<hbm>> -> memref<80x128xf32, #tpu.memory_space<hbm>>
    tpu.wait_dma2 semaphore(%arg23 : memref<!tpu.dma_semaphore, #tpu.memory_space<semaphore_mem>>) src(%dma_wait3A_189 : memref<80x128xf32, #tpu.memory_space<hbm>>) dst(%arg13 : memref<80x128xf32, #tpu.memory_space<vmem>>)
    %dma_wait3A_190 = arith.constant 0 : i32
    %dma_wait3A_191 = arith.constant 0 : i32
    %dma_wait3A_192 = tpu.memref_slice %arg2[%dma_wait3A_190, %dma_wait3A_191] : memref<10240x128xf32, #tpu.memory_space<hbm>> -> memref<80x128xf32, #tpu.memory_space<hbm>>
    %dma_wait3A_193 = arith.constant 0 : i32
    %dma_wait3A_194 = arith.constant 0 : i32
    %dma_wait3A_195 = tpu.memref_slice %arg2[%dma_wait3A_193, %dma_wait3A_194] : memref<10240x128xf32, #tpu.memory_space<hbm>> -> memref<80x128xf32, #tpu.memory_space<hbm>>
    tpu.wait_dma2 semaphore(%arg19 : memref<!tpu.dma_semaphore, #tpu.memory_space<semaphore_mem>>) src(%dma_wait3A_195 : memref<80x128xf32, #tpu.memory_space<hbm>>) dst(%arg12 : memref<80x128xf32, #tpu.memory_space<vmem>>)
    %dma_start3A_196 = arith.constant 4 : i32
    %dma_start3A_197 = arith.constant 0 : i32
    %dma_start3A_198 = tpu.memref_slice %arg8[%dma_start3A_196, %dma_start3A_197] : memref<5x80xi32, #tpu.memory_space<vmem>> -> memref<1x80xi32, #tpu.memory_space<vmem>>
    %dma_start3A_199 = tpu.memref_squeeze %dma_start3A_198 : memref<1x80xi32, #tpu.memory_space<vmem>> -> memref<80xi32, #tpu.memory_space<vmem>>
    %dma_start3A_200 = arith.constant 0 : i32
    %dma_start3A_201 = arith.constant 0 : i32
    %dma_start3A_202 = tpu.memref_slice %arg14[%dma_start3A_200, %dma_start3A_201] : memref<10240x128xf32, #tpu.memory_space<vmem_shared>> -> memref<10240x128xf32, #tpu.memory_space<vmem_shared>>
    tpu.enqueue_indirect_dma source(%arg12 : memref<80x128xf32, #tpu.memory_space<vmem>>) target(%dma_start3A_202 : memref<10240x128xf32, #tpu.memory_space<vmem_shared>>) offsets(%dma_start3A_199 : memref<80xi32, #tpu.memory_space<vmem>>) semaphore(%arg22 : memref<!tpu.dma_semaphore, #tpu.memory_space<semaphore_mem>>) {add = true}
    %dma_wait3A_203 = arith.constant 0 : i32
    %dma_wait3A_204 = arith.constant 0 : i32
    %dma_wait3A_205 = tpu.memref_slice %arg2[%dma_wait3A_203, %dma_wait3A_204] : memref<10240x128xf32, #tpu.memory_space<hbm>> -> memref<80x128xf32, #tpu.memory_space<hbm>>
    %dma_wait3A_206 = arith.constant 0 : i32
    %dma_wait3A_207 = arith.constant 0 : i32
    %dma_wait3A_208 = tpu.memref_slice %arg2[%dma_wait3A_206, %dma_wait3A_207] : memref<10240x128xf32, #tpu.memory_space<hbm>> -> memref<80x128xf32, #tpu.memory_space<hbm>>
    tpu.wait_dma2 semaphore(%arg21 : memref<!tpu.dma_semaphore, #tpu.memory_space<semaphore_mem>>) src(%dma_wait3A_208 : memref<80x128xf32, #tpu.memory_space<hbm>>) dst(%arg11 : memref<80x128xf32, #tpu.memory_space<vmem>>)
    %dma_wait3A_209 = arith.constant 0 : i32
    %dma_wait3A_210 = arith.constant 0 : i32
    %dma_wait3A_211 = tpu.memref_slice %arg2[%dma_wait3A_209, %dma_wait3A_210] : memref<10240x128xf32, #tpu.memory_space<hbm>> -> memref<80x128xf32, #tpu.memory_space<hbm>>
    %dma_wait3A_212 = arith.constant 0 : i32
    %dma_wait3A_213 = arith.constant 0 : i32
    %dma_wait3A_214 = tpu.memref_slice %arg2[%dma_wait3A_212, %dma_wait3A_213] : memref<10240x128xf32, #tpu.memory_space<hbm>> -> memref<80x128xf32, #tpu.memory_space<hbm>>
    tpu.wait_dma2 semaphore(%arg22 : memref<!tpu.dma_semaphore, #tpu.memory_space<semaphore_mem>>) src(%dma_wait3A_214 : memref<80x128xf32, #tpu.memory_space<hbm>>) dst(%arg12 : memref<80x128xf32, #tpu.memory_space<vmem>>)
    %barrier3A_215 = arith.constant 0 : index
    tpu.barrier barrier_id(%barrier3A_215)
    %mul3A_216 = arith.constant 640 : i32
    %mul3A_217 = arith.muli %arg1, %mul3A_216 : i32
    %mul3A_218 = arith.constant 640 : i32
    %mul3A_219 = arith.muli %arg1, %mul3A_218 : i32
    "tpu.region"() ({
      %run_scoped3A = tpu.sem_alloc : memref<!tpu.dma_semaphore, #tpu.memory_space<semaphore_mem>>
      %dma_start3A_220 = arith.constant 0 : i32
      %dma_start3A_221 = tpu.memref_slice %arg4[%arg0, %mul3A_219, %dma_start3A_220] : memref<2x10240x128xf32, #tpu.memory_space<hbm>> -> memref<1x640x128xf32, #tpu.memory_space<hbm>>
      %dma_start3A_222 = tpu.memref_squeeze %dma_start3A_221 : memref<1x640x128xf32, #tpu.memory_space<hbm>> -> memref<640x128xf32, #tpu.memory_space<hbm>>
      %dma_start3A_223 = arith.constant 0 : i32
      %dma_start3A_224 = tpu.memref_slice %arg14[%mul3A_217, %dma_start3A_223] : memref<10240x128xf32, #tpu.memory_space<vmem_shared>> -> memref<640x128xf32, #tpu.memory_space<vmem_shared>>
      tpu.enqueue_dma source(%dma_start3A_224 : memref<640x128xf32, #tpu.memory_space<vmem_shared>>) target(%dma_start3A_222 : memref<640x128xf32, #tpu.memory_space<hbm>>) target_semaphore(%run_scoped3A : memref<!tpu.dma_semaphore, #tpu.memory_space<semaphore_mem>>)
      %dma_wait3A_225 = arith.constant 0 : i32
      %dma_wait3A_226 = tpu.memref_slice %arg4[%arg0, %mul3A_219, %dma_wait3A_225] : memref<2x10240x128xf32, #tpu.memory_space<hbm>> -> memref<1x640x128xf32, #tpu.memory_space<hbm>>
      %dma_wait3A_227 = tpu.memref_squeeze %dma_wait3A_226 : memref<1x640x128xf32, #tpu.memory_space<hbm>> -> memref<640x128xf32, #tpu.memory_space<hbm>>
      %dma_wait3A_228 = arith.constant 0 : i32
      %dma_wait3A_229 = tpu.memref_slice %arg14[%mul3A_217, %dma_wait3A_228] : memref<10240x128xf32, #tpu.memory_space<vmem_shared>> -> memref<640x128xf32, #tpu.memory_space<vmem_shared>>
      tpu.wait_dma2 semaphore(%run_scoped3A : memref<!tpu.dma_semaphore, #tpu.memory_space<semaphore_mem>>) src(%dma_wait3A_229 : memref<640x128xf32, #tpu.memory_space<vmem_shared>>) dst(%dma_wait3A_227 : memref<640x128xf32, #tpu.memory_space<hbm>>)
      tpu.yield
    }) : () -> ()
    return
  }
}

#map = affine_map<(d0, d1) -> (0, 0, 0, 0, 0)>
#map1 = affine_map<(d0, d1) -> (0, 0)>
module attributes {stable_mosaic.version = 14 : i64} {
  func.func @_deg_body(%arg0: i32, %arg1: i32, %arg2: memref<2x32x25x5x80xi32, #tpu.memory_space<hbm>>, %arg3: memref<2x10240xf32, #tpu.memory_space<hbm>>, %arg4: memref<25x5x80xi32, #tpu.memory_space<vmem>>, %arg5: memref<80xf32, #tpu.memory_space<vmem>>, %arg6: memref<640xf32, #tpu.memory_space<vmem>>, %arg7: memref<10240xf32, #tpu.memory_space<vmem_shared>>) attributes {dimension_semantics = [#tpu.dimension_semantics<core_parallel>, #tpu.dimension_semantics<subcore_parallel>], iteration_bounds = array<i64: 2, 16>, scalar_prefetch = 0 : i64, scratch_operands = 4 : i64, tpu.core_type = #tpu.core_type<sc_vector_subcore>, window_params = [{transform_indices = #map}, {transform_indices = #map1}]} {
    %mul3A = arith.constant 2 : i32
    %mul3A_0 = arith.muli %arg1, %mul3A : i32
    %add3A = arith.addi %mul3A_0, %arg0 : i32
    %run_scoped3A = arith.constant 1 : i32
    "tpu.region"() ({
      %run_scoped3A_47 = tpu.sem_alloc : memref<!tpu.dma_semaphore, #tpu.memory_space<semaphore_mem>>
      %dma_start3A = arith.constant 0 : i32
      %dma_start3A_48 = arith.constant 0 : i32
      %dma_start3A_49 = arith.constant 0 : i32
      %dma_start3A_50 = tpu.memref_slice %arg2[%run_scoped3A, %add3A, %dma_start3A, %dma_start3A_48, %dma_start3A_49] : memref<2x32x25x5x80xi32, #tpu.memory_space<hbm>> -> memref<1x1x25x5x80xi32, #tpu.memory_space<hbm>>
      %dma_start3A_51 = tpu.memref_squeeze %dma_start3A_50 : memref<1x1x25x5x80xi32, #tpu.memory_space<hbm>> -> memref<25x5x80xi32, #tpu.memory_space<hbm>>
      %dma_start3A_52 = arith.constant 0 : i32
      %dma_start3A_53 = arith.constant 0 : i32
      %dma_start3A_54 = arith.constant 0 : i32
      %dma_start3A_55 = tpu.memref_slice %arg2[%run_scoped3A, %add3A, %dma_start3A_52, %dma_start3A_53, %dma_start3A_54] : memref<2x32x25x5x80xi32, #tpu.memory_space<hbm>> -> memref<1x1x25x5x80xi32, #tpu.memory_space<hbm>>
      %dma_start3A_56 = tpu.memref_squeeze %dma_start3A_55 : memref<1x1x25x5x80xi32, #tpu.memory_space<hbm>> -> memref<25x5x80xi32, #tpu.memory_space<hbm>>
      tpu.enqueue_dma source(%dma_start3A_56 : memref<25x5x80xi32, #tpu.memory_space<hbm>>) target(%arg4 : memref<25x5x80xi32, #tpu.memory_space<vmem>>) target_semaphore(%run_scoped3A_47 : memref<!tpu.dma_semaphore, #tpu.memory_space<semaphore_mem>>)
      %dma_wait3A = arith.constant 0 : i32
      %dma_wait3A_57 = arith.constant 0 : i32
      %dma_wait3A_58 = arith.constant 0 : i32
      %dma_wait3A_59 = tpu.memref_slice %arg2[%run_scoped3A, %add3A, %dma_wait3A, %dma_wait3A_57, %dma_wait3A_58] : memref<2x32x25x5x80xi32, #tpu.memory_space<hbm>> -> memref<1x1x25x5x80xi32, #tpu.memory_space<hbm>>
      %dma_wait3A_60 = tpu.memref_squeeze %dma_wait3A_59 : memref<1x1x25x5x80xi32, #tpu.memory_space<hbm>> -> memref<25x5x80xi32, #tpu.memory_space<hbm>>
      %dma_wait3A_61 = arith.constant 0 : i32
      %dma_wait3A_62 = arith.constant 0 : i32
      %dma_wait3A_63 = arith.constant 0 : i32
      %dma_wait3A_64 = tpu.memref_slice %arg2[%run_scoped3A, %add3A, %dma_wait3A_61, %dma_wait3A_62, %dma_wait3A_63] : memref<2x32x25x5x80xi32, #tpu.memory_space<hbm>> -> memref<1x1x25x5x80xi32, #tpu.memory_space<hbm>>
      %dma_wait3A_65 = tpu.memref_squeeze %dma_wait3A_64 : memref<1x1x25x5x80xi32, #tpu.memory_space<hbm>> -> memref<25x5x80xi32, #tpu.memory_space<hbm>>
      tpu.wait_dma2 semaphore(%run_scoped3A_47 : memref<!tpu.dma_semaphore, #tpu.memory_space<semaphore_mem>>) src(%dma_wait3A_65 : memref<25x5x80xi32, #tpu.memory_space<hbm>>) dst(%arg4 : memref<25x5x80xi32, #tpu.memory_space<vmem>>)
      tpu.yield
    }) : () -> ()
    %broadcast_in_dim3A = arith.constant 1.000000e+00 : f32
    %broadcast_in_dim3A_1 = vector.broadcast %broadcast_in_dim3A : f32 to vector<16xf32>
    %swap3A = arith.constant 0 : index
    %swap3A_2 = tpu.vector_load %arg5[%swap3A] {strides = array<i32>} : memref<80xf32, #tpu.memory_space<vmem>>, vector<16xf32>,
    %swap3A_3 = vector.shape_cast %swap3A_2 : vector<16xf32> to vector<16xf32>
    %swap3A_4 = vector.shape_cast %broadcast_in_dim3A_1 : vector<16xf32> to vector<16xf32>
    tpu.vector_store %arg5[%swap3A], %swap3A_4 {strides = array<i32>} : memref<80xf32, #tpu.memory_space<vmem>>, vector<16xf32>,
    %broadcast_in_dim3A_5 = arith.constant 1.000000e+00 : f32
    %broadcast_in_dim3A_6 = vector.broadcast %broadcast_in_dim3A_5 : f32 to vector<16xf32>
    %swap3A_7 = arith.constant 16 : index
    %swap3A_8 = tpu.vector_load %arg5[%swap3A_7] {strides = array<i32>} : memref<80xf32, #tpu.memory_space<vmem>>, vector<16xf32>,
    %swap3A_9 = vector.shape_cast %swap3A_8 : vector<16xf32> to vector<16xf32>
    %swap3A_10 = vector.shape_cast %broadcast_in_dim3A_6 : vector<16xf32> to vector<16xf32>
    tpu.vector_store %arg5[%swap3A_7], %swap3A_10 {strides = array<i32>} : memref<80xf32, #tpu.memory_space<vmem>>, vector<16xf32>,
    %broadcast_in_dim3A_11 = arith.constant 1.000000e+00 : f32
    %broadcast_in_dim3A_12 = vector.broadcast %broadcast_in_dim3A_11 : f32 to vector<16xf32>
    %swap3A_13 = arith.constant 32 : index
    %swap3A_14 = tpu.vector_load %arg5[%swap3A_13] {strides = array<i32>} : memref<80xf32, #tpu.memory_space<vmem>>, vector<16xf32>,
    %swap3A_15 = vector.shape_cast %swap3A_14 : vector<16xf32> to vector<16xf32>
    %swap3A_16 = vector.shape_cast %broadcast_in_dim3A_12 : vector<16xf32> to vector<16xf32>
    tpu.vector_store %arg5[%swap3A_13], %swap3A_16 {strides = array<i32>} : memref<80xf32, #tpu.memory_space<vmem>>, vector<16xf32>,
    %broadcast_in_dim3A_17 = arith.constant 1.000000e+00 : f32
    %broadcast_in_dim3A_18 = vector.broadcast %broadcast_in_dim3A_17 : f32 to vector<16xf32>
    %swap3A_19 = arith.constant 48 : index
    %swap3A_20 = tpu.vector_load %arg5[%swap3A_19] {strides = array<i32>} : memref<80xf32, #tpu.memory_space<vmem>>, vector<16xf32>,
    %swap3A_21 = vector.shape_cast %swap3A_20 : vector<16xf32> to vector<16xf32>
    %swap3A_22 = vector.shape_cast %broadcast_in_dim3A_18 : vector<16xf32> to vector<16xf32>
    tpu.vector_store %arg5[%swap3A_19], %swap3A_22 {strides = array<i32>} : memref<80xf32, #tpu.memory_space<vmem>>, vector<16xf32>,
    %broadcast_in_dim3A_23 = arith.constant 1.000000e+00 : f32
    %broadcast_in_dim3A_24 = vector.broadcast %broadcast_in_dim3A_23 : f32 to vector<16xf32>
    %swap3A_25 = arith.constant 64 : index
    %swap3A_26 = tpu.vector_load %arg5[%swap3A_25] {strides = array<i32>} : memref<80xf32, #tpu.memory_space<vmem>>, vector<16xf32>,
    %swap3A_27 = vector.shape_cast %swap3A_26 : vector<16xf32> to vector<16xf32>
    %swap3A_28 = vector.shape_cast %broadcast_in_dim3A_24 : vector<16xf32> to vector<16xf32>
    tpu.vector_store %arg5[%swap3A_25], %swap3A_28 {strides = array<i32>} : memref<80xf32, #tpu.memory_space<vmem>>, vector<16xf32>,
    %scan3A = arith.constant 0 : i32
    %scan3A_29 = arith.constant 0 : i32
    %scan3A_30 = arith.constant 40 : i32
    %scan3A_31 = arith.addi %scan3A_29, %scan3A_30 : i32
    %scan3A_32 = arith.constant 1 : i32
    scf.for %scan3A_47 = %scan3A_29 to %scan3A_31 step %scan3A_32  : i32 {
      %broadcast_in_dim3A_48 = arith.constant 0.000000e+00 : f32
      %broadcast_in_dim3A_49 = vector.broadcast %broadcast_in_dim3A_48 : f32 to vector<16xf32>
      %mul3A_50 = arith.constant 16 : i32
      %mul3A_51 = arith.muli %scan3A_47, %mul3A_50 : i32
      %swap3A_52 = arith.index_cast %mul3A_51 : i32 to index
      %swap3A_53 = tpu.vector_load %arg6[%swap3A_52] {strides = array<i32>} : memref<640xf32, #tpu.memory_space<vmem>>, vector<16xf32>,
      %swap3A_54 = vector.shape_cast %swap3A_53 : vector<16xf32> to vector<16xf32>
      %swap3A_55 = vector.shape_cast %broadcast_in_dim3A_49 : vector<16xf32> to vector<16xf32>
      tpu.vector_store %arg6[%swap3A_52], %swap3A_55 {strides = array<i32>} : memref<640xf32, #tpu.memory_space<vmem>>, vector<16xf32>,
    }
    %scan3A_33 = arith.constant 40 : i32
    %mul3A_34 = arith.constant 640 : i32
    %mul3A_35 = arith.muli %arg1, %mul3A_34 : i32
    "tpu.region"() ({
      %run_scoped3A_47 = tpu.sem_alloc : memref<!tpu.dma_semaphore, #tpu.memory_space<semaphore_mem>>
      %dma_start3A = tpu.memref_slice %arg7[%mul3A_35] : memref<10240xf32, #tpu.memory_space<vmem_shared>> -> memref<640xf32, #tpu.memory_space<vmem_shared>>
      %dma_start3A_48 = tpu.memref_slice %arg7[%mul3A_35] : memref<10240xf32, #tpu.memory_space<vmem_shared>> -> memref<640xf32, #tpu.memory_space<vmem_shared>>
      tpu.enqueue_dma source(%arg6 : memref<640xf32, #tpu.memory_space<vmem>>) target(%dma_start3A_48 : memref<640xf32, #tpu.memory_space<vmem_shared>>) target_semaphore(%run_scoped3A_47 : memref<!tpu.dma_semaphore, #tpu.memory_space<semaphore_mem>>)
      %dma_wait3A = tpu.memref_slice %arg7[%mul3A_35] : memref<10240xf32, #tpu.memory_space<vmem_shared>> -> memref<640xf32, #tpu.memory_space<vmem_shared>>
      %dma_wait3A_49 = tpu.memref_slice %arg7[%mul3A_35] : memref<10240xf32, #tpu.memory_space<vmem_shared>> -> memref<640xf32, #tpu.memory_space<vmem_shared>>
      tpu.wait_dma2 semaphore(%run_scoped3A_47 : memref<!tpu.dma_semaphore, #tpu.memory_space<semaphore_mem>>) src(%arg6 : memref<640xf32, #tpu.memory_space<vmem>>) dst(%dma_wait3A_49 : memref<640xf32, #tpu.memory_space<vmem_shared>>)
      tpu.yield
    }) : () -> ()
    %barrier3A = arith.constant 0 : index
    tpu.barrier barrier_id(%barrier3A)
    %scan3A_36 = arith.constant 0 : i32
    %scan3A_37 = arith.constant 0 : i32
    %scan3A_38 = arith.constant 125 : i32
    %scan3A_39 = arith.addi %scan3A_37, %scan3A_38 : i32
    %scan3A_40 = arith.constant 1 : i32
    scf.for %scan3A_47 = %scan3A_37 to %scan3A_39 step %scan3A_40  : i32 {
      %jit3A = arith.constant 5 : i32
      %div3A = arith.divsi %scan3A_47, %jit3A : i32
      %sign3A = arith.constant 0 : i32
      %sign3A_48 = arith.cmpi sgt, %scan3A_47, %sign3A : i32
      %sign3A_49 = arith.extui %sign3A_48 : i1 to i32
      %sign3A_50 = arith.constant 0 : i32
      %sign3A_51 = arith.cmpi slt, %scan3A_47, %sign3A_50 : i32
      %sign3A_52 = arith.extui %sign3A_51 : i1 to i32
      %sign3A_53 = arith.subi %sign3A_49, %sign3A_52 : i32
      %sign3A_54 = arith.constant 0 : i32
      %sign3A_55 = arith.cmpi sgt, %jit3A, %sign3A_54 : i32
      %sign3A_56 = arith.extui %sign3A_55 : i1 to i32
      %sign3A_57 = arith.constant 0 : i32
      %sign3A_58 = arith.cmpi slt, %jit3A, %sign3A_57 : i32
      %sign3A_59 = arith.extui %sign3A_58 : i1 to i32
      %sign3A_60 = arith.subi %sign3A_56, %sign3A_59 : i32
      %ne3A = arith.cmpi ne, %sign3A_53, %sign3A_60 : i32
      %rem3A = arith.remsi %scan3A_47, %jit3A : i32
      %ne3A_61 = arith.constant 0 : i32
      %ne3A_62 = arith.cmpi ne, %rem3A, %ne3A_61 : i32
      %and3A = arith.andi %ne3A, %ne3A_62 : i1
      %sub3A = arith.constant 1 : i32
      %sub3A_63 = arith.subi %div3A, %sub3A : i32
      %select_n3A = arith.select %and3A, %sub3A_63, %div3A : i32
      %jit3A_64 = arith.constant 5 : i32
      %eq3A = arith.constant 0 : i32
      %eq3A_65 = arith.cmpi eq, %jit3A_64, %eq3A : i32
      %jit3A_66 = arith.constant 1 : i32
      %select_n3A_67 = arith.select %eq3A_65, %jit3A_66, %jit3A_64 : i32
      %rem3A_68 = arith.remsi %scan3A_47, %select_n3A_67 : i32
      %ne3A_69 = arith.constant 0 : i32
      %ne3A_70 = arith.cmpi ne, %rem3A_68, %ne3A_69 : i32
      %lt3A = arith.constant 0 : i32
      %lt3A_71 = arith.cmpi slt, %rem3A_68, %lt3A : i32
      %lt3A_72 = arith.constant 0 : i32
      %lt3A_73 = arith.cmpi slt, %select_n3A_67, %lt3A_72 : i32
      %ne3A_74 = arith.xori %lt3A_71, %lt3A_73 : i1
      %and3A_75 = arith.andi %ne3A_74, %ne3A_70 : i1
      %add3A_76 = arith.addi %rem3A_68, %select_n3A_67 : i32
      %select_n3A_77 = arith.select %and3A_75, %add3A_76, %rem3A_68 : i32
      "tpu.region"() ({
        %run_scoped3A_78 = tpu.sem_alloc : memref<!tpu.dma_semaphore, #tpu.memory_space<semaphore_mem>>
        %dma_start3A = arith.constant 0 : i32
        %dma_start3A_79 = tpu.memref_slice %arg4[%select_n3A, %select_n3A_77, %dma_start3A] : memref<25x5x80xi32, #tpu.memory_space<vmem>> -> memref<1x1x80xi32, #tpu.memory_space<vmem>>
        %dma_start3A_80 = tpu.memref_squeeze %dma_start3A_79 : memref<1x1x80xi32, #tpu.memory_space<vmem>> -> memref<80xi32, #tpu.memory_space<vmem>>
        %dma_start3A_81 = arith.constant 0 : i32
        %dma_start3A_82 = tpu.memref_slice %arg7[%dma_start3A_81] : memref<10240xf32, #tpu.memory_space<vmem_shared>> -> memref<10240xf32, #tpu.memory_space<vmem_shared>>
        tpu.enqueue_indirect_dma source(%arg5 : memref<80xf32, #tpu.memory_space<vmem>>) target(%dma_start3A_82 : memref<10240xf32, #tpu.memory_space<vmem_shared>>) offsets(%dma_start3A_80 : memref<80xi32, #tpu.memory_space<vmem>>) semaphore(%run_scoped3A_78 : memref<!tpu.dma_semaphore, #tpu.memory_space<semaphore_mem>>) {add = true}
        %dma_wait3A = arith.constant 0 : i32
        %dma_wait3A_83 = tpu.memref_slice %arg4[%select_n3A, %select_n3A_77, %dma_wait3A] : memref<25x5x80xi32, #tpu.memory_space<vmem>> -> memref<1x1x80xi32, #tpu.memory_space<vmem>>
        %dma_wait3A_84 = tpu.memref_squeeze %dma_wait3A_83 : memref<1x1x80xi32, #tpu.memory_space<vmem>> -> memref<80xi32, #tpu.memory_space<vmem>>
        %dma_wait3A_85 = arith.constant 0 : i32
        %dma_wait3A_86 = tpu.memref_slice %arg7[%dma_wait3A_85] : memref<10240xf32, #tpu.memory_space<vmem_shared>> -> memref<10240xf32, #tpu.memory_space<vmem_shared>>
        tpu.wait_indirect_dma semaphore(%run_scoped3A_78 : memref<!tpu.dma_semaphore, #tpu.memory_space<semaphore_mem>>) src(%arg5 : memref<80xf32, #tpu.memory_space<vmem>>) dst(%dma_wait3A_86 : memref<10240xf32, #tpu.memory_space<vmem_shared>>)
        tpu.yield
      }) : () -> ()
    }
    %scan3A_41 = arith.constant 125 : i32
    %barrier3A_42 = arith.constant 0 : index
    tpu.barrier barrier_id(%barrier3A_42)
    %mul3A_43 = arith.constant 640 : i32
    %mul3A_44 = arith.muli %arg1, %mul3A_43 : i32
    %mul3A_45 = arith.constant 640 : i32
    %mul3A_46 = arith.muli %arg1, %mul3A_45 : i32
    "tpu.region"() ({
      %run_scoped3A_47 = tpu.sem_alloc : memref<!tpu.dma_semaphore, #tpu.memory_space<semaphore_mem>>
      %dma_start3A = tpu.memref_slice %arg3[%arg0, %mul3A_46] : memref<2x10240xf32, #tpu.memory_space<hbm>> -> memref<1x640xf32, #tpu.memory_space<hbm>>
      %dma_start3A_48 = tpu.memref_squeeze %dma_start3A : memref<1x640xf32, #tpu.memory_space<hbm>> -> memref<640xf32, #tpu.memory_space<hbm>>
      %dma_start3A_49 = tpu.memref_slice %arg7[%mul3A_44] : memref<10240xf32, #tpu.memory_space<vmem_shared>> -> memref<640xf32, #tpu.memory_space<vmem_shared>>
      tpu.enqueue_dma source(%dma_start3A_49 : memref<640xf32, #tpu.memory_space<vmem_shared>>) target(%dma_start3A_48 : memref<640xf32, #tpu.memory_space<hbm>>) target_semaphore(%run_scoped3A_47 : memref<!tpu.dma_semaphore, #tpu.memory_space<semaphore_mem>>)
      %dma_wait3A = tpu.memref_slice %arg3[%arg0, %mul3A_46] : memref<2x10240xf32, #tpu.memory_space<hbm>> -> memref<1x640xf32, #tpu.memory_space<hbm>>
      %dma_wait3A_50 = tpu.memref_squeeze %dma_wait3A : memref<1x640xf32, #tpu.memory_space<hbm>> -> memref<640xf32, #tpu.memory_space<hbm>>
      %dma_wait3A_51 = tpu.memref_slice %arg7[%mul3A_44] : memref<10240xf32, #tpu.memory_space<vmem_shared>> -> memref<640xf32, #tpu.memory_space<vmem_shared>>
      tpu.wait_dma2 semaphore(%run_scoped3A_47 : memref<!tpu.dma_semaphore, #tpu.memory_space<semaphore_mem>>) src(%dma_wait3A_51 : memref<640xf32, #tpu.memory_space<vmem_shared>>) dst(%dma_wait3A_50 : memref<640xf32, #tpu.memory_space<hbm>>)
      tpu.yield
    }) : () -> ()
    return
  }
}

#map = affine_map<(d0, d1) -> (0, 0)>
#map1 = affine_map<(d0, d1) -> (0, 0, 0, 0, 0)>
#map2 = affine_map<(d0, d1) -> (0, 0, 0)>
module attributes {stable_mosaic.version = 14 : i64} {
  func.func @_spmm_body(%arg0: i32, %arg1: i32, %arg2: memref<10240x128xf32, #tpu.memory_space<hbm>>, %arg3: memref<2x32x25x5x80xi32, #tpu.memory_space<hbm>>, %arg4: memref<2x10240x128xf32, #tpu.memory_space<hbm>>, %arg5: memref<5x80xi32, #tpu.memory_space<vmem>>, %arg6: memref<5x80xi32, #tpu.memory_space<vmem>>, %arg7: memref<5x80xi32, #tpu.memory_space<vmem>>, %arg8: memref<5x80xi32, #tpu.memory_space<vmem>>, %arg9: memref<5x80xi32, #tpu.memory_space<vmem>>, %arg10: memref<5x80xi32, #tpu.memory_space<vmem>>, %arg11: memref<80x128xf32, #tpu.memory_space<vmem>>, %arg12: memref<80x128xf32, #tpu.memory_space<vmem>>, %arg13: memref<80x128xf32, #tpu.memory_space<vmem>>, %arg14: memref<10240x128xf32, #tpu.memory_space<vmem_shared>>, %arg15: memref<!tpu.dma_semaphore, #tpu.memory_space<semaphore_mem>>, %arg16: memref<!tpu.dma_semaphore, #tpu.memory_space<semaphore_mem>>, %arg17: memref<!tpu.dma_semaphore, #tpu.memory_space<semaphore_mem>>, %arg18: memref<!tpu.dma_semaphore, #tpu.memory_space<semaphore_mem>>, %arg19: memref<!tpu.dma_semaphore, #tpu.memory_space<semaphore_mem>>, %arg20: memref<!tpu.dma_semaphore, #tpu.memory_space<semaphore_mem>>, %arg21: memref<!tpu.dma_semaphore, #tpu.memory_space<semaphore_mem>>, %arg22: memref<!tpu.dma_semaphore, #tpu.memory_space<semaphore_mem>>, %arg23: memref<!tpu.dma_semaphore, #tpu.memory_space<semaphore_mem>>) attributes {dimension_semantics = [#tpu.dimension_semantics<core_parallel>, #tpu.dimension_semantics<subcore_parallel>], iteration_bounds = array<i64: 2, 16>, scalar_prefetch = 0 : i64, scratch_operands = 19 : i64, tpu.core_type = #tpu.core_type<sc_vector_subcore>, window_params = [{transform_indices = #map}, {transform_indices = #map1}, {transform_indices = #map2}]} {
    %mul3A = arith.constant 2 : i32
    %mul3A_0 = arith.muli %arg1, %mul3A : i32
    %add3A = arith.addi %mul3A_0, %arg0 : i32
    %eq3A = arith.constant 0 : i32
    %eq3A_1 = arith.cmpi eq, %arg0, %eq3A : i32
    %convert_element_type3A = arith.extui %eq3A_1 : i1 to i32
    %cond3A = arith.constant 0 : i32
    %cond3A_2 = arith.cmpi ne, %convert_element_type3A, %cond3A : i32
    scf.if %cond3A_2 {
      %mul3A_220 = arith.constant 640 : i32
      %mul3A_221 = arith.muli %arg1, %mul3A_220 : i32
      %mul3A_222 = arith.constant 640 : i32
      %mul3A_223 = arith.muli %arg1, %mul3A_222 : i32
      "tpu.region"() ({
        %run_scoped3A = tpu.sem_alloc : memref<!tpu.dma_semaphore, #tpu.memory_space<semaphore_mem>>
        %dma_start3A_224 = arith.constant 0 : i32
        %dma_start3A_225 = tpu.memref_slice %arg14[%mul3A_223, %dma_start3A_224] : memref<10240x128xf32, #tpu.memory_space<vmem_shared>> -> memref<640x128xf32, #tpu.memory_space<vmem_shared>>
        %dma_start3A_226 = arith.constant 0 : i32
        %dma_start3A_227 = tpu.memref_slice %arg2[%mul3A_221, %dma_start3A_226] : memref<10240x128xf32, #tpu.memory_space<hbm>> -> memref<640x128xf32, #tpu.memory_space<hbm>>
        tpu.enqueue_dma source(%dma_start3A_227 : memref<640x128xf32, #tpu.memory_space<hbm>>) target(%dma_start3A_225 : memref<640x128xf32, #tpu.memory_space<vmem_shared>>) target_semaphore(%run_scoped3A : memref<!tpu.dma_semaphore, #tpu.memory_space<semaphore_mem>>)
        %dma_wait3A_228 = arith.constant 0 : i32
        %dma_wait3A_229 = tpu.memref_slice %arg14[%mul3A_223, %dma_wait3A_228] : memref<10240x128xf32, #tpu.memory_space<vmem_shared>> -> memref<640x128xf32, #tpu.memory_space<vmem_shared>>
        %dma_wait3A_230 = arith.constant 0 : i32
        %dma_wait3A_231 = tpu.memref_slice %arg2[%mul3A_221, %dma_wait3A_230] : memref<10240x128xf32, #tpu.memory_space<hbm>> -> memref<640x128xf32, #tpu.memory_space<hbm>>
        tpu.wait_dma2 semaphore(%run_scoped3A : memref<!tpu.dma_semaphore, #tpu.memory_space<semaphore_mem>>) src(%dma_wait3A_231 : memref<640x128xf32, #tpu.memory_space<hbm>>) dst(%dma_wait3A_229 : memref<640x128xf32, #tpu.memory_space<vmem_shared>>)
        tpu.yield
      }) : () -> ()
    } else {
    }
    %eq3A_3 = arith.constant 1 : i32
    %eq3A_4 = arith.cmpi eq, %arg0, %eq3A_3 : i32
    %convert_element_type3A_5 = arith.extui %eq3A_4 : i1 to i32
    %cond3A_6 = arith.constant 0 : i32
    %cond3A_7 = arith.cmpi ne, %convert_element_type3A_5, %cond3A_6 : i32
    scf.if %cond3A_7 {
      %scan3A_220 = arith.constant 0 : i32
      %scan3A_221 = arith.constant 0 : i32
      %scan3A_222 = arith.constant 80 : i32
      %scan3A_223 = arith.addi %scan3A_221, %scan3A_222 : i32
      %scan3A_224 = arith.constant 1 : i32
      scf.for %scan3A_244 = %scan3A_221 to %scan3A_223 step %scan3A_224  : i32 {
        %broadcast_in_dim3A = arith.constant 0.000000e+00 : f32
        %broadcast_in_dim3A_245 = vector.broadcast %broadcast_in_dim3A : f32 to vector<16xf32>
        %swap3A = arith.index_cast %scan3A_244 : i32 to index
        %swap3A_246 = arith.constant 0 : index
        %swap3A_247 = tpu.vector_load %arg11[%swap3A, %swap3A_246] {strides = array<i32>} : memref<80x128xf32, #tpu.memory_space<vmem>>, vector<1x16xf32>,
        %swap3A_248 = vector.shape_cast %swap3A_247 : vector<1x16xf32> to vector<16xf32>
        %swap3A_249 = vector.shape_cast %broadcast_in_dim3A_245 : vector<16xf32> to vector<1x16xf32>
        tpu.vector_store %arg11[%swap3A, %swap3A_246], %swap3A_249 {strides = array<i32>} : memref<80x128xf32, #tpu.memory_space<vmem>>, vector<1x16xf32>,
        %broadcast_in_dim3A_250 = arith.constant 0.000000e+00 : f32
        %broadcast_in_dim3A_251 = vector.broadcast %broadcast_in_dim3A_250 : f32 to vector<16xf32>
        %swap3A_252 = arith.index_cast %scan3A_244 : i32 to index
        %swap3A_253 = arith.constant 16 : index
        %swap3A_254 = tpu.vector_load %arg11[%swap3A_252, %swap3A_253] {strides = array<i32>} : memref<80x128xf32, #tpu.memory_space<vmem>>, vector<1x16xf32>,
        %swap3A_255 = vector.shape_cast %swap3A_254 : vector<1x16xf32> to vector<16xf32>
        %swap3A_256 = vector.shape_cast %broadcast_in_dim3A_251 : vector<16xf32> to vector<1x16xf32>
        tpu.vector_store %arg11[%swap3A_252, %swap3A_253], %swap3A_256 {strides = array<i32>} : memref<80x128xf32, #tpu.memory_space<vmem>>, vector<1x16xf32>,
        %broadcast_in_dim3A_257 = arith.constant 0.000000e+00 : f32
        %broadcast_in_dim3A_258 = vector.broadcast %broadcast_in_dim3A_257 : f32 to vector<16xf32>
        %swap3A_259 = arith.index_cast %scan3A_244 : i32 to index
        %swap3A_260 = arith.constant 32 : index
        %swap3A_261 = tpu.vector_load %arg11[%swap3A_259, %swap3A_260] {strides = array<i32>} : memref<80x128xf32, #tpu.memory_space<vmem>>, vector<1x16xf32>,
        %swap3A_262 = vector.shape_cast %swap3A_261 : vector<1x16xf32> to vector<16xf32>
        %swap3A_263 = vector.shape_cast %broadcast_in_dim3A_258 : vector<16xf32> to vector<1x16xf32>
        tpu.vector_store %arg11[%swap3A_259, %swap3A_260], %swap3A_263 {strides = array<i32>} : memref<80x128xf32, #tpu.memory_space<vmem>>, vector<1x16xf32>,
        %broadcast_in_dim3A_264 = arith.constant 0.000000e+00 : f32
        %broadcast_in_dim3A_265 = vector.broadcast %broadcast_in_dim3A_264 : f32 to vector<16xf32>
        %swap3A_266 = arith.index_cast %scan3A_244 : i32 to index
        %swap3A_267 = arith.constant 48 : index
        %swap3A_268 = tpu.vector_load %arg11[%swap3A_266, %swap3A_267] {strides = array<i32>} : memref<80x128xf32, #tpu.memory_space<vmem>>, vector<1x16xf32>,
        %swap3A_269 = vector.shape_cast %swap3A_268 : vector<1x16xf32> to vector<16xf32>
        %swap3A_270 = vector.shape_cast %broadcast_in_dim3A_265 : vector<16xf32> to vector<1x16xf32>
        tpu.vector_store %arg11[%swap3A_266, %swap3A_267], %swap3A_270 {strides = array<i32>} : memref<80x128xf32, #tpu.memory_space<vmem>>, vector<1x16xf32>,
        %broadcast_in_dim3A_271 = arith.constant 0.000000e+00 : f32
        %broadcast_in_dim3A_272 = vector.broadcast %broadcast_in_dim3A_271 : f32 to vector<16xf32>
        %swap3A_273 = arith.index_cast %scan3A_244 : i32 to index
        %swap3A_274 = arith.constant 64 : index
        %swap3A_275 = tpu.vector_load %arg11[%swap3A_273, %swap3A_274] {strides = array<i32>} : memref<80x128xf32, #tpu.memory_space<vmem>>, vector<1x16xf32>,
        %swap3A_276 = vector.shape_cast %swap3A_275 : vector<1x16xf32> to vector<16xf32>
        %swap3A_277 = vector.shape_cast %broadcast_in_dim3A_272 : vector<16xf32> to vector<1x16xf32>
        tpu.vector_store %arg11[%swap3A_273, %swap3A_274], %swap3A_277 {strides = array<i32>} : memref<80x128xf32, #tpu.memory_space<vmem>>, vector<1x16xf32>,
        %broadcast_in_dim3A_278 = arith.constant 0.000000e+00 : f32
        %broadcast_in_dim3A_279 = vector.broadcast %broadcast_in_dim3A_278 : f32 to vector<16xf32>
        %swap3A_280 = arith.index_cast %scan3A_244 : i32 to index
        %swap3A_281 = arith.constant 80 : index
        %swap3A_282 = tpu.vector_load %arg11[%swap3A_280, %swap3A_281] {strides = array<i32>} : memref<80x128xf32, #tpu.memory_space<vmem>>, vector<1x16xf32>,
        %swap3A_283 = vector.shape_cast %swap3A_282 : vector<1x16xf32> to vector<16xf32>
        %swap3A_284 = vector.shape_cast %broadcast_in_dim3A_279 : vector<16xf32> to vector<1x16xf32>
        tpu.vector_store %arg11[%swap3A_280, %swap3A_281], %swap3A_284 {strides = array<i32>} : memref<80x128xf32, #tpu.memory_space<vmem>>, vector<1x16xf32>,
        %broadcast_in_dim3A_285 = arith.constant 0.000000e+00 : f32
        %broadcast_in_dim3A_286 = vector.broadcast %broadcast_in_dim3A_285 : f32 to vector<16xf32>
        %swap3A_287 = arith.index_cast %scan3A_244 : i32 to index
        %swap3A_288 = arith.constant 96 : index
        %swap3A_289 = tpu.vector_load %arg11[%swap3A_287, %swap3A_288] {strides = array<i32>} : memref<80x128xf32, #tpu.memory_space<vmem>>, vector<1x16xf32>,
        %swap3A_290 = vector.shape_cast %swap3A_289 : vector<1x16xf32> to vector<16xf32>
        %swap3A_291 = vector.shape_cast %broadcast_in_dim3A_286 : vector<16xf32> to vector<1x16xf32>
        tpu.vector_store %arg11[%swap3A_287, %swap3A_288], %swap3A_291 {strides = array<i32>} : memref<80x128xf32, #tpu.memory_space<vmem>>, vector<1x16xf32>,
        %broadcast_in_dim3A_292 = arith.constant 0.000000e+00 : f32
        %broadcast_in_dim3A_293 = vector.broadcast %broadcast_in_dim3A_292 : f32 to vector<16xf32>
        %swap3A_294 = arith.index_cast %scan3A_244 : i32 to index
        %swap3A_295 = arith.constant 112 : index
        %swap3A_296 = tpu.vector_load %arg11[%swap3A_294, %swap3A_295] {strides = array<i32>} : memref<80x128xf32, #tpu.memory_space<vmem>>, vector<1x16xf32>,
        %swap3A_297 = vector.shape_cast %swap3A_296 : vector<1x16xf32> to vector<16xf32>
        %swap3A_298 = vector.shape_cast %broadcast_in_dim3A_293 : vector<16xf32> to vector<1x16xf32>
        tpu.vector_store %arg11[%swap3A_294, %swap3A_295], %swap3A_298 {strides = array<i32>} : memref<80x128xf32, #tpu.memory_space<vmem>>, vector<1x16xf32>,
      }
      %scan3A_225 = arith.constant 80 : i32
      %mul3A_226 = arith.constant 640 : i32
      %mul3A_227 = arith.muli %arg1, %mul3A_226 : i32
      %add3A_228 = arith.constant 0 : i32
      %add3A_229 = arith.addi %mul3A_227, %add3A_228 : i32
      "tpu.region"() ({
        %run_scoped3A = tpu.sem_alloc : memref<!tpu.dma_semaphore, #tpu.memory_space<semaphore_mem>>
        %dma_start3A_244 = arith.constant 0 : i32
        %dma_start3A_245 = tpu.memref_slice %arg14[%add3A_229, %dma_start3A_244] : memref<10240x128xf32, #tpu.memory_space<vmem_shared>> -> memref<80x128xf32, #tpu.memory_space<vmem_shared>>
        %dma_start3A_246 = arith.constant 0 : i32
        %dma_start3A_247 = tpu.memref_slice %arg14[%add3A_229, %dma_start3A_246] : memref<10240x128xf32, #tpu.memory_space<vmem_shared>> -> memref<80x128xf32, #tpu.memory_space<vmem_shared>>
        tpu.enqueue_dma source(%arg11 : memref<80x128xf32, #tpu.memory_space<vmem>>) target(%dma_start3A_247 : memref<80x128xf32, #tpu.memory_space<vmem_shared>>) target_semaphore(%run_scoped3A : memref<!tpu.dma_semaphore, #tpu.memory_space<semaphore_mem>>)
        %dma_wait3A_248 = arith.constant 0 : i32
        %dma_wait3A_249 = tpu.memref_slice %arg14[%add3A_229, %dma_wait3A_248] : memref<10240x128xf32, #tpu.memory_space<vmem_shared>> -> memref<80x128xf32, #tpu.memory_space<vmem_shared>>
        %dma_wait3A_250 = arith.constant 0 : i32
        %dma_wait3A_251 = tpu.memref_slice %arg14[%add3A_229, %dma_wait3A_250] : memref<10240x128xf32, #tpu.memory_space<vmem_shared>> -> memref<80x128xf32, #tpu.memory_space<vmem_shared>>
        tpu.wait_dma2 semaphore(%run_scoped3A : memref<!tpu.dma_semaphore, #tpu.memory_space<semaphore_mem>>) src(%arg11 : memref<80x128xf32, #tpu.memory_space<vmem>>) dst(%dma_wait3A_251 : memref<80x128xf32, #tpu.memory_space<vmem_shared>>)
        tpu.yield
      }) : () -> ()
      %add3A_230 = arith.constant 80 : i32
      %add3A_231 = arith.addi %mul3A_227, %add3A_230 : i32
      "tpu.region"() ({
        %run_scoped3A = tpu.sem_alloc : memref<!tpu.dma_semaphore, #tpu.memory_space<semaphore_mem>>
        %dma_start3A_244 = arith.constant 0 : i32
        %dma_start3A_245 = tpu.memref_slice %arg14[%add3A_231, %dma_start3A_244] : memref<10240x128xf32, #tpu.memory_space<vmem_shared>> -> memref<80x128xf32, #tpu.memory_space<vmem_shared>>
        %dma_start3A_246 = arith.constant 0 : i32
        %dma_start3A_247 = tpu.memref_slice %arg14[%add3A_231, %dma_start3A_246] : memref<10240x128xf32, #tpu.memory_space<vmem_shared>> -> memref<80x128xf32, #tpu.memory_space<vmem_shared>>
        tpu.enqueue_dma source(%arg11 : memref<80x128xf32, #tpu.memory_space<vmem>>) target(%dma_start3A_247 : memref<80x128xf32, #tpu.memory_space<vmem_shared>>) target_semaphore(%run_scoped3A : memref<!tpu.dma_semaphore, #tpu.memory_space<semaphore_mem>>)
        %dma_wait3A_248 = arith.constant 0 : i32
        %dma_wait3A_249 = tpu.memref_slice %arg14[%add3A_231, %dma_wait3A_248] : memref<10240x128xf32, #tpu.memory_space<vmem_shared>> -> memref<80x128xf32, #tpu.memory_space<vmem_shared>>
        %dma_wait3A_250 = arith.constant 0 : i32
        %dma_wait3A_251 = tpu.memref_slice %arg14[%add3A_231, %dma_wait3A_250] : memref<10240x128xf32, #tpu.memory_space<vmem_shared>> -> memref<80x128xf32, #tpu.memory_space<vmem_shared>>
        tpu.wait_dma2 semaphore(%run_scoped3A : memref<!tpu.dma_semaphore, #tpu.memory_space<semaphore_mem>>) src(%arg11 : memref<80x128xf32, #tpu.memory_space<vmem>>) dst(%dma_wait3A_251 : memref<80x128xf32, #tpu.memory_space<vmem_shared>>)
        tpu.yield
      }) : () -> ()
      %add3A_232 = arith.constant 160 : i32
      %add3A_233 = arith.addi %mul3A_227, %add3A_232 : i32
      "tpu.region"() ({
        %run_scoped3A = tpu.sem_alloc : memref<!tpu.dma_semaphore, #tpu.memory_space<semaphore_mem>>
        %dma_start3A_244 = arith.constant 0 : i32
        %dma_start3A_245 = tpu.memref_slice %arg14[%add3A_233, %dma_start3A_244] : memref<10240x128xf32, #tpu.memory_space<vmem_shared>> -> memref<80x128xf32, #tpu.memory_space<vmem_shared>>
        %dma_start3A_246 = arith.constant 0 : i32
        %dma_start3A_247 = tpu.memref_slice %arg14[%add3A_233, %dma_start3A_246] : memref<10240x128xf32, #tpu.memory_space<vmem_shared>> -> memref<80x128xf32, #tpu.memory_space<vmem_shared>>
        tpu.enqueue_dma source(%arg11 : memref<80x128xf32, #tpu.memory_space<vmem>>) target(%dma_start3A_247 : memref<80x128xf32, #tpu.memory_space<vmem_shared>>) target_semaphore(%run_scoped3A : memref<!tpu.dma_semaphore, #tpu.memory_space<semaphore_mem>>)
        %dma_wait3A_248 = arith.constant 0 : i32
        %dma_wait3A_249 = tpu.memref_slice %arg14[%add3A_233, %dma_wait3A_248] : memref<10240x128xf32, #tpu.memory_space<vmem_shared>> -> memref<80x128xf32, #tpu.memory_space<vmem_shared>>
        %dma_wait3A_250 = arith.constant 0 : i32
        %dma_wait3A_251 = tpu.memref_slice %arg14[%add3A_233, %dma_wait3A_250] : memref<10240x128xf32, #tpu.memory_space<vmem_shared>> -> memref<80x128xf32, #tpu.memory_space<vmem_shared>>
        tpu.wait_dma2 semaphore(%run_scoped3A : memref<!tpu.dma_semaphore, #tpu.memory_space<semaphore_mem>>) src(%arg11 : memref<80x128xf32, #tpu.memory_space<vmem>>) dst(%dma_wait3A_251 : memref<80x128xf32, #tpu.memory_space<vmem_shared>>)
        tpu.yield
      }) : () -> ()
      %add3A_234 = arith.constant 240 : i32
      %add3A_235 = arith.addi %mul3A_227, %add3A_234 : i32
      "tpu.region"() ({
        %run_scoped3A = tpu.sem_alloc : memref<!tpu.dma_semaphore, #tpu.memory_space<semaphore_mem>>
        %dma_start3A_244 = arith.constant 0 : i32
        %dma_start3A_245 = tpu.memref_slice %arg14[%add3A_235, %dma_start3A_244] : memref<10240x128xf32, #tpu.memory_space<vmem_shared>> -> memref<80x128xf32, #tpu.memory_space<vmem_shared>>
        %dma_start3A_246 = arith.constant 0 : i32
        %dma_start3A_247 = tpu.memref_slice %arg14[%add3A_235, %dma_start3A_246] : memref<10240x128xf32, #tpu.memory_space<vmem_shared>> -> memref<80x128xf32, #tpu.memory_space<vmem_shared>>
        tpu.enqueue_dma source(%arg11 : memref<80x128xf32, #tpu.memory_space<vmem>>) target(%dma_start3A_247 : memref<80x128xf32, #tpu.memory_space<vmem_shared>>) target_semaphore(%run_scoped3A : memref<!tpu.dma_semaphore, #tpu.memory_space<semaphore_mem>>)
        %dma_wait3A_248 = arith.constant 0 : i32
        %dma_wait3A_249 = tpu.memref_slice %arg14[%add3A_235, %dma_wait3A_248] : memref<10240x128xf32, #tpu.memory_space<vmem_shared>> -> memref<80x128xf32, #tpu.memory_space<vmem_shared>>
        %dma_wait3A_250 = arith.constant 0 : i32
        %dma_wait3A_251 = tpu.memref_slice %arg14[%add3A_235, %dma_wait3A_250] : memref<10240x128xf32, #tpu.memory_space<vmem_shared>> -> memref<80x128xf32, #tpu.memory_space<vmem_shared>>
        tpu.wait_dma2 semaphore(%run_scoped3A : memref<!tpu.dma_semaphore, #tpu.memory_space<semaphore_mem>>) src(%arg11 : memref<80x128xf32, #tpu.memory_space<vmem>>) dst(%dma_wait3A_251 : memref<80x128xf32, #tpu.memory_space<vmem_shared>>)
        tpu.yield
      }) : () -> ()
      %add3A_236 = arith.constant 320 : i32
      %add3A_237 = arith.addi %mul3A_227, %add3A_236 : i32
      "tpu.region"() ({
        %run_scoped3A = tpu.sem_alloc : memref<!tpu.dma_semaphore, #tpu.memory_space<semaphore_mem>>
        %dma_start3A_244 = arith.constant 0 : i32
        %dma_start3A_245 = tpu.memref_slice %arg14[%add3A_237, %dma_start3A_244] : memref<10240x128xf32, #tpu.memory_space<vmem_shared>> -> memref<80x128xf32, #tpu.memory_space<vmem_shared>>
        %dma_start3A_246 = arith.constant 0 : i32
        %dma_start3A_247 = tpu.memref_slice %arg14[%add3A_237, %dma_start3A_246] : memref<10240x128xf32, #tpu.memory_space<vmem_shared>> -> memref<80x128xf32, #tpu.memory_space<vmem_shared>>
        tpu.enqueue_dma source(%arg11 : memref<80x128xf32, #tpu.memory_space<vmem>>) target(%dma_start3A_247 : memref<80x128xf32, #tpu.memory_space<vmem_shared>>) target_semaphore(%run_scoped3A : memref<!tpu.dma_semaphore, #tpu.memory_space<semaphore_mem>>)
        %dma_wait3A_248 = arith.constant 0 : i32
        %dma_wait3A_249 = tpu.memref_slice %arg14[%add3A_237, %dma_wait3A_248] : memref<10240x128xf32, #tpu.memory_space<vmem_shared>> -> memref<80x128xf32, #tpu.memory_space<vmem_shared>>
        %dma_wait3A_250 = arith.constant 0 : i32
        %dma_wait3A_251 = tpu.memref_slice %arg14[%add3A_237, %dma_wait3A_250] : memref<10240x128xf32, #tpu.memory_space<vmem_shared>> -> memref<80x128xf32, #tpu.memory_space<vmem_shared>>
        tpu.wait_dma2 semaphore(%run_scoped3A : memref<!tpu.dma_semaphore, #tpu.memory_space<semaphore_mem>>) src(%arg11 : memref<80x128xf32, #tpu.memory_space<vmem>>) dst(%dma_wait3A_251 : memref<80x128xf32, #tpu.memory_space<vmem_shared>>)
        tpu.yield
      }) : () -> ()
      %add3A_238 = arith.constant 400 : i32
      %add3A_239 = arith.addi %mul3A_227, %add3A_238 : i32
      "tpu.region"() ({
        %run_scoped3A = tpu.sem_alloc : memref<!tpu.dma_semaphore, #tpu.memory_space<semaphore_mem>>
        %dma_start3A_244 = arith.constant 0 : i32
        %dma_start3A_245 = tpu.memref_slice %arg14[%add3A_239, %dma_start3A_244] : memref<10240x128xf32, #tpu.memory_space<vmem_shared>> -> memref<80x128xf32, #tpu.memory_space<vmem_shared>>
        %dma_start3A_246 = arith.constant 0 : i32
        %dma_start3A_247 = tpu.memref_slice %arg14[%add3A_239, %dma_start3A_246] : memref<10240x128xf32, #tpu.memory_space<vmem_shared>> -> memref<80x128xf32, #tpu.memory_space<vmem_shared>>
        tpu.enqueue_dma source(%arg11 : memref<80x128xf32, #tpu.memory_space<vmem>>) target(%dma_start3A_247 : memref<80x128xf32, #tpu.memory_space<vmem_shared>>) target_semaphore(%run_scoped3A : memref<!tpu.dma_semaphore, #tpu.memory_space<semaphore_mem>>)
        %dma_wait3A_248 = arith.constant 0 : i32
        %dma_wait3A_249 = tpu.memref_slice %arg14[%add3A_239, %dma_wait3A_248] : memref<10240x128xf32, #tpu.memory_space<vmem_shared>> -> memref<80x128xf32, #tpu.memory_space<vmem_shared>>
        %dma_wait3A_250 = arith.constant 0 : i32
        %dma_wait3A_251 = tpu.memref_slice %arg14[%add3A_239, %dma_wait3A_250] : memref<10240x128xf32, #tpu.memory_space<vmem_shared>> -> memref<80x128xf32, #tpu.memory_space<vmem_shared>>
        tpu.wait_dma2 semaphore(%run_scoped3A : memref<!tpu.dma_semaphore, #tpu.memory_space<semaphore_mem>>) src(%arg11 : memref<80x128xf32, #tpu.memory_space<vmem>>) dst(%dma_wait3A_251 : memref<80x128xf32, #tpu.memory_space<vmem_shared>>)
        tpu.yield
      }) : () -> ()
      %add3A_240 = arith.constant 480 : i32
      %add3A_241 = arith.addi %mul3A_227, %add3A_240 : i32
      "tpu.region"() ({
        %run_scoped3A = tpu.sem_alloc : memref<!tpu.dma_semaphore, #tpu.memory_space<semaphore_mem>>
        %dma_start3A_244 = arith.constant 0 : i32
        %dma_start3A_245 = tpu.memref_slice %arg14[%add3A_241, %dma_start3A_244] : memref<10240x128xf32, #tpu.memory_space<vmem_shared>> -> memref<80x128xf32, #tpu.memory_space<vmem_shared>>
        %dma_start3A_246 = arith.constant 0 : i32
        %dma_start3A_247 = tpu.memref_slice %arg14[%add3A_241, %dma_start3A_246] : memref<10240x128xf32, #tpu.memory_space<vmem_shared>> -> memref<80x128xf32, #tpu.memory_space<vmem_shared>>
        tpu.enqueue_dma source(%arg11 : memref<80x128xf32, #tpu.memory_space<vmem>>) target(%dma_start3A_247 : memref<80x128xf32, #tpu.memory_space<vmem_shared>>) target_semaphore(%run_scoped3A : memref<!tpu.dma_semaphore, #tpu.memory_space<semaphore_mem>>)
        %dma_wait3A_248 = arith.constant 0 : i32
        %dma_wait3A_249 = tpu.memref_slice %arg14[%add3A_241, %dma_wait3A_248] : memref<10240x128xf32, #tpu.memory_space<vmem_shared>> -> memref<80x128xf32, #tpu.memory_space<vmem_shared>>
        %dma_wait3A_250 = arith.constant 0 : i32
        %dma_wait3A_251 = tpu.memref_slice %arg14[%add3A_241, %dma_wait3A_250] : memref<10240x128xf32, #tpu.memory_space<vmem_shared>> -> memref<80x128xf32, #tpu.memory_space<vmem_shared>>
        tpu.wait_dma2 semaphore(%run_scoped3A : memref<!tpu.dma_semaphore, #tpu.memory_space<semaphore_mem>>) src(%arg11 : memref<80x128xf32, #tpu.memory_space<vmem>>) dst(%dma_wait3A_251 : memref<80x128xf32, #tpu.memory_space<vmem_shared>>)
        tpu.yield
      }) : () -> ()
      %add3A_242 = arith.constant 560 : i32
      %add3A_243 = arith.addi %mul3A_227, %add3A_242 : i32
      "tpu.region"() ({
        %run_scoped3A = tpu.sem_alloc : memref<!tpu.dma_semaphore, #tpu.memory_space<semaphore_mem>>
        %dma_start3A_244 = arith.constant 0 : i32
        %dma_start3A_245 = tpu.memref_slice %arg14[%add3A_243, %dma_start3A_244] : memref<10240x128xf32, #tpu.memory_space<vmem_shared>> -> memref<80x128xf32, #tpu.memory_space<vmem_shared>>
        %dma_start3A_246 = arith.constant 0 : i32
        %dma_start3A_247 = tpu.memref_slice %arg14[%add3A_243, %dma_start3A_246] : memref<10240x128xf32, #tpu.memory_space<vmem_shared>> -> memref<80x128xf32, #tpu.memory_space<vmem_shared>>
        tpu.enqueue_dma source(%arg11 : memref<80x128xf32, #tpu.memory_space<vmem>>) target(%dma_start3A_247 : memref<80x128xf32, #tpu.memory_space<vmem_shared>>) target_semaphore(%run_scoped3A : memref<!tpu.dma_semaphore, #tpu.memory_space<semaphore_mem>>)
        %dma_wait3A_248 = arith.constant 0 : i32
        %dma_wait3A_249 = tpu.memref_slice %arg14[%add3A_243, %dma_wait3A_248] : memref<10240x128xf32, #tpu.memory_space<vmem_shared>> -> memref<80x128xf32, #tpu.memory_space<vmem_shared>>
        %dma_wait3A_250 = arith.constant 0 : i32
        %dma_wait3A_251 = tpu.memref_slice %arg14[%add3A_243, %dma_wait3A_250] : memref<10240x128xf32, #tpu.memory_space<vmem_shared>> -> memref<80x128xf32, #tpu.memory_space<vmem_shared>>
        tpu.wait_dma2 semaphore(%run_scoped3A : memref<!tpu.dma_semaphore, #tpu.memory_space<semaphore_mem>>) src(%arg11 : memref<80x128xf32, #tpu.memory_space<vmem>>) dst(%dma_wait3A_251 : memref<80x128xf32, #tpu.memory_space<vmem_shared>>)
        tpu.yield
      }) : () -> ()
    } else {
    }
    %barrier3A = arith.constant 0 : index
    tpu.barrier barrier_id(%barrier3A)
    %dma_start3A = arith.constant 0 : i32
    %dma_start3A_8 = arith.constant 0 : i32
    %dma_start3A_9 = arith.constant 0 : i32
    %dma_start3A_10 = arith.constant 0 : i32
    %dma_start3A_11 = tpu.memref_slice %arg3[%dma_start3A, %add3A, %dma_start3A_8, %dma_start3A_9, %dma_start3A_10] : memref<2x32x25x5x80xi32, #tpu.memory_space<hbm>> -> memref<1x1x1x5x80xi32, #tpu.memory_space<hbm>>
    %dma_start3A_12 = tpu.memref_squeeze %dma_start3A_11 : memref<1x1x1x5x80xi32, #tpu.memory_space<hbm>> -> memref<5x80xi32, #tpu.memory_space<hbm>>
    %dma_start3A_13 = arith.constant 0 : i32
    %dma_start3A_14 = arith.constant 0 : i32
    %dma_start3A_15 = tpu.memref_slice %arg3[%dma_start3A, %add3A, %dma_start3A_8, %dma_start3A_13, %dma_start3A_14] : memref<2x32x25x5x80xi32, #tpu.memory_space<hbm>> -> memref<1x1x1x5x80xi32, #tpu.memory_space<hbm>>
    %dma_start3A_16 = tpu.memref_squeeze %dma_start3A_15 : memref<1x1x1x5x80xi32, #tpu.memory_space<hbm>> -> memref<5x80xi32, #tpu.memory_space<hbm>>
    tpu.enqueue_dma source(%dma_start3A_16 : memref<5x80xi32, #tpu.memory_space<hbm>>) target(%arg5 : memref<5x80xi32, #tpu.memory_space<vmem>>) target_semaphore(%arg15 : memref<!tpu.dma_semaphore, #tpu.memory_space<semaphore_mem>>)
    %dma_start3A_17 = arith.constant 1 : i32
    %dma_start3A_18 = arith.constant 0 : i32
    %dma_start3A_19 = arith.constant 0 : i32
    %dma_start3A_20 = arith.constant 0 : i32
    %dma_start3A_21 = tpu.memref_slice %arg3[%dma_start3A_17, %add3A, %dma_start3A_18, %dma_start3A_19, %dma_start3A_20] : memref<2x32x25x5x80xi32, #tpu.memory_space<hbm>> -> memref<1x1x1x5x80xi32, #tpu.memory_space<hbm>>
    %dma_start3A_22 = tpu.memref_squeeze %dma_start3A_21 : memref<1x1x1x5x80xi32, #tpu.memory_space<hbm>> -> memref<5x80xi32, #tpu.memory_space<hbm>>
    %dma_start3A_23 = arith.constant 0 : i32
    %dma_start3A_24 = arith.constant 0 : i32
    %dma_start3A_25 = tpu.memref_slice %arg3[%dma_start3A_17, %add3A, %dma_start3A_18, %dma_start3A_23, %dma_start3A_24] : memref<2x32x25x5x80xi32, #tpu.memory_space<hbm>> -> memref<1x1x1x5x80xi32, #tpu.memory_space<hbm>>
    %dma_start3A_26 = tpu.memref_squeeze %dma_start3A_25 : memref<1x1x1x5x80xi32, #tpu.memory_space<hbm>> -> memref<5x80xi32, #tpu.memory_space<hbm>>
    tpu.enqueue_dma source(%dma_start3A_26 : memref<5x80xi32, #tpu.memory_space<hbm>>) target(%arg8 : memref<5x80xi32, #tpu.memory_space<vmem>>) target_semaphore(%arg15 : memref<!tpu.dma_semaphore, #tpu.memory_space<semaphore_mem>>)
    %dma_start3A_27 = arith.constant 0 : i32
    %dma_start3A_28 = arith.constant 1 : i32
    %dma_start3A_29 = arith.constant 0 : i32
    %dma_start3A_30 = arith.constant 0 : i32
    %dma_start3A_31 = tpu.memref_slice %arg3[%dma_start3A_27, %add3A, %dma_start3A_28, %dma_start3A_29, %dma_start3A_30] : memref<2x32x25x5x80xi32, #tpu.memory_space<hbm>> -> memref<1x1x1x5x80xi32, #tpu.memory_space<hbm>>
    %dma_start3A_32 = tpu.memref_squeeze %dma_start3A_31 : memref<1x1x1x5x80xi32, #tpu.memory_space<hbm>> -> memref<5x80xi32, #tpu.memory_space<hbm>>
    %dma_start3A_33 = arith.constant 0 : i32
    %dma_start3A_34 = arith.constant 0 : i32
    %dma_start3A_35 = tpu.memref_slice %arg3[%dma_start3A_27, %add3A, %dma_start3A_28, %dma_start3A_33, %dma_start3A_34] : memref<2x32x25x5x80xi32, #tpu.memory_space<hbm>> -> memref<1x1x1x5x80xi32, #tpu.memory_space<hbm>>
    %dma_start3A_36 = tpu.memref_squeeze %dma_start3A_35 : memref<1x1x1x5x80xi32, #tpu.memory_space<hbm>> -> memref<5x80xi32, #tpu.memory_space<hbm>>
    tpu.enqueue_dma source(%dma_start3A_36 : memref<5x80xi32, #tpu.memory_space<hbm>>) target(%arg6 : memref<5x80xi32, #tpu.memory_space<vmem>>) target_semaphore(%arg16 : memref<!tpu.dma_semaphore, #tpu.memory_space<semaphore_mem>>)
    %dma_start3A_37 = arith.constant 1 : i32
    %dma_start3A_38 = arith.constant 1 : i32
    %dma_start3A_39 = arith.constant 0 : i32
    %dma_start3A_40 = arith.constant 0 : i32
    %dma_start3A_41 = tpu.memref_slice %arg3[%dma_start3A_37, %add3A, %dma_start3A_38, %dma_start3A_39, %dma_start3A_40] : memref<2x32x25x5x80xi32, #tpu.memory_space<hbm>> -> memref<1x1x1x5x80xi32, #tpu.memory_space<hbm>>
    %dma_start3A_42 = tpu.memref_squeeze %dma_start3A_41 : memref<1x1x1x5x80xi32, #tpu.memory_space<hbm>> -> memref<5x80xi32, #tpu.memory_space<hbm>>
    %dma_start3A_43 = arith.constant 0 : i32
    %dma_start3A_44 = arith.constant 0 : i32
    %dma_start3A_45 = tpu.memref_slice %arg3[%dma_start3A_37, %add3A, %dma_start3A_38, %dma_start3A_43, %dma_start3A_44] : memref<2x32x25x5x80xi32, #tpu.memory_space<hbm>> -> memref<1x1x1x5x80xi32, #tpu.memory_space<hbm>>
    %dma_start3A_46 = tpu.memref_squeeze %dma_start3A_45 : memref<1x1x1x5x80xi32, #tpu.memory_space<hbm>> -> memref<5x80xi32, #tpu.memory_space<hbm>>
    tpu.enqueue_dma source(%dma_start3A_46 : memref<5x80xi32, #tpu.memory_space<hbm>>) target(%arg9 : memref<5x80xi32, #tpu.memory_space<vmem>>) target_semaphore(%arg16 : memref<!tpu.dma_semaphore, #tpu.memory_space<semaphore_mem>>)
    %dma_wait3A = arith.constant 0 : i32
    %dma_wait3A_47 = arith.constant 0 : i32
    %dma_wait3A_48 = arith.constant 0 : i32
    %dma_wait3A_49 = arith.constant 0 : i32
    %dma_wait3A_50 = arith.constant 0 : i32
    %dma_wait3A_51 = tpu.memref_slice %arg3[%dma_wait3A, %dma_wait3A_47, %dma_wait3A_48, %dma_wait3A_49, %dma_wait3A_50] : memref<2x32x25x5x80xi32, #tpu.memory_space<hbm>> -> memref<1x1x1x5x80xi32, #tpu.memory_space<hbm>>
    %dma_wait3A_52 = tpu.memref_squeeze %dma_wait3A_51 : memref<1x1x1x5x80xi32, #tpu.memory_space<hbm>> -> memref<5x80xi32, #tpu.memory_space<hbm>>
    %dma_wait3A_53 = arith.constant 0 : i32
    %dma_wait3A_54 = arith.constant 0 : i32
    %dma_wait3A_55 = tpu.memref_slice %arg3[%dma_wait3A, %dma_wait3A_47, %dma_wait3A_48, %dma_wait3A_53, %dma_wait3A_54] : memref<2x32x25x5x80xi32, #tpu.memory_space<hbm>> -> memref<1x1x1x5x80xi32, #tpu.memory_space<hbm>>
    %dma_wait3A_56 = tpu.memref_squeeze %dma_wait3A_55 : memref<1x1x1x5x80xi32, #tpu.memory_space<hbm>> -> memref<5x80xi32, #tpu.memory_space<hbm>>
    tpu.wait_dma2 semaphore(%arg15 : memref<!tpu.dma_semaphore, #tpu.memory_space<semaphore_mem>>) src(%dma_wait3A_56 : memref<5x80xi32, #tpu.memory_space<hbm>>) dst(%arg5 : memref<5x80xi32, #tpu.memory_space<vmem>>)
    %dma_wait3A_57 = arith.constant 0 : i32
    %dma_wait3A_58 = arith.constant 0 : i32
    %dma_wait3A_59 = arith.constant 0 : i32
    %dma_wait3A_60 = arith.constant 0 : i32
    %dma_wait3A_61 = arith.constant 0 : i32
    %dma_wait3A_62 = tpu.memref_slice %arg3[%dma_wait3A_57, %dma_wait3A_58, %dma_wait3A_59, %dma_wait3A_60, %dma_wait3A_61] : memref<2x32x25x5x80xi32, #tpu.memory_space<hbm>> -> memref<1x1x1x5x80xi32, #tpu.memory_space<hbm>>
    %dma_wait3A_63 = tpu.memref_squeeze %dma_wait3A_62 : memref<1x1x1x5x80xi32, #tpu.memory_space<hbm>> -> memref<5x80xi32, #tpu.memory_space<hbm>>
    %dma_wait3A_64 = arith.constant 0 : i32
    %dma_wait3A_65 = arith.constant 0 : i32
    %dma_wait3A_66 = tpu.memref_slice %arg3[%dma_wait3A_57, %dma_wait3A_58, %dma_wait3A_59, %dma_wait3A_64, %dma_wait3A_65] : memref<2x32x25x5x80xi32, #tpu.memory_space<hbm>> -> memref<1x1x1x5x80xi32, #tpu.memory_space<hbm>>
    %dma_wait3A_67 = tpu.memref_squeeze %dma_wait3A_66 : memref<1x1x1x5x80xi32, #tpu.memory_space<hbm>> -> memref<5x80xi32, #tpu.memory_space<hbm>>
    tpu.wait_dma2 semaphore(%arg15 : memref<!tpu.dma_semaphore, #tpu.memory_space<semaphore_mem>>) src(%dma_wait3A_67 : memref<5x80xi32, #tpu.memory_space<hbm>>) dst(%arg8 : memref<5x80xi32, #tpu.memory_space<vmem>>)
    %dma_start3A_68 = arith.constant 0 : i32
    %dma_start3A_69 = arith.constant 0 : i32
    %dma_start3A_70 = tpu.memref_slice %arg5[%dma_start3A_68, %dma_start3A_69] : memref<5x80xi32, #tpu.memory_space<vmem>> -> memref<1x80xi32, #tpu.memory_space<vmem>>
    %dma_start3A_71 = tpu.memref_squeeze %dma_start3A_70 : memref<1x80xi32, #tpu.memory_space<vmem>> -> memref<80xi32, #tpu.memory_space<vmem>>
    %dma_start3A_72 = arith.constant 0 : i32
    %dma_start3A_73 = arith.constant 0 : i32
    %dma_start3A_74 = tpu.memref_slice %arg2[%dma_start3A_72, %dma_start3A_73] : memref<10240x128xf32, #tpu.memory_space<hbm>> -> memref<10240x128xf32, #tpu.memory_space<hbm>>
    tpu.enqueue_indirect_dma source(%dma_start3A_74 : memref<10240x128xf32, #tpu.memory_space<hbm>>) target(%arg11 : memref<80x128xf32, #tpu.memory_space<vmem>>) offsets(%dma_start3A_71 : memref<80xi32, #tpu.memory_space<vmem>>) semaphore(%arg18 : memref<!tpu.dma_semaphore, #tpu.memory_space<semaphore_mem>>)
    %scan3A = arith.constant 0 : i32
    %scan3A_75 = arith.constant 0 : i32
    %scan3A_76 = arith.constant 8 : i32
    %scan3A_77 = arith.addi %scan3A_75, %scan3A_76 : i32
    %scan3A_78 = arith.constant 1 : i32
    scf.for %scan3A_220 = %scan3A_75 to %scan3A_77 step %scan3A_78  : i32 {
      %mul3A_221 = arith.constant 15 : i32
      %mul3A_222 = arith.muli %mul3A_221, %scan3A_220 : i32
      %add3A_223 = arith.constant 0 : i32
      %add3A_224 = arith.addi %mul3A_222, %add3A_223 : i32
      %sub3A = arith.constant 2 : i32
      %sub3A_225 = arith.subi %add3A_224, %sub3A : i32
      %ge3A = arith.constant 0 : i32
      %ge3A_226 = arith.cmpi sge, %sub3A_225, %ge3A : i32
      %convert_element_type3A_227 = arith.extui %ge3A_226 : i1 to i32
      %cond3A_228 = arith.constant 0 : i32
      %cond3A_229 = arith.cmpi ne, %convert_element_type3A_227, %cond3A_228 : i32
      scf.if %cond3A_229 {
        %dma_wait3A_742 = arith.constant 0 : i32
        %dma_wait3A_743 = arith.constant 0 : i32
        %dma_wait3A_744 = tpu.memref_slice %arg2[%dma_wait3A_742, %dma_wait3A_743] : memref<10240x128xf32, #tpu.memory_space<hbm>> -> memref<80x128xf32, #tpu.memory_space<hbm>>
        %dma_wait3A_745 = arith.constant 0 : i32
        %dma_wait3A_746 = arith.constant 0 : i32
        %dma_wait3A_747 = tpu.memref_slice %arg2[%dma_wait3A_745, %dma_wait3A_746] : memref<10240x128xf32, #tpu.memory_space<hbm>> -> memref<80x128xf32, #tpu.memory_space<hbm>>
        tpu.wait_dma2 semaphore(%arg22 : memref<!tpu.dma_semaphore, #tpu.memory_space<semaphore_mem>>) src(%dma_wait3A_747 : memref<80x128xf32, #tpu.memory_space<hbm>>) dst(%arg12 : memref<80x128xf32, #tpu.memory_space<vmem>>)
      } else {
      }
      %dma_start3A_230 = arith.constant 1 : i32
      %dma_start3A_231 = arith.constant 0 : i32
      %dma_start3A_232 = tpu.memref_slice %arg5[%dma_start3A_230, %dma_start3A_231] : memref<5x80xi32, #tpu.memory_space<vmem>> -> memref<1x80xi32, #tpu.memory_space<vmem>>
      %dma_start3A_233 = tpu.memref_squeeze %dma_start3A_232 : memref<1x80xi32, #tpu.memory_space<vmem>> -> memref<80xi32, #tpu.memory_space<vmem>>
      %dma_start3A_234 = arith.constant 0 : i32
      %dma_start3A_235 = arith.constant 0 : i32
      %dma_start3A_236 = tpu.memref_slice %arg2[%dma_start3A_234, %dma_start3A_235] : memref<10240x128xf32, #tpu.memory_space<hbm>> -> memref<10240x128xf32, #tpu.memory_space<hbm>>
      tpu.enqueue_indirect_dma source(%dma_start3A_236 : memref<10240x128xf32, #tpu.memory_space<hbm>>) target(%arg12 : memref<80x128xf32, #tpu.memory_space<vmem>>) offsets(%dma_start3A_233 : memref<80xi32, #tpu.memory_space<vmem>>) semaphore(%arg19 : memref<!tpu.dma_semaphore, #tpu.memory_space<semaphore_mem>>)
      %dma_wait3A_237 = arith.constant 0 : i32
      %dma_wait3A_238 = arith.constant 0 : i32
      %dma_wait3A_239 = tpu.memref_slice %arg2[%dma_wait3A_237, %dma_wait3A_238] : memref<10240x128xf32, #tpu.memory_space<hbm>> -> memref<80x128xf32, #tpu.memory_space<hbm>>
      %dma_wait3A_240 = arith.constant 0 : i32
      %dma_wait3A_241 = arith.constant 0 : i32
      %dma_wait3A_242 = tpu.memref_slice %arg2[%dma_wait3A_240, %dma_wait3A_241] : memref<10240x128xf32, #tpu.memory_space<hbm>> -> memref<80x128xf32, #tpu.memory_space<hbm>>
      tpu.wait_dma2 semaphore(%arg18 : memref<!tpu.dma_semaphore, #tpu.memory_space<semaphore_mem>>) src(%dma_wait3A_242 : memref<80x128xf32, #tpu.memory_space<hbm>>) dst(%arg11 : memref<80x128xf32, #tpu.memory_space<vmem>>)
      %dma_start3A_243 = arith.constant 0 : i32
      %dma_start3A_244 = arith.constant 0 : i32
      %dma_start3A_245 = tpu.memref_slice %arg8[%dma_start3A_243, %dma_start3A_244] : memref<5x80xi32, #tpu.memory_space<vmem>> -> memref<1x80xi32, #tpu.memory_space<vmem>>
      %dma_start3A_246 = tpu.memref_squeeze %dma_start3A_245 : memref<1x80xi32, #tpu.memory_space<vmem>> -> memref<80xi32, #tpu.memory_space<vmem>>
      %dma_start3A_247 = arith.constant 0 : i32
      %dma_start3A_248 = arith.constant 0 : i32
      %dma_start3A_249 = tpu.memref_slice %arg14[%dma_start3A_247, %dma_start3A_248] : memref<10240x128xf32, #tpu.memory_space<vmem_shared>> -> memref<10240x128xf32, #tpu.memory_space<vmem_shared>>
      tpu.enqueue_indirect_dma source(%arg11 : memref<80x128xf32, #tpu.memory_space<vmem>>) target(%dma_start3A_249 : memref<10240x128xf32, #tpu.memory_space<vmem_shared>>) offsets(%dma_start3A_246 : memref<80xi32, #tpu.memory_space<vmem>>) semaphore(%arg21 : memref<!tpu.dma_semaphore, #tpu.memory_space<semaphore_mem>>) {add = true}
      %add3A_250 = arith.constant 1 : i32
      %add3A_251 = arith.addi %mul3A_222, %add3A_250 : i32
      %sub3A_252 = arith.constant 2 : i32
      %sub3A_253 = arith.subi %add3A_251, %sub3A_252 : i32
      %ge3A_254 = arith.constant 0 : i32
      %ge3A_255 = arith.cmpi sge, %sub3A_253, %ge3A_254 : i32
      %convert_element_type3A_256 = arith.extui %ge3A_255 : i1 to i32
      %cond3A_257 = arith.constant 0 : i32
      %cond3A_258 = arith.cmpi ne, %convert_element_type3A_256, %cond3A_257 : i32
      scf.if %cond3A_258 {
        %dma_wait3A_742 = arith.constant 0 : i32
        %dma_wait3A_743 = arith.constant 0 : i32
        %dma_wait3A_744 = tpu.memref_slice %arg2[%dma_wait3A_742, %dma_wait3A_743] : memref<10240x128xf32, #tpu.memory_space<hbm>> -> memref<80x128xf32, #tpu.memory_space<hbm>>
        %dma_wait3A_745 = arith.constant 0 : i32
        %dma_wait3A_746 = arith.constant 0 : i32
        %dma_wait3A_747 = tpu.memref_slice %arg2[%dma_wait3A_745, %dma_wait3A_746] : memref<10240x128xf32, #tpu.memory_space<hbm>> -> memref<80x128xf32, #tpu.memory_space<hbm>>
        tpu.wait_dma2 semaphore(%arg23 : memref<!tpu.dma_semaphore, #tpu.memory_space<semaphore_mem>>) src(%dma_wait3A_747 : memref<80x128xf32, #tpu.memory_space<hbm>>) dst(%arg13 : memref<80x128xf32, #tpu.memory_space<vmem>>)
      } else {
      }
      %dma_start3A_259 = arith.constant 2 : i32
      %dma_start3A_260 = arith.constant 0 : i32
      %dma_start3A_261 = tpu.memref_slice %arg5[%dma_start3A_259, %dma_start3A_260] : memref<5x80xi32, #tpu.memory_space<vmem>> -> memref<1x80xi32, #tpu.memory_space<vmem>>
      %dma_start3A_262 = tpu.memref_squeeze %dma_start3A_261 : memref<1x80xi32, #tpu.memory_space<vmem>> -> memref<80xi32, #tpu.memory_space<vmem>>
      %dma_start3A_263 = arith.constant 0 : i32
      %dma_start3A_264 = arith.constant 0 : i32
      %dma_start3A_265 = tpu.memref_slice %arg2[%dma_start3A_263, %dma_start3A_264] : memref<10240x128xf32, #tpu.memory_space<hbm>> -> memref<10240x128xf32, #tpu.memory_space<hbm>>
      tpu.enqueue_indirect_dma source(%dma_start3A_265 : memref<10240x128xf32, #tpu.memory_space<hbm>>) target(%arg13 : memref<80x128xf32, #tpu.memory_space<vmem>>) offsets(%dma_start3A_262 : memref<80xi32, #tpu.memory_space<vmem>>) semaphore(%arg20 : memref<!tpu.dma_semaphore, #tpu.memory_space<semaphore_mem>>)
      %dma_wait3A_266 = arith.constant 0 : i32
      %dma_wait3A_267 = arith.constant 0 : i32
      %dma_wait3A_268 = tpu.memref_slice %arg2[%dma_wait3A_266, %dma_wait3A_267] : memref<10240x128xf32, #tpu.memory_space<hbm>> -> memref<80x128xf32, #tpu.memory_space<hbm>>
      %dma_wait3A_269 = arith.constant 0 : i32
      %dma_wait3A_270 = arith.constant 0 : i32
      %dma_wait3A_271 = tpu.memref_slice %arg2[%dma_wait3A_269, %dma_wait3A_270] : memref<10240x128xf32, #tpu.memory_space<hbm>> -> memref<80x128xf32, #tpu.memory_space<hbm>>
      tpu.wait_dma2 semaphore(%arg19 : memref<!tpu.dma_semaphore, #tpu.memory_space<semaphore_mem>>) src(%dma_wait3A_271 : memref<80x128xf32, #tpu.memory_space<hbm>>) dst(%arg12 : memref<80x128xf32, #tpu.memory_space<vmem>>)
      %dma_start3A_272 = arith.constant 1 : i32
      %dma_start3A_273 = arith.constant 0 : i32
      %dma_start3A_274 = tpu.memref_slice %arg8[%dma_start3A_272, %dma_start3A_273] : memref<5x80xi32, #tpu.memory_space<vmem>> -> memref<1x80xi32, #tpu.memory_space<vmem>>
      %dma_start3A_275 = tpu.memref_squeeze %dma_start3A_274 : memref<1x80xi32, #tpu.memory_space<vmem>> -> memref<80xi32, #tpu.memory_space<vmem>>
      %dma_start3A_276 = arith.constant 0 : i32
      %dma_start3A_277 = arith.constant 0 : i32
      %dma_start3A_278 = tpu.memref_slice %arg14[%dma_start3A_276, %dma_start3A_277] : memref<10240x128xf32, #tpu.memory_space<vmem_shared>> -> memref<10240x128xf32, #tpu.memory_space<vmem_shared>>
      tpu.enqueue_indirect_dma source(%arg12 : memref<80x128xf32, #tpu.memory_space<vmem>>) target(%dma_start3A_278 : memref<10240x128xf32, #tpu.memory_space<vmem_shared>>) offsets(%dma_start3A_275 : memref<80xi32, #tpu.memory_space<vmem>>) semaphore(%arg22 : memref<!tpu.dma_semaphore, #tpu.memory_space<semaphore_mem>>) {add = true}
      %add3A_279 = arith.constant 2 : i32
      %add3A_280 = arith.addi %mul3A_222, %add3A_279 : i32
      %sub3A_281 = arith.constant 2 : i32
      %sub3A_282 = arith.subi %add3A_280, %sub3A_281 : i32
      %ge3A_283 = arith.constant 0 : i32
      %ge3A_284 = arith.cmpi sge, %sub3A_282, %ge3A_283 : i32
      %convert_element_type3A_285 = arith.extui %ge3A_284 : i1 to i32
      %cond3A_286 = arith.constant 0 : i32
      %cond3A_287 = arith.cmpi ne, %convert_element_type3A_285, %cond3A_286 : i32
      scf.if %cond3A_287 {
        %dma_wait3A_742 = arith.constant 0 : i32
        %dma_wait3A_743 = arith.constant 0 : i32
        %dma_wait3A_744 = tpu.memref_slice %arg2[%dma_wait3A_742, %dma_wait3A_743] : memref<10240x128xf32, #tpu.memory_space<hbm>> -> memref<80x128xf32, #tpu.memory_space<hbm>>
        %dma_wait3A_745 = arith.constant 0 : i32
        %dma_wait3A_746 = arith.constant 0 : i32
        %dma_wait3A_747 = tpu.memref_slice %arg2[%dma_wait3A_745, %dma_wait3A_746] : memref<10240x128xf32, #tpu.memory_space<hbm>> -> memref<80x128xf32, #tpu.memory_space<hbm>>
        tpu.wait_dma2 semaphore(%arg21 : memref<!tpu.dma_semaphore, #tpu.memory_space<semaphore_mem>>) src(%dma_wait3A_747 : memref<80x128xf32, #tpu.memory_space<hbm>>) dst(%arg11 : memref<80x128xf32, #tpu.memory_space<vmem>>)
      } else {
      }
      %add3A_288 = arith.constant 8 : i32
      %add3A_289 = arith.addi %add3A_280, %add3A_288 : i32
      %lt3A = arith.constant 125 : i32
      %lt3A_290 = arith.cmpi slt, %add3A_289, %lt3A : i32
      %convert_element_type3A_291 = arith.extui %lt3A_290 : i1 to i32
      %cond3A_292 = arith.constant 0 : i32
      %cond3A_293 = arith.cmpi ne, %convert_element_type3A_291, %cond3A_292 : i32
      scf.if %cond3A_293 {
        %add3A_742 = arith.constant 8 : i32
        %add3A_743 = arith.addi %add3A_280, %add3A_742 : i32
        %jit3A = arith.constant 5 : i32
        %div3A = arith.divsi %add3A_743, %jit3A : i32
        %sign3A = arith.constant 0 : i32
        %sign3A_744 = arith.cmpi sgt, %add3A_743, %sign3A : i32
        %sign3A_745 = arith.extui %sign3A_744 : i1 to i32
        %sign3A_746 = arith.constant 0 : i32
        %sign3A_747 = arith.cmpi slt, %add3A_743, %sign3A_746 : i32
        %sign3A_748 = arith.extui %sign3A_747 : i1 to i32
        %sign3A_749 = arith.subi %sign3A_745, %sign3A_748 : i32
        %sign3A_750 = arith.constant 0 : i32
        %sign3A_751 = arith.cmpi sgt, %jit3A, %sign3A_750 : i32
        %sign3A_752 = arith.extui %sign3A_751 : i1 to i32
        %sign3A_753 = arith.constant 0 : i32
        %sign3A_754 = arith.cmpi slt, %jit3A, %sign3A_753 : i32
        %sign3A_755 = arith.extui %sign3A_754 : i1 to i32
        %sign3A_756 = arith.subi %sign3A_752, %sign3A_755 : i32
        %ne3A = arith.cmpi ne, %sign3A_749, %sign3A_756 : i32
        %rem3A = arith.remsi %add3A_743, %jit3A : i32
        %ne3A_757 = arith.constant 0 : i32
        %ne3A_758 = arith.cmpi ne, %rem3A, %ne3A_757 : i32
        %and3A = arith.andi %ne3A, %ne3A_758 : i1
        %sub3A_759 = arith.constant 1 : i32
        %sub3A_760 = arith.subi %div3A, %sub3A_759 : i32
        %select_n3A = arith.select %and3A, %sub3A_760, %div3A : i32
        %dma_start3A_761 = arith.constant 0 : i32
        %dma_start3A_762 = arith.constant 0 : i32
        %dma_start3A_763 = arith.constant 0 : i32
        %dma_start3A_764 = tpu.memref_slice %arg3[%dma_start3A_761, %add3A, %select_n3A, %dma_start3A_762, %dma_start3A_763] : memref<2x32x25x5x80xi32, #tpu.memory_space<hbm>> -> memref<1x1x1x5x80xi32, #tpu.memory_space<hbm>>
        %dma_start3A_765 = tpu.memref_squeeze %dma_start3A_764 : memref<1x1x1x5x80xi32, #tpu.memory_space<hbm>> -> memref<5x80xi32, #tpu.memory_space<hbm>>
        %dma_start3A_766 = arith.constant 0 : i32
        %dma_start3A_767 = arith.constant 0 : i32
        %dma_start3A_768 = tpu.memref_slice %arg3[%dma_start3A_761, %add3A, %select_n3A, %dma_start3A_766, %dma_start3A_767] : memref<2x32x25x5x80xi32, #tpu.memory_space<hbm>> -> memref<1x1x1x5x80xi32, #tpu.memory_space<hbm>>
        %dma_start3A_769 = tpu.memref_squeeze %dma_start3A_768 : memref<1x1x1x5x80xi32, #tpu.memory_space<hbm>> -> memref<5x80xi32, #tpu.memory_space<hbm>>
        tpu.enqueue_dma source(%dma_start3A_769 : memref<5x80xi32, #tpu.memory_space<hbm>>) target(%arg7 : memref<5x80xi32, #tpu.memory_space<vmem>>) target_semaphore(%arg17 : memref<!tpu.dma_semaphore, #tpu.memory_space<semaphore_mem>>)
        %dma_start3A_770 = arith.constant 1 : i32
        %dma_start3A_771 = arith.constant 0 : i32
        %dma_start3A_772 = arith.constant 0 : i32
        %dma_start3A_773 = tpu.memref_slice %arg3[%dma_start3A_770, %add3A, %select_n3A, %dma_start3A_771, %dma_start3A_772] : memref<2x32x25x5x80xi32, #tpu.memory_space<hbm>> -> memref<1x1x1x5x80xi32, #tpu.memory_space<hbm>>
        %dma_start3A_774 = tpu.memref_squeeze %dma_start3A_773 : memref<1x1x1x5x80xi32, #tpu.memory_space<hbm>> -> memref<5x80xi32, #tpu.memory_space<hbm>>
        %dma_start3A_775 = arith.constant 0 : i32
        %dma_start3A_776 = arith.constant 0 : i32
        %dma_start3A_777 = tpu.memref_slice %arg3[%dma_start3A_770, %add3A, %select_n3A, %dma_start3A_775, %dma_start3A_776] : memref<2x32x25x5x80xi32, #tpu.memory_space<hbm>> -> memref<1x1x1x5x80xi32, #tpu.memory_space<hbm>>
        %dma_start3A_778 = tpu.memref_squeeze %dma_start3A_777 : memref<1x1x1x5x80xi32, #tpu.memory_space<hbm>> -> memref<5x80xi32, #tpu.memory_space<hbm>>
        tpu.enqueue_dma source(%dma_start3A_778 : memref<5x80xi32, #tpu.memory_space<hbm>>) target(%arg10 : memref<5x80xi32, #tpu.memory_space<vmem>>) target_semaphore(%arg17 : memref<!tpu.dma_semaphore, #tpu.memory_space<semaphore_mem>>)
      } else {
      }
      %dma_start3A_294 = arith.constant 3 : i32
      %dma_start3A_295 = arith.constant 0 : i32
      %dma_start3A_296 = tpu.memref_slice %arg5[%dma_start3A_294, %dma_start3A_295] : memref<5x80xi32, #tpu.memory_space<vmem>> -> memref<1x80xi32, #tpu.memory_space<vmem>>
      %dma_start3A_297 = tpu.memref_squeeze %dma_start3A_296 : memref<1x80xi32, #tpu.memory_space<vmem>> -> memref<80xi32, #tpu.memory_space<vmem>>
      %dma_start3A_298 = arith.constant 0 : i32
      %dma_start3A_299 = arith.constant 0 : i32
      %dma_start3A_300 = tpu.memref_slice %arg2[%dma_start3A_298, %dma_start3A_299] : memref<10240x128xf32, #tpu.memory_space<hbm>> -> memref<10240x128xf32, #tpu.memory_space<hbm>>
      tpu.enqueue_indirect_dma source(%dma_start3A_300 : memref<10240x128xf32, #tpu.memory_space<hbm>>) target(%arg11 : memref<80x128xf32, #tpu.memory_space<vmem>>) offsets(%dma_start3A_297 : memref<80xi32, #tpu.memory_space<vmem>>) semaphore(%arg18 : memref<!tpu.dma_semaphore, #tpu.memory_space<semaphore_mem>>)
      %dma_wait3A_301 = arith.constant 0 : i32
      %dma_wait3A_302 = arith.constant 0 : i32
      %dma_wait3A_303 = tpu.memref_slice %arg2[%dma_wait3A_301, %dma_wait3A_302] : memref<10240x128xf32, #tpu.memory_space<hbm>> -> memref<80x128xf32, #tpu.memory_space<hbm>>
      %dma_wait3A_304 = arith.constant 0 : i32
      %dma_wait3A_305 = arith.constant 0 : i32
      %dma_wait3A_306 = tpu.memref_slice %arg2[%dma_wait3A_304, %dma_wait3A_305] : memref<10240x128xf32, #tpu.memory_space<hbm>> -> memref<80x128xf32, #tpu.memory_space<hbm>>
      tpu.wait_dma2 semaphore(%arg20 : memref<!tpu.dma_semaphore, #tpu.memory_space<semaphore_mem>>) src(%dma_wait3A_306 : memref<80x128xf32, #tpu.memory_space<hbm>>) dst(%arg13 : memref<80x128xf32, #tpu.memory_space<vmem>>)
      %dma_start3A_307 = arith.constant 2 : i32
      %dma_start3A_308 = arith.constant 0 : i32
      %dma_start3A_309 = tpu.memref_slice %arg8[%dma_start3A_307, %dma_start3A_308] : memref<5x80xi32, #tpu.memory_space<vmem>> -> memref<1x80xi32, #tpu.memory_space<vmem>>
      %dma_start3A_310 = tpu.memref_squeeze %dma_start3A_309 : memref<1x80xi32, #tpu.memory_space<vmem>> -> memref<80xi32, #tpu.memory_space<vmem>>
      %dma_start3A_311 = arith.constant 0 : i32
      %dma_start3A_312 = arith.constant 0 : i32
      %dma_start3A_313 = tpu.memref_slice %arg14[%dma_start3A_311, %dma_start3A_312] : memref<10240x128xf32, #tpu.memory_space<vmem_shared>> -> memref<10240x128xf32, #tpu.memory_space<vmem_shared>>
      tpu.enqueue_indirect_dma source(%arg13 : memref<80x128xf32, #tpu.memory_space<vmem>>) target(%dma_start3A_313 : memref<10240x128xf32, #tpu.memory_space<vmem_shared>>) offsets(%dma_start3A_310 : memref<80xi32, #tpu.memory_space<vmem>>) semaphore(%arg23 : memref<!tpu.dma_semaphore, #tpu.memory_space<semaphore_mem>>) {add = true}
      %add3A_314 = arith.constant 3 : i32
      %add3A_315 = arith.addi %mul3A_222, %add3A_314 : i32
      %sub3A_316 = arith.constant 2 : i32
      %sub3A_317 = arith.subi %add3A_315, %sub3A_316 : i32
      %ge3A_318 = arith.constant 0 : i32
      %ge3A_319 = arith.cmpi sge, %sub3A_317, %ge3A_318 : i32
      %convert_element_type3A_320 = arith.extui %ge3A_319 : i1 to i32
      %cond3A_321 = arith.constant 0 : i32
      %cond3A_322 = arith.cmpi ne, %convert_element_type3A_320, %cond3A_321 : i32
      scf.if %cond3A_322 {
        %dma_wait3A_742 = arith.constant 0 : i32
        %dma_wait3A_743 = arith.constant 0 : i32
        %dma_wait3A_744 = tpu.memref_slice %arg2[%dma_wait3A_742, %dma_wait3A_743] : memref<10240x128xf32, #tpu.memory_space<hbm>> -> memref<80x128xf32, #tpu.memory_space<hbm>>
        %dma_wait3A_745 = arith.constant 0 : i32
        %dma_wait3A_746 = arith.constant 0 : i32
        %dma_wait3A_747 = tpu.memref_slice %arg2[%dma_wait3A_745, %dma_wait3A_746] : memref<10240x128xf32, #tpu.memory_space<hbm>> -> memref<80x128xf32, #tpu.memory_space<hbm>>
        tpu.wait_dma2 semaphore(%arg22 : memref<!tpu.dma_semaphore, #tpu.memory_space<semaphore_mem>>) src(%dma_wait3A_747 : memref<80x128xf32, #tpu.memory_space<hbm>>) dst(%arg12 : memref<80x128xf32, #tpu.memory_space<vmem>>)
      } else {
      }
      %dma_start3A_323 = arith.constant 4 : i32
      %dma_start3A_324 = arith.constant 0 : i32
      %dma_start3A_325 = tpu.memref_slice %arg5[%dma_start3A_323, %dma_start3A_324] : memref<5x80xi32, #tpu.memory_space<vmem>> -> memref<1x80xi32, #tpu.memory_space<vmem>>
      %dma_start3A_326 = tpu.memref_squeeze %dma_start3A_325 : memref<1x80xi32, #tpu.memory_space<vmem>> -> memref<80xi32, #tpu.memory_space<vmem>>
      %dma_start3A_327 = arith.constant 0 : i32
      %dma_start3A_328 = arith.constant 0 : i32
      %dma_start3A_329 = tpu.memref_slice %arg2[%dma_start3A_327, %dma_start3A_328] : memref<10240x128xf32, #tpu.memory_space<hbm>> -> memref<10240x128xf32, #tpu.memory_space<hbm>>
      tpu.enqueue_indirect_dma source(%dma_start3A_329 : memref<10240x128xf32, #tpu.memory_space<hbm>>) target(%arg12 : memref<80x128xf32, #tpu.memory_space<vmem>>) offsets(%dma_start3A_326 : memref<80xi32, #tpu.memory_space<vmem>>) semaphore(%arg19 : memref<!tpu.dma_semaphore, #tpu.memory_space<semaphore_mem>>)
      %dma_wait3A_330 = arith.constant 0 : i32
      %dma_wait3A_331 = arith.constant 0 : i32
      %dma_wait3A_332 = tpu.memref_slice %arg2[%dma_wait3A_330, %dma_wait3A_331] : memref<10240x128xf32, #tpu.memory_space<hbm>> -> memref<80x128xf32, #tpu.memory_space<hbm>>
      %dma_wait3A_333 = arith.constant 0 : i32
      %dma_wait3A_334 = arith.constant 0 : i32
      %dma_wait3A_335 = tpu.memref_slice %arg2[%dma_wait3A_333, %dma_wait3A_334] : memref<10240x128xf32, #tpu.memory_space<hbm>> -> memref<80x128xf32, #tpu.memory_space<hbm>>
      tpu.wait_dma2 semaphore(%arg18 : memref<!tpu.dma_semaphore, #tpu.memory_space<semaphore_mem>>) src(%dma_wait3A_335 : memref<80x128xf32, #tpu.memory_space<hbm>>) dst(%arg11 : memref<80x128xf32, #tpu.memory_space<vmem>>)
      %dma_start3A_336 = arith.constant 3 : i32
      %dma_start3A_337 = arith.constant 0 : i32
      %dma_start3A_338 = tpu.memref_slice %arg8[%dma_start3A_336, %dma_start3A_337] : memref<5x80xi32, #tpu.memory_space<vmem>> -> memref<1x80xi32, #tpu.memory_space<vmem>>
      %dma_start3A_339 = tpu.memref_squeeze %dma_start3A_338 : memref<1x80xi32, #tpu.memory_space<vmem>> -> memref<80xi32, #tpu.memory_space<vmem>>
      %dma_start3A_340 = arith.constant 0 : i32
      %dma_start3A_341 = arith.constant 0 : i32
      %dma_start3A_342 = tpu.memref_slice %arg14[%dma_start3A_340, %dma_start3A_341] : memref<10240x128xf32, #tpu.memory_space<vmem_shared>> -> memref<10240x128xf32, #tpu.memory_space<vmem_shared>>
      tpu.enqueue_indirect_dma source(%arg11 : memref<80x128xf32, #tpu.memory_space<vmem>>) target(%dma_start3A_342 : memref<10240x128xf32, #tpu.memory_space<vmem_shared>>) offsets(%dma_start3A_339 : memref<80xi32, #tpu.memory_space<vmem>>) semaphore(%arg21 : memref<!tpu.dma_semaphore, #tpu.memory_space<semaphore_mem>>) {add = true}
      %add3A_343 = arith.constant 4 : i32
      %add3A_344 = arith.addi %mul3A_222, %add3A_343 : i32
      %sub3A_345 = arith.constant 2 : i32
      %sub3A_346 = arith.subi %add3A_344, %sub3A_345 : i32
      %ge3A_347 = arith.constant 0 : i32
      %ge3A_348 = arith.cmpi sge, %sub3A_346, %ge3A_347 : i32
      %convert_element_type3A_349 = arith.extui %ge3A_348 : i1 to i32
      %cond3A_350 = arith.constant 0 : i32
      %cond3A_351 = arith.cmpi ne, %convert_element_type3A_349, %cond3A_350 : i32
      scf.if %cond3A_351 {
        %dma_wait3A_742 = arith.constant 0 : i32
        %dma_wait3A_743 = arith.constant 0 : i32
        %dma_wait3A_744 = tpu.memref_slice %arg2[%dma_wait3A_742, %dma_wait3A_743] : memref<10240x128xf32, #tpu.memory_space<hbm>> -> memref<80x128xf32, #tpu.memory_space<hbm>>
        %dma_wait3A_745 = arith.constant 0 : i32
        %dma_wait3A_746 = arith.constant 0 : i32
        %dma_wait3A_747 = tpu.memref_slice %arg2[%dma_wait3A_745, %dma_wait3A_746] : memref<10240x128xf32, #tpu.memory_space<hbm>> -> memref<80x128xf32, #tpu.memory_space<hbm>>
        tpu.wait_dma2 semaphore(%arg23 : memref<!tpu.dma_semaphore, #tpu.memory_space<semaphore_mem>>) src(%dma_wait3A_747 : memref<80x128xf32, #tpu.memory_space<hbm>>) dst(%arg13 : memref<80x128xf32, #tpu.memory_space<vmem>>)
      } else {
      }
      %dma_wait3A_352 = arith.constant 0 : i32
      %dma_wait3A_353 = arith.constant 0 : i32
      %dma_wait3A_354 = arith.constant 0 : i32
      %dma_wait3A_355 = arith.constant 0 : i32
      %dma_wait3A_356 = arith.constant 0 : i32
      %dma_wait3A_357 = tpu.memref_slice %arg3[%dma_wait3A_352, %dma_wait3A_353, %dma_wait3A_354, %dma_wait3A_355, %dma_wait3A_356] : memref<2x32x25x5x80xi32, #tpu.memory_space<hbm>> -> memref<1x1x1x5x80xi32, #tpu.memory_space<hbm>>
      %dma_wait3A_358 = tpu.memref_squeeze %dma_wait3A_357 : memref<1x1x1x5x80xi32, #tpu.memory_space<hbm>> -> memref<5x80xi32, #tpu.memory_space<hbm>>
      %dma_wait3A_359 = arith.constant 0 : i32
      %dma_wait3A_360 = arith.constant 0 : i32
      %dma_wait3A_361 = tpu.memref_slice %arg3[%dma_wait3A_352, %dma_wait3A_353, %dma_wait3A_354, %dma_wait3A_359, %dma_wait3A_360] : memref<2x32x25x5x80xi32, #tpu.memory_space<hbm>> -> memref<1x1x1x5x80xi32, #tpu.memory_space<hbm>>
      %dma_wait3A_362 = tpu.memref_squeeze %dma_wait3A_361 : memref<1x1x1x5x80xi32, #tpu.memory_space<hbm>> -> memref<5x80xi32, #tpu.memory_space<hbm>>
      tpu.wait_dma2 semaphore(%arg16 : memref<!tpu.dma_semaphore, #tpu.memory_space<semaphore_mem>>) src(%dma_wait3A_362 : memref<5x80xi32, #tpu.memory_space<hbm>>) dst(%arg6 : memref<5x80xi32, #tpu.memory_space<vmem>>)
      %dma_wait3A_363 = arith.constant 0 : i32
      %dma_wait3A_364 = arith.constant 0 : i32
      %dma_wait3A_365 = arith.constant 0 : i32
      %dma_wait3A_366 = arith.constant 0 : i32
      %dma_wait3A_367 = arith.constant 0 : i32
      %dma_wait3A_368 = tpu.memref_slice %arg3[%dma_wait3A_363, %dma_wait3A_364, %dma_wait3A_365, %dma_wait3A_366, %dma_wait3A_367] : memref<2x32x25x5x80xi32, #tpu.memory_space<hbm>> -> memref<1x1x1x5x80xi32, #tpu.memory_space<hbm>>
      %dma_wait3A_369 = tpu.memref_squeeze %dma_wait3A_368 : memref<1x1x1x5x80xi32, #tpu.memory_space<hbm>> -> memref<5x80xi32, #tpu.memory_space<hbm>>
      %dma_wait3A_370 = arith.constant 0 : i32
      %dma_wait3A_371 = arith.constant 0 : i32
      %dma_wait3A_372 = tpu.memref_slice %arg3[%dma_wait3A_363, %dma_wait3A_364, %dma_wait3A_365, %dma_wait3A_370, %dma_wait3A_371] : memref<2x32x25x5x80xi32, #tpu.memory_space<hbm>> -> memref<1x1x1x5x80xi32, #tpu.memory_space<hbm>>
      %dma_wait3A_373 = tpu.memref_squeeze %dma_wait3A_372 : memref<1x1x1x5x80xi32, #tpu.memory_space<hbm>> -> memref<5x80xi32, #tpu.memory_space<hbm>>
      tpu.wait_dma2 semaphore(%arg16 : memref<!tpu.dma_semaphore, #tpu.memory_space<semaphore_mem>>) src(%dma_wait3A_373 : memref<5x80xi32, #tpu.memory_space<hbm>>) dst(%arg9 : memref<5x80xi32, #tpu.memory_space<vmem>>)
      %dma_start3A_374 = arith.constant 0 : i32
      %dma_start3A_375 = arith.constant 0 : i32
      %dma_start3A_376 = tpu.memref_slice %arg6[%dma_start3A_374, %dma_start3A_375] : memref<5x80xi32, #tpu.memory_space<vmem>> -> memref<1x80xi32, #tpu.memory_space<vmem>>
      %dma_start3A_377 = tpu.memref_squeeze %dma_start3A_376 : memref<1x80xi32, #tpu.memory_space<vmem>> -> memref<80xi32, #tpu.memory_space<vmem>>
      %dma_start3A_378 = arith.constant 0 : i32
      %dma_start3A_379 = arith.constant 0 : i32
      %dma_start3A_380 = tpu.memref_slice %arg2[%dma_start3A_378, %dma_start3A_379] : memref<10240x128xf32, #tpu.memory_space<hbm>> -> memref<10240x128xf32, #tpu.memory_space<hbm>>
      tpu.enqueue_indirect_dma source(%dma_start3A_380 : memref<10240x128xf32, #tpu.memory_space<hbm>>) target(%arg13 : memref<80x128xf32, #tpu.memory_space<vmem>>) offsets(%dma_start3A_377 : memref<80xi32, #tpu.memory_space<vmem>>) semaphore(%arg20 : memref<!tpu.dma_semaphore, #tpu.memory_space<semaphore_mem>>)
      %dma_wait3A_381 = arith.constant 0 : i32
      %dma_wait3A_382 = arith.constant 0 : i32
      %dma_wait3A_383 = tpu.memref_slice %arg2[%dma_wait3A_381, %dma_wait3A_382] : memref<10240x128xf32, #tpu.memory_space<hbm>> -> memref<80x128xf32, #tpu.memory_space<hbm>>
      %dma_wait3A_384 = arith.constant 0 : i32
      %dma_wait3A_385 = arith.constant 0 : i32
      %dma_wait3A_386 = tpu.memref_slice %arg2[%dma_wait3A_384, %dma_wait3A_385] : memref<10240x128xf32, #tpu.memory_space<hbm>> -> memref<80x128xf32, #tpu.memory_space<hbm>>
      tpu.wait_dma2 semaphore(%arg19 : memref<!tpu.dma_semaphore, #tpu.memory_space<semaphore_mem>>) src(%dma_wait3A_386 : memref<80x128xf32, #tpu.memory_space<hbm>>) dst(%arg12 : memref<80x128xf32, #tpu.memory_space<vmem>>)
      %dma_start3A_387 = arith.constant 4 : i32
      %dma_start3A_388 = arith.constant 0 : i32
      %dma_start3A_389 = tpu.memref_slice %arg8[%dma_start3A_387, %dma_start3A_388] : memref<5x80xi32, #tpu.memory_space<vmem>> -> memref<1x80xi32, #tpu.memory_space<vmem>>
      %dma_start3A_390 = tpu.memref_squeeze %dma_start3A_389 : memref<1x80xi32, #tpu.memory_space<vmem>> -> memref<80xi32, #tpu.memory_space<vmem>>
      %dma_start3A_391 = arith.constant 0 : i32
      %dma_start3A_392 = arith.constant 0 : i32
      %dma_start3A_393 = tpu.memref_slice %arg14[%dma_start3A_391, %dma_start3A_392] : memref<10240x128xf32, #tpu.memory_space<vmem_shared>> -> memref<10240x128xf32, #tpu.memory_space<vmem_shared>>
      tpu.enqueue_indirect_dma source(%arg12 : memref<80x128xf32, #tpu.memory_space<vmem>>) target(%dma_start3A_393 : memref<10240x128xf32, #tpu.memory_space<vmem_shared>>) offsets(%dma_start3A_390 : memref<80xi32, #tpu.memory_space<vmem>>) semaphore(%arg22 : memref<!tpu.dma_semaphore, #tpu.memory_space<semaphore_mem>>) {add = true}
      %add3A_394 = arith.constant 5 : i32
      %add3A_395 = arith.addi %mul3A_222, %add3A_394 : i32
      %sub3A_396 = arith.constant 2 : i32
      %sub3A_397 = arith.subi %add3A_395, %sub3A_396 : i32
      %ge3A_398 = arith.constant 0 : i32
      %ge3A_399 = arith.cmpi sge, %sub3A_397, %ge3A_398 : i32
      %convert_element_type3A_400 = arith.extui %ge3A_399 : i1 to i32
      %cond3A_401 = arith.constant 0 : i32
      %cond3A_402 = arith.cmpi ne, %convert_element_type3A_400, %cond3A_401 : i32
      scf.if %cond3A_402 {
        %dma_wait3A_742 = arith.constant 0 : i32
        %dma_wait3A_743 = arith.constant 0 : i32
        %dma_wait3A_744 = tpu.memref_slice %arg2[%dma_wait3A_742, %dma_wait3A_743] : memref<10240x128xf32, #tpu.memory_space<hbm>> -> memref<80x128xf32, #tpu.memory_space<hbm>>
        %dma_wait3A_745 = arith.constant 0 : i32
        %dma_wait3A_746 = arith.constant 0 : i32
        %dma_wait3A_747 = tpu.memref_slice %arg2[%dma_wait3A_745, %dma_wait3A_746] : memref<10240x128xf32, #tpu.memory_space<hbm>> -> memref<80x128xf32, #tpu.memory_space<hbm>>
        tpu.wait_dma2 semaphore(%arg21 : memref<!tpu.dma_semaphore, #tpu.memory_space<semaphore_mem>>) src(%dma_wait3A_747 : memref<80x128xf32, #tpu.memory_space<hbm>>) dst(%arg11 : memref<80x128xf32, #tpu.memory_space<vmem>>)
      } else {
      }
      %dma_start3A_403 = arith.constant 1 : i32
      %dma_start3A_404 = arith.constant 0 : i32
      %dma_start3A_405 = tpu.memref_slice %arg6[%dma_start3A_403, %dma_start3A_404] : memref<5x80xi32, #tpu.memory_space<vmem>> -> memref<1x80xi32, #tpu.memory_space<vmem>>
      %dma_start3A_406 = tpu.memref_squeeze %dma_start3A_405 : memref<1x80xi32, #tpu.memory_space<vmem>> -> memref<80xi32, #tpu.memory_space<vmem>>
      %dma_start3A_407 = arith.constant 0 : i32
      %dma_start3A_408 = arith.constant 0 : i32
      %dma_start3A_409 = tpu.memref_slice %arg2[%dma_start3A_407, %dma_start3A_408] : memref<10240x128xf32, #tpu.memory_space<hbm>> -> memref<10240x128xf32, #tpu.memory_space<hbm>>
      tpu.enqueue_indirect_dma source(%dma_start3A_409 : memref<10240x128xf32, #tpu.memory_space<hbm>>) target(%arg11 : memref<80x128xf32, #tpu.memory_space<vmem>>) offsets(%dma_start3A_406 : memref<80xi32, #tpu.memory_space<vmem>>) semaphore(%arg18 : memref<!tpu.dma_semaphore, #tpu.memory_space<semaphore_mem>>)
      %dma_wait3A_410 = arith.constant 0 : i32
      %dma_wait3A_411 = arith.constant 0 : i32
      %dma_wait3A_412 = tpu.memref_slice %arg2[%dma_wait3A_410, %dma_wait3A_411] : memref<10240x128xf32, #tpu.memory_space<hbm>> -> memref<80x128xf32, #tpu.memory_space<hbm>>
      %dma_wait3A_413 = arith.constant 0 : i32
      %dma_wait3A_414 = arith.constant 0 : i32
      %dma_wait3A_415 = tpu.memref_slice %arg2[%dma_wait3A_413, %dma_wait3A_414] : memref<10240x128xf32, #tpu.memory_space<hbm>> -> memref<80x128xf32, #tpu.memory_space<hbm>>
      tpu.wait_dma2 semaphore(%arg20 : memref<!tpu.dma_semaphore, #tpu.memory_space<semaphore_mem>>) src(%dma_wait3A_415 : memref<80x128xf32, #tpu.memory_space<hbm>>) dst(%arg13 : memref<80x128xf32, #tpu.memory_space<vmem>>)
      %dma_start3A_416 = arith.constant 0 : i32
      %dma_start3A_417 = arith.constant 0 : i32
      %dma_start3A_418 = tpu.memref_slice %arg9[%dma_start3A_416, %dma_start3A_417] : memref<5x80xi32, #tpu.memory_space<vmem>> -> memref<1x80xi32, #tpu.memory_space<vmem>>
      %dma_start3A_419 = tpu.memref_squeeze %dma_start3A_418 : memref<1x80xi32, #tpu.memory_space<vmem>> -> memref<80xi32, #tpu.memory_space<vmem>>
      %dma_start3A_420 = arith.constant 0 : i32
      %dma_start3A_421 = arith.constant 0 : i32
      %dma_start3A_422 = tpu.memref_slice %arg14[%dma_start3A_420, %dma_start3A_421] : memref<10240x128xf32, #tpu.memory_space<vmem_shared>> -> memref<10240x128xf32, #tpu.memory_space<vmem_shared>>
      tpu.enqueue_indirect_dma source(%arg13 : memref<80x128xf32, #tpu.memory_space<vmem>>) target(%dma_start3A_422 : memref<10240x128xf32, #tpu.memory_space<vmem_shared>>) offsets(%dma_start3A_419 : memref<80xi32, #tpu.memory_space<vmem>>) semaphore(%arg23 : memref<!tpu.dma_semaphore, #tpu.memory_space<semaphore_mem>>) {add = true}
      %add3A_423 = arith.constant 6 : i32
      %add3A_424 = arith.addi %mul3A_222, %add3A_423 : i32
      %sub3A_425 = arith.constant 2 : i32
      %sub3A_426 = arith.subi %add3A_424, %sub3A_425 : i32
      %ge3A_427 = arith.constant 0 : i32
      %ge3A_428 = arith.cmpi sge, %sub3A_426, %ge3A_427 : i32
      %convert_element_type3A_429 = arith.extui %ge3A_428 : i1 to i32
      %cond3A_430 = arith.constant 0 : i32
      %cond3A_431 = arith.cmpi ne, %convert_element_type3A_429, %cond3A_430 : i32
      scf.if %cond3A_431 {
        %dma_wait3A_742 = arith.constant 0 : i32
        %dma_wait3A_743 = arith.constant 0 : i32
        %dma_wait3A_744 = tpu.memref_slice %arg2[%dma_wait3A_742, %dma_wait3A_743] : memref<10240x128xf32, #tpu.memory_space<hbm>> -> memref<80x128xf32, #tpu.memory_space<hbm>>
        %dma_wait3A_745 = arith.constant 0 : i32
        %dma_wait3A_746 = arith.constant 0 : i32
        %dma_wait3A_747 = tpu.memref_slice %arg2[%dma_wait3A_745, %dma_wait3A_746] : memref<10240x128xf32, #tpu.memory_space<hbm>> -> memref<80x128xf32, #tpu.memory_space<hbm>>
        tpu.wait_dma2 semaphore(%arg22 : memref<!tpu.dma_semaphore, #tpu.memory_space<semaphore_mem>>) src(%dma_wait3A_747 : memref<80x128xf32, #tpu.memory_space<hbm>>) dst(%arg12 : memref<80x128xf32, #tpu.memory_space<vmem>>)
      } else {
      }
      %dma_start3A_432 = arith.constant 2 : i32
      %dma_start3A_433 = arith.constant 0 : i32
      %dma_start3A_434 = tpu.memref_slice %arg6[%dma_start3A_432, %dma_start3A_433] : memref<5x80xi32, #tpu.memory_space<vmem>> -> memref<1x80xi32, #tpu.memory_space<vmem>>
      %dma_start3A_435 = tpu.memref_squeeze %dma_start3A_434 : memref<1x80xi32, #tpu.memory_space<vmem>> -> memref<80xi32, #tpu.memory_space<vmem>>
      %dma_start3A_436 = arith.constant 0 : i32
      %dma_start3A_437 = arith.constant 0 : i32
      %dma_start3A_438 = tpu.memref_slice %arg2[%dma_start3A_436, %dma_start3A_437] : memref<10240x128xf32, #tpu.memory_space<hbm>> -> memref<10240x128xf32, #tpu.memory_space<hbm>>
      tpu.enqueue_indirect_dma source(%dma_start3A_438 : memref<10240x128xf32, #tpu.memory_space<hbm>>) target(%arg12 : memref<80x128xf32, #tpu.memory_space<vmem>>) offsets(%dma_start3A_435 : memref<80xi32, #tpu.memory_space<vmem>>) semaphore(%arg19 : memref<!tpu.dma_semaphore, #tpu.memory_space<semaphore_mem>>)
      %dma_wait3A_439 = arith.constant 0 : i32
      %dma_wait3A_440 = arith.constant 0 : i32
      %dma_wait3A_441 = tpu.memref_slice %arg2[%dma_wait3A_439, %dma_wait3A_440] : memref<10240x128xf32, #tpu.memory_space<hbm>> -> memref<80x128xf32, #tpu.memory_space<hbm>>
      %dma_wait3A_442 = arith.constant 0 : i32
      %dma_wait3A_443 = arith.constant 0 : i32
      %dma_wait3A_444 = tpu.memref_slice %arg2[%dma_wait3A_442, %dma_wait3A_443] : memref<10240x128xf32, #tpu.memory_space<hbm>> -> memref<80x128xf32, #tpu.memory_space<hbm>>
      tpu.wait_dma2 semaphore(%arg18 : memref<!tpu.dma_semaphore, #tpu.memory_space<semaphore_mem>>) src(%dma_wait3A_444 : memref<80x128xf32, #tpu.memory_space<hbm>>) dst(%arg11 : memref<80x128xf32, #tpu.memory_space<vmem>>)
      %dma_start3A_445 = arith.constant 1 : i32
      %dma_start3A_446 = arith.constant 0 : i32
      %dma_start3A_447 = tpu.memref_slice %arg9[%dma_start3A_445, %dma_start3A_446] : memref<5x80xi32, #tpu.memory_space<vmem>> -> memref<1x80xi32, #tpu.memory_space<vmem>>
      %dma_start3A_448 = tpu.memref_squeeze %dma_start3A_447 : memref<1x80xi32, #tpu.memory_space<vmem>> -> memref<80xi32, #tpu.memory_space<vmem>>
      %dma_start3A_449 = arith.constant 0 : i32
      %dma_start3A_450 = arith.constant 0 : i32
      %dma_start3A_451 = tpu.memref_slice %arg14[%dma_start3A_449, %dma_start3A_450] : memref<10240x128xf32, #tpu.memory_space<vmem_shared>> -> memref<10240x128xf32, #tpu.memory_space<vmem_shared>>
      tpu.enqueue_indirect_dma source(%arg11 : memref<80x128xf32, #tpu.memory_space<vmem>>) target(%dma_start3A_451 : memref<10240x128xf32, #tpu.memory_space<vmem_shared>>) offsets(%dma_start3A_448 : memref<80xi32, #tpu.memory_space<vmem>>) semaphore(%arg21 : memref<!tpu.dma_semaphore, #tpu.memory_space<semaphore_mem>>) {add = true}
      %add3A_452 = arith.constant 7 : i32
      %add3A_453 = arith.addi %mul3A_222, %add3A_452 : i32
      %sub3A_454 = arith.constant 2 : i32
      %sub3A_455 = arith.subi %add3A_453, %sub3A_454 : i32
      %ge3A_456 = arith.constant 0 : i32
      %ge3A_457 = arith.cmpi sge, %sub3A_455, %ge3A_456 : i32
      %convert_element_type3A_458 = arith.extui %ge3A_457 : i1 to i32
      %cond3A_459 = arith.constant 0 : i32
      %cond3A_460 = arith.cmpi ne, %convert_element_type3A_458, %cond3A_459 : i32
      scf.if %cond3A_460 {
        %dma_wait3A_742 = arith.constant 0 : i32
        %dma_wait3A_743 = arith.constant 0 : i32
        %dma_wait3A_744 = tpu.memref_slice %arg2[%dma_wait3A_742, %dma_wait3A_743] : memref<10240x128xf32, #tpu.memory_space<hbm>> -> memref<80x128xf32, #tpu.memory_space<hbm>>
        %dma_wait3A_745 = arith.constant 0 : i32
        %dma_wait3A_746 = arith.constant 0 : i32
        %dma_wait3A_747 = tpu.memref_slice %arg2[%dma_wait3A_745, %dma_wait3A_746] : memref<10240x128xf32, #tpu.memory_space<hbm>> -> memref<80x128xf32, #tpu.memory_space<hbm>>
        tpu.wait_dma2 semaphore(%arg23 : memref<!tpu.dma_semaphore, #tpu.memory_space<semaphore_mem>>) src(%dma_wait3A_747 : memref<80x128xf32, #tpu.memory_space<hbm>>) dst(%arg13 : memref<80x128xf32, #tpu.memory_space<vmem>>)
      } else {
      }
      %add3A_461 = arith.constant 8 : i32
      %add3A_462 = arith.addi %add3A_453, %add3A_461 : i32
      %lt3A_463 = arith.constant 125 : i32
      %lt3A_464 = arith.cmpi slt, %add3A_462, %lt3A_463 : i32
      %convert_element_type3A_465 = arith.extui %lt3A_464 : i1 to i32
      %cond3A_466 = arith.constant 0 : i32
      %cond3A_467 = arith.cmpi ne, %convert_element_type3A_465, %cond3A_466 : i32
      scf.if %cond3A_467 {
        %add3A_742 = arith.constant 8 : i32
        %add3A_743 = arith.addi %add3A_453, %add3A_742 : i32
        %jit3A = arith.constant 5 : i32
        %div3A = arith.divsi %add3A_743, %jit3A : i32
        %sign3A = arith.constant 0 : i32
        %sign3A_744 = arith.cmpi sgt, %add3A_743, %sign3A : i32
        %sign3A_745 = arith.extui %sign3A_744 : i1 to i32
        %sign3A_746 = arith.constant 0 : i32
        %sign3A_747 = arith.cmpi slt, %add3A_743, %sign3A_746 : i32
        %sign3A_748 = arith.extui %sign3A_747 : i1 to i32
        %sign3A_749 = arith.subi %sign3A_745, %sign3A_748 : i32
        %sign3A_750 = arith.constant 0 : i32
        %sign3A_751 = arith.cmpi sgt, %jit3A, %sign3A_750 : i32
        %sign3A_752 = arith.extui %sign3A_751 : i1 to i32
        %sign3A_753 = arith.constant 0 : i32
        %sign3A_754 = arith.cmpi slt, %jit3A, %sign3A_753 : i32
        %sign3A_755 = arith.extui %sign3A_754 : i1 to i32
        %sign3A_756 = arith.subi %sign3A_752, %sign3A_755 : i32
        %ne3A = arith.cmpi ne, %sign3A_749, %sign3A_756 : i32
        %rem3A = arith.remsi %add3A_743, %jit3A : i32
        %ne3A_757 = arith.constant 0 : i32
        %ne3A_758 = arith.cmpi ne, %rem3A, %ne3A_757 : i32
        %and3A = arith.andi %ne3A, %ne3A_758 : i1
        %sub3A_759 = arith.constant 1 : i32
        %sub3A_760 = arith.subi %div3A, %sub3A_759 : i32
        %select_n3A = arith.select %and3A, %sub3A_760, %div3A : i32
        %dma_start3A_761 = arith.constant 0 : i32
        %dma_start3A_762 = arith.constant 0 : i32
        %dma_start3A_763 = arith.constant 0 : i32
        %dma_start3A_764 = tpu.memref_slice %arg3[%dma_start3A_761, %add3A, %select_n3A, %dma_start3A_762, %dma_start3A_763] : memref<2x32x25x5x80xi32, #tpu.memory_space<hbm>> -> memref<1x1x1x5x80xi32, #tpu.memory_space<hbm>>
        %dma_start3A_765 = tpu.memref_squeeze %dma_start3A_764 : memref<1x1x1x5x80xi32, #tpu.memory_space<hbm>> -> memref<5x80xi32, #tpu.memory_space<hbm>>
        %dma_start3A_766 = arith.constant 0 : i32
        %dma_start3A_767 = arith.constant 0 : i32
        %dma_start3A_768 = tpu.memref_slice %arg3[%dma_start3A_761, %add3A, %select_n3A, %dma_start3A_766, %dma_start3A_767] : memref<2x32x25x5x80xi32, #tpu.memory_space<hbm>> -> memref<1x1x1x5x80xi32, #tpu.memory_space<hbm>>
        %dma_start3A_769 = tpu.memref_squeeze %dma_start3A_768 : memref<1x1x1x5x80xi32, #tpu.memory_space<hbm>> -> memref<5x80xi32, #tpu.memory_space<hbm>>
        tpu.enqueue_dma source(%dma_start3A_769 : memref<5x80xi32, #tpu.memory_space<hbm>>) target(%arg5 : memref<5x80xi32, #tpu.memory_space<vmem>>) target_semaphore(%arg15 : memref<!tpu.dma_semaphore, #tpu.memory_space<semaphore_mem>>)
        %dma_start3A_770 = arith.constant 1 : i32
        %dma_start3A_771 = arith.constant 0 : i32
        %dma_start3A_772 = arith.constant 0 : i32
        %dma_start3A_773 = tpu.memref_slice %arg3[%dma_start3A_770, %add3A, %select_n3A, %dma_start3A_771, %dma_start3A_772] : memref<2x32x25x5x80xi32, #tpu.memory_space<hbm>> -> memref<1x1x1x5x80xi32, #tpu.memory_space<hbm>>
        %dma_start3A_774 = tpu.memref_squeeze %dma_start3A_773 : memref<1x1x1x5x80xi32, #tpu.memory_space<hbm>> -> memref<5x80xi32, #tpu.memory_space<hbm>>
        %dma_start3A_775 = arith.constant 0 : i32
        %dma_start3A_776 = arith.constant 0 : i32
        %dma_start3A_777 = tpu.memref_slice %arg3[%dma_start3A_770, %add3A, %select_n3A, %dma_start3A_775, %dma_start3A_776] : memref<2x32x25x5x80xi32, #tpu.memory_space<hbm>> -> memref<1x1x1x5x80xi32, #tpu.memory_space<hbm>>
        %dma_start3A_778 = tpu.memref_squeeze %dma_start3A_777 : memref<1x1x1x5x80xi32, #tpu.memory_space<hbm>> -> memref<5x80xi32, #tpu.memory_space<hbm>>
        tpu.enqueue_dma source(%dma_start3A_778 : memref<5x80xi32, #tpu.memory_space<hbm>>) target(%arg8 : memref<5x80xi32, #tpu.memory_space<vmem>>) target_semaphore(%arg15 : memref<!tpu.dma_semaphore, #tpu.memory_space<semaphore_mem>>)
      } else {
      }
      %dma_start3A_468 = arith.constant 3 : i32
      %dma_start3A_469 = arith.constant 0 : i32
      %dma_start3A_470 = tpu.memref_slice %arg6[%dma_start3A_468, %dma_start3A_469] : memref<5x80xi32, #tpu.memory_space<vmem>> -> memref<1x80xi32, #tpu.memory_space<vmem>>
      %dma_start3A_471 = tpu.memref_squeeze %dma_start3A_470 : memref<1x80xi32, #tpu.memory_space<vmem>> -> memref<80xi32, #tpu.memory_space<vmem>>
      %dma_start3A_472 = arith.constant 0 : i32
      %dma_start3A_473 = arith.constant 0 : i32
      %dma_start3A_474 = tpu.memref_slice %arg2[%dma_start3A_472, %dma_start3A_473] : memref<10240x128xf32, #tpu.memory_space<hbm>> -> memref<10240x128xf32, #tpu.memory_space<hbm>>
      tpu.enqueue_indirect_dma source(%dma_start3A_474 : memref<10240x128xf32, #tpu.memory_space<hbm>>) target(%arg13 : memref<80x128xf32, #tpu.memory_space<vmem>>) offsets(%dma_start3A_471 : memref<80xi32, #tpu.memory_space<vmem>>) semaphore(%arg20 : memref<!tpu.dma_semaphore, #tpu.memory_space<semaphore_mem>>)
      %dma_wait3A_475 = arith.constant 0 : i32
      %dma_wait3A_476 = arith.constant 0 : i32
      %dma_wait3A_477 = tpu.memref_slice %arg2[%dma_wait3A_475, %dma_wait3A_476] : memref<10240x128xf32, #tpu.memory_space<hbm>> -> memref<80x128xf32, #tpu.memory_space<hbm>>
      %dma_wait3A_478 = arith.constant 0 : i32
      %dma_wait3A_479 = arith.constant 0 : i32
      %dma_wait3A_480 = tpu.memref_slice %arg2[%dma_wait3A_478, %dma_wait3A_479] : memref<10240x128xf32, #tpu.memory_space<hbm>> -> memref<80x128xf32, #tpu.memory_space<hbm>>
      tpu.wait_dma2 semaphore(%arg19 : memref<!tpu.dma_semaphore, #tpu.memory_space<semaphore_mem>>) src(%dma_wait3A_480 : memref<80x128xf32, #tpu.memory_space<hbm>>) dst(%arg12 : memref<80x128xf32, #tpu.memory_space<vmem>>)
      %dma_start3A_481 = arith.constant 2 : i32
      %dma_start3A_482 = arith.constant 0 : i32
      %dma_start3A_483 = tpu.memref_slice %arg9[%dma_start3A_481, %dma_start3A_482] : memref<5x80xi32, #tpu.memory_space<vmem>> -> memref<1x80xi32, #tpu.memory_space<vmem>>
      %dma_start3A_484 = tpu.memref_squeeze %dma_start3A_483 : memref<1x80xi32, #tpu.memory_space<vmem>> -> memref<80xi32, #tpu.memory_space<vmem>>
      %dma_start3A_485 = arith.constant 0 : i32
      %dma_start3A_486 = arith.constant 0 : i32
      %dma_start3A_487 = tpu.memref_slice %arg14[%dma_start3A_485, %dma_start3A_486] : memref<10240x128xf32, #tpu.memory_space<vmem_shared>> -> memref<10240x128xf32, #tpu.memory_space<vmem_shared>>
      tpu.enqueue_indirect_dma source(%arg12 : memref<80x128xf32, #tpu.memory_space<vmem>>) target(%dma_start3A_487 : memref<10240x128xf32, #tpu.memory_space<vmem_shared>>) offsets(%dma_start3A_484 : memref<80xi32, #tpu.memory_space<vmem>>) semaphore(%arg22 : memref<!tpu.dma_semaphore, #tpu.memory_space<semaphore_mem>>) {add = true}
      %add3A_488 = arith.constant 8 : i32
      %add3A_489 = arith.addi %mul3A_222, %add3A_488 : i32
      %sub3A_490 = arith.constant 2 : i32
      %sub3A_491 = arith.subi %add3A_489, %sub3A_490 : i32
      %ge3A_492 = arith.constant 0 : i32
      %ge3A_493 = arith.cmpi sge, %sub3A_491, %ge3A_492 : i32
      %convert_element_type3A_494 = arith.extui %ge3A_493 : i1 to i32
      %cond3A_495 = arith.constant 0 : i32
      %cond3A_496 = arith.cmpi ne, %convert_element_type3A_494, %cond3A_495 : i32
      scf.if %cond3A_496 {
        %dma_wait3A_742 = arith.constant 0 : i32
        %dma_wait3A_743 = arith.constant 0 : i32
        %dma_wait3A_744 = tpu.memref_slice %arg2[%dma_wait3A_742, %dma_wait3A_743] : memref<10240x128xf32, #tpu.memory_space<hbm>> -> memref<80x128xf32, #tpu.memory_space<hbm>>
        %dma_wait3A_745 = arith.constant 0 : i32
        %dma_wait3A_746 = arith.constant 0 : i32
        %dma_wait3A_747 = tpu.memref_slice %arg2[%dma_wait3A_745, %dma_wait3A_746] : memref<10240x128xf32, #tpu.memory_space<hbm>> -> memref<80x128xf32, #tpu.memory_space<hbm>>
        tpu.wait_dma2 semaphore(%arg21 : memref<!tpu.dma_semaphore, #tpu.memory_space<semaphore_mem>>) src(%dma_wait3A_747 : memref<80x128xf32, #tpu.memory_space<hbm>>) dst(%arg11 : memref<80x128xf32, #tpu.memory_space<vmem>>)
      } else {
      }
      %dma_start3A_497 = arith.constant 4 : i32
      %dma_start3A_498 = arith.constant 0 : i32
      %dma_start3A_499 = tpu.memref_slice %arg6[%dma_start3A_497, %dma_start3A_498] : memref<5x80xi32, #tpu.memory_space<vmem>> -> memref<1x80xi32, #tpu.memory_space<vmem>>
      %dma_start3A_500 = tpu.memref_squeeze %dma_start3A_499 : memref<1x80xi32, #tpu.memory_space<vmem>> -> memref<80xi32, #tpu.memory_space<vmem>>
      %dma_start3A_501 = arith.constant 0 : i32
      %dma_start3A_502 = arith.constant 0 : i32
      %dma_start3A_503 = tpu.memref_slice %arg2[%dma_start3A_501, %dma_start3A_502] : memref<10240x128xf32, #tpu.memory_space<hbm>> -> memref<10240x128xf32, #tpu.memory_space<hbm>>
      tpu.enqueue_indirect_dma source(%dma_start3A_503 : memref<10240x128xf32, #tpu.memory_space<hbm>>) target(%arg11 : memref<80x128xf32, #tpu.memory_space<vmem>>) offsets(%dma_start3A_500 : memref<80xi32, #tpu.memory_space<vmem>>) semaphore(%arg18 : memref<!tpu.dma_semaphore, #tpu.memory_space<semaphore_mem>>)
      %dma_wait3A_504 = arith.constant 0 : i32
      %dma_wait3A_505 = arith.constant 0 : i32
      %dma_wait3A_506 = tpu.memref_slice %arg2[%dma_wait3A_504, %dma_wait3A_505] : memref<10240x128xf32, #tpu.memory_space<hbm>> -> memref<80x128xf32, #tpu.memory_space<hbm>>
      %dma_wait3A_507 = arith.constant 0 : i32
      %dma_wait3A_508 = arith.constant 0 : i32
      %dma_wait3A_509 = tpu.memref_slice %arg2[%dma_wait3A_507, %dma_wait3A_508] : memref<10240x128xf32, #tpu.memory_space<hbm>> -> memref<80x128xf32, #tpu.memory_space<hbm>>
      tpu.wait_dma2 semaphore(%arg20 : memref<!tpu.dma_semaphore, #tpu.memory_space<semaphore_mem>>) src(%dma_wait3A_509 : memref<80x128xf32, #tpu.memory_space<hbm>>) dst(%arg13 : memref<80x128xf32, #tpu.memory_space<vmem>>)
      %dma_start3A_510 = arith.constant 3 : i32
      %dma_start3A_511 = arith.constant 0 : i32
      %dma_start3A_512 = tpu.memref_slice %arg9[%dma_start3A_510, %dma_start3A_511] : memref<5x80xi32, #tpu.memory_space<vmem>> -> memref<1x80xi32, #tpu.memory_space<vmem>>
      %dma_start3A_513 = tpu.memref_squeeze %dma_start3A_512 : memref<1x80xi32, #tpu.memory_space<vmem>> -> memref<80xi32, #tpu.memory_space<vmem>>
      %dma_start3A_514 = arith.constant 0 : i32
      %dma_start3A_515 = arith.constant 0 : i32
      %dma_start3A_516 = tpu.memref_slice %arg14[%dma_start3A_514, %dma_start3A_515] : memref<10240x128xf32, #tpu.memory_space<vmem_shared>> -> memref<10240x128xf32, #tpu.memory_space<vmem_shared>>
      tpu.enqueue_indirect_dma source(%arg13 : memref<80x128xf32, #tpu.memory_space<vmem>>) target(%dma_start3A_516 : memref<10240x128xf32, #tpu.memory_space<vmem_shared>>) offsets(%dma_start3A_513 : memref<80xi32, #tpu.memory_space<vmem>>) semaphore(%arg23 : memref<!tpu.dma_semaphore, #tpu.memory_space<semaphore_mem>>) {add = true}
      %add3A_517 = arith.constant 9 : i32
      %add3A_518 = arith.addi %mul3A_222, %add3A_517 : i32
      %sub3A_519 = arith.constant 2 : i32
      %sub3A_520 = arith.subi %add3A_518, %sub3A_519 : i32
      %ge3A_521 = arith.constant 0 : i32
      %ge3A_522 = arith.cmpi sge, %sub3A_520, %ge3A_521 : i32
      %convert_element_type3A_523 = arith.extui %ge3A_522 : i1 to i32
      %cond3A_524 = arith.constant 0 : i32
      %cond3A_525 = arith.cmpi ne, %convert_element_type3A_523, %cond3A_524 : i32
      scf.if %cond3A_525 {
        %dma_wait3A_742 = arith.constant 0 : i32
        %dma_wait3A_743 = arith.constant 0 : i32
        %dma_wait3A_744 = tpu.memref_slice %arg2[%dma_wait3A_742, %dma_wait3A_743] : memref<10240x128xf32, #tpu.memory_space<hbm>> -> memref<80x128xf32, #tpu.memory_space<hbm>>
        %dma_wait3A_745 = arith.constant 0 : i32
        %dma_wait3A_746 = arith.constant 0 : i32
        %dma_wait3A_747 = tpu.memref_slice %arg2[%dma_wait3A_745, %dma_wait3A_746] : memref<10240x128xf32, #tpu.memory_space<hbm>> -> memref<80x128xf32, #tpu.memory_space<hbm>>
        tpu.wait_dma2 semaphore(%arg22 : memref<!tpu.dma_semaphore, #tpu.memory_space<semaphore_mem>>) src(%dma_wait3A_747 : memref<80x128xf32, #tpu.memory_space<hbm>>) dst(%arg12 : memref<80x128xf32, #tpu.memory_space<vmem>>)
      } else {
      }
      %dma_wait3A_526 = arith.constant 0 : i32
      %dma_wait3A_527 = arith.constant 0 : i32
      %dma_wait3A_528 = arith.constant 0 : i32
      %dma_wait3A_529 = arith.constant 0 : i32
      %dma_wait3A_530 = arith.constant 0 : i32
      %dma_wait3A_531 = tpu.memref_slice %arg3[%dma_wait3A_526, %dma_wait3A_527, %dma_wait3A_528, %dma_wait3A_529, %dma_wait3A_530] : memref<2x32x25x5x80xi32, #tpu.memory_space<hbm>> -> memref<1x1x1x5x80xi32, #tpu.memory_space<hbm>>
      %dma_wait3A_532 = tpu.memref_squeeze %dma_wait3A_531 : memref<1x1x1x5x80xi32, #tpu.memory_space<hbm>> -> memref<5x80xi32, #tpu.memory_space<hbm>>
      %dma_wait3A_533 = arith.constant 0 : i32
      %dma_wait3A_534 = arith.constant 0 : i32
      %dma_wait3A_535 = tpu.memref_slice %arg3[%dma_wait3A_526, %dma_wait3A_527, %dma_wait3A_528, %dma_wait3A_533, %dma_wait3A_534] : memref<2x32x25x5x80xi32, #tpu.memory_space<hbm>> -> memref<1x1x1x5x80xi32, #tpu.memory_space<hbm>>
      %dma_wait3A_536 = tpu.memref_squeeze %dma_wait3A_535 : memref<1x1x1x5x80xi32, #tpu.memory_space<hbm>> -> memref<5x80xi32, #tpu.memory_space<hbm>>
      tpu.wait_dma2 semaphore(%arg17 : memref<!tpu.dma_semaphore, #tpu.memory_space<semaphore_mem>>) src(%dma_wait3A_536 : memref<5x80xi32, #tpu.memory_space<hbm>>) dst(%arg7 : memref<5x80xi32, #tpu.memory_space<vmem>>)
      %dma_wait3A_537 = arith.constant 0 : i32
      %dma_wait3A_538 = arith.constant 0 : i32
      %dma_wait3A_539 = arith.constant 0 : i32
      %dma_wait3A_540 = arith.constant 0 : i32
      %dma_wait3A_541 = arith.constant 0 : i32
      %dma_wait3A_542 = tpu.memref_slice %arg3[%dma_wait3A_537, %dma_wait3A_538, %dma_wait3A_539, %dma_wait3A_540, %dma_wait3A_541] : memref<2x32x25x5x80xi32, #tpu.memory_space<hbm>> -> memref<1x1x1x5x80xi32, #tpu.memory_space<hbm>>
      %dma_wait3A_543 = tpu.memref_squeeze %dma_wait3A_542 : memref<1x1x1x5x80xi32, #tpu.memory_space<hbm>> -> memref<5x80xi32, #tpu.memory_space<hbm>>
      %dma_wait3A_544 = arith.constant 0 : i32
      %dma_wait3A_545 = arith.constant 0 : i32
      %dma_wait3A_546 = tpu.memref_slice %arg3[%dma_wait3A_537, %dma_wait3A_538, %dma_wait3A_539, %dma_wait3A_544, %dma_wait3A_545] : memref<2x32x25x5x80xi32, #tpu.memory_space<hbm>> -> memref<1x1x1x5x80xi32, #tpu.memory_space<hbm>>
      %dma_wait3A_547 = tpu.memref_squeeze %dma_wait3A_546 : memref<1x1x1x5x80xi32, #tpu.memory_space<hbm>> -> memref<5x80xi32, #tpu.memory_space<hbm>>
      tpu.wait_dma2 semaphore(%arg17 : memref<!tpu.dma_semaphore, #tpu.memory_space<semaphore_mem>>) src(%dma_wait3A_547 : memref<5x80xi32, #tpu.memory_space<hbm>>) dst(%arg10 : memref<5x80xi32, #tpu.memory_space<vmem>>)
      %dma_start3A_548 = arith.constant 0 : i32
      %dma_start3A_549 = arith.constant 0 : i32
      %dma_start3A_550 = tpu.memref_slice %arg7[%dma_start3A_548, %dma_start3A_549] : memref<5x80xi32, #tpu.memory_space<vmem>> -> memref<1x80xi32, #tpu.memory_space<vmem>>
      %dma_start3A_551 = tpu.memref_squeeze %dma_start3A_550 : memref<1x80xi32, #tpu.memory_space<vmem>> -> memref<80xi32, #tpu.memory_space<vmem>>
      %dma_start3A_552 = arith.constant 0 : i32
      %dma_start3A_553 = arith.constant 0 : i32
      %dma_start3A_554 = tpu.memref_slice %arg2[%dma_start3A_552, %dma_start3A_553] : memref<10240x128xf32, #tpu.memory_space<hbm>> -> memref<10240x128xf32, #tpu.memory_space<hbm>>
      tpu.enqueue_indirect_dma source(%dma_start3A_554 : memref<10240x128xf32, #tpu.memory_space<hbm>>) target(%arg12 : memref<80x128xf32, #tpu.memory_space<vmem>>) offsets(%dma_start3A_551 : memref<80xi32, #tpu.memory_space<vmem>>) semaphore(%arg19 : memref<!tpu.dma_semaphore, #tpu.memory_space<semaphore_mem>>)
      %dma_wait3A_555 = arith.constant 0 : i32
      %dma_wait3A_556 = arith.constant 0 : i32
      %dma_wait3A_557 = tpu.memref_slice %arg2[%dma_wait3A_555, %dma_wait3A_556] : memref<10240x128xf32, #tpu.memory_space<hbm>> -> memref<80x128xf32, #tpu.memory_space<hbm>>
      %dma_wait3A_558 = arith.constant 0 : i32
      %dma_wait3A_559 = arith.constant 0 : i32
      %dma_wait3A_560 = tpu.memref_slice %arg2[%dma_wait3A_558, %dma_wait3A_559] : memref<10240x128xf32, #tpu.memory_space<hbm>> -> memref<80x128xf32, #tpu.memory_space<hbm>>
      tpu.wait_dma2 semaphore(%arg18 : memref<!tpu.dma_semaphore, #tpu.memory_space<semaphore_mem>>) src(%dma_wait3A_560 : memref<80x128xf32, #tpu.memory_space<hbm>>) dst(%arg11 : memref<80x128xf32, #tpu.memory_space<vmem>>)
      %dma_start3A_561 = arith.constant 4 : i32
      %dma_start3A_562 = arith.constant 0 : i32
      %dma_start3A_563 = tpu.memref_slice %arg9[%dma_start3A_561, %dma_start3A_562] : memref<5x80xi32, #tpu.memory_space<vmem>> -> memref<1x80xi32, #tpu.memory_space<vmem>>
      %dma_start3A_564 = tpu.memref_squeeze %dma_start3A_563 : memref<1x80xi32, #tpu.memory_space<vmem>> -> memref<80xi32, #tpu.memory_space<vmem>>
      %dma_start3A_565 = arith.constant 0 : i32
      %dma_start3A_566 = arith.constant 0 : i32
      %dma_start3A_567 = tpu.memref_slice %arg14[%dma_start3A_565, %dma_start3A_566] : memref<10240x128xf32, #tpu.memory_space<vmem_shared>> -> memref<10240x128xf32, #tpu.memory_space<vmem_shared>>
      tpu.enqueue_indirect_dma source(%arg11 : memref<80x128xf32, #tpu.memory_space<vmem>>) target(%dma_start3A_567 : memref<10240x128xf32, #tpu.memory_space<vmem_shared>>) offsets(%dma_start3A_564 : memref<80xi32, #tpu.memory_space<vmem>>) semaphore(%arg21 : memref<!tpu.dma_semaphore, #tpu.memory_space<semaphore_mem>>) {add = true}
      %add3A_568 = arith.constant 10 : i32
      %add3A_569 = arith.addi %mul3A_222, %add3A_568 : i32
      %sub3A_570 = arith.constant 2 : i32
      %sub3A_571 = arith.subi %add3A_569, %sub3A_570 : i32
      %ge3A_572 = arith.constant 0 : i32
      %ge3A_573 = arith.cmpi sge, %sub3A_571, %ge3A_572 : i32
      %convert_element_type3A_574 = arith.extui %ge3A_573 : i1 to i32
      %cond3A_575 = arith.constant 0 : i32
      %cond3A_576 = arith.cmpi ne, %convert_element_type3A_574, %cond3A_575 : i32
      scf.if %cond3A_576 {
        %dma_wait3A_742 = arith.constant 0 : i32
        %dma_wait3A_743 = arith.constant 0 : i32
        %dma_wait3A_744 = tpu.memref_slice %arg2[%dma_wait3A_742, %dma_wait3A_743] : memref<10240x128xf32, #tpu.memory_space<hbm>> -> memref<80x128xf32, #tpu.memory_space<hbm>>
        %dma_wait3A_745 = arith.constant 0 : i32
        %dma_wait3A_746 = arith.constant 0 : i32
        %dma_wait3A_747 = tpu.memref_slice %arg2[%dma_wait3A_745, %dma_wait3A_746] : memref<10240x128xf32, #tpu.memory_space<hbm>> -> memref<80x128xf32, #tpu.memory_space<hbm>>
        tpu.wait_dma2 semaphore(%arg23 : memref<!tpu.dma_semaphore, #tpu.memory_space<semaphore_mem>>) src(%dma_wait3A_747 : memref<80x128xf32, #tpu.memory_space<hbm>>) dst(%arg13 : memref<80x128xf32, #tpu.memory_space<vmem>>)
      } else {
      }
      %dma_start3A_577 = arith.constant 1 : i32
      %dma_start3A_578 = arith.constant 0 : i32
      %dma_start3A_579 = tpu.memref_slice %arg7[%dma_start3A_577, %dma_start3A_578] : memref<5x80xi32, #tpu.memory_space<vmem>> -> memref<1x80xi32, #tpu.memory_space<vmem>>
      %dma_start3A_580 = tpu.memref_squeeze %dma_start3A_579 : memref<1x80xi32, #tpu.memory_space<vmem>> -> memref<80xi32, #tpu.memory_space<vmem>>
      %dma_start3A_581 = arith.constant 0 : i32
      %dma_start3A_582 = arith.constant 0 : i32
      %dma_start3A_583 = tpu.memref_slice %arg2[%dma_start3A_581, %dma_start3A_582] : memref<10240x128xf32, #tpu.memory_space<hbm>> -> memref<10240x128xf32, #tpu.memory_space<hbm>>
      tpu.enqueue_indirect_dma source(%dma_start3A_583 : memref<10240x128xf32, #tpu.memory_space<hbm>>) target(%arg13 : memref<80x128xf32, #tpu.memory_space<vmem>>) offsets(%dma_start3A_580 : memref<80xi32, #tpu.memory_space<vmem>>) semaphore(%arg20 : memref<!tpu.dma_semaphore, #tpu.memory_space<semaphore_mem>>)
      %dma_wait3A_584 = arith.constant 0 : i32
      %dma_wait3A_585 = arith.constant 0 : i32
      %dma_wait3A_586 = tpu.memref_slice %arg2[%dma_wait3A_584, %dma_wait3A_585] : memref<10240x128xf32, #tpu.memory_space<hbm>> -> memref<80x128xf32, #tpu.memory_space<hbm>>
      %dma_wait3A_587 = arith.constant 0 : i32
      %dma_wait3A_588 = arith.constant 0 : i32
      %dma_wait3A_589 = tpu.memref_slice %arg2[%dma_wait3A_587, %dma_wait3A_588] : memref<10240x128xf32, #tpu.memory_space<hbm>> -> memref<80x128xf32, #tpu.memory_space<hbm>>
      tpu.wait_dma2 semaphore(%arg19 : memref<!tpu.dma_semaphore, #tpu.memory_space<semaphore_mem>>) src(%dma_wait3A_589 : memref<80x128xf32, #tpu.memory_space<hbm>>) dst(%arg12 : memref<80x128xf32, #tpu.memory_space<vmem>>)
      %dma_start3A_590 = arith.constant 0 : i32
      %dma_start3A_591 = arith.constant 0 : i32
      %dma_start3A_592 = tpu.memref_slice %arg10[%dma_start3A_590, %dma_start3A_591] : memref<5x80xi32, #tpu.memory_space<vmem>> -> memref<1x80xi32, #tpu.memory_space<vmem>>
      %dma_start3A_593 = tpu.memref_squeeze %dma_start3A_592 : memref<1x80xi32, #tpu.memory_space<vmem>> -> memref<80xi32, #tpu.memory_space<vmem>>
      %dma_start3A_594 = arith.constant 0 : i32
      %dma_start3A_595 = arith.constant 0 : i32
      %dma_start3A_596 = tpu.memref_slice %arg14[%dma_start3A_594, %dma_start3A_595] : memref<10240x128xf32, #tpu.memory_space<vmem_shared>> -> memref<10240x128xf32, #tpu.memory_space<vmem_shared>>
      tpu.enqueue_indirect_dma source(%arg12 : memref<80x128xf32, #tpu.memory_space<vmem>>) target(%dma_start3A_596 : memref<10240x128xf32, #tpu.memory_space<vmem_shared>>) offsets(%dma_start3A_593 : memref<80xi32, #tpu.memory_space<vmem>>) semaphore(%arg22 : memref<!tpu.dma_semaphore, #tpu.memory_space<semaphore_mem>>) {add = true}
      %add3A_597 = arith.constant 11 : i32
      %add3A_598 = arith.addi %mul3A_222, %add3A_597 : i32
      %sub3A_599 = arith.constant 2 : i32
      %sub3A_600 = arith.subi %add3A_598, %sub3A_599 : i32
      %ge3A_601 = arith.constant 0 : i32
      %ge3A_602 = arith.cmpi sge, %sub3A_600, %ge3A_601 : i32
      %convert_element_type3A_603 = arith.extui %ge3A_602 : i1 to i32
      %cond3A_604 = arith.constant 0 : i32
      %cond3A_605 = arith.cmpi ne, %convert_element_type3A_603, %cond3A_604 : i32
      scf.if %cond3A_605 {
        %dma_wait3A_742 = arith.constant 0 : i32
        %dma_wait3A_743 = arith.constant 0 : i32
        %dma_wait3A_744 = tpu.memref_slice %arg2[%dma_wait3A_742, %dma_wait3A_743] : memref<10240x128xf32, #tpu.memory_space<hbm>> -> memref<80x128xf32, #tpu.memory_space<hbm>>
        %dma_wait3A_745 = arith.constant 0 : i32
        %dma_wait3A_746 = arith.constant 0 : i32
        %dma_wait3A_747 = tpu.memref_slice %arg2[%dma_wait3A_745, %dma_wait3A_746] : memref<10240x128xf32, #tpu.memory_space<hbm>> -> memref<80x128xf32, #tpu.memory_space<hbm>>
        tpu.wait_dma2 semaphore(%arg21 : memref<!tpu.dma_semaphore, #tpu.memory_space<semaphore_mem>>) src(%dma_wait3A_747 : memref<80x128xf32, #tpu.memory_space<hbm>>) dst(%arg11 : memref<80x128xf32, #tpu.memory_space<vmem>>)
      } else {
      }
      %dma_start3A_606 = arith.constant 2 : i32
      %dma_start3A_607 = arith.constant 0 : i32
      %dma_start3A_608 = tpu.memref_slice %arg7[%dma_start3A_606, %dma_start3A_607] : memref<5x80xi32, #tpu.memory_space<vmem>> -> memref<1x80xi32, #tpu.memory_space<vmem>>
      %dma_start3A_609 = tpu.memref_squeeze %dma_start3A_608 : memref<1x80xi32, #tpu.memory_space<vmem>> -> memref<80xi32, #tpu.memory_space<vmem>>
      %dma_start3A_610 = arith.constant 0 : i32
      %dma_start3A_611 = arith.constant 0 : i32
      %dma_start3A_612 = tpu.memref_slice %arg2[%dma_start3A_610, %dma_start3A_611] : memref<10240x128xf32, #tpu.memory_space<hbm>> -> memref<10240x128xf32, #tpu.memory_space<hbm>>
      tpu.enqueue_indirect_dma source(%dma_start3A_612 : memref<10240x128xf32, #tpu.memory_space<hbm>>) target(%arg11 : memref<80x128xf32, #tpu.memory_space<vmem>>) offsets(%dma_start3A_609 : memref<80xi32, #tpu.memory_space<vmem>>) semaphore(%arg18 : memref<!tpu.dma_semaphore, #tpu.memory_space<semaphore_mem>>)
      %dma_wait3A_613 = arith.constant 0 : i32
      %dma_wait3A_614 = arith.constant 0 : i32
      %dma_wait3A_615 = tpu.memref_slice %arg2[%dma_wait3A_613, %dma_wait3A_614] : memref<10240x128xf32, #tpu.memory_space<hbm>> -> memref<80x128xf32, #tpu.memory_space<hbm>>
      %dma_wait3A_616 = arith.constant 0 : i32
      %dma_wait3A_617 = arith.constant 0 : i32
      %dma_wait3A_618 = tpu.memref_slice %arg2[%dma_wait3A_616, %dma_wait3A_617] : memref<10240x128xf32, #tpu.memory_space<hbm>> -> memref<80x128xf32, #tpu.memory_space<hbm>>
      tpu.wait_dma2 semaphore(%arg20 : memref<!tpu.dma_semaphore, #tpu.memory_space<semaphore_mem>>) src(%dma_wait3A_618 : memref<80x128xf32, #tpu.memory_space<hbm>>) dst(%arg13 : memref<80x128xf32, #tpu.memory_space<vmem>>)
      %dma_start3A_619 = arith.constant 1 : i32
      %dma_start3A_620 = arith.constant 0 : i32
      %dma_start3A_621 = tpu.memref_slice %arg10[%dma_start3A_619, %dma_start3A_620] : memref<5x80xi32, #tpu.memory_space<vmem>> -> memref<1x80xi32, #tpu.memory_space<vmem>>
      %dma_start3A_622 = tpu.memref_squeeze %dma_start3A_621 : memref<1x80xi32, #tpu.memory_space<vmem>> -> memref<80xi32, #tpu.memory_space<vmem>>
      %dma_start3A_623 = arith.constant 0 : i32
      %dma_start3A_624 = arith.constant 0 : i32
      %dma_start3A_625 = tpu.memref_slice %arg14[%dma_start3A_623, %dma_start3A_624] : memref<10240x128xf32, #tpu.memory_space<vmem_shared>> -> memref<10240x128xf32, #tpu.memory_space<vmem_shared>>
      tpu.enqueue_indirect_dma source(%arg13 : memref<80x128xf32, #tpu.memory_space<vmem>>) target(%dma_start3A_625 : memref<10240x128xf32, #tpu.memory_space<vmem_shared>>) offsets(%dma_start3A_622 : memref<80xi32, #tpu.memory_space<vmem>>) semaphore(%arg23 : memref<!tpu.dma_semaphore, #tpu.memory_space<semaphore_mem>>) {add = true}
      %add3A_626 = arith.constant 12 : i32
      %add3A_627 = arith.addi %mul3A_222, %add3A_626 : i32
      %sub3A_628 = arith.constant 2 : i32
      %sub3A_629 = arith.subi %add3A_627, %sub3A_628 : i32
      %ge3A_630 = arith.constant 0 : i32
      %ge3A_631 = arith.cmpi sge, %sub3A_629, %ge3A_630 : i32
      %convert_element_type3A_632 = arith.extui %ge3A_631 : i1 to i32
      %cond3A_633 = arith.constant 0 : i32
      %cond3A_634 = arith.cmpi ne, %convert_element_type3A_632, %cond3A_633 : i32
      scf.if %cond3A_634 {
        %dma_wait3A_742 = arith.constant 0 : i32
        %dma_wait3A_743 = arith.constant 0 : i32
        %dma_wait3A_744 = tpu.memref_slice %arg2[%dma_wait3A_742, %dma_wait3A_743] : memref<10240x128xf32, #tpu.memory_space<hbm>> -> memref<80x128xf32, #tpu.memory_space<hbm>>
        %dma_wait3A_745 = arith.constant 0 : i32
        %dma_wait3A_746 = arith.constant 0 : i32
        %dma_wait3A_747 = tpu.memref_slice %arg2[%dma_wait3A_745, %dma_wait3A_746] : memref<10240x128xf32, #tpu.memory_space<hbm>> -> memref<80x128xf32, #tpu.memory_space<hbm>>
        tpu.wait_dma2 semaphore(%arg22 : memref<!tpu.dma_semaphore, #tpu.memory_space<semaphore_mem>>) src(%dma_wait3A_747 : memref<80x128xf32, #tpu.memory_space<hbm>>) dst(%arg12 : memref<80x128xf32, #tpu.memory_space<vmem>>)
      } else {
      }
      %add3A_635 = arith.constant 8 : i32
      %add3A_636 = arith.addi %add3A_627, %add3A_635 : i32
      %lt3A_637 = arith.constant 125 : i32
      %lt3A_638 = arith.cmpi slt, %add3A_636, %lt3A_637 : i32
      %convert_element_type3A_639 = arith.extui %lt3A_638 : i1 to i32
      %cond3A_640 = arith.constant 0 : i32
      %cond3A_641 = arith.cmpi ne, %convert_element_type3A_639, %cond3A_640 : i32
      scf.if %cond3A_641 {
        %add3A_742 = arith.constant 8 : i32
        %add3A_743 = arith.addi %add3A_627, %add3A_742 : i32
        %jit3A = arith.constant 5 : i32
        %div3A = arith.divsi %add3A_743, %jit3A : i32
        %sign3A = arith.constant 0 : i32
        %sign3A_744 = arith.cmpi sgt, %add3A_743, %sign3A : i32
        %sign3A_745 = arith.extui %sign3A_744 : i1 to i32
        %sign3A_746 = arith.constant 0 : i32
        %sign3A_747 = arith.cmpi slt, %add3A_743, %sign3A_746 : i32
        %sign3A_748 = arith.extui %sign3A_747 : i1 to i32
        %sign3A_749 = arith.subi %sign3A_745, %sign3A_748 : i32
        %sign3A_750 = arith.constant 0 : i32
        %sign3A_751 = arith.cmpi sgt, %jit3A, %sign3A_750 : i32
        %sign3A_752 = arith.extui %sign3A_751 : i1 to i32
        %sign3A_753 = arith.constant 0 : i32
        %sign3A_754 = arith.cmpi slt, %jit3A, %sign3A_753 : i32
        %sign3A_755 = arith.extui %sign3A_754 : i1 to i32
        %sign3A_756 = arith.subi %sign3A_752, %sign3A_755 : i32
        %ne3A = arith.cmpi ne, %sign3A_749, %sign3A_756 : i32
        %rem3A = arith.remsi %add3A_743, %jit3A : i32
        %ne3A_757 = arith.constant 0 : i32
        %ne3A_758 = arith.cmpi ne, %rem3A, %ne3A_757 : i32
        %and3A = arith.andi %ne3A, %ne3A_758 : i1
        %sub3A_759 = arith.constant 1 : i32
        %sub3A_760 = arith.subi %div3A, %sub3A_759 : i32
        %select_n3A = arith.select %and3A, %sub3A_760, %div3A : i32
        %dma_start3A_761 = arith.constant 0 : i32
        %dma_start3A_762 = arith.constant 0 : i32
        %dma_start3A_763 = arith.constant 0 : i32
        %dma_start3A_764 = tpu.memref_slice %arg3[%dma_start3A_761, %add3A, %select_n3A, %dma_start3A_762, %dma_start3A_763] : memref<2x32x25x5x80xi32, #tpu.memory_space<hbm>> -> memref<1x1x1x5x80xi32, #tpu.memory_space<hbm>>
        %dma_start3A_765 = tpu.memref_squeeze %dma_start3A_764 : memref<1x1x1x5x80xi32, #tpu.memory_space<hbm>> -> memref<5x80xi32, #tpu.memory_space<hbm>>
        %dma_start3A_766 = arith.constant 0 : i32
        %dma_start3A_767 = arith.constant 0 : i32
        %dma_start3A_768 = tpu.memref_slice %arg3[%dma_start3A_761, %add3A, %select_n3A, %dma_start3A_766, %dma_start3A_767] : memref<2x32x25x5x80xi32, #tpu.memory_space<hbm>> -> memref<1x1x1x5x80xi32, #tpu.memory_space<hbm>>
        %dma_start3A_769 = tpu.memref_squeeze %dma_start3A_768 : memref<1x1x1x5x80xi32, #tpu.memory_space<hbm>> -> memref<5x80xi32, #tpu.memory_space<hbm>>
        tpu.enqueue_dma source(%dma_start3A_769 : memref<5x80xi32, #tpu.memory_space<hbm>>) target(%arg6 : memref<5x80xi32, #tpu.memory_space<vmem>>) target_semaphore(%arg16 : memref<!tpu.dma_semaphore, #tpu.memory_space<semaphore_mem>>)
        %dma_start3A_770 = arith.constant 1 : i32
        %dma_start3A_771 = arith.constant 0 : i32
        %dma_start3A_772 = arith.constant 0 : i32
        %dma_start3A_773 = tpu.memref_slice %arg3[%dma_start3A_770, %add3A, %select_n3A, %dma_start3A_771, %dma_start3A_772] : memref<2x32x25x5x80xi32, #tpu.memory_space<hbm>> -> memref<1x1x1x5x80xi32, #tpu.memory_space<hbm>>
        %dma_start3A_774 = tpu.memref_squeeze %dma_start3A_773 : memref<1x1x1x5x80xi32, #tpu.memory_space<hbm>> -> memref<5x80xi32, #tpu.memory_space<hbm>>
        %dma_start3A_775 = arith.constant 0 : i32
        %dma_start3A_776 = arith.constant 0 : i32
        %dma_start3A_777 = tpu.memref_slice %arg3[%dma_start3A_770, %add3A, %select_n3A, %dma_start3A_775, %dma_start3A_776] : memref<2x32x25x5x80xi32, #tpu.memory_space<hbm>> -> memref<1x1x1x5x80xi32, #tpu.memory_space<hbm>>
        %dma_start3A_778 = tpu.memref_squeeze %dma_start3A_777 : memref<1x1x1x5x80xi32, #tpu.memory_space<hbm>> -> memref<5x80xi32, #tpu.memory_space<hbm>>
        tpu.enqueue_dma source(%dma_start3A_778 : memref<5x80xi32, #tpu.memory_space<hbm>>) target(%arg9 : memref<5x80xi32, #tpu.memory_space<vmem>>) target_semaphore(%arg16 : memref<!tpu.dma_semaphore, #tpu.memory_space<semaphore_mem>>)
      } else {
      }
      %dma_start3A_642 = arith.constant 3 : i32
      %dma_start3A_643 = arith.constant 0 : i32
      %dma_start3A_644 = tpu.memref_slice %arg7[%dma_start3A_642, %dma_start3A_643] : memref<5x80xi32, #tpu.memory_space<vmem>> -> memref<1x80xi32, #tpu.memory_space<vmem>>
      %dma_start3A_645 = tpu.memref_squeeze %dma_start3A_644 : memref<1x80xi32, #tpu.memory_space<vmem>> -> memref<80xi32, #tpu.memory_space<vmem>>
      %dma_start3A_646 = arith.constant 0 : i32
      %dma_start3A_647 = arith.constant 0 : i32
      %dma_start3A_648 = tpu.memref_slice %arg2[%dma_start3A_646, %dma_start3A_647] : memref<10240x128xf32, #tpu.memory_space<hbm>> -> memref<10240x128xf32, #tpu.memory_space<hbm>>
      tpu.enqueue_indirect_dma source(%dma_start3A_648 : memref<10240x128xf32, #tpu.memory_space<hbm>>) target(%arg12 : memref<80x128xf32, #tpu.memory_space<vmem>>) offsets(%dma_start3A_645 : memref<80xi32, #tpu.memory_space<vmem>>) semaphore(%arg19 : memref<!tpu.dma_semaphore, #tpu.memory_space<semaphore_mem>>)
      %dma_wait3A_649 = arith.constant 0 : i32
      %dma_wait3A_650 = arith.constant 0 : i32
      %dma_wait3A_651 = tpu.memref_slice %arg2[%dma_wait3A_649, %dma_wait3A_650] : memref<10240x128xf32, #tpu.memory_space<hbm>> -> memref<80x128xf32, #tpu.memory_space<hbm>>
      %dma_wait3A_652 = arith.constant 0 : i32
      %dma_wait3A_653 = arith.constant 0 : i32
      %dma_wait3A_654 = tpu.memref_slice %arg2[%dma_wait3A_652, %dma_wait3A_653] : memref<10240x128xf32, #tpu.memory_space<hbm>> -> memref<80x128xf32, #tpu.memory_space<hbm>>
      tpu.wait_dma2 semaphore(%arg18 : memref<!tpu.dma_semaphore, #tpu.memory_space<semaphore_mem>>) src(%dma_wait3A_654 : memref<80x128xf32, #tpu.memory_space<hbm>>) dst(%arg11 : memref<80x128xf32, #tpu.memory_space<vmem>>)
      %dma_start3A_655 = arith.constant 2 : i32
      %dma_start3A_656 = arith.constant 0 : i32
      %dma_start3A_657 = tpu.memref_slice %arg10[%dma_start3A_655, %dma_start3A_656] : memref<5x80xi32, #tpu.memory_space<vmem>> -> memref<1x80xi32, #tpu.memory_space<vmem>>
      %dma_start3A_658 = tpu.memref_squeeze %dma_start3A_657 : memref<1x80xi32, #tpu.memory_space<vmem>> -> memref<80xi32, #tpu.memory_space<vmem>>
      %dma_start3A_659 = arith.constant 0 : i32
      %dma_start3A_660 = arith.constant 0 : i32
      %dma_start3A_661 = tpu.memref_slice %arg14[%dma_start3A_659, %dma_start3A_660] : memref<10240x128xf32, #tpu.memory_space<vmem_shared>> -> memref<10240x128xf32, #tpu.memory_space<vmem_shared>>
      tpu.enqueue_indirect_dma source(%arg11 : memref<80x128xf32, #tpu.memory_space<vmem>>) target(%dma_start3A_661 : memref<10240x128xf32, #tpu.memory_space<vmem_shared>>) offsets(%dma_start3A_658 : memref<80xi32, #tpu.memory_space<vmem>>) semaphore(%arg21 : memref<!tpu.dma_semaphore, #tpu.memory_space<semaphore_mem>>) {add = true}
      %add3A_662 = arith.constant 13 : i32
      %add3A_663 = arith.addi %mul3A_222, %add3A_662 : i32
      %sub3A_664 = arith.constant 2 : i32
      %sub3A_665 = arith.subi %add3A_663, %sub3A_664 : i32
      %ge3A_666 = arith.constant 0 : i32
      %ge3A_667 = arith.cmpi sge, %sub3A_665, %ge3A_666 : i32
      %convert_element_type3A_668 = arith.extui %ge3A_667 : i1 to i32
      %cond3A_669 = arith.constant 0 : i32
      %cond3A_670 = arith.cmpi ne, %convert_element_type3A_668, %cond3A_669 : i32
      scf.if %cond3A_670 {
        %dma_wait3A_742 = arith.constant 0 : i32
        %dma_wait3A_743 = arith.constant 0 : i32
        %dma_wait3A_744 = tpu.memref_slice %arg2[%dma_wait3A_742, %dma_wait3A_743] : memref<10240x128xf32, #tpu.memory_space<hbm>> -> memref<80x128xf32, #tpu.memory_space<hbm>>
        %dma_wait3A_745 = arith.constant 0 : i32
        %dma_wait3A_746 = arith.constant 0 : i32
        %dma_wait3A_747 = tpu.memref_slice %arg2[%dma_wait3A_745, %dma_wait3A_746] : memref<10240x128xf32, #tpu.memory_space<hbm>> -> memref<80x128xf32, #tpu.memory_space<hbm>>
        tpu.wait_dma2 semaphore(%arg23 : memref<!tpu.dma_semaphore, #tpu.memory_space<semaphore_mem>>) src(%dma_wait3A_747 : memref<80x128xf32, #tpu.memory_space<hbm>>) dst(%arg13 : memref<80x128xf32, #tpu.memory_space<vmem>>)
      } else {
      }
      %dma_start3A_671 = arith.constant 4 : i32
      %dma_start3A_672 = arith.constant 0 : i32
      %dma_start3A_673 = tpu.memref_slice %arg7[%dma_start3A_671, %dma_start3A_672] : memref<5x80xi32, #tpu.memory_space<vmem>> -> memref<1x80xi32, #tpu.memory_space<vmem>>
      %dma_start3A_674 = tpu.memref_squeeze %dma_start3A_673 : memref<1x80xi32, #tpu.memory_space<vmem>> -> memref<80xi32, #tpu.memory_space<vmem>>
      %dma_start3A_675 = arith.constant 0 : i32
      %dma_start3A_676 = arith.constant 0 : i32
      %dma_start3A_677 = tpu.memref_slice %arg2[%dma_start3A_675, %dma_start3A_676] : memref<10240x128xf32, #tpu.memory_space<hbm>> -> memref<10240x128xf32, #tpu.memory_space<hbm>>
      tpu.enqueue_indirect_dma source(%dma_start3A_677 : memref<10240x128xf32, #tpu.memory_space<hbm>>) target(%arg13 : memref<80x128xf32, #tpu.memory_space<vmem>>) offsets(%dma_start3A_674 : memref<80xi32, #tpu.memory_space<vmem>>) semaphore(%arg20 : memref<!tpu.dma_semaphore, #tpu.memory_space<semaphore_mem>>)
      %dma_wait3A_678 = arith.constant 0 : i32
      %dma_wait3A_679 = arith.constant 0 : i32
      %dma_wait3A_680 = tpu.memref_slice %arg2[%dma_wait3A_678, %dma_wait3A_679] : memref<10240x128xf32, #tpu.memory_space<hbm>> -> memref<80x128xf32, #tpu.memory_space<hbm>>
      %dma_wait3A_681 = arith.constant 0 : i32
      %dma_wait3A_682 = arith.constant 0 : i32
      %dma_wait3A_683 = tpu.memref_slice %arg2[%dma_wait3A_681, %dma_wait3A_682] : memref<10240x128xf32, #tpu.memory_space<hbm>> -> memref<80x128xf32, #tpu.memory_space<hbm>>
      tpu.wait_dma2 semaphore(%arg19 : memref<!tpu.dma_semaphore, #tpu.memory_space<semaphore_mem>>) src(%dma_wait3A_683 : memref<80x128xf32, #tpu.memory_space<hbm>>) dst(%arg12 : memref<80x128xf32, #tpu.memory_space<vmem>>)
      %dma_start3A_684 = arith.constant 3 : i32
      %dma_start3A_685 = arith.constant 0 : i32
      %dma_start3A_686 = tpu.memref_slice %arg10[%dma_start3A_684, %dma_start3A_685] : memref<5x80xi32, #tpu.memory_space<vmem>> -> memref<1x80xi32, #tpu.memory_space<vmem>>
      %dma_start3A_687 = tpu.memref_squeeze %dma_start3A_686 : memref<1x80xi32, #tpu.memory_space<vmem>> -> memref<80xi32, #tpu.memory_space<vmem>>
      %dma_start3A_688 = arith.constant 0 : i32
      %dma_start3A_689 = arith.constant 0 : i32
      %dma_start3A_690 = tpu.memref_slice %arg14[%dma_start3A_688, %dma_start3A_689] : memref<10240x128xf32, #tpu.memory_space<vmem_shared>> -> memref<10240x128xf32, #tpu.memory_space<vmem_shared>>
      tpu.enqueue_indirect_dma source(%arg12 : memref<80x128xf32, #tpu.memory_space<vmem>>) target(%dma_start3A_690 : memref<10240x128xf32, #tpu.memory_space<vmem_shared>>) offsets(%dma_start3A_687 : memref<80xi32, #tpu.memory_space<vmem>>) semaphore(%arg22 : memref<!tpu.dma_semaphore, #tpu.memory_space<semaphore_mem>>) {add = true}
      %add3A_691 = arith.constant 14 : i32
      %add3A_692 = arith.addi %mul3A_222, %add3A_691 : i32
      %sub3A_693 = arith.constant 2 : i32
      %sub3A_694 = arith.subi %add3A_692, %sub3A_693 : i32
      %ge3A_695 = arith.constant 0 : i32
      %ge3A_696 = arith.cmpi sge, %sub3A_694, %ge3A_695 : i32
      %convert_element_type3A_697 = arith.extui %ge3A_696 : i1 to i32
      %cond3A_698 = arith.constant 0 : i32
      %cond3A_699 = arith.cmpi ne, %convert_element_type3A_697, %cond3A_698 : i32
      scf.if %cond3A_699 {
        %dma_wait3A_742 = arith.constant 0 : i32
        %dma_wait3A_743 = arith.constant 0 : i32
        %dma_wait3A_744 = tpu.memref_slice %arg2[%dma_wait3A_742, %dma_wait3A_743] : memref<10240x128xf32, #tpu.memory_space<hbm>> -> memref<80x128xf32, #tpu.memory_space<hbm>>
        %dma_wait3A_745 = arith.constant 0 : i32
        %dma_wait3A_746 = arith.constant 0 : i32
        %dma_wait3A_747 = tpu.memref_slice %arg2[%dma_wait3A_745, %dma_wait3A_746] : memref<10240x128xf32, #tpu.memory_space<hbm>> -> memref<80x128xf32, #tpu.memory_space<hbm>>
        tpu.wait_dma2 semaphore(%arg21 : memref<!tpu.dma_semaphore, #tpu.memory_space<semaphore_mem>>) src(%dma_wait3A_747 : memref<80x128xf32, #tpu.memory_space<hbm>>) dst(%arg11 : memref<80x128xf32, #tpu.memory_space<vmem>>)
      } else {
      }
      %dma_wait3A_700 = arith.constant 0 : i32
      %dma_wait3A_701 = arith.constant 0 : i32
      %dma_wait3A_702 = arith.constant 0 : i32
      %dma_wait3A_703 = arith.constant 0 : i32
      %dma_wait3A_704 = arith.constant 0 : i32
      %dma_wait3A_705 = tpu.memref_slice %arg3[%dma_wait3A_700, %dma_wait3A_701, %dma_wait3A_702, %dma_wait3A_703, %dma_wait3A_704] : memref<2x32x25x5x80xi32, #tpu.memory_space<hbm>> -> memref<1x1x1x5x80xi32, #tpu.memory_space<hbm>>
      %dma_wait3A_706 = tpu.memref_squeeze %dma_wait3A_705 : memref<1x1x1x5x80xi32, #tpu.memory_space<hbm>> -> memref<5x80xi32, #tpu.memory_space<hbm>>
      %dma_wait3A_707 = arith.constant 0 : i32
      %dma_wait3A_708 = arith.constant 0 : i32
      %dma_wait3A_709 = tpu.memref_slice %arg3[%dma_wait3A_700, %dma_wait3A_701, %dma_wait3A_702, %dma_wait3A_707, %dma_wait3A_708] : memref<2x32x25x5x80xi32, #tpu.memory_space<hbm>> -> memref<1x1x1x5x80xi32, #tpu.memory_space<hbm>>
      %dma_wait3A_710 = tpu.memref_squeeze %dma_wait3A_709 : memref<1x1x1x5x80xi32, #tpu.memory_space<hbm>> -> memref<5x80xi32, #tpu.memory_space<hbm>>
      tpu.wait_dma2 semaphore(%arg15 : memref<!tpu.dma_semaphore, #tpu.memory_space<semaphore_mem>>) src(%dma_wait3A_710 : memref<5x80xi32, #tpu.memory_space<hbm>>) dst(%arg5 : memref<5x80xi32, #tpu.memory_space<vmem>>)
      %dma_wait3A_711 = arith.constant 0 : i32
      %dma_wait3A_712 = arith.constant 0 : i32
      %dma_wait3A_713 = arith.constant 0 : i32
      %dma_wait3A_714 = arith.constant 0 : i32
      %dma_wait3A_715 = arith.constant 0 : i32
      %dma_wait3A_716 = tpu.memref_slice %arg3[%dma_wait3A_711, %dma_wait3A_712, %dma_wait3A_713, %dma_wait3A_714, %dma_wait3A_715] : memref<2x32x25x5x80xi32, #tpu.memory_space<hbm>> -> memref<1x1x1x5x80xi32, #tpu.memory_space<hbm>>
      %dma_wait3A_717 = tpu.memref_squeeze %dma_wait3A_716 : memref<1x1x1x5x80xi32, #tpu.memory_space<hbm>> -> memref<5x80xi32, #tpu.memory_space<hbm>>
      %dma_wait3A_718 = arith.constant 0 : i32
      %dma_wait3A_719 = arith.constant 0 : i32
      %dma_wait3A_720 = tpu.memref_slice %arg3[%dma_wait3A_711, %dma_wait3A_712, %dma_wait3A_713, %dma_wait3A_718, %dma_wait3A_719] : memref<2x32x25x5x80xi32, #tpu.memory_space<hbm>> -> memref<1x1x1x5x80xi32, #tpu.memory_space<hbm>>
      %dma_wait3A_721 = tpu.memref_squeeze %dma_wait3A_720 : memref<1x1x1x5x80xi32, #tpu.memory_space<hbm>> -> memref<5x80xi32, #tpu.memory_space<hbm>>
      tpu.wait_dma2 semaphore(%arg15 : memref<!tpu.dma_semaphore, #tpu.memory_space<semaphore_mem>>) src(%dma_wait3A_721 : memref<5x80xi32, #tpu.memory_space<hbm>>) dst(%arg8 : memref<5x80xi32, #tpu.memory_space<vmem>>)
      %dma_start3A_722 = arith.constant 0 : i32
      %dma_start3A_723 = arith.constant 0 : i32
      %dma_start3A_724 = tpu.memref_slice %arg5[%dma_start3A_722, %dma_start3A_723] : memref<5x80xi32, #tpu.memory_space<vmem>> -> memref<1x80xi32, #tpu.memory_space<vmem>>
      %dma_start3A_725 = tpu.memref_squeeze %dma_start3A_724 : memref<1x80xi32, #tpu.memory_space<vmem>> -> memref<80xi32, #tpu.memory_space<vmem>>
      %dma_start3A_726 = arith.constant 0 : i32
      %dma_start3A_727 = arith.constant 0 : i32
      %dma_start3A_728 = tpu.memref_slice %arg2[%dma_start3A_726, %dma_start3A_727] : memref<10240x128xf32, #tpu.memory_space<hbm>> -> memref<10240x128xf32, #tpu.memory_space<hbm>>
      tpu.enqueue_indirect_dma source(%dma_start3A_728 : memref<10240x128xf32, #tpu.memory_space<hbm>>) target(%arg11 : memref<80x128xf32, #tpu.memory_space<vmem>>) offsets(%dma_start3A_725 : memref<80xi32, #tpu.memory_space<vmem>>) semaphore(%arg18 : memref<!tpu.dma_semaphore, #tpu.memory_space<semaphore_mem>>)
      %dma_wait3A_729 = arith.constant 0 : i32
      %dma_wait3A_730 = arith.constant 0 : i32
      %dma_wait3A_731 = tpu.memref_slice %arg2[%dma_wait3A_729, %dma_wait3A_730] : memref<10240x128xf32, #tpu.memory_space<hbm>> -> memref<80x128xf32, #tpu.memory_space<hbm>>
      %dma_wait3A_732 = arith.constant 0 : i32
      %dma_wait3A_733 = arith.constant 0 : i32
      %dma_wait3A_734 = tpu.memref_slice %arg2[%dma_wait3A_732, %dma_wait3A_733] : memref<10240x128xf32, #tpu.memory_space<hbm>> -> memref<80x128xf32, #tpu.memory_space<hbm>>
      tpu.wait_dma2 semaphore(%arg20 : memref<!tpu.dma_semaphore, #tpu.memory_space<semaphore_mem>>) src(%dma_wait3A_734 : memref<80x128xf32, #tpu.memory_space<hbm>>) dst(%arg13 : memref<80x128xf32, #tpu.memory_space<vmem>>)
      %dma_start3A_735 = arith.constant 4 : i32
      %dma_start3A_736 = arith.constant 0 : i32
      %dma_start3A_737 = tpu.memref_slice %arg10[%dma_start3A_735, %dma_start3A_736] : memref<5x80xi32, #tpu.memory_space<vmem>> -> memref<1x80xi32, #tpu.memory_space<vmem>>
      %dma_start3A_738 = tpu.memref_squeeze %dma_start3A_737 : memref<1x80xi32, #tpu.memory_space<vmem>> -> memref<80xi32, #tpu.memory_space<vmem>>
      %dma_start3A_739 = arith.constant 0 : i32
      %dma_start3A_740 = arith.constant 0 : i32
      %dma_start3A_741 = tpu.memref_slice %arg14[%dma_start3A_739, %dma_start3A_740] : memref<10240x128xf32, #tpu.memory_space<vmem_shared>> -> memref<10240x128xf32, #tpu.memory_space<vmem_shared>>
      tpu.enqueue_indirect_dma source(%arg13 : memref<80x128xf32, #tpu.memory_space<vmem>>) target(%dma_start3A_741 : memref<10240x128xf32, #tpu.memory_space<vmem_shared>>) offsets(%dma_start3A_738 : memref<80xi32, #tpu.memory_space<vmem>>) semaphore(%arg23 : memref<!tpu.dma_semaphore, #tpu.memory_space<semaphore_mem>>) {add = true}
    }
    %scan3A_79 = arith.constant 8 : i32
    %dma_wait3A_80 = arith.constant 0 : i32
    %dma_wait3A_81 = arith.constant 0 : i32
    %dma_wait3A_82 = tpu.memref_slice %arg2[%dma_wait3A_80, %dma_wait3A_81] : memref<10240x128xf32, #tpu.memory_space<hbm>> -> memref<80x128xf32, #tpu.memory_space<hbm>>
    %dma_wait3A_83 = arith.constant 0 : i32
    %dma_wait3A_84 = arith.constant 0 : i32
    %dma_wait3A_85 = tpu.memref_slice %arg2[%dma_wait3A_83, %dma_wait3A_84] : memref<10240x128xf32, #tpu.memory_space<hbm>> -> memref<80x128xf32, #tpu.memory_space<hbm>>
    tpu.wait_dma2 semaphore(%arg22 : memref<!tpu.dma_semaphore, #tpu.memory_space<semaphore_mem>>) src(%dma_wait3A_85 : memref<80x128xf32, #tpu.memory_space<hbm>>) dst(%arg12 : memref<80x128xf32, #tpu.memory_space<vmem>>)
    %dma_start3A_86 = arith.constant 1 : i32
    %dma_start3A_87 = arith.constant 0 : i32
    %dma_start3A_88 = tpu.memref_slice %arg5[%dma_start3A_86, %dma_start3A_87] : memref<5x80xi32, #tpu.memory_space<vmem>> -> memref<1x80xi32, #tpu.memory_space<vmem>>
    %dma_start3A_89 = tpu.memref_squeeze %dma_start3A_88 : memref<1x80xi32, #tpu.memory_space<vmem>> -> memref<80xi32, #tpu.memory_space<vmem>>
    %dma_start3A_90 = arith.constant 0 : i32
    %dma_start3A_91 = arith.constant 0 : i32
    %dma_start3A_92 = tpu.memref_slice %arg2[%dma_start3A_90, %dma_start3A_91] : memref<10240x128xf32, #tpu.memory_space<hbm>> -> memref<10240x128xf32, #tpu.memory_space<hbm>>
    tpu.enqueue_indirect_dma source(%dma_start3A_92 : memref<10240x128xf32, #tpu.memory_space<hbm>>) target(%arg12 : memref<80x128xf32, #tpu.memory_space<vmem>>) offsets(%dma_start3A_89 : memref<80xi32, #tpu.memory_space<vmem>>) semaphore(%arg19 : memref<!tpu.dma_semaphore, #tpu.memory_space<semaphore_mem>>)
    %dma_wait3A_93 = arith.constant 0 : i32
    %dma_wait3A_94 = arith.constant 0 : i32
    %dma_wait3A_95 = tpu.memref_slice %arg2[%dma_wait3A_93, %dma_wait3A_94] : memref<10240x128xf32, #tpu.memory_space<hbm>> -> memref<80x128xf32, #tpu.memory_space<hbm>>
    %dma_wait3A_96 = arith.constant 0 : i32
    %dma_wait3A_97 = arith.constant 0 : i32
    %dma_wait3A_98 = tpu.memref_slice %arg2[%dma_wait3A_96, %dma_wait3A_97] : memref<10240x128xf32, #tpu.memory_space<hbm>> -> memref<80x128xf32, #tpu.memory_space<hbm>>
    tpu.wait_dma2 semaphore(%arg18 : memref<!tpu.dma_semaphore, #tpu.memory_space<semaphore_mem>>) src(%dma_wait3A_98 : memref<80x128xf32, #tpu.memory_space<hbm>>) dst(%arg11 : memref<80x128xf32, #tpu.memory_space<vmem>>)
    %dma_start3A_99 = arith.constant 0 : i32
    %dma_start3A_100 = arith.constant 0 : i32
    %dma_start3A_101 = tpu.memref_slice %arg8[%dma_start3A_99, %dma_start3A_100] : memref<5x80xi32, #tpu.memory_space<vmem>> -> memref<1x80xi32, #tpu.memory_space<vmem>>
    %dma_start3A_102 = tpu.memref_squeeze %dma_start3A_101 : memref<1x80xi32, #tpu.memory_space<vmem>> -> memref<80xi32, #tpu.memory_space<vmem>>
    %dma_start3A_103 = arith.constant 0 : i32
    %dma_start3A_104 = arith.constant 0 : i32
    %dma_start3A_105 = tpu.memref_slice %arg14[%dma_start3A_103, %dma_start3A_104] : memref<10240x128xf32, #tpu.memory_space<vmem_shared>> -> memref<10240x128xf32, #tpu.memory_space<vmem_shared>>
    tpu.enqueue_indirect_dma source(%arg11 : memref<80x128xf32, #tpu.memory_space<vmem>>) target(%dma_start3A_105 : memref<10240x128xf32, #tpu.memory_space<vmem_shared>>) offsets(%dma_start3A_102 : memref<80xi32, #tpu.memory_space<vmem>>) semaphore(%arg21 : memref<!tpu.dma_semaphore, #tpu.memory_space<semaphore_mem>>) {add = true}
    %dma_wait3A_106 = arith.constant 0 : i32
    %dma_wait3A_107 = arith.constant 0 : i32
    %dma_wait3A_108 = tpu.memref_slice %arg2[%dma_wait3A_106, %dma_wait3A_107] : memref<10240x128xf32, #tpu.memory_space<hbm>> -> memref<80x128xf32, #tpu.memory_space<hbm>>
    %dma_wait3A_109 = arith.constant 0 : i32
    %dma_wait3A_110 = arith.constant 0 : i32
    %dma_wait3A_111 = tpu.memref_slice %arg2[%dma_wait3A_109, %dma_wait3A_110] : memref<10240x128xf32, #tpu.memory_space<hbm>> -> memref<80x128xf32, #tpu.memory_space<hbm>>
    tpu.wait_dma2 semaphore(%arg23 : memref<!tpu.dma_semaphore, #tpu.memory_space<semaphore_mem>>) src(%dma_wait3A_111 : memref<80x128xf32, #tpu.memory_space<hbm>>) dst(%arg13 : memref<80x128xf32, #tpu.memory_space<vmem>>)
    %dma_start3A_112 = arith.constant 2 : i32
    %dma_start3A_113 = arith.constant 0 : i32
    %dma_start3A_114 = tpu.memref_slice %arg5[%dma_start3A_112, %dma_start3A_113] : memref<5x80xi32, #tpu.memory_space<vmem>> -> memref<1x80xi32, #tpu.memory_space<vmem>>
    %dma_start3A_115 = tpu.memref_squeeze %dma_start3A_114 : memref<1x80xi32, #tpu.memory_space<vmem>> -> memref<80xi32, #tpu.memory_space<vmem>>
    %dma_start3A_116 = arith.constant 0 : i32
    %dma_start3A_117 = arith.constant 0 : i32
    %dma_start3A_118 = tpu.memref_slice %arg2[%dma_start3A_116, %dma_start3A_117] : memref<10240x128xf32, #tpu.memory_space<hbm>> -> memref<10240x128xf32, #tpu.memory_space<hbm>>
    tpu.enqueue_indirect_dma source(%dma_start3A_118 : memref<10240x128xf32, #tpu.memory_space<hbm>>) target(%arg13 : memref<80x128xf32, #tpu.memory_space<vmem>>) offsets(%dma_start3A_115 : memref<80xi32, #tpu.memory_space<vmem>>) semaphore(%arg20 : memref<!tpu.dma_semaphore, #tpu.memory_space<semaphore_mem>>)
    %dma_wait3A_119 = arith.constant 0 : i32
    %dma_wait3A_120 = arith.constant 0 : i32
    %dma_wait3A_121 = tpu.memref_slice %arg2[%dma_wait3A_119, %dma_wait3A_120] : memref<10240x128xf32, #tpu.memory_space<hbm>> -> memref<80x128xf32, #tpu.memory_space<hbm>>
    %dma_wait3A_122 = arith.constant 0 : i32
    %dma_wait3A_123 = arith.constant 0 : i32
    %dma_wait3A_124 = tpu.memref_slice %arg2[%dma_wait3A_122, %dma_wait3A_123] : memref<10240x128xf32, #tpu.memory_space<hbm>> -> memref<80x128xf32, #tpu.memory_space<hbm>>
    tpu.wait_dma2 semaphore(%arg19 : memref<!tpu.dma_semaphore, #tpu.memory_space<semaphore_mem>>) src(%dma_wait3A_124 : memref<80x128xf32, #tpu.memory_space<hbm>>) dst(%arg12 : memref<80x128xf32, #tpu.memory_space<vmem>>)
    %dma_start3A_125 = arith.constant 1 : i32
    %dma_start3A_126 = arith.constant 0 : i32
    %dma_start3A_127 = tpu.memref_slice %arg8[%dma_start3A_125, %dma_start3A_126] : memref<5x80xi32, #tpu.memory_space<vmem>> -> memref<1x80xi32, #tpu.memory_space<vmem>>
    %dma_start3A_128 = tpu.memref_squeeze %dma_start3A_127 : memref<1x80xi32, #tpu.memory_space<vmem>> -> memref<80xi32, #tpu.memory_space<vmem>>
    %dma_start3A_129 = arith.constant 0 : i32
    %dma_start3A_130 = arith.constant 0 : i32
    %dma_start3A_131 = tpu.memref_slice %arg14[%dma_start3A_129, %dma_start3A_130] : memref<10240x128xf32, #tpu.memory_space<vmem_shared>> -> memref<10240x128xf32, #tpu.memory_space<vmem_shared>>
    tpu.enqueue_indirect_dma source(%arg12 : memref<80x128xf32, #tpu.memory_space<vmem>>) target(%dma_start3A_131 : memref<10240x128xf32, #tpu.memory_space<vmem_shared>>) offsets(%dma_start3A_128 : memref<80xi32, #tpu.memory_space<vmem>>) semaphore(%arg22 : memref<!tpu.dma_semaphore, #tpu.memory_space<semaphore_mem>>) {add = true}
    %dma_wait3A_132 = arith.constant 0 : i32
    %dma_wait3A_133 = arith.constant 0 : i32
    %dma_wait3A_134 = tpu.memref_slice %arg2[%dma_wait3A_132, %dma_wait3A_133] : memref<10240x128xf32, #tpu.memory_space<hbm>> -> memref<80x128xf32, #tpu.memory_space<hbm>>
    %dma_wait3A_135 = arith.constant 0 : i32
    %dma_wait3A_136 = arith.constant 0 : i32
    %dma_wait3A_137 = tpu.memref_slice %arg2[%dma_wait3A_135, %dma_wait3A_136] : memref<10240x128xf32, #tpu.memory_space<hbm>> -> memref<80x128xf32, #tpu.memory_space<hbm>>
    tpu.wait_dma2 semaphore(%arg21 : memref<!tpu.dma_semaphore, #tpu.memory_space<semaphore_mem>>) src(%dma_wait3A_137 : memref<80x128xf32, #tpu.memory_space<hbm>>) dst(%arg11 : memref<80x128xf32, #tpu.memory_space<vmem>>)
    %dma_start3A_138 = arith.constant 3 : i32
    %dma_start3A_139 = arith.constant 0 : i32
    %dma_start3A_140 = tpu.memref_slice %arg5[%dma_start3A_138, %dma_start3A_139] : memref<5x80xi32, #tpu.memory_space<vmem>> -> memref<1x80xi32, #tpu.memory_space<vmem>>
    %dma_start3A_141 = tpu.memref_squeeze %dma_start3A_140 : memref<1x80xi32, #tpu.memory_space<vmem>> -> memref<80xi32, #tpu.memory_space<vmem>>
    %dma_start3A_142 = arith.constant 0 : i32
    %dma_start3A_143 = arith.constant 0 : i32
    %dma_start3A_144 = tpu.memref_slice %arg2[%dma_start3A_142, %dma_start3A_143] : memref<10240x128xf32, #tpu.memory_space<hbm>> -> memref<10240x128xf32, #tpu.memory_space<hbm>>
    tpu.enqueue_indirect_dma source(%dma_start3A_144 : memref<10240x128xf32, #tpu.memory_space<hbm>>) target(%arg11 : memref<80x128xf32, #tpu.memory_space<vmem>>) offsets(%dma_start3A_141 : memref<80xi32, #tpu.memory_space<vmem>>) semaphore(%arg18 : memref<!tpu.dma_semaphore, #tpu.memory_space<semaphore_mem>>)
    %dma_wait3A_145 = arith.constant 0 : i32
    %dma_wait3A_146 = arith.constant 0 : i32
    %dma_wait3A_147 = tpu.memref_slice %arg2[%dma_wait3A_145, %dma_wait3A_146] : memref<10240x128xf32, #tpu.memory_space<hbm>> -> memref<80x128xf32, #tpu.memory_space<hbm>>
    %dma_wait3A_148 = arith.constant 0 : i32
    %dma_wait3A_149 = arith.constant 0 : i32
    %dma_wait3A_150 = tpu.memref_slice %arg2[%dma_wait3A_148, %dma_wait3A_149] : memref<10240x128xf32, #tpu.memory_space<hbm>> -> memref<80x128xf32, #tpu.memory_space<hbm>>
    tpu.wait_dma2 semaphore(%arg20 : memref<!tpu.dma_semaphore, #tpu.memory_space<semaphore_mem>>) src(%dma_wait3A_150 : memref<80x128xf32, #tpu.memory_space<hbm>>) dst(%arg13 : memref<80x128xf32, #tpu.memory_space<vmem>>)
    %dma_start3A_151 = arith.constant 2 : i32
    %dma_start3A_152 = arith.constant 0 : i32
    %dma_start3A_153 = tpu.memref_slice %arg8[%dma_start3A_151, %dma_start3A_152] : memref<5x80xi32, #tpu.memory_space<vmem>> -> memref<1x80xi32, #tpu.memory_space<vmem>>
    %dma_start3A_154 = tpu.memref_squeeze %dma_start3A_153 : memref<1x80xi32, #tpu.memory_space<vmem>> -> memref<80xi32, #tpu.memory_space<vmem>>
    %dma_start3A_155 = arith.constant 0 : i32
    %dma_start3A_156 = arith.constant 0 : i32
    %dma_start3A_157 = tpu.memref_slice %arg14[%dma_start3A_155, %dma_start3A_156] : memref<10240x128xf32, #tpu.memory_space<vmem_shared>> -> memref<10240x128xf32, #tpu.memory_space<vmem_shared>>
    tpu.enqueue_indirect_dma source(%arg13 : memref<80x128xf32, #tpu.memory_space<vmem>>) target(%dma_start3A_157 : memref<10240x128xf32, #tpu.memory_space<vmem_shared>>) offsets(%dma_start3A_154 : memref<80xi32, #tpu.memory_space<vmem>>) semaphore(%arg23 : memref<!tpu.dma_semaphore, #tpu.memory_space<semaphore_mem>>) {add = true}
    %dma_wait3A_158 = arith.constant 0 : i32
    %dma_wait3A_159 = arith.constant 0 : i32
    %dma_wait3A_160 = tpu.memref_slice %arg2[%dma_wait3A_158, %dma_wait3A_159] : memref<10240x128xf32, #tpu.memory_space<hbm>> -> memref<80x128xf32, #tpu.memory_space<hbm>>
    %dma_wait3A_161 = arith.constant 0 : i32
    %dma_wait3A_162 = arith.constant 0 : i32
    %dma_wait3A_163 = tpu.memref_slice %arg2[%dma_wait3A_161, %dma_wait3A_162] : memref<10240x128xf32, #tpu.memory_space<hbm>> -> memref<80x128xf32, #tpu.memory_space<hbm>>
    tpu.wait_dma2 semaphore(%arg22 : memref<!tpu.dma_semaphore, #tpu.memory_space<semaphore_mem>>) src(%dma_wait3A_163 : memref<80x128xf32, #tpu.memory_space<hbm>>) dst(%arg12 : memref<80x128xf32, #tpu.memory_space<vmem>>)
    %dma_start3A_164 = arith.constant 4 : i32
    %dma_start3A_165 = arith.constant 0 : i32
    %dma_start3A_166 = tpu.memref_slice %arg5[%dma_start3A_164, %dma_start3A_165] : memref<5x80xi32, #tpu.memory_space<vmem>> -> memref<1x80xi32, #tpu.memory_space<vmem>>
    %dma_start3A_167 = tpu.memref_squeeze %dma_start3A_166 : memref<1x80xi32, #tpu.memory_space<vmem>> -> memref<80xi32, #tpu.memory_space<vmem>>
    %dma_start3A_168 = arith.constant 0 : i32
    %dma_start3A_169 = arith.constant 0 : i32
    %dma_start3A_170 = tpu.memref_slice %arg2[%dma_start3A_168, %dma_start3A_169] : memref<10240x128xf32, #tpu.memory_space<hbm>> -> memref<10240x128xf32, #tpu.memory_space<hbm>>
    tpu.enqueue_indirect_dma source(%dma_start3A_170 : memref<10240x128xf32, #tpu.memory_space<hbm>>) target(%arg12 : memref<80x128xf32, #tpu.memory_space<vmem>>) offsets(%dma_start3A_167 : memref<80xi32, #tpu.memory_space<vmem>>) semaphore(%arg19 : memref<!tpu.dma_semaphore, #tpu.memory_space<semaphore_mem>>)
    %dma_wait3A_171 = arith.constant 0 : i32
    %dma_wait3A_172 = arith.constant 0 : i32
    %dma_wait3A_173 = tpu.memref_slice %arg2[%dma_wait3A_171, %dma_wait3A_172] : memref<10240x128xf32, #tpu.memory_space<hbm>> -> memref<80x128xf32, #tpu.memory_space<hbm>>
    %dma_wait3A_174 = arith.constant 0 : i32
    %dma_wait3A_175 = arith.constant 0 : i32
    %dma_wait3A_176 = tpu.memref_slice %arg2[%dma_wait3A_174, %dma_wait3A_175] : memref<10240x128xf32, #tpu.memory_space<hbm>> -> memref<80x128xf32, #tpu.memory_space<hbm>>
    tpu.wait_dma2 semaphore(%arg18 : memref<!tpu.dma_semaphore, #tpu.memory_space<semaphore_mem>>) src(%dma_wait3A_176 : memref<80x128xf32, #tpu.memory_space<hbm>>) dst(%arg11 : memref<80x128xf32, #tpu.memory_space<vmem>>)
    %dma_start3A_177 = arith.constant 3 : i32
    %dma_start3A_178 = arith.constant 0 : i32
    %dma_start3A_179 = tpu.memref_slice %arg8[%dma_start3A_177, %dma_start3A_178] : memref<5x80xi32, #tpu.memory_space<vmem>> -> memref<1x80xi32, #tpu.memory_space<vmem>>
    %dma_start3A_180 = tpu.memref_squeeze %dma_start3A_179 : memref<1x80xi32, #tpu.memory_space<vmem>> -> memref<80xi32, #tpu.memory_space<vmem>>
    %dma_start3A_181 = arith.constant 0 : i32
    %dma_start3A_182 = arith.constant 0 : i32
    %dma_start3A_183 = tpu.memref_slice %arg14[%dma_start3A_181, %dma_start3A_182] : memref<10240x128xf32, #tpu.memory_space<vmem_shared>> -> memref<10240x128xf32, #tpu.memory_space<vmem_shared>>
    tpu.enqueue_indirect_dma source(%arg11 : memref<80x128xf32, #tpu.memory_space<vmem>>) target(%dma_start3A_183 : memref<10240x128xf32, #tpu.memory_space<vmem_shared>>) offsets(%dma_start3A_180 : memref<80xi32, #tpu.memory_space<vmem>>) semaphore(%arg21 : memref<!tpu.dma_semaphore, #tpu.memory_space<semaphore_mem>>) {add = true}
    %dma_wait3A_184 = arith.constant 0 : i32
    %dma_wait3A_185 = arith.constant 0 : i32
    %dma_wait3A_186 = tpu.memref_slice %arg2[%dma_wait3A_184, %dma_wait3A_185] : memref<10240x128xf32, #tpu.memory_space<hbm>> -> memref<80x128xf32, #tpu.memory_space<hbm>>
    %dma_wait3A_187 = arith.constant 0 : i32
    %dma_wait3A_188 = arith.constant 0 : i32
    %dma_wait3A_189 = tpu.memref_slice %arg2[%dma_wait3A_187, %dma_wait3A_188] : memref<10240x128xf32, #tpu.memory_space<hbm>> -> memref<80x128xf32, #tpu.memory_space<hbm>>
    tpu.wait_dma2 semaphore(%arg23 : memref<!tpu.dma_semaphore, #tpu.memory_space<semaphore_mem>>) src(%dma_wait3A_189 : memref<80x128xf32, #tpu.memory_space<hbm>>) dst(%arg13 : memref<80x128xf32, #tpu.memory_space<vmem>>)
    %dma_wait3A_190 = arith.constant 0 : i32
    %dma_wait3A_191 = arith.constant 0 : i32
    %dma_wait3A_192 = tpu.memref_slice %arg2[%dma_wait3A_190, %dma_wait3A_191] : memref<10240x128xf32, #tpu.memory_space<hbm>> -> memref<80x128xf32, #tpu.memory_space<hbm>>
    %dma_wait3A_193 = arith.constant 0 : i32
    %dma_wait3A_194 = arith.constant 0 : i32
    %dma_wait3A_195 = tpu.memref_slice %arg2[%dma_wait3A_193, %dma_wait3A_194] : memref<10240x128xf32, #tpu.memory_space<hbm>> -> memref<80x128xf32, #tpu.memory_space<hbm>>
    tpu.wait_dma2 semaphore(%arg19 : memref<!tpu.dma_semaphore, #tpu.memory_space<semaphore_mem>>) src(%dma_wait3A_195 : memref<80x128xf32, #tpu.memory_space<hbm>>) dst(%arg12 : memref<80x128xf32, #tpu.memory_space<vmem>>)
    %dma_start3A_196 = arith.constant 4 : i32
    %dma_start3A_197 = arith.constant 0 : i32
    %dma_start3A_198 = tpu.memref_slice %arg8[%dma_start3A_196, %dma_start3A_197] : memref<5x80xi32, #tpu.memory_space<vmem>> -> memref<1x80xi32, #tpu.memory_space<vmem>>
    %dma_start3A_199 = tpu.memref_squeeze %dma_start3A_198 : memref<1x80xi32, #tpu.memory_space<vmem>> -> memref<80xi32, #tpu.memory_space<vmem>>
    %dma_start3A_200 = arith.constant 0 : i32
    %dma_start3A_201 = arith.constant 0 : i32
    %dma_start3A_202 = tpu.memref_slice %arg14[%dma_start3A_200, %dma_start3A_201] : memref<10240x128xf32, #tpu.memory_space<vmem_shared>> -> memref<10240x128xf32, #tpu.memory_space<vmem_shared>>
    tpu.enqueue_indirect_dma source(%arg12 : memref<80x128xf32, #tpu.memory_space<vmem>>) target(%dma_start3A_202 : memref<10240x128xf32, #tpu.memory_space<vmem_shared>>) offsets(%dma_start3A_199 : memref<80xi32, #tpu.memory_space<vmem>>) semaphore(%arg22 : memref<!tpu.dma_semaphore, #tpu.memory_space<semaphore_mem>>) {add = true}
    %dma_wait3A_203 = arith.constant 0 : i32
    %dma_wait3A_204 = arith.constant 0 : i32
    %dma_wait3A_205 = tpu.memref_slice %arg2[%dma_wait3A_203, %dma_wait3A_204] : memref<10240x128xf32, #tpu.memory_space<hbm>> -> memref<80x128xf32, #tpu.memory_space<hbm>>
    %dma_wait3A_206 = arith.constant 0 : i32
    %dma_wait3A_207 = arith.constant 0 : i32
    %dma_wait3A_208 = tpu.memref_slice %arg2[%dma_wait3A_206, %dma_wait3A_207] : memref<10240x128xf32, #tpu.memory_space<hbm>> -> memref<80x128xf32, #tpu.memory_space<hbm>>
    tpu.wait_dma2 semaphore(%arg21 : memref<!tpu.dma_semaphore, #tpu.memory_space<semaphore_mem>>) src(%dma_wait3A_208 : memref<80x128xf32, #tpu.memory_space<hbm>>) dst(%arg11 : memref<80x128xf32, #tpu.memory_space<vmem>>)
    %dma_wait3A_209 = arith.constant 0 : i32
    %dma_wait3A_210 = arith.constant 0 : i32
    %dma_wait3A_211 = tpu.memref_slice %arg2[%dma_wait3A_209, %dma_wait3A_210] : memref<10240x128xf32, #tpu.memory_space<hbm>> -> memref<80x128xf32, #tpu.memory_space<hbm>>
    %dma_wait3A_212 = arith.constant 0 : i32
    %dma_wait3A_213 = arith.constant 0 : i32
    %dma_wait3A_214 = tpu.memref_slice %arg2[%dma_wait3A_212, %dma_wait3A_213] : memref<10240x128xf32, #tpu.memory_space<hbm>> -> memref<80x128xf32, #tpu.memory_space<hbm>>
    tpu.wait_dma2 semaphore(%arg22 : memref<!tpu.dma_semaphore, #tpu.memory_space<semaphore_mem>>) src(%dma_wait3A_214 : memref<80x128xf32, #tpu.memory_space<hbm>>) dst(%arg12 : memref<80x128xf32, #tpu.memory_space<vmem>>)
    %barrier3A_215 = arith.constant 0 : index
    tpu.barrier barrier_id(%barrier3A_215)
    %mul3A_216 = arith.constant 640 : i32
    %mul3A_217 = arith.muli %arg1, %mul3A_216 : i32
    %mul3A_218 = arith.constant 640 : i32
    %mul3A_219 = arith.muli %arg1, %mul3A_218 : i32
    "tpu.region"() ({
      %run_scoped3A = tpu.sem_alloc : memref<!tpu.dma_semaphore, #tpu.memory_space<semaphore_mem>>
      %dma_start3A_220 = arith.constant 0 : i32
      %dma_start3A_221 = tpu.memref_slice %arg4[%arg0, %mul3A_219, %dma_start3A_220] : memref<2x10240x128xf32, #tpu.memory_space<hbm>> -> memref<1x640x128xf32, #tpu.memory_space<hbm>>
      %dma_start3A_222 = tpu.memref_squeeze %dma_start3A_221 : memref<1x640x128xf32, #tpu.memory_space<hbm>> -> memref<640x128xf32, #tpu.memory_space<hbm>>
      %dma_start3A_223 = arith.constant 0 : i32
      %dma_start3A_224 = tpu.memref_slice %arg14[%mul3A_217, %dma_start3A_223] : memref<10240x128xf32, #tpu.memory_space<vmem_shared>> -> memref<640x128xf32, #tpu.memory_space<vmem_shared>>
      tpu.enqueue_dma source(%dma_start3A_224 : memref<640x128xf32, #tpu.memory_space<vmem_shared>>) target(%dma_start3A_222 : memref<640x128xf32, #tpu.memory_space<hbm>>) target_semaphore(%run_scoped3A : memref<!tpu.dma_semaphore, #tpu.memory_space<semaphore_mem>>)
      %dma_wait3A_225 = arith.constant 0 : i32
      %dma_wait3A_226 = tpu.memref_slice %arg4[%arg0, %mul3A_219, %dma_wait3A_225] : memref<2x10240x128xf32, #tpu.memory_space<hbm>> -> memref<1x640x128xf32, #tpu.memory_space<hbm>>
      %dma_wait3A_227 = tpu.memref_squeeze %dma_wait3A_226 : memref<1x640x128xf32, #tpu.memory_space<hbm>> -> memref<640x128xf32, #tpu.memory_space<hbm>>
      %dma_wait3A_228 = arith.constant 0 : i32
      %dma_wait3A_229 = tpu.memref_slice %arg14[%mul3A_217, %dma_wait3A_228] : memref<10240x128xf32, #tpu.memory_space<vmem_shared>> -> memref<640x128xf32, #tpu.memory_space<vmem_shared>>
      tpu.wait_dma2 semaphore(%run_scoped3A : memref<!tpu.dma_semaphore, #tpu.memory_space<semaphore_mem>>) src(%dma_wait3A_229 : memref<640x128xf32, #tpu.memory_space<vmem_shared>>) dst(%dma_wait3A_227 : memref<640x128xf32, #tpu.memory_space<hbm>>)
      tpu.yield
    }) : () -> ()
    return
  }
}

module attributes {stable_mosaic.version = 14 : i64} {
  func.func @_mid_body(%arg0: i32, %arg1: memref<2x1024xf32, #tpu.memory_space<vmem>>, %arg2: memref<2x1024x128xf32, #tpu.memory_space<vmem>>, %arg3: memref<128x128xf32, #tpu.memory_space<vmem>>, %arg4: memref<1x128xf32, #tpu.memory_space<vmem>>, %arg5: memref<1024x128xf32, #tpu.memory_space<vmem>>) attributes {dimension_semantics = [#tpu.dimension_semantics<arbitrary>], iteration_bounds = array<i64: 10>, scalar_prefetch = 0 : i64, scratch_operands = 0 : i64, tpu.core_type = #tpu.core_type<tc>, window_params = [{transform_indices = @transform_0, window_bounds = array<i64: 2, 1024>}, {transform_indices = @transform_1, window_bounds = array<i64: 2, 1024, 128>}, {pipeline_mode = #tpu.pipeline_mode<synchronous>, transform_indices = @transform_2, window_bounds = array<i64: 128, 128>}, {pipeline_mode = #tpu.pipeline_mode<synchronous>, transform_indices = @transform_3, window_bounds = array<i64: 1, 128>}, {transform_indices = @transform_4, window_bounds = array<i64: 1024, 128>}]} {
    %get3A = arith.constant 0 : index
    %get3A_0 = arith.constant 0 : index
    %get3A_1 = vector.load %arg1[%get3A, %get3A_0] : memref<2x1024xf32, #tpu.memory_space<vmem>>, vector<1x1024xf32>
    %get3A_2 = vector.shape_cast %get3A_1 : vector<1x1024xf32> to vector<1024xf32>
    %get3A_3 = arith.constant 1 : index
    %get3A_4 = arith.constant 0 : index
    %get3A_5 = vector.load %arg1[%get3A_3, %get3A_4] : memref<2x1024xf32, #tpu.memory_space<vmem>>, vector<1x1024xf32>
    %get3A_6 = vector.shape_cast %get3A_5 : vector<1x1024xf32> to vector<1024xf32>
    %add3A = arith.addf %get3A_2, %get3A_6 : vector<1024xf32>
    %add3A_7 = arith.constant 1.000000e+00 : f32
    %add3A_8 = vector.broadcast %add3A_7 : f32 to vector<1024xf32>
    %add3A_9 = arith.addf %add3A, %add3A_8 : vector<1024xf32>
    %mul3A = arith.constant 1024 : i32
    %mul3A_10 = arith.muli %arg0, %mul3A : i32
    %iota3A = tpu.iota {dimensions = array<i32: 1>} : vector<1x1024xi32>
    %iota3A_11 = vector.shape_cast %iota3A : vector<1x1024xi32> to vector<1024xi32>
    %add3A_12 = vector.broadcast %mul3A_10 : i32 to vector<1024xi32>
    %add3A_13 = arith.addi %add3A_12, %iota3A_11 : vector<1024xi32>
    %lt3A = arith.constant 10000 : i32
    %lt3A_14 = vector.broadcast %lt3A : i32 to vector<1024xi32>
    %lt3A_15 = arith.cmpi slt, %add3A_13, %lt3A_14 : vector<1024xi32>
    %rsqrt3A = math.rsqrt %add3A_9 : vector<1024xf32>
    %jit3A = arith.constant 0.000000e+00 : f32
    %broadcast_in_dim3A = vector.broadcast %jit3A : f32 to vector<1024xf32>
    %select_n3A = arith.select %lt3A_15, %rsqrt3A, %broadcast_in_dim3A : vector<1024xi1>, vector<1024xf32>
    %get3A_16 = arith.constant 0 : index
    %get3A_17 = arith.constant 0 : index
    %get3A_18 = arith.constant 0 : index
    %get3A_19 = vector.load %arg2[%get3A_16, %get3A_17, %get3A_18] : memref<2x1024x128xf32, #tpu.memory_space<vmem>>, vector<1x1024x128xf32>
    %get3A_20 = vector.shape_cast %get3A_19 : vector<1x1024x128xf32> to vector<1024x128xf32>
    %get3A_21 = arith.constant 1 : index
    %get3A_22 = arith.constant 0 : index
    %get3A_23 = arith.constant 0 : index
    %get3A_24 = vector.load %arg2[%get3A_21, %get3A_22, %get3A_23] : memref<2x1024x128xf32, #tpu.memory_space<vmem>>, vector<1x1024x128xf32>
    %get3A_25 = vector.shape_cast %get3A_24 : vector<1x1024x128xf32> to vector<1024x128xf32>
    %add3A_26 = arith.addf %get3A_20, %get3A_25 : vector<1024x128xf32>
    %broadcast_in_dim3A_27 = vector.shape_cast %select_n3A : vector<1024xf32> to vector<1024x1xf32>
    %mul3A_28 = vector.broadcast %broadcast_in_dim3A_27 : vector<1024x1xf32> to vector<1024x128xf32>
    %mul3A_29 = arith.mulf %mul3A_28, %add3A_26 : vector<1024x128xf32>
    %get3A_30 = arith.constant 0 : index
    %get3A_31 = arith.constant 0 : index
    %get3A_32 = vector.load %arg4[%get3A_30, %get3A_31] : memref<1x128xf32, #tpu.memory_space<vmem>>, vector<1x128xf32>
    %add3A_33 = vector.broadcast %get3A_32 : vector<1x128xf32> to vector<1024x128xf32>
    %add3A_34 = arith.addf %mul3A_29, %add3A_33 : vector<1024x128xf32>
    %max3A = arith.constant 0.000000e+00 : f32
    %max3A_35 = vector.broadcast %max3A : f32 to vector<1024x128xf32>
    %max3A_36 = arith.maximumf %add3A_34, %max3A_35 : vector<1024x128xf32>
    %get3A_37 = arith.constant 0 : index
    %get3A_38 = arith.constant 0 : index
    %get3A_39 = vector.load %arg3[%get3A_37, %get3A_38] : memref<128x128xf32, #tpu.memory_space<vmem>>, vector<128x128xf32>
    %dot_general3A = arith.constant dense<0.000000e+00> : vector<1024x128xf32>
    %dot_general3A_40 = tpu.matmul %max3A_36, %get3A_39, %dot_general3A {dimension_numbers = #tpu.dot_dimension_numbers<[1], [0], [0], [1], [0, 0, 1, 1], [], []>, transpose_lhs_hint = false} : vector<1024x128xf32>, vector<128x128xf32>, vector<1024x128xf32> -> vector<1024x128xf32>
    %broadcast_in_dim3A_41 = vector.shape_cast %select_n3A : vector<1024xf32> to vector<1024x1xf32>
    %mul3A_42 = vector.broadcast %broadcast_in_dim3A_41 : vector<1024x1xf32> to vector<1024x128xf32>
    %mul3A_43 = arith.mulf %mul3A_42, %dot_general3A_40 : vector<1024x128xf32>
    %swap3A = arith.constant 0 : index
    %swap3A_44 = arith.constant 0 : index
    %swap3A_45 = vector.load %arg5[%swap3A, %swap3A_44] : memref<1024x128xf32, #tpu.memory_space<vmem>>, vector<1024x128xf32>
    tpu.vector_store %arg5[%swap3A, %swap3A_44], %mul3A_43 {strides = array<i32>} : memref<1024x128xf32, #tpu.memory_space<vmem>>, vector<1024x128xf32>,
    return
  }
  func.func @transform_0(%arg0: i32) -> (i32, i32) {
    %c0_i32 = arith.constant 0 : i32
    %c0_i32_0 = arith.constant 0 : i32
    return %c0_i32, %arg0 : i32, i32
  }
  func.func @transform_1(%arg0: i32) -> (i32, i32, i32) {
    %c0_i32 = arith.constant 0 : i32
    %c0_i32_0 = arith.constant 0 : i32
    %c0_i32_1 = arith.constant 0 : i32
    return %c0_i32, %arg0, %c0_i32_0 : i32, i32, i32
  }
  func.func @transform_2(%arg0: i32) -> (i32, i32) {
    %c0_i32 = arith.constant 0 : i32
    %c0_i32_0 = arith.constant 0 : i32
    %c0_i32_1 = arith.constant 0 : i32
    return %c0_i32, %c0_i32_0 : i32, i32
  }
  func.func @transform_3(%arg0: i32) -> (i32, i32) {
    %c0_i32 = arith.constant 0 : i32
    %c0_i32_0 = arith.constant 0 : i32
    %c0_i32_1 = arith.constant 0 : i32
    return %c0_i32, %c0_i32_0 : i32, i32
  }
  func.func @transform_4(%arg0: i32) -> (i32, i32) {
    %c0_i32 = arith.constant 0 : i32
    %c0_i32_0 = arith.constant 0 : i32
    return %arg0, %c0_i32 : i32, i32
  }
}

module attributes {stable_mosaic.version = 14 : i64} {
  func.func @_mm_scale_body(%arg0: i32, %arg1: memref<2x1024xf32, #tpu.memory_space<vmem>>, %arg2: memref<1024x128xf32, #tpu.memory_space<vmem>>, %arg3: memref<128x128xf32, #tpu.memory_space<vmem>>, %arg4: memref<1024x128xf32, #tpu.memory_space<vmem>>) attributes {dimension_semantics = [#tpu.dimension_semantics<arbitrary>], iteration_bounds = array<i64: 10>, scalar_prefetch = 0 : i64, scratch_operands = 0 : i64, tpu.core_type = #tpu.core_type<tc>, window_params = [{transform_indices = @transform_0, window_bounds = array<i64: 2, 1024>}, {transform_indices = @transform_1, window_bounds = array<i64: 1024, 128>}, {pipeline_mode = #tpu.pipeline_mode<synchronous>, transform_indices = @transform_2, window_bounds = array<i64: 128, 128>}, {transform_indices = @transform_3, window_bounds = array<i64: 1024, 128>}]} {
    %get3A = arith.constant 0 : index
    %get3A_0 = arith.constant 0 : index
    %get3A_1 = vector.load %arg1[%get3A, %get3A_0] : memref<2x1024xf32, #tpu.memory_space<vmem>>, vector<1x1024xf32>
    %get3A_2 = vector.shape_cast %get3A_1 : vector<1x1024xf32> to vector<1024xf32>
    %get3A_3 = arith.constant 1 : index
    %get3A_4 = arith.constant 0 : index
    %get3A_5 = vector.load %arg1[%get3A_3, %get3A_4] : memref<2x1024xf32, #tpu.memory_space<vmem>>, vector<1x1024xf32>
    %get3A_6 = vector.shape_cast %get3A_5 : vector<1x1024xf32> to vector<1024xf32>
    %add3A = arith.addf %get3A_2, %get3A_6 : vector<1024xf32>
    %add3A_7 = arith.constant 1.000000e+00 : f32
    %add3A_8 = vector.broadcast %add3A_7 : f32 to vector<1024xf32>
    %add3A_9 = arith.addf %add3A, %add3A_8 : vector<1024xf32>
    %mul3A = arith.constant 1024 : i32
    %mul3A_10 = arith.muli %arg0, %mul3A : i32
    %iota3A = tpu.iota {dimensions = array<i32: 1>} : vector<1x1024xi32>
    %iota3A_11 = vector.shape_cast %iota3A : vector<1x1024xi32> to vector<1024xi32>
    %add3A_12 = vector.broadcast %mul3A_10 : i32 to vector<1024xi32>
    %add3A_13 = arith.addi %add3A_12, %iota3A_11 : vector<1024xi32>
    %lt3A = arith.constant 10000 : i32
    %lt3A_14 = vector.broadcast %lt3A : i32 to vector<1024xi32>
    %lt3A_15 = arith.cmpi slt, %add3A_13, %lt3A_14 : vector<1024xi32>
    %rsqrt3A = math.rsqrt %add3A_9 : vector<1024xf32>
    %jit3A = arith.constant 0.000000e+00 : f32
    %broadcast_in_dim3A = vector.broadcast %jit3A : f32 to vector<1024xf32>
    %select_n3A = arith.select %lt3A_15, %rsqrt3A, %broadcast_in_dim3A : vector<1024xi1>, vector<1024xf32>
    %get3A_16 = arith.constant 0 : index
    %get3A_17 = arith.constant 0 : index
    %get3A_18 = vector.load %arg2[%get3A_16, %get3A_17] : memref<1024x128xf32, #tpu.memory_space<vmem>>, vector<1024x128xf32>
    %get3A_19 = arith.constant 0 : index
    %get3A_20 = arith.constant 0 : index
    %get3A_21 = vector.load %arg3[%get3A_19, %get3A_20] : memref<128x128xf32, #tpu.memory_space<vmem>>, vector<128x128xf32>
    %dot_general3A = arith.constant dense<0.000000e+00> : vector<1024x128xf32>
    %dot_general3A_22 = tpu.matmul %get3A_18, %get3A_21, %dot_general3A {dimension_numbers = #tpu.dot_dimension_numbers<[1], [0], [0], [1], [0, 0, 1, 1], [], []>, transpose_lhs_hint = false} : vector<1024x128xf32>, vector<128x128xf32>, vector<1024x128xf32> -> vector<1024x128xf32>
    %broadcast_in_dim3A_23 = vector.shape_cast %select_n3A : vector<1024xf32> to vector<1024x1xf32>
    %mul3A_24 = vector.broadcast %broadcast_in_dim3A_23 : vector<1024x1xf32> to vector<1024x128xf32>
    %mul3A_25 = arith.mulf %mul3A_24, %dot_general3A_22 : vector<1024x128xf32>
    %swap3A = arith.constant 0 : index
    %swap3A_26 = arith.constant 0 : index
    %swap3A_27 = vector.load %arg4[%swap3A, %swap3A_26] : memref<1024x128xf32, #tpu.memory_space<vmem>>, vector<1024x128xf32>
    tpu.vector_store %arg4[%swap3A, %swap3A_26], %mul3A_25 {strides = array<i32>} : memref<1024x128xf32, #tpu.memory_space<vmem>>, vector<1024x128xf32>,
    return
  }
  func.func @transform_0(%arg0: i32) -> (i32, i32) {
    %c0_i32 = arith.constant 0 : i32
    %c0_i32_0 = arith.constant 0 : i32
    return %c0_i32, %arg0 : i32, i32
  }
  func.func @transform_1(%arg0: i32) -> (i32, i32) {
    %c0_i32 = arith.constant 0 : i32
    %c0_i32_0 = arith.constant 0 : i32
    return %arg0, %c0_i32 : i32, i32
  }
  func.func @transform_2(%arg0: i32) -> (i32, i32) {
    %c0_i32 = arith.constant 0 : i32
    %c0_i32_0 = arith.constant 0 : i32
    %c0_i32_1 = arith.constant 0 : i32
    return %c0_i32, %c0_i32_0 : i32, i32
  }
  func.func @transform_3(%arg0: i32) -> (i32, i32) {
    %c0_i32 = arith.constant 0 : i32
    %c0_i32_0 = arith.constant 0 : i32
    return %arg0, %c0_i32 : i32, i32
  }
}

module attributes {stable_mosaic.version = 14 : i64} {
  func.func @_final_body(%arg0: i32, %arg1: memref<2x1024xf32, #tpu.memory_space<vmem>>, %arg2: memref<2x1024x128xf32, #tpu.memory_space<vmem>>, %arg3: memref<1x128xf32, #tpu.memory_space<vmem>>, %arg4: memref<1x1024xi32, #tpu.memory_space<vmem>>, %arg5: memref<128x128xf32, #tpu.memory_space<vmem>>, %arg6: memref<1x128xf32, #tpu.memory_space<vmem>>, %arg7: memref<64x128xf32, #tpu.memory_space<vmem>>, %arg8: memref<64x128xf32, #tpu.memory_space<vmem>>, %arg9: memref<64x128xf32, #tpu.memory_space<vmem>>) attributes {dimension_semantics = [#tpu.dimension_semantics<arbitrary>], iteration_bounds = array<i64: 10>, scalar_prefetch = 0 : i64, scratch_operands = 2 : i64, tpu.core_type = #tpu.core_type<tc>, window_params = [{transform_indices = @transform_0, window_bounds = array<i64: 2, 1024>}, {transform_indices = @transform_1, window_bounds = array<i64: 2, 1024, 128>}, {pipeline_mode = #tpu.pipeline_mode<synchronous>, transform_indices = @transform_2, window_bounds = array<i64: 1, 128>}, {transform_indices = @transform_3, window_bounds = array<i64: 1, 1024>}, {pipeline_mode = #tpu.pipeline_mode<synchronous>, transform_indices = @transform_4, window_bounds = array<i64: 128, 128>}, {pipeline_mode = #tpu.pipeline_mode<synchronous>, transform_indices = @transform_5, window_bounds = array<i64: 1, 128>}, {pipeline_mode = #tpu.pipeline_mode<synchronous>, transform_indices = @transform_6, window_bounds = array<i64: 64, 128>}]} {
    %get3A = arith.constant 0 : index
    %get3A_0 = arith.constant 0 : index
    %get3A_1 = vector.load %arg1[%get3A, %get3A_0] : memref<2x1024xf32, #tpu.memory_space<vmem>>, vector<1x1024xf32>
    %get3A_2 = vector.shape_cast %get3A_1 : vector<1x1024xf32> to vector<1024xf32>
    %get3A_3 = arith.constant 1 : index
    %get3A_4 = arith.constant 0 : index
    %get3A_5 = vector.load %arg1[%get3A_3, %get3A_4] : memref<2x1024xf32, #tpu.memory_space<vmem>>, vector<1x1024xf32>
    %get3A_6 = vector.shape_cast %get3A_5 : vector<1x1024xf32> to vector<1024xf32>
    %add3A = arith.addf %get3A_2, %get3A_6 : vector<1024xf32>
    %add3A_7 = arith.constant 1.000000e+00 : f32
    %add3A_8 = vector.broadcast %add3A_7 : f32 to vector<1024xf32>
    %add3A_9 = arith.addf %add3A, %add3A_8 : vector<1024xf32>
    %mul3A = arith.constant 1024 : i32
    %mul3A_10 = arith.muli %arg0, %mul3A : i32
    %iota3A = tpu.iota {dimensions = array<i32: 1>} : vector<1x1024xi32>
    %iota3A_11 = vector.shape_cast %iota3A : vector<1x1024xi32> to vector<1024xi32>
    %add3A_12 = vector.broadcast %mul3A_10 : i32 to vector<1024xi32>
    %add3A_13 = arith.addi %add3A_12, %iota3A_11 : vector<1024xi32>
    %lt3A = arith.constant 10000 : i32
    %lt3A_14 = vector.broadcast %lt3A : i32 to vector<1024xi32>
    %lt3A_15 = arith.cmpi slt, %add3A_13, %lt3A_14 : vector<1024xi32>
    %rsqrt3A = math.rsqrt %add3A_9 : vector<1024xf32>
    %jit3A = arith.constant 0.000000e+00 : f32
    %broadcast_in_dim3A = vector.broadcast %jit3A : f32 to vector<1024xf32>
    %select_n3A = arith.select %lt3A_15, %rsqrt3A, %broadcast_in_dim3A : vector<1024xi1>, vector<1024xf32>
    %get3A_16 = arith.constant 0 : index
    %get3A_17 = arith.constant 0 : index
    %get3A_18 = arith.constant 0 : index
    %get3A_19 = vector.load %arg2[%get3A_16, %get3A_17, %get3A_18] : memref<2x1024x128xf32, #tpu.memory_space<vmem>>, vector<1x1024x128xf32>
    %get3A_20 = vector.shape_cast %get3A_19 : vector<1x1024x128xf32> to vector<1024x128xf32>
    %get3A_21 = arith.constant 1 : index
    %get3A_22 = arith.constant 0 : index
    %get3A_23 = arith.constant 0 : index
    %get3A_24 = vector.load %arg2[%get3A_21, %get3A_22, %get3A_23] : memref<2x1024x128xf32, #tpu.memory_space<vmem>>, vector<1x1024x128xf32>
    %get3A_25 = vector.shape_cast %get3A_24 : vector<1x1024x128xf32> to vector<1024x128xf32>
    %add3A_26 = arith.addf %get3A_20, %get3A_25 : vector<1024x128xf32>
    %broadcast_in_dim3A_27 = vector.shape_cast %select_n3A : vector<1024xf32> to vector<1024x1xf32>
    %mul3A_28 = vector.broadcast %broadcast_in_dim3A_27 : vector<1024x1xf32> to vector<1024x128xf32>
    %mul3A_29 = arith.mulf %mul3A_28, %add3A_26 : vector<1024x128xf32>
    %get3A_30 = arith.constant 0 : index
    %get3A_31 = arith.constant 0 : index
    %get3A_32 = vector.load %arg3[%get3A_30, %get3A_31] : memref<1x128xf32, #tpu.memory_space<vmem>>, vector<1x128xf32>
    %add3A_33 = vector.broadcast %get3A_32 : vector<1x128xf32> to vector<1024x128xf32>
    %add3A_34 = arith.addf %mul3A_29, %add3A_33 : vector<1024x128xf32>
    %max3A = arith.constant 0.000000e+00 : f32
    %max3A_35 = vector.broadcast %max3A : f32 to vector<1024x128xf32>
    %max3A_36 = arith.maximumf %add3A_34, %max3A_35 : vector<1024x128xf32>
    %get3A_37 = arith.constant 0 : index
    %get3A_38 = arith.constant 0 : index
    %get3A_39 = vector.load %arg4[%get3A_37, %get3A_38] : memref<1x1024xi32, #tpu.memory_space<vmem>>, vector<1x1024xi32>
    %iota3A_40 = tpu.iota {dimensions = array<i32: 0>} : vector<64x1024xi32>
    %eq3A = vector.broadcast %get3A_39 : vector<1x1024xi32> to vector<64x1024xi32>
    %eq3A_41 = arith.cmpi eq, %iota3A_40, %eq3A : vector<64x1024xi32>
    %convert_element_type3A = arith.extui %eq3A_41 : vector<64x1024xi1> to vector<64x1024xi32>
    %convert_element_type3A_42 = arith.sitofp %convert_element_type3A : vector<64x1024xi32> to vector<64x1024xf32>
    %dot_general3A = arith.constant dense<0.000000e+00> : vector<64x128xf32>
    %dot_general3A_43 = tpu.matmul %convert_element_type3A_42, %max3A_36, %dot_general3A {dimension_numbers = #tpu.dot_dimension_numbers<[1], [0], [0], [1], [0, 0, 1, 1], [], []>, transpose_lhs_hint = false} : vector<64x1024xf32>, vector<1024x128xf32>, vector<64x128xf32> -> vector<64x128xf32>
    %broadcast_in_dim3A_44 = arith.constant 1.000000e+00 : f32
    %broadcast_in_dim3A_45 = vector.broadcast %broadcast_in_dim3A_44 : f32 to vector<1024x128xf32>
    %dot_general3A_46 = arith.constant dense<0.000000e+00> : vector<64x128xf32>
    %dot_general3A_47 = tpu.matmul %convert_element_type3A_42, %broadcast_in_dim3A_45, %dot_general3A_46 {dimension_numbers = #tpu.dot_dimension_numbers<[1], [0], [0], [1], [0, 0, 1, 1], [], []>, transpose_lhs_hint = false} : vector<64x1024xf32>, vector<1024x128xf32>, vector<64x128xf32> -> vector<64x128xf32>
    %eq3A_48 = arith.constant 0 : i32
    %eq3A_49 = arith.cmpi eq, %arg0, %eq3A_48 : i32
    %convert_element_type3A_50 = arith.extui %eq3A_49 : i1 to i32
    %cond3A = arith.constant 0 : i32
    %cond3A_51 = arith.cmpi ne, %convert_element_type3A_50, %cond3A : i32
    scf.if %cond3A_51 {
      %broadcast_in_dim3A_70 = arith.constant 0.000000e+00 : f32
      %broadcast_in_dim3A_71 = vector.broadcast %broadcast_in_dim3A_70 : f32 to vector<64x128xf32>
      %swap3A_72 = arith.constant 0 : index
      %swap3A_73 = arith.constant 0 : index
      %swap3A_74 = vector.load %arg8[%swap3A_72, %swap3A_73] : memref<64x128xf32, #tpu.memory_space<vmem>>, vector<64x128xf32>
      tpu.vector_store %arg8[%swap3A_72, %swap3A_73], %broadcast_in_dim3A_71 {strides = array<i32>} : memref<64x128xf32, #tpu.memory_space<vmem>>, vector<64x128xf32>,
      %broadcast_in_dim3A_75 = arith.constant 0.000000e+00 : f32
      %broadcast_in_dim3A_76 = vector.broadcast %broadcast_in_dim3A_75 : f32 to vector<64x128xf32>
      %swap3A_77 = arith.constant 0 : index
      %swap3A_78 = arith.constant 0 : index
      %swap3A_79 = vector.load %arg9[%swap3A_77, %swap3A_78] : memref<64x128xf32, #tpu.memory_space<vmem>>, vector<64x128xf32>
      tpu.vector_store %arg9[%swap3A_77, %swap3A_78], %broadcast_in_dim3A_76 {strides = array<i32>} : memref<64x128xf32, #tpu.memory_space<vmem>>, vector<64x128xf32>,
    } else {
    }
    %get3A_52 = arith.constant 0 : index
    %get3A_53 = arith.constant 0 : index
    %get3A_54 = vector.load %arg8[%get3A_52, %get3A_53] : memref<64x128xf32, #tpu.memory_space<vmem>>, vector<64x128xf32>
    %add3A_55 = arith.addf %get3A_54, %dot_general3A_43 : vector<64x128xf32>
    %swap3A = arith.constant 0 : index
    %swap3A_56 = arith.constant 0 : index
    %swap3A_57 = vector.load %arg8[%swap3A, %swap3A_56] : memref<64x128xf32, #tpu.memory_space<vmem>>, vector<64x128xf32>
    tpu.vector_store %arg8[%swap3A, %swap3A_56], %add3A_55 {strides = array<i32>} : memref<64x128xf32, #tpu.memory_space<vmem>>, vector<64x128xf32>,
    %get3A_58 = arith.constant 0 : index
    %get3A_59 = arith.constant 0 : index
    %get3A_60 = vector.load %arg9[%get3A_58, %get3A_59] : memref<64x128xf32, #tpu.memory_space<vmem>>, vector<64x128xf32>
    %add3A_61 = arith.addf %get3A_60, %dot_general3A_47 : vector<64x128xf32>
    %swap3A_62 = arith.constant 0 : index
    %swap3A_63 = arith.constant 0 : index
    %swap3A_64 = vector.load %arg9[%swap3A_62, %swap3A_63] : memref<64x128xf32, #tpu.memory_space<vmem>>, vector<64x128xf32>
    tpu.vector_store %arg9[%swap3A_62, %swap3A_63], %add3A_61 {strides = array<i32>} : memref<64x128xf32, #tpu.memory_space<vmem>>, vector<64x128xf32>,
    %eq3A_65 = arith.constant 9 : i32
    %eq3A_66 = arith.cmpi eq, %arg0, %eq3A_65 : i32
    %convert_element_type3A_67 = arith.extui %eq3A_66 : i1 to i32
    %cond3A_68 = arith.constant 0 : i32
    %cond3A_69 = arith.cmpi ne, %convert_element_type3A_67, %cond3A_68 : i32
    scf.if %cond3A_69 {
      %get3A_70 = arith.constant 0 : index
      %get3A_71 = arith.constant 0 : index
      %get3A_72 = vector.load %arg8[%get3A_70, %get3A_71] : memref<64x128xf32, #tpu.memory_space<vmem>>, vector<64x128xf32>
      %get3A_73 = arith.constant 0 : index
      %get3A_74 = arith.constant 0 : index
      %get3A_75 = vector.load %arg9[%get3A_73, %get3A_74] : memref<64x128xf32, #tpu.memory_space<vmem>>, vector<64x128xf32>
      %max3A_76 = arith.constant 1.000000e+00 : f32
      %max3A_77 = vector.broadcast %max3A_76 : f32 to vector<64x128xf32>
      %max3A_78 = arith.maximumf %get3A_75, %max3A_77 : vector<64x128xf32>
      %div3A = arith.divf %get3A_72, %max3A_78 : vector<64x128xf32>
      %get3A_79 = arith.constant 0 : index
      %get3A_80 = arith.constant 0 : index
      %get3A_81 = vector.load %arg5[%get3A_79, %get3A_80] : memref<128x128xf32, #tpu.memory_space<vmem>>, vector<128x128xf32>
      %dot_general3A_82 = arith.constant dense<0.000000e+00> : vector<64x128xf32>
      %dot_general3A_83 = tpu.matmul %div3A, %get3A_81, %dot_general3A_82 {dimension_numbers = #tpu.dot_dimension_numbers<[1], [0], [0], [1], [0, 0, 1, 1], [], []>, transpose_lhs_hint = false} : vector<64x128xf32>, vector<128x128xf32>, vector<64x128xf32> -> vector<64x128xf32>
      %get3A_84 = arith.constant 0 : index
      %get3A_85 = arith.constant 0 : index
      %get3A_86 = vector.load %arg6[%get3A_84, %get3A_85] : memref<1x128xf32, #tpu.memory_space<vmem>>, vector<1x128xf32>
      %add3A_87 = vector.broadcast %get3A_86 : vector<1x128xf32> to vector<64x128xf32>
      %add3A_88 = arith.addf %dot_general3A_83, %add3A_87 : vector<64x128xf32>
      %reduce_max3A = arith.constant dense<0xFF800000> : vector<64xf32>
      %reduce_max3A_89 = vector.multi_reduction <maximumf>, %add3A_88, %reduce_max3A [1] : vector<64x128xf32> to vector<64xf32>
      %broadcast_in_dim3A_90 = vector.shape_cast %reduce_max3A_89 : vector<64xf32> to vector<64x1xf32>
      %sub3A = vector.broadcast %broadcast_in_dim3A_90 : vector<64x1xf32> to vector<64x128xf32>
      %sub3A_91 = arith.subf %add3A_88, %sub3A : vector<64x128xf32>
      %exp3A = math.exp %sub3A_91 : vector<64x128xf32>
      %reduce_sum3A = arith.constant dense<0.000000e+00> : vector<64xf32>
      %reduce_sum3A_92 = vector.multi_reduction <add>, %exp3A, %reduce_sum3A [1] : vector<64x128xf32> to vector<64xf32>
      %broadcast_in_dim3A_93 = vector.shape_cast %reduce_sum3A_92 : vector<64xf32> to vector<64x1xf32>
      %log3A = math.log %broadcast_in_dim3A_93 : vector<64x1xf32>
      %add3A_94 = arith.addf %broadcast_in_dim3A_90, %log3A : vector<64x1xf32>
      %sub3A_95 = vector.broadcast %add3A_94 : vector<64x1xf32> to vector<64x128xf32>
      %sub3A_96 = arith.subf %add3A_88, %sub3A_95 : vector<64x128xf32>
      %swap3A_97 = arith.constant 0 : index
      %swap3A_98 = arith.constant 0 : index
      %swap3A_99 = vector.load %arg7[%swap3A_97, %swap3A_98] : memref<64x128xf32, #tpu.memory_space<vmem>>, vector<64x128xf32>
      tpu.vector_store %arg7[%swap3A_97, %swap3A_98], %sub3A_96 {strides = array<i32>} : memref<64x128xf32, #tpu.memory_space<vmem>>, vector<64x128xf32>,
    } else {
    }
    return
  }
  func.func @transform_0(%arg0: i32) -> (i32, i32) {
    %c0_i32 = arith.constant 0 : i32
    %c0_i32_0 = arith.constant 0 : i32
    return %c0_i32, %arg0 : i32, i32
  }
  func.func @transform_1(%arg0: i32) -> (i32, i32, i32) {
    %c0_i32 = arith.constant 0 : i32
    %c0_i32_0 = arith.constant 0 : i32
    %c0_i32_1 = arith.constant 0 : i32
    return %c0_i32, %arg0, %c0_i32_0 : i32, i32, i32
  }
  func.func @transform_2(%arg0: i32) -> (i32, i32) {
    %c0_i32 = arith.constant 0 : i32
    %c0_i32_0 = arith.constant 0 : i32
    %c0_i32_1 = arith.constant 0 : i32
    return %c0_i32, %c0_i32_0 : i32, i32
  }
  func.func @transform_3(%arg0: i32) -> (i32, i32) {
    %c0_i32 = arith.constant 0 : i32
    %c0_i32_0 = arith.constant 0 : i32
    return %c0_i32, %arg0 : i32, i32
  }
  func.func @transform_4(%arg0: i32) -> (i32, i32) {
    %c0_i32 = arith.constant 0 : i32
    %c0_i32_0 = arith.constant 0 : i32
    %c0_i32_1 = arith.constant 0 : i32
    return %c0_i32, %c0_i32_0 : i32, i32
  }
  func.func @transform_5(%arg0: i32) -> (i32, i32) {
    %c0_i32 = arith.constant 0 : i32
    %c0_i32_0 = arith.constant 0 : i32
    %c0_i32_1 = arith.constant 0 : i32
    return %c0_i32, %c0_i32_0 : i32, i32
  }
  func.func @transform_6(%arg0: i32) -> (i32, i32) {
    %c0_i32 = arith.constant 0 : i32
    %c0_i32_0 = arith.constant 0 : i32
    %c0_i32_1 = arith.constant 0 : i32
    return %c0_i32, %c0_i32_0 : i32, i32
  }
}

</mosaic_0001>

<sc_bundles>
// kernel: kernel.11.cloned.1.call-start
scs
__scs_entry_jumppad:
0x0: {  	(pc) =	sbr.rel $0x88, $3  }
0x1: {  	(tag) =	ssettag $0x0;
	lr =	simm.s32 $0x1  }
0x2: {  	[smem:$0x3F98] =	sst lr;
	_ =	strace $0xD0000000  }
0x3: {  	_ = 	snop  }
0x4: {  	_ = 	snop  }
0x5: {  	_ = 	snop  }
0x6: {  	_ = 	snop  }
0x7: {  	_ = 	snop  }
__scs_overlays_trampoline_lowered:
0x8: {  	[smem:$0x3FA7] =	sst s0  }
0x9: {  	[smem:$0x3FA8] =	sst s1  }
0xa: {  	[smem:$0x3FA9] =	sst s2  }
0xb: {  	[smem:$0x3FAA] =	sst s3  }
0xc: {  	[smem:$0x3FAB] =	sst s4  }
0xd: {  	[smem:$0x3FAC] =	sst s5  }
0xe: {  	[smem:$0x3FAD] =	sst s6  }
0xf: {  	[smem:$0x3FAE] =	sst s7  }
0x10: {  	[smem:$0x3FAF] =	sst s8  }
0x11: {  	[smem:$0x3FB0] =	sst s9;
	s0 =	simm.s32 @!p0 $0x0  }
0x12: {  	s1 =	sld [smem:$0x3F96];
	s0 =	simm.s32 @p0 $0x1  }
0x13: {  	[smem:$0x3FB1] =	sst s0;
	s0 =	simm.s32 @!p1 $0x0  }
0x14: {  	s2 =	sld [smem:$0x3F95];
	s0 =	simm.s32 @p1 $0x1  }
0x15: {  	[smem:$0x3FB2] =	sst s0;
	s0 =	simm.s32 @!p2 $0x0  }
0x16: {  	s3 =	sld [smem:$0x3FDB];
	s0 =	simm.s32 @p2 $0x1  }
0x17: {  	s4 =	simm.s32 $0x1BF5;
	[smem:$0x3FB4] =	sst s0  }
0x18: {  	s0 =	sld [smem:$0x3F97];
	_ =	swait.ge [sflag:s4], $0x0  }
0x19: {  	s7 =	sld [smem:$0x3F98]  }
0x1a: {  	s8 =	sadd.s32 $0xFFFFE003, lr  }
0x1b: {  	s9 =	sadd.s32 $0xFFFFFEF7, lr;
	s5 =	simm.s32 $0xFFFFFFFF;
	p2 =	slt.u32 s8, $0xFFFFF086  }
0x1c: {  	p1 =	slt.u32 s9, $0xF7A;
	s5 =	simm.s32 @!p2 $0x0  }
0x1d: {  	s5 =	simm.s32 @p1 $0x1;
	p0 =	seq.s32 s7, s2  }
0x1e: {  	s7 =	smul.u32 @!p0 $0xF7A, s2;
	p2 =	seq.s32 @!p0 s5, $0x0  }
0x1f: {  	s9 =	smul.u32 $0xF7A, s1;
	s8 =	simm.s32 @!p0 $0x1BF5;
	p2 =	por !p2, p0  }
0x20: {  	[sflag:s8] =	ssyncset.s32 @!p0 $0xFFFFF086;
	s6 =	sadd.s32 @!p0 s3, s7;
	s7 =	simm.s32 @!p0 $0x108  }
0x21: {  	s3 =	sadd.s32 s3, s9;
	s6 =	sadd.s32 @!p0 $0x88, s6;
	s7 =	simm.s32 @p2 $0x1082  }
0x22: {  	[simem:s7], [sflag:s8] =	dma.local @!p0 [hbm:s6], $0xF7A  }
0x23: {  	s9 =	sor.u32 $0xD0000000, s2;
	s6 =	simm.s32 $0x108;
	_ =	swait.ge @!p0 [sflag:s8], $0x0  }
0x24: {  	s3 =	sadd.s32 $0x88, s3;
	s6 =	simm.s32 @!p1 $0x1082;
	[sflag:s4] =	ssyncset.s32 $0xFFFFF086  }
0x25: {  	[simem:s6], [sflag:s4] =	dma.local [hbm:s3], $0xF7A  }
0x26: {  	[smem:$0x3F98] =	sst s1;
	(tag) =	ssettag s2;
	_ =	strace s9  }
0x27: {  	s1 =	sld [smem:$0x3FA8]  }
0x28: {  	s2 =	sld [smem:$0x3FA9]  }
0x29: {  	s4 =	sld [smem:$0x3FAB]  }
0x2a: {  	p0 =	seq.s32 s5, $0x0;
	s5 =	sld [smem:$0x3FAC]  }
0x2b: {  	s6 =	sld [smem:$0x3FAD]  }
0x2c: {  	s7 =	sld [smem:$0x3FAE]  }
0x2d: {  	s3 =	simm.s32 $0x108;
	s8 =	sld [smem:$0x3FAF]  }
0x2e: {  	s3 =	simm.s32 @!p0 $0x1082;
	s9 =	sld [smem:$0x3FB0]  }
0x2f: {  	lr =	sadd.s32 s0, s3;
	s0 =	sld [smem:$0x3FA7]  }
0x30: {  	s3 =	sld [smem:$0x3FAA]  }
0x31: {  	[smem:$0x3FB3] =	sst s10  }
0x32: {  	s10 =	sld [smem:$0x3FB1];
	_ =	sdelay $0x3  }
0x33: {  	p0 =	seq.s32 s10, $0x1;
	s10 =	sld [smem:$0x3FB3];
	_ =	sdelay $0x3  }
0x34: {  	[smem:$0x3FB3] =	sst s10  }
0x35: {  	s10 =	sld [smem:$0x3FB2];
	_ =	sdelay $0x3  }
0x36: {  	p1 =	seq.s32 s10, $0x1;
	s10 =	sld [smem:$0x3FB3];
	_ =	sdelay $0x3  }
0x37: {  	[smem:$0x3FB3] =	sst s10  }
0x38: {  	s10 =	sld [smem:$0x3FB4]  }
0x39: {  	_ = 	snop;
	(pc) =	sbr.ind lr, $3  }
0x3a: {  	_ = 	snop  }
0x3b: {  	_ = 	snop  }
0x3c: {  	p2 =	seq.s32 s10, $0x1;
	s10 =	sld [smem:$0x3FB3]  }
0x3d: {  	_ =	shalt  }
0x3e: {  	_ =	shalt  }
0x3f: {  	_ =	shalt  }
0x40: {  	_ =	shalt  }
0x41: {  	_ =	shalt  }
0x42: {  	_ =	shalt  }
0x43: {  	_ =	shalt  }
0x44: {  	_ =	shalt  }
0x45: {  	_ =	shalt  }
0x46: {  	_ =	shalt  }
0x47: {  	_ =	shalt  }
0x48: {  	_ =	shalt  }
0x49: {  	_ =	shalt  }
0x4a: {  	_ =	shalt  }
0x4b: {  	_ =	shalt  }
0x4c: {  	_ =	shalt  }
0x4d: {  	_ =	shalt  }
0x4e: {  	_ =	shalt  }
0x4f: {  	_ =	shalt  }
0x50: {  	_ =	shalt  }
0x51: {  	_ =	shalt  }
0x52: {  	_ =	shalt  }
0x53: {  	_ =	shalt  }
0x54: {  	_ =	shalt  }
0x55: {  	_ =	shalt  }
0x56: {  	_ =	shalt  }
0x57: {  	_ =	shalt  }
0x58: {  	_ =	shalt  }
0x59: {  	_ =	shalt  }
0x5a: {  	_ =	shalt  }
0x5b: {  	_ =	shalt  }
0x5c: {  	_ =	shalt  }
0x5d: {  	_ =	shalt  }
0x5e: {  	_ =	shalt  }
0x5f: {  	_ =	shalt  }
0x60: {  	_ =	shalt  }
0x61: {  	_ =	shalt  }
0x62: {  	_ =	shalt  }
0x63: {  	_ =	shalt  }
0x64: {  	_ =	shalt  }
0x65: {  	_ =	shalt  }
0x66: {  	_ =	shalt  }
0x67: {  	_ =	shalt  }
0x68: {  	_ =	shalt  }
0x69: {  	_ =	shalt  }
0x6a: {  	_ =	shalt  }
0x6b: {  	_ =	shalt  }
0x6c: {  	_ =	shalt  }
0x6d: {  	_ =	shalt  }
0x6e: {  	_ =	shalt  }
0x6f: {  	_ =	shalt  }
0x70: {  	_ =	shalt  }
0x71: {  	_ =	shalt  }
0x72: {  	_ =	shalt  }
0x73: {  	_ =	shalt  }
0x74: {  	_ =	shalt  }
0x75: {  	_ =	shalt  }
0x76: {  	_ =	shalt  }
0x77: {  	_ =	shalt  }
0x78: {  	_ =	shalt  }
0x79: {  	_ =	shalt  }
0x7a: {  	_ =	shalt  }
0x7b: {  	_ =	shalt  }
0x7c: {  	_ =	shalt  }
0x7d: {  	_ =	shalt  }
0x7e: {  	_ =	shalt  }
0x7f: {  	_ =	shalt  }
0x80: {  	_ =	shalt  }
0x81: {  	_ =	shalt  }
0x82: {  	_ =	shalt  }
0x83: {  	_ =	shalt  }
0x84: {  	_ =	shalt  }
0x85: {  	_ =	shalt  }
0x86: {  	_ =	shalt  }
0x87: {  	_ =	shalt  }
.Lfunc_end0:
.L_simem_size_0:
called_computation.1_lowered:
.L_overlay_start_0:
0x88: {  	s2 =	sld [smem:$0x3FD9]  }
0x89: {  	s3 =	sld [smem:$0x3FFE];
	_ =	sdelay $0x1  }
0x8a: {  	s1 =	srdreg.scid  }
0x8b: {  	s0 =	sand.u32 $0x1, s1  }
0x8c: {  	s16 =	sshll.u32 s0, $0xA;
	s2 =	sadd.s32 s3, s2  }
0x8d: {  	s2 =	sadd.s32 s2, s16  }
0x8e: {  	[smem:$0x3FBF] =	sst s2  }
0x8f: {  	_ = 	snop  }
0x90: {  	(tm) =	ssettm $0x1  }
0x91: {  	s17 =	sld [smem:$0x3FFB];
	_ =	sdelay $0x3  }
0x92: {  	_ =	strace s17  }
0x93: {  	s2 =	sld [smem:$0x3FFC];
	_ =	sdelay $0x3  }
0x94: {  	_ =	strace s2  }
0x95: {  	s2 =	sld [smem:$0x3FFD];
	_ =	sdelay $0x3  }
0x96: {  	_ =	strace s2  }
0x97: {  	_ =	strace $0x8FFFFFFF  }
0x98: {  	s18 =	sld [smem:$0x3FDB];
	_ =	sdelay $0x1  }
0x99: {  	s19 =	simm.s32 $_scs_section_size  }
0x9a: {  	s4 =	simm.s32 $_size__tile_overlayer_lowered;
	s5 =	simm.s32 $_tile_overlayer_lowered  }
0x9b: {  	s22 =	simm.s32 $0x1BFF;
	s21 =	sshll.u32 s5, $0x1;
	s2 =	sadd.s32 s19, s18  }
0x9c: {  	s6 =	simm.s32 $0x0;
	s20 =	sshll.u32 s4, $0x1;
	s4 =	sadd.s32 s21, s2  }
0x9d: {  	[timem:s6], [sflag:s22] =	dma.local [hbm:s4], s20  }
0x9e: {  	_ =	swait.ge [sflag:s22], s20  }
0x9f: {  	s3 =	ssub.s32 $0x0, s20;
	[sflag:s22] =	ssyncset.done $0x0  }
0xa0: {  	[sflag:s22] =	ssyncadd.s32 s3;
	_ =	sdelay $0x1  }
0xa1: {  	s23 =	simm.s32 $0x1B8B  }
0xa2: {  	_ =	swait.ge [sflag:s23], $0x1  }
0xa3: {  	[sflag:s23] =	ssyncset.done $0x0  }
0xa4: {  	s25 =	simm.s32 $0x1B8E;
	s24 =	sld [smem:$0x3FFE];
	[sflag:s23] =	ssyncadd.s32 $0xFFFFFFFF  }
0xa5: {  	s26 =	simm.s32 $execute0_lowered;
	[smem:$0x3FD2] =	sst s25  }
0xa6: {  	s4 =	sshll.u32 s26, $0x1;
	_ =	strace $0x80000049;
	[dreg:$0x1] =	wrdreg $0xFFFFFFFF  }
0xa7: {  	s28 =	simm.s32 $_size_execute0_lowered;
	s2 =	sadd.s32 s2, s4;
	[dreg:$0x0] =	wrdreg $0x0  }
0xa8: {  	s4 =	sshll.u32 s28, $0x1;
	[dreg:$0x2] =	wrdreg s2  }
0xa9: {  	[dreg:$0x3] =	wrdreg s4  }
0xaa: {  	[dreg:$0x4] =	wrdreg $0xC0  }
0xab: {  	_ =	task [dreg:s6], $0x5FFFF  }
0xac: {  	[dreg:$0x1] =	wrdreg $0xFFFFFFFF  }
0xad: {  	[dreg:$0x0] =	wrdreg $0x60  }
0xae: {  	[dreg:$0x2] =	wrdreg s24  }
0xaf: {  	[dreg:$0x3] =	wrdreg $0x90000  }
0xb0: {  	[dreg:$0x4] =	wrdreg $0x9  }
0xb1: {  	_ =	task.clear_ibuf [dreg:s6], $0x5FFFF;
	_ =	strace $0x90000049  }
0xb2: {  	s29 =	simm.s32 $0x9;
	_ =	strace $0x8000004B  }
0xb3: {  	_ =	swait.ge [sflag:s29], $0x1  }
0xb4: {  	[sflag:s29] =	ssyncadd.s32 $0xFFFFFFFF  }
0xb5: {  	_ =	strace $0x9000004B  }
0xb6: {  	_ =	sfence  }
0xb7: {  	s30 =	sld [smem:$0x0];
	_ =	sdelay $0x2  }
0xb8: {  	s31 =	sshll.u32 s1, $0xD;
	s1 =	sshrl.u32 s1, $0x2  }
0xb9: {  	s3 =	sand.u32 $0x4000, s31;
	s1 =	sadd.s32 s1, s30  }
0xba: {  	s0 =	sor.u32 s3, s0;
	s1 =	sshll.u32 s1, $0x11  }
0xbb: {  	s0 =	sor.u32 s1, s0  }
0xbc: {  	s0 =	sadd.s32 $0x8F2B, s0  }
0xbd: {  	[sflag:s0] =	ssyncadd.remote.s32 $0x1  }
0xbe: {  	_ =	sfence.sel $0xFFFF  }
0xbf: {  	[dreg:$0x0] =	wrdreg $0xFFFFFFFF;
	(pc) =	sbr.abs _section_cstart, $3  }
0xc0: {  	[dreg:$0x1] =	wrdreg $0xFFFFFFFF  }
0xc1: {  	_ =	task.clear_ibuf [dreg:s6], $0x2FFFF;
	_ =	strace $0x9FFFFFFF  }
0xc2: {  	(tm) =	ssettm $0x7FFFFFFF  }
0xc3: {  	_ =	shalt  }
tec
execute0_lowered:
.L_overlay_start_1:
0x0: {  	(tag) =	ssettag $0x1  }
0x1: {  	s0 =	rddreg [dreg:$0x0]  }
0x2: {  	s1 =	srdreg.scid;
	s2 =	rddreg [dreg:$0x1]  }
0x3: {  	s10 =	stileid.u32;
	s3 =	simm.s32 $0x0;
	s19 =	simm.s32 $0x480  }
0x4: {  	s20 =	simm.s32 $0x500;
	s22 =	simm.s32 $0x1080;
	s24 =	simm.s32 $0x580  }
0x5: {  	s11 =	simm.s32 $0x1180;
	s13 =	simm.s32 $0x1200;
	[smem:$0x7FF] =	sst s3  }
0x6: {  	s28 =	simm.s32 $0x1;
	_ =	strace $0x8000004A;
	[dreg:$0x3] =	wrdreg s19  }
0x7: {  	s29 =	simm.s32 $0x50;
	s31 =	simm.s32 $0x6800;
	[dreg:$0x4] =	wrdreg s20  }
0x8: {  	s30 =	simm.s32 $0x180;
	s5 =	smul.u32 $0x14000, s10;
	[dreg:$0x5] =	wrdreg s22  }
0x9: {  	s1 =	sand.u32 $0x1, s1;
	s7 =	smul.u32 $0x50000, s10;
	[dreg:$0x6] =	wrdreg s24  }
0xa: {  	s9 =	sshll.u32 s10, $0x1;
	s10 =	smul.u32 $0x2800, s10;
	[dreg:$0x9] =	wrdreg s11  }
0xb: {  	s15 =	sor.u32 s1, s9;
	s9 =	simm.s32 $0x600;
	[dreg:$0xa] =	wrdreg s13  }
0xc: {  	s4 =	smul.u32 $0x140000, s1;
	s19 =	simm.s32 $0x1480;
	[dreg:$0x8] =	wrdreg s9  }
0xd: {  	s14 =	ssub.s32 $0x2, s1;
	s20 =	simm.s32 $0x980;
	[dreg:$0xd] =	wrdreg s19  }
0xe: {  	p0 =	seq.s32 s1, $0x1;
	s24 =	simm.s32 $0x1580;
	[dreg:$0xe] =	wrdreg s20  }
0xf: {  	s11 =	simm.s32 $0x1400;
	s7 =	sshrl.u32 s7, $0x2;
	[dreg:$0x11] =	wrdreg s24  }
0x10: {  	s6 =	sadd.s32 s5, s4;
	s4 =	sadd.s32 $0x34C00, s0;
	s25 =	sadd.s32 s7, s2  }
0x11: {  	s13 =	simm.s32 $0x6;
	s16 =	sadd.s32 s4, s10;
	[dreg:$0x13] =	wrdreg s25  }
0x12: {  	s1 =	simm.s32 $0x8;
	s17 =	sadd.s32 $0x2800, s25;
	[dreg:$0x14] =	wrdreg s16  }
0x13: {  	s8 =	sshrl.u32 s14, $0x1;
	s18 =	sadd.s32 $0x5000, s25;
	[dreg:$0x15] =	wrdreg s17  }
0x14: {  	s19 =	simm.s32 $0x1000;
	s7 =	sadd.s32 $0x7800, s25;
	[dreg:$0x16] =	wrdreg s18  }
0x15: {  	s9 =	simm.s32 $0x7;
	s21 =	sadd.s32 $0xA000, s25;
	[dreg:$0x17] =	wrdreg s7  }
0x16: {  	s5 =	sadd.s32 $0x2C00, s0;
	s23 =	sadd.s32 $0xC800, s25;
	[dreg:$0x18] =	wrdreg s21  }
0x17: {  	s6 =	sshrl.u32 s6, $0x3;
	s26 =	sadd.s32 $0xF000, s25;
	[dreg:$0x19] =	wrdreg s23  }
0x18: {  	s10 =	sadd.s32 $0x11800, s25;
	s0 =	sadd.s32 s6, s0;
	[dreg:$0x1a] =	wrdreg s26  }
0x19: {  	s6 =	ssub.s32 s14, s8;
	s7 =	simm.s32 $0x1100;
	[dreg:$0x1b] =	wrdreg s10  }
0x1a: {  	s14 =	smul.u32 $0x6400, s15;
	s15 =	simm.s32 $0x880;
	[dreg:$0x7] =	wrdreg s7  }
0x1b: {  	s20 =	simm.s32 $0x9;
	s17 =	simm.s32 $0x900;
	[dreg:$0xb] =	wrdreg s15  }
0x1c: {  	s21 =	simm.s32 $0x1500;
	s23 =	simm.s32 $0xA00;
	[dreg:$0xc] =	wrdreg s17  }
0x1d: {  	s26 =	simm.s32 $0x1600;
	s8 =	simm.s32 $0x4000;
	[dreg:$0xf] =	wrdreg s21  }
0x1e: {  	s10 =	simm.s32 $0x800;
	s0 =	sadd.s32 $0x5CC00, s0;
	[dreg:$0x10] =	wrdreg s23  }
0x1f: {  	s22 =	smax.u32 s6, $0x1;
	s15 =	simm.s32 $0xC00;
	[dreg:$0x12] =	wrdreg s26  }
0x20: {  	s17 =	simm.s32 $0x400;
	s26 =	simm.s32 $0xC80;
	s21 =	simm.s32 $0x2  }
0x21: {  	s6 =	simm.s32 $0x3;
	s12 =	sshrl.u32 s14, $0x3;
	[smem:$0x7FC] =	sst s0  }
0x22: {  	s23 =	simm.s32 $0x0;
	[smem:$0x7FD] =	sst s22;
	s7 =	sadd.s32 s5, s12  }
0x23: {  	s22 =	simm.s32 $0x1800;
	s16 =	sadd.s32 $0x19000, s7;
	[dreg:$0x1c] =	wrdreg s7  }
0x24: {  	s0 =	simm.s32 $0x5;
	s18 =	sadd.s32 $0x80, s7;
	[dreg:$0x1d] =	wrdreg s16  }
0x25: {  	s12 =	simm.s32 $0xA;
	s7 =	sadd.s32 $0x19080, s7;
	[dreg:$0x1e] =	wrdreg s18  }
0x26: {  	v0 =	vimm.f32 $0.0e+00;
	[dreg:$0x1f] =	wrdreg s7;
	s16 =	simm.s32 $0x100;
	s18 =	simm.s32 $0x4  }
.LBB2_1:
.Ltmp0:
0x27: {  	(pc) =	sbr.rel @!p0 .LBB2_2-.Ltmp0, $2  }
0x28: {  	_ =	sdelay $0x2  }
0x29: {  	[smem:$0x7FB] =	sst s23  }
0x2a: {  	s23 =	sshra.s32 s3, $0x2;
	s24 =	sadd.s32 $0x200, s3  }
.LBB2_4:
0x2b: {  	p1 =	sne.s32 s24, $0x9E00;
	[tilespmem:s23+$0x1870] =	vst v0  }
0x2c: {  	[tilespmem:s23+$0x1800] =	vst v0  }
0x2d: {  	[tilespmem:s23+$0x1810] =	vst v0  }
.Ltmp1:
0x2e: {  	[tilespmem:s23+$0x1820] =	vst v0;
	(pc) =	sbr.rel @p1 .LBB2_4-.Ltmp1, $4  }
0x2f: {  	[tilespmem:s23+$0x1830] =	vst v0  }
0x30: {  	[tilespmem:s23+$0x1840] =	vst v0  }
0x31: {  	[tilespmem:s23+$0x1850] =	vst v0  }
0x32: {  	[tilespmem:s23+$0x1860] =	vst v0;
	s23 =	sshra.s32 s24, $0x2;
	s24 =	sadd.s32 $0x200, s24  }
0x33: {  	[tilespmem:s23+$0x1870] =	vst v0  }
0x34: {  	[tilespmem:s23+$0x1800] =	vst v0  }
0x35: {  	[tilespmem:s23+$0x1810] =	vst v0  }
0x36: {  	[tilespmem:s23+$0x1820] =	vst v0  }
0x37: {  	[tilespmem:s23+$0x1830] =	vst v0  }
0x38: {  	[tilespmem:s23+$0x1840] =	vst v0  }
0x39: {  	[tilespmem:s23+$0x1850] =	vst v0  }
0x3a: {  	[tilespmem:s23+$0x1860] =	vst v0  }
0x3b: {  	[spmem:s25] =	stream.linear.scatter [tilespmem:s22], [sflag:$0xA], $0x2800, $0x38;
	[tilespmem:$0x1D000] =	vst v63  }
0x3c: {  	_ =	swait.ge [sflag:s12], $0x2800  }
0x3d: {  	[sflag:s12] =	ssyncset.done $0x0  }
0x3e: {  	s7 =	rddreg [dreg:$0x15];
	[sflag:s12] =	ssyncadd.s32 $0xFFFFD800  }
0x3f: {  	[spmem:s7] =	stream.linear.scatter [tilespmem:s22], [sflag:$0xA], $0x2800, $0x38;
	[tilespmem:$0x1D000] =	vst v63  }
0x40: {  	_ =	swait.ge [sflag:s12], $0x2800  }
0x41: {  	[sflag:s12] =	ssyncset.done $0x0  }
0x42: {  	s23 =	rddreg [dreg:$0x16];
	[sflag:s12] =	ssyncadd.s32 $0xFFFFD800  }
0x43: {  	[spmem:s23] =	stream.linear.scatter [tilespmem:s22], [sflag:$0xA], $0x2800, $0x38;
	[tilespmem:$0x1D000] =	vst v63  }
0x44: {  	_ =	swait.ge [sflag:s12], $0x2800  }
0x45: {  	[sflag:s12] =	ssyncset.done $0x0  }
0x46: {  	s24 =	rddreg [dreg:$0x17];
	[sflag:s12] =	ssyncadd.s32 $0xFFFFD800  }
0x47: {  	[spmem:s24] =	stream.linear.scatter [tilespmem:s22], [sflag:$0xA], $0x2800, $0x38;
	[tilespmem:$0x1D000] =	vst v63  }
0x48: {  	_ =	swait.ge [sflag:s12], $0x2800  }
0x49: {  	[sflag:s12] =	ssyncset.done $0x0  }
0x4a: {  	s25 =	rddreg [dreg:$0x18];
	[sflag:s12] =	ssyncadd.s32 $0xFFFFD800  }
0x4b: {  	[spmem:s25] =	stream.linear.scatter [tilespmem:s22], [sflag:$0xA], $0x2800, $0x38;
	[tilespmem:$0x1D000] =	vst v63  }
0x4c: {  	_ =	swait.ge [sflag:s12], $0x2800  }
0x4d: {  	[sflag:s12] =	ssyncset.done $0x0  }
0x4e: {  	s23 =	rddreg [dreg:$0x19];
	[sflag:s12] =	ssyncadd.s32 $0xFFFFD800  }
0x4f: {  	[spmem:s23] =	stream.linear.scatter [tilespmem:s22], [sflag:$0xA], $0x2800, $0x38;
	[tilespmem:$0x1D000] =	vst v63  }
0x50: {  	_ =	swait.ge [sflag:s12], $0x2800  }
0x51: {  	[sflag:s12] =	ssyncset.done $0x0  }
0x52: {  	s24 =	rddreg [dreg:$0x1a];
	[sflag:s12] =	ssyncadd.s32 $0xFFFFD800  }
0x53: {  	[spmem:s24] =	stream.linear.scatter [tilespmem:s22], [sflag:$0xA], $0x2800, $0x38;
	[tilespmem:$0x1D000] =	vst v63  }
.Ltmp2:
0x54: {  	_ = 	snop;
	(pc) =	sbr.rel .LBB2_6-.Ltmp2, $4  }
0x55: {  	_ =	swait.ge [sflag:s12], $0x2800  }
0x56: {  	[sflag:s12] =	ssyncset.done $0x0  }
0x57: {  	s25 =	rddreg [dreg:$0x1b];
	[sflag:s12] =	ssyncadd.s32 $0xFFFFD800  }
0x58: {  	[spmem:s25] =	stream.linear.scatter [tilespmem:s22], [sflag:$0xA], $0x2800, $0x38;
	[tilespmem:$0x1D000] =	vst v63  }
.LBB2_2:
0x59: {  	s7 =	stileid.u32  }
0x5a: {  	s23 =	sshll.u32 s7, $0x6  }
0x5b: {  	s24 =	sshrl.u32 s25, $0x3;
	s25 =	rddreg [dreg:$0x14];
	s23 =	sor.u32 $0x1C0A, s23  }
0x5c: {  	[spmem:s24], [sflag:s23] =	dma.local [hbm:s25], $0x2800  }
.LBB2_6:
0x5d: {  	_ =	swait.ge [sflag:s12], $0x2800  }
0x5e: {  	[sflag:s12] =	ssyncset.done $0x0  }
0x5f: {  	[sflag:s12] =	ssyncadd.s32 $0xFFFFD800  }
0x60: {  	[bflag:$0x0] =	sbarrier.arrive $0xFFFF  }
0x61: {  	s23 =	simm.s32 $0x0;
	s7 =	rddreg [dreg:$0x1c]  }
0x62: {  	[tilespmem:s23], [sflag:$0x1] =	stream.linear.gather [hbm4b:s7+s23], $0x280, $0x38;
	[tilespmem:$0x1D000] =	vst v63  }
0x63: {  	s12 =	rddreg [dreg:$0x1d]  }
0x64: {  	[tilespmem:s15], [sflag:$0x1] =	stream.linear.gather [hbm4b:s12+s23], $0x280, $0x38;
	[tilespmem:$0x1D000] =	vst v63  }
0x65: {  	s24 =	rddreg [dreg:$0x1e]  }
0x66: {  	[tilespmem:s17], [sflag:$0x2] =	stream.linear.gather [hbm4b:s24+s23], $0x280, $0x38;
	[tilespmem:$0x1D000] =	vst v63  }
0x67: {  	s25 =	rddreg [dreg:$0x1f]  }
0x68: {  	[tilespmem:s19], [sflag:$0x2] =	stream.linear.gather [hbm4b:s25+s23], $0x280, $0x38;
	[tilespmem:$0x1D000] =	vst v63  }
0x69: {  	_ =	swait.ge [sflag:s28], $0x280  }
0x6a: {  	[sflag:s28] =	ssyncset.done $0x0  }
0x6b: {  	[sflag:s28] =	ssyncadd.s32 $0xFFFFFD80  }
0x6c: {  	_ =	swait.ge [sflag:s28], $0x280  }
0x6d: {  	[sflag:s28] =	ssyncset.done $0x0  }
0x6e: {  	p1 =	por $0x1, $0x1;
	[sflag:s28] =	ssyncadd.s32 $0xFFFFFD80  }
0x6f: {  	[tilespmem:s22], [sflag:$0x4] =	stream.indirect.gather [hbm4b:s4+s29], $0x80, s23, s29, $0xb8;
	[tilespmem:$0x1D000] =	vst v63  }
0x70: {  	s7 =	simm.s32 @p1 $0x80;
	s24 =	simm.s32 @p1 $0x50;
	s25 =	simm.s32 @p1 $0x4000  }
0x71: {  	[tilespmem:s25], [sflag:$0x5] =	stream.indirect.gather @p1 [hbm4b:s4+s24], $0x80, s7, s24, $0xb8;
	[tilespmem:$0x1D000] =	vst v63  }
0x72: {  	s25 =	simm.s32 @p1 $0x4  }
0x73: {  	_ =	swait.ge @p1 [sflag:s25], $0x2800  }
0x74: {  	[sflag:s25] =	ssyncset.done @p1 $0x0  }
0x75: {  	s7 =	simm.s32 @p1 $0xC00;
	[sflag:s25] =	ssyncadd.s32 @p1 $0xFFFFD800;
	s25 =	simm.s32 @p1 $0x1800  }
0x76: {  	[spmem:s2] =	stream.indirect.scatter.add.f32 @p1 [tilespmem:s25], [sflag:$0x7], $0x80, s7, s24, $0xb8;
	[tilespmem:$0x1D000] =	vst v63  }
0x77: {  	s24 =	simm.s32 @!p1 $0x8  }
0x78: {  	_ =	swait.ge @!p1 [sflag:s24], $0x2800  }
0x79: {  	s7 =	simm.s32 @!p1 $0x4000;
	[sflag:s24] =	ssyncset.done @!p1 $0x0  }
0x7a: {  	s25 =	simm.s32 @!p1 $0x50;
	[sflag:s24] =	ssyncadd.s32 @!p1 $0xFFFFD800;
	s24 =	simm.s32 @!p1 $0x80  }
0x7b: {  	[tilespmem:s7], [sflag:$0x5] =	stream.indirect.gather @!p1 [hbm4b:s4+s25], $0x80, s24, s25, $0xb8;
	[tilespmem:$0x1D000] =	vst v63  }
0x7c: {  	s24 =	simm.s32 @!p1 $0x4  }
0x7d: {  	_ =	swait.ge @!p1 [sflag:s24], $0x2800  }
0x7e: {  	[sflag:s24] =	ssyncset.done @!p1 $0x0  }
0x7f: {  	s7 =	simm.s32 @!p1 $0xC00;
	[sflag:s24] =	ssyncadd.s32 @!p1 $0xFFFFD800;
	s24 =	simm.s32 @!p1 $0x1800  }
0x80: {  	[spmem:s2] =	stream.indirect.scatter.add.f32 @!p1 [tilespmem:s24], [sflag:$0x7], $0x80, s7, s25, $0xb8;
	[tilespmem:$0x1D000] =	vst v63  }
0x81: {  	s23 =	smul.u32 $0xF, s23;
	s24 =	simm.s32 @!p1 $0x9  }
0x82: {  	_ =	swait.ge @!p1 [sflag:s24], $0x2800  }
0x83: {  	s12 =	sadd.s32 $0xA, s23;
	[sflag:s24] =	ssyncset.done @!p1 $0x0  }
0x84: {  	[sflag:s24] =	ssyncadd.s32 @!p1 $0xFFFFD800;
	s24 =	sand.u32 $0xFF, s12  }
0x85: {  	[tilespmem:s31], [sflag:$0x6] =	stream.indirect.gather [hbm4b:s4+s29], $0x80, s16, s29, $0xb8;
	[tilespmem:$0x1D000] =	vst v63  }
0x86: {  	s24 =	smul.u32 $0xCD, s24;
	_ =	swait.ge [sflag:s0], $0x2800  }
0x87: {  	[sflag:s0] =	ssyncset.done $0x0  }
0x88: {  	s24 =	sand.u32 $0xFC00, s24;
	[sflag:s0] =	ssyncadd.s32 $0xFFFFD800  }
0x89: {  	[spmem:s2] =	stream.indirect.scatter.add.f32 [tilespmem:s8], [sflag:$0x8], $0x80, s26, s29, $0xb8;
	[tilespmem:$0x1D000] =	vst v63  }
0x8a: {  	s24 =	sadd.s32 s14, s24;
	_ =	swait.ge [sflag:s9], $0x2800  }
0x8b: {  	s24 =	sshrl.u32 s24, $0x3;
	[sflag:s9] =	ssyncset.done $0x0  }
0x8c: {  	s24 =	sadd.s32 s5, s24;
	[sflag:s9] =	ssyncadd.s32 $0xFFFFD800  }
0x8d: {  	[tilespmem:s10], [sflag:$0x3] =	stream.linear.gather [hbm4b:s24+s3], $0x280, $0x38;
	[tilespmem:$0x1D000] =	vst v63  }
0x8e: {  	s24 =	sadd.s32 $0x19000, s24  }
0x8f: {  	[tilespmem:s11], [sflag:$0x3] =	stream.linear.gather [hbm4b:s24+s3], $0x280, $0x38;
	[tilespmem:$0x1D000] =	vst v63  }
0x90: {  	_ = 	snop  }
0x91: {  	[tilespmem:s22], [sflag:$0x4] =	stream.indirect.gather [hbm4b:s4+s29], $0x80, s30, s29, $0xb8;
	[tilespmem:$0x1D000] =	vst v63  }
0x92: {  	_ =	swait.ge [sflag:s13], $0x2800  }
0x93: {  	[sflag:s13] =	ssyncset.done $0x0  }
0x94: {  	s12 =	simm.s32 $0xD00;
	[sflag:s13] =	ssyncadd.s32 $0xFFFFD800  }
0x95: {  	[spmem:s2] =	stream.indirect.scatter.add.f32 [tilespmem:s31], [sflag:$0x9], $0x80, s12, s29, $0xb8;
	[tilespmem:$0x1D000] =	vst v63  }
0x96: {  	_ =	swait.ge [sflag:s1], $0x2800  }
0x97: {  	[sflag:s1] =	ssyncset.done $0x0  }
0x98: {  	s16 =	simm.s32 $0x200;
	[sflag:s1] =	ssyncadd.s32 $0xFFFFD800  }
0x99: {  	[tilespmem:s8], [sflag:$0x5] =	stream.indirect.gather [hbm4b:s4+s29], $0x80, s16, s29, $0xb8;
	[tilespmem:$0x1D000] =	vst v63  }
0x9a: {  	_ =	swait.ge [sflag:s18], $0x2800  }
0x9b: {  	[sflag:s18] =	ssyncset.done $0x0  }
0x9c: {  	s24 =	simm.s32 $0xD80;
	[sflag:s18] =	ssyncadd.s32 $0xFFFFD800  }
0x9d: {  	[spmem:s2] =	stream.indirect.scatter.add.f32 [tilespmem:s22], [sflag:$0x7], $0x80, s24, s29, $0xb8;
	[tilespmem:$0x1D000] =	vst v63  }
0x9e: {  	_ =	swait.ge [sflag:s20], $0x2800  }
0x9f: {  	[sflag:s20] =	ssyncset.done $0x0  }
0xa0: {  	[sflag:s20] =	ssyncadd.s32 $0xFFFFD800  }
0xa1: {  	_ =	swait.ge [sflag:s21], $0x280  }
0xa2: {  	[sflag:s21] =	ssyncset.done $0x0  }
0xa3: {  	[sflag:s21] =	ssyncadd.s32 $0xFFFFFD80  }
0xa4: {  	_ =	swait.ge [sflag:s21], $0x280  }
0xa5: {  	[sflag:s21] =	ssyncset.done $0x0  }
0xa6: {  	[sflag:s21] =	ssyncadd.s32 $0xFFFFFD80  }
0xa7: {  	[tilespmem:s31], [sflag:$0x6] =	stream.indirect.gather [hbm4b:s4+s29], $0x80, s17, s29, $0xb8;
	[tilespmem:$0x1D000] =	vst v63  }
0xa8: {  	_ =	swait.ge [sflag:s0], $0x2800  }
0xa9: {  	[sflag:s0] =	ssyncset.done $0x0  }
0xaa: {  	s25 =	simm.s32 $0xE00;
	[sflag:s0] =	ssyncadd.s32 $0xFFFFD800  }
0xab: {  	[spmem:s2] =	stream.indirect.scatter.add.f32 [tilespmem:s8], [sflag:$0x8], $0x80, s25, s29, $0xb8;
	[tilespmem:$0x1D000] =	vst v63  }
0xac: {  	_ =	swait.ge [sflag:s9], $0x2800  }
0xad: {  	[sflag:s9] =	ssyncset.done $0x0  }
0xae: {  	s26 =	rddreg [dreg:$0x3];
	[sflag:s9] =	ssyncadd.s32 $0xFFFFD800  }
0xaf: {  	[tilespmem:s22], [sflag:$0x4] =	stream.indirect.gather [hbm4b:s4+s29], $0x80, s26, s29, $0xb8;
	[tilespmem:$0x1D000] =	vst v63  }
0xb0: {  	_ =	swait.ge [sflag:s13], $0x2800  }
0xb1: {  	[sflag:s13] =	ssyncset.done $0x0  }
0xb2: {  	[sflag:s13] =	ssyncadd.s32 $0xFFFFD800  }
0xb3: {  	[spmem:s2] =	stream.indirect.scatter.add.f32 [tilespmem:s31], [sflag:$0x9], $0x80, s19, s29, $0xb8;
	[tilespmem:$0x1D000] =	vst v63  }
0xb4: {  	_ =	swait.ge [sflag:s1], $0x2800  }
0xb5: {  	s7 =	sadd.s32 $0xF, s23;
	[sflag:s1] =	ssyncset.done $0x0  }
0xb6: {  	s16 =	sand.u32 $0xFF, s7;
	s30 =	rddreg [dreg:$0x4];
	[sflag:s1] =	ssyncadd.s32 $0xFFFFD800  }
0xb7: {  	[tilespmem:s8], [sflag:$0x5] =	stream.indirect.gather [hbm4b:s4+s29], $0x80, s30, s29, $0xb8;
	[tilespmem:$0x1D000] =	vst v63  }
0xb8: {  	s24 =	smul.u32 $0xCD, s16;
	_ =	swait.ge [sflag:s18], $0x2800  }
0xb9: {  	[sflag:s18] =	ssyncset.done $0x0  }
0xba: {  	s24 =	sand.u32 $0xFC00, s24;
	s17 =	rddreg [dreg:$0x5];
	[sflag:s18] =	ssyncadd.s32 $0xFFFFD800  }
0xbb: {  	[spmem:s2] =	stream.indirect.scatter.add.f32 [tilespmem:s22], [sflag:$0x7], $0x80, s17, s29, $0xb8;
	[tilespmem:$0x1D000] =	vst v63  }
0xbc: {  	s24 =	sadd.s32 s14, s24;
	_ =	swait.ge [sflag:s20], $0x2800  }
0xbd: {  	s24 =	sshrl.u32 s24, $0x3;
	[sflag:s20] =	ssyncset.done $0x0  }
0xbe: {  	s24 =	sadd.s32 s5, s24;
	[sflag:s20] =	ssyncadd.s32 $0xFFFFD800  }
0xbf: {  	[tilespmem:s3], [sflag:$0x1] =	stream.linear.gather [hbm4b:s24+s3], $0x280, $0x38;
	[tilespmem:$0x1D000] =	vst v63  }
0xc0: {  	s24 =	sadd.s32 $0x19000, s24  }
0xc1: {  	[tilespmem:s15], [sflag:$0x1] =	stream.linear.gather [hbm4b:s24+s3], $0x280, $0x38;
	[tilespmem:$0x1D000] =	vst v63  }
0xc2: {  	s19 =	rddreg [dreg:$0x6]  }
0xc3: {  	[tilespmem:s31], [sflag:$0x6] =	stream.indirect.gather [hbm4b:s4+s29], $0x80, s19, s29, $0xb8;
	[tilespmem:$0x1D000] =	vst v63  }
0xc4: {  	_ =	swait.ge [sflag:s0], $0x2800  }
0xc5: {  	[sflag:s0] =	ssyncset.done $0x0  }
0xc6: {  	s25 =	rddreg [dreg:$0x7];
	[sflag:s0] =	ssyncadd.s32 $0xFFFFD800  }
0xc7: {  	[spmem:s2] =	stream.indirect.scatter.add.f32 [tilespmem:s8], [sflag:$0x8], $0x80, s25, s29, $0xb8;
	[tilespmem:$0x1D000] =	vst v63  }
0xc8: {  	_ =	swait.ge [sflag:s9], $0x2800  }
0xc9: {  	[sflag:s9] =	ssyncset.done $0x0  }
0xca: {  	s26 =	rddreg [dreg:$0x8];
	[sflag:s9] =	ssyncadd.s32 $0xFFFFD800  }
0xcb: {  	[tilespmem:s22], [sflag:$0x4] =	stream.indirect.gather [hbm4b:s4+s29], $0x80, s26, s29, $0xb8;
	[tilespmem:$0x1D000] =	vst v63  }
0xcc: {  	_ =	swait.ge [sflag:s13], $0x2800  }
0xcd: {  	[sflag:s13] =	ssyncset.done $0x0  }
0xce: {  	s30 =	rddreg [dreg:$0x9];
	[sflag:s13] =	ssyncadd.s32 $0xFFFFD800  }
0xcf: {  	[spmem:s2] =	stream.indirect.scatter.add.f32 [tilespmem:s31], [sflag:$0x9], $0x80, s30, s29, $0xb8;
	[tilespmem:$0x1D000] =	vst v63  }
0xd0: {  	_ =	swait.ge [sflag:s1], $0x2800  }
0xd1: {  	[sflag:s1] =	ssyncset.done $0x0  }
0xd2: {  	[sflag:s1] =	ssyncadd.s32 $0xFFFFD800  }
0xd3: {  	_ =	swait.ge [sflag:s6], $0x280  }
0xd4: {  	[sflag:s6] =	ssyncset.done $0x0  }
0xd5: {  	[sflag:s6] =	ssyncadd.s32 $0xFFFFFD80  }
0xd6: {  	_ =	swait.ge [sflag:s6], $0x280  }
0xd7: {  	[sflag:s6] =	ssyncset.done $0x0  }
0xd8: {  	[sflag:s6] =	ssyncadd.s32 $0xFFFFFD80  }
0xd9: {  	[tilespmem:s8], [sflag:$0x5] =	stream.indirect.gather [hbm4b:s4+s29], $0x80, s10, s29, $0xb8;
	[tilespmem:$0x1D000] =	vst v63  }
0xda: {  	_ =	swait.ge [sflag:s18], $0x2800  }
0xdb: {  	[sflag:s18] =	ssyncset.done $0x0  }
0xdc: {  	s7 =	rddreg [dreg:$0xa];
	[sflag:s18] =	ssyncadd.s32 $0xFFFFD800  }
0xdd: {  	[spmem:s2] =	stream.indirect.scatter.add.f32 [tilespmem:s22], [sflag:$0x7], $0x80, s7, s29, $0xb8;
	[tilespmem:$0x1D000] =	vst v63  }
0xde: {  	_ =	swait.ge [sflag:s20], $0x2800  }
0xdf: {  	[sflag:s20] =	ssyncset.done $0x0  }
0xe0: {  	s15 =	rddreg [dreg:$0xb];
	[sflag:s20] =	ssyncadd.s32 $0xFFFFD800  }
0xe1: {  	[tilespmem:s31], [sflag:$0x6] =	stream.indirect.gather [hbm4b:s4+s29], $0x80, s15, s29, $0xb8;
	[tilespmem:$0x1D000] =	vst v63  }
0xe2: {  	_ =	swait.ge [sflag:s0], $0x2800  }
0xe3: {  	[sflag:s0] =	ssyncset.done $0x0  }
0xe4: {  	p1 =	por $0x0, $0x0;
	[sflag:s0] =	ssyncadd.s32 $0xFFFFD800  }
0xe5: {  	[spmem:s2] =	stream.indirect.scatter.add.f32 [tilespmem:s8], [sflag:$0x8], $0x80, s11, s29, $0xb8;
	[tilespmem:$0x1D000] =	vst v63  }
0xe6: {  	s23 =	sadd.s32 @!p1 $0x14, s23;
	_ =	swait.ge [sflag:s9], $0x2800  }
0xe7: {  	s23 =	sand.u32 @!p1 $0xFF, s23;
	[sflag:s9] =	ssyncset.done $0x0  }
0xe8: {  	s23 =	smul.u32 @!p1 $0xCD, s23;
	s16 =	rddreg [dreg:$0xc];
	[sflag:s9] =	ssyncadd.s32 $0xFFFFD800  }
0xe9: {  	[tilespmem:s22], [sflag:$0x4] =	stream.indirect.gather [hbm4b:s4+s29], $0x80, s16, s29, $0xb8;
	[tilespmem:$0x1D000] =	vst v63  }
0xea: {  	_ =	swait.ge [sflag:s13], $0x2800  }
0xeb: {  	s23 =	sand.u32 @!p1 $0xFC00, s23;
	[sflag:s13] =	ssyncset.done $0x0  }
0xec: {  	s23 =	sadd.s32 @!p1 s14, s23;
	s17 =	rddreg [dreg:$0xd];
	[sflag:s13] =	ssyncadd.s32 $0xFFFFD800  }
0xed: {  	[spmem:s2] =	stream.indirect.scatter.add.f32 [tilespmem:s31], [sflag:$0x9], $0x80, s17, s29, $0xb8;
	[tilespmem:$0x1D000] =	vst v63  }
0xee: {  	s23 =	sshrl.u32 @!p1 s23, $0x3;
	_ =	swait.ge [sflag:s1], $0x2800  }
0xef: {  	s23 =	sadd.s32 @!p1 s5, s23;
	[sflag:s1] =	ssyncset.done $0x0  }
0xf0: {  	s24 =	simm.s32 @!p1 $0x400;
	s25 =	simm.s32 @!p1 $0x0;
	[sflag:s1] =	ssyncadd.s32 $0xFFFFD800  }
0xf1: {  	[tilespmem:s24], [sflag:$0x2] =	stream.linear.gather @!p1 [hbm4b:s23+s25], $0x280, $0x38;
	[tilespmem:$0x1D000] =	vst v63  }
0xf2: {  	s7 =	simm.s32 @!p1 $0x1000;
	s23 =	sadd.s32 @!p1 $0x19000, s23  }
0xf3: {  	[tilespmem:s7], [sflag:$0x2] =	stream.linear.gather @!p1 [hbm4b:s23+s25], $0x280, $0x38;
	[tilespmem:$0x1D000] =	vst v63  }
0xf4: {  	s19 =	rddreg [dreg:$0xe]  }
0xf5: {  	[tilespmem:s8], [sflag:$0x5] =	stream.indirect.gather [hbm4b:s4+s29], $0x80, s19, s29, $0xb8;
	[tilespmem:$0x1D000] =	vst v63  }
0xf6: {  	_ =	swait.ge [sflag:s18], $0x2800  }
0xf7: {  	[sflag:s18] =	ssyncset.done $0x0  }
0xf8: {  	s25 =	rddreg [dreg:$0xf];
	[sflag:s18] =	ssyncadd.s32 $0xFFFFD800  }
0xf9: {  	[spmem:s2] =	stream.indirect.scatter.add.f32 [tilespmem:s22], [sflag:$0x7], $0x80, s25, s29, $0xb8;
	[tilespmem:$0x1D000] =	vst v63  }
0xfa: {  	_ =	swait.ge [sflag:s20], $0x2800  }
0xfb: {  	[sflag:s20] =	ssyncset.done $0x0  }
0xfc: {  	s26 =	rddreg [dreg:$0x10];
	[sflag:s20] =	ssyncadd.s32 $0xFFFFD800  }
0xfd: {  	[tilespmem:s31], [sflag:$0x6] =	stream.indirect.gather [hbm4b:s4+s29], $0x80, s26, s29, $0xb8;
	[tilespmem:$0x1D000] =	vst v63  }
0xfe: {  	_ =	swait.ge [sflag:s0], $0x2800  }
0xff: {  	[sflag:s0] =	ssyncset.done $0x0  }
0x100: {  	s30 =	rddreg [dreg:$0x11];
	[sflag:s0] =	ssyncadd.s32 $0xFFFFD800  }
0x101: {  	[spmem:s2] =	stream.indirect.scatter.add.f32 [tilespmem:s8], [sflag:$0x8], $0x80, s30, s29, $0xb8;
	[tilespmem:$0x1D000] =	vst v63  }
0x102: {  	_ =	swait.ge [sflag:s9], $0x2800  }
0x103: {  	[sflag:s9] =	ssyncset.done $0x0  }
0x104: {  	[sflag:s9] =	ssyncadd.s32 $0xFFFFD800  }
0x105: {  	_ =	swait.ge [sflag:s28], $0x280  }
0x106: {  	[sflag:s28] =	ssyncset.done $0x0  }
0x107: {  	[sflag:s28] =	ssyncadd.s32 $0xFFFFFD80  }
0x108: {  	_ =	swait.ge [sflag:s28], $0x280  }
0x109: {  	[sflag:s28] =	ssyncset.done $0x0  }
0x10a: {  	s15 =	simm.s32 $0xC00;
	s16 =	simm.s32 $0x100;
	[sflag:s28] =	ssyncadd.s32 $0xFFFFFD80  }
0x10b: {  	[tilespmem:s22], [sflag:$0x4] =	stream.indirect.gather [hbm4b:s4+s29], $0x80, s3, s29, $0xb8;
	[tilespmem:$0x1D000] =	vst v63  }
0x10c: {  	s17 =	simm.s32 $0x400;
	s23 =	simm.s32 $0x1;
	_ =	swait.ge [sflag:s13], $0x2800  }
0x10d: {  	s19 =	simm.s32 $0x1000;
	[sflag:s13] =	ssyncset.done $0x0;
	s24 =	rddreg [dreg:$0x12]  }
.LBB2_7:
0x10e: {  	p3 =	seq.s32 s23, $0x0  }
0x10f: {  	[sflag:s13] =	ssyncadd.s32 $0xFFFFD800;
	s26 =	simm.s32 @p3 $0x4  }
0x110: {  	[spmem:s2] =	stream.indirect.scatter.add.f32 [tilespmem:s31], [sflag:$0x9], $0x80, s24, s29, $0xb8;
	[tilespmem:$0x1D000] =	vst v63  }
0x111: {  	s24 =	simm.s32 @p3 $0x50;
	s30 =	simm.s32 @p3 $0x80;
	s7 =	simm.s32 @p3 $0x4000  }
0x112: {  	[tilespmem:s7], [sflag:$0x5] =	stream.indirect.gather @p3 [hbm4b:s4+s24], $0x80, s30, s24, $0xb8;
	[tilespmem:$0x1D000] =	vst v63  }
0x113: {  	_ =	swait.ge @p3 [sflag:s26], $0x2800  }
0x114: {  	s7 =	simm.s32 @p3 $0xC00;
	[sflag:s26] =	ssyncset.done @p3 $0x0  }
0x115: {  	s30 =	simm.s32 @p3 $0x1800;
	[sflag:s26] =	ssyncadd.s32 @p3 $0xFFFFD800;
	s26 =	simm.s32 @!p3 $0x8  }
0x116: {  	[spmem:s2] =	stream.indirect.scatter.add.f32 @p3 [tilespmem:s30], [sflag:$0x7], $0x80, s7, s24, $0xb8;
	[tilespmem:$0x1D000] =	vst v63  }
0x117: {  	_ =	swait.ge @!p3 [sflag:s26], $0x2800  }
0x118: {  	s7 =	simm.s32 @!p3 $0x4000;
	s24 =	simm.s32 @!p3 $0x50;
	[sflag:s26] =	ssyncset.done @!p3 $0x0  }
0x119: {  	s30 =	simm.s32 @!p3 $0x80;
	[sflag:s26] =	ssyncadd.s32 @!p3 $0xFFFFD800;
	s26 =	simm.s32 @!p3 $0x4  }
0x11a: {  	[tilespmem:s7], [sflag:$0x5] =	stream.indirect.gather @!p3 [hbm4b:s4+s24], $0x80, s30, s24, $0xb8;
	[tilespmem:$0x1D000] =	vst v63  }
0x11b: {  	_ =	swait.ge @!p3 [sflag:s26], $0x2800  }
0x11c: {  	s25 =	smov.u32 s23;
	[sflag:s26] =	ssyncset.done @!p3 $0x0  }
0x11d: {  	s7 =	simm.s32 @!p3 $0xC00;
	s30 =	simm.s32 @!p3 $0x1800;
	[sflag:s26] =	ssyncadd.s32 @!p3 $0xFFFFD800  }
0x11e: {  	[spmem:s2] =	stream.indirect.scatter.add.f32 @!p3 [tilespmem:s30], [sflag:$0x7], $0x80, s7, s24, $0xb8;
	[tilespmem:$0x1D000] =	vst v63  }
0x11f: {  	s26 =	simm.s32 @!p3 $0x9;
	s7 =	smul.u32 $0xF, s25  }
0x120: {  	_ =	swait.ge @!p3 [sflag:s26], $0x2800  }
0x121: {  	p2 =	seq.s32 s25, $0x7;
	[sflag:s26] =	ssyncset.done @!p3 $0x0;
	s25 =	sadd.s32 $0xA, s7  }
0x122: {  	[sflag:s26] =	ssyncadd.s32 @!p3 $0xFFFFD800;
	s24 =	sand.u32 $0xFF, s25  }
0x123: {  	[tilespmem:s31], [sflag:$0x6] =	stream.indirect.gather [hbm4b:s4+s29], $0x80, s16, s29, $0xb8;
	[tilespmem:$0x1D000] =	vst v63  }
0x124: {  	s24 =	smul.u32 $0xCD, s24;
	_ =	swait.ge [sflag:s0], $0x2800  }
0x125: {  	[sflag:s0] =	ssyncset.done $0x0  }
0x126: {  	s30 =	simm.s32 $0xC80;
	s24 =	sand.u32 $0xFC00, s24;
	[sflag:s0] =	ssyncadd.s32 $0xFFFFD800  }
0x127: {  	[spmem:s2] =	stream.indirect.scatter.add.f32 [tilespmem:s8], [sflag:$0x8], $0x80, s30, s29, $0xb8;
	[tilespmem:$0x1D000] =	vst v63  }
0x128: {  	s24 =	sadd.s32 s14, s24;
	_ =	swait.ge [sflag:s9], $0x2800  }
0x129: {  	s24 =	sshrl.u32 s24, $0x3;
	[sflag:s9] =	ssyncset.done $0x0  }
0x12a: {  	s24 =	sadd.s32 s5, s24;
	[sflag:s9] =	ssyncadd.s32 $0xFFFFD800  }
0x12b: {  	[tilespmem:s10], [sflag:$0x3] =	stream.linear.gather [hbm4b:s24+s3], $0x280, $0x38;
	[tilespmem:$0x1D000] =	vst v63  }
0x12c: {  	s26 =	sadd.s32 $0xF, s7;
	s24 =	sadd.s32 $0x19000, s24  }
0x12d: {  	[tilespmem:s11], [sflag:$0x3] =	stream.linear.gather [hbm4b:s24+s3], $0x280, $0x38;
	[tilespmem:$0x1D000] =	vst v63  }
0x12e: {  	s25 =	sand.u32 $0xFF, s26;
	s26 =	simm.s32 $0x180  }
0x12f: {  	[tilespmem:s22], [sflag:$0x4] =	stream.indirect.gather [hbm4b:s4+s29], $0x80, s26, s29, $0xb8;
	[tilespmem:$0x1D000] =	vst v63  }
0x130: {  	_ =	swait.ge [sflag:s13], $0x2800  }
0x131: {  	[sflag:s13] =	ssyncset.done $0x0  }
0x132: {  	[sflag:s13] =	ssyncadd.s32 $0xFFFFD800  }
0x133: {  	[spmem:s2] =	stream.indirect.scatter.add.f32 [tilespmem:s31], [sflag:$0x9], $0x80, s12, s29, $0xb8;
	[tilespmem:$0x1D000] =	vst v63  }
0x134: {  	_ =	swait.ge [sflag:s1], $0x2800  }
0x135: {  	[sflag:s1] =	ssyncset.done $0x0  }
0x136: {  	s30 =	simm.s32 $0x200;
	[sflag:s1] =	ssyncadd.s32 $0xFFFFD800  }
0x137: {  	[tilespmem:s8], [sflag:$0x5] =	stream.indirect.gather [hbm4b:s4+s29], $0x80, s30, s29, $0xb8;
	[tilespmem:$0x1D000] =	vst v63  }
0x138: {  	_ =	swait.ge [sflag:s18], $0x2800  }
0x139: {  	[sflag:s18] =	ssyncset.done $0x0  }
0x13a: {  	s12 =	simm.s32 $0xD80;
	[sflag:s18] =	ssyncadd.s32 $0xFFFFD800  }
0x13b: {  	[spmem:s2] =	stream.indirect.scatter.add.f32 [tilespmem:s22], [sflag:$0x7], $0x80, s12, s29, $0xb8;
	[tilespmem:$0x1D000] =	vst v63  }
0x13c: {  	_ =	swait.ge [sflag:s20], $0x2800  }
0x13d: {  	[sflag:s20] =	ssyncset.done $0x0  }
0x13e: {  	[sflag:s20] =	ssyncadd.s32 $0xFFFFD800  }
0x13f: {  	_ =	swait.ge [sflag:s21], $0x280  }
0x140: {  	[sflag:s21] =	ssyncset.done $0x0  }
0x141: {  	[sflag:s21] =	ssyncadd.s32 $0xFFFFFD80  }
0x142: {  	_ =	swait.ge [sflag:s21], $0x280  }
0x143: {  	[sflag:s21] =	ssyncset.done $0x0  }
0x144: {  	[sflag:s21] =	ssyncadd.s32 $0xFFFFFD80  }
0x145: {  	[tilespmem:s31], [sflag:$0x6] =	stream.indirect.gather [hbm4b:s4+s29], $0x80, s17, s29, $0xb8;
	[tilespmem:$0x1D000] =	vst v63  }
0x146: {  	_ =	swait.ge [sflag:s0], $0x2800  }
0x147: {  	[sflag:s0] =	ssyncset.done $0x0  }
0x148: {  	s26 =	simm.s32 $0xE00;
	[sflag:s0] =	ssyncadd.s32 $0xFFFFD800  }
0x149: {  	[spmem:s2] =	stream.indirect.scatter.add.f32 [tilespmem:s8], [sflag:$0x8], $0x80, s26, s29, $0xb8;
	[tilespmem:$0x1D000] =	vst v63  }
0x14a: {  	_ =	swait.ge [sflag:s9], $0x2800  }
0x14b: {  	[sflag:s9] =	ssyncset.done $0x0  }
0x14c: {  	s30 =	rddreg [dreg:$0x3];
	[sflag:s9] =	ssyncadd.s32 $0xFFFFD800  }
0x14d: {  	[tilespmem:s22], [sflag:$0x4] =	stream.indirect.gather [hbm4b:s4+s29], $0x80, s30, s29, $0xb8;
	[tilespmem:$0x1D000] =	vst v63  }
0x14e: {  	_ =	swait.ge [sflag:s13], $0x2800  }
0x14f: {  	[sflag:s13] =	ssyncset.done $0x0  }
0x150: {  	[sflag:s13] =	ssyncadd.s32 $0xFFFFD800  }
0x151: {  	[spmem:s2] =	stream.indirect.scatter.add.f32 [tilespmem:s31], [sflag:$0x9], $0x80, s19, s29, $0xb8;
	[tilespmem:$0x1D000] =	vst v63  }
0x152: {  	_ =	swait.ge [sflag:s1], $0x2800  }
0x153: {  	[sflag:s1] =	ssyncset.done $0x0  }
0x154: {  	s12 =	rddreg [dreg:$0x4];
	[sflag:s1] =	ssyncadd.s32 $0xFFFFD800  }
0x155: {  	[tilespmem:s8], [sflag:$0x5] =	stream.indirect.gather [hbm4b:s4+s29], $0x80, s12, s29, $0xb8;
	[tilespmem:$0x1D000] =	vst v63  }
0x156: {  	s25 =	smul.u32 $0xCD, s25;
	_ =	swait.ge [sflag:s18], $0x2800  }
0x157: {  	[sflag:s18] =	ssyncset.done $0x0  }
0x158: {  	s25 =	sand.u32 $0xFC00, s25;
	s26 =	rddreg [dreg:$0x5];
	[sflag:s18] =	ssyncadd.s32 $0xFFFFD800  }
0x159: {  	[spmem:s2] =	stream.indirect.scatter.add.f32 [tilespmem:s22], [sflag:$0x7], $0x80, s26, s29, $0xb8;
	[tilespmem:$0x1D000] =	vst v63  }
0x15a: {  	s25 =	sadd.s32 s14, s25;
	_ =	swait.ge [sflag:s20], $0x2800  }
0x15b: {  	s25 =	sshrl.u32 s25, $0x3;
	[sflag:s20] =	ssyncset.done $0x0  }
0x15c: {  	s30 =	sadd.s32 s5, s25;
	[sflag:s20] =	ssyncadd.s32 $0xFFFFD800  }
0x15d: {  	[tilespmem:s3], [sflag:$0x1] =	stream.linear.gather [hbm4b:s30+s3], $0x280, $0x38;
	[tilespmem:$0x1D000] =	vst v63  }
0x15e: {  	s25 =	sadd.s32 $0x19000, s30  }
0x15f: {  	[tilespmem:s15], [sflag:$0x1] =	stream.linear.gather [hbm4b:s25+s3], $0x280, $0x38;
	[tilespmem:$0x1D000] =	vst v63  }
0x160: {  	s12 =	rddreg [dreg:$0x6]  }
0x161: {  	[tilespmem:s31], [sflag:$0x6] =	stream.indirect.gather [hbm4b:s4+s29], $0x80, s12, s29, $0xb8;
	[tilespmem:$0x1D000] =	vst v63  }
0x162: {  	_ =	swait.ge [sflag:s0], $0x2800  }
0x163: {  	[sflag:s0] =	ssyncset.done $0x0  }
0x164: {  	s26 =	rddreg [dreg:$0x7];
	[sflag:s0] =	ssyncadd.s32 $0xFFFFD800  }
0x165: {  	[spmem:s2] =	stream.indirect.scatter.add.f32 [tilespmem:s8], [sflag:$0x8], $0x80, s26, s29, $0xb8;
	[tilespmem:$0x1D000] =	vst v63  }
0x166: {  	_ =	swait.ge [sflag:s9], $0x2800  }
0x167: {  	[sflag:s9] =	ssyncset.done $0x0  }
0x168: {  	s30 =	rddreg [dreg:$0x8];
	[sflag:s9] =	ssyncadd.s32 $0xFFFFD800  }
0x169: {  	[tilespmem:s22], [sflag:$0x4] =	stream.indirect.gather [hbm4b:s4+s29], $0x80, s30, s29, $0xb8;
	[tilespmem:$0x1D000] =	vst v63  }
0x16a: {  	_ =	swait.ge [sflag:s13], $0x2800  }
0x16b: {  	[sflag:s13] =	ssyncset.done $0x0  }
0x16c: {  	s12 =	rddreg [dreg:$0x9];
	[sflag:s13] =	ssyncadd.s32 $0xFFFFD800  }
0x16d: {  	[spmem:s2] =	stream.indirect.scatter.add.f32 [tilespmem:s31], [sflag:$0x9], $0x80, s12, s29, $0xb8;
	[tilespmem:$0x1D000] =	vst v63  }
0x16e: {  	_ =	swait.ge [sflag:s1], $0x2800  }
0x16f: {  	[sflag:s1] =	ssyncset.done $0x0  }
0x170: {  	[sflag:s1] =	ssyncadd.s32 $0xFFFFD800  }
0x171: {  	_ =	swait.ge [sflag:s6], $0x280  }
0x172: {  	[sflag:s6] =	ssyncset.done $0x0  }
0x173: {  	[sflag:s6] =	ssyncadd.s32 $0xFFFFFD80  }
0x174: {  	_ =	swait.ge [sflag:s6], $0x280  }
0x175: {  	[sflag:s6] =	ssyncset.done $0x0  }
0x176: {  	[sflag:s6] =	ssyncadd.s32 $0xFFFFFD80  }
0x177: {  	[tilespmem:s8], [sflag:$0x5] =	stream.indirect.gather [hbm4b:s4+s29], $0x80, s10, s29, $0xb8;
	[tilespmem:$0x1D000] =	vst v63  }
0x178: {  	_ =	swait.ge [sflag:s18], $0x2800  }
0x179: {  	[sflag:s18] =	ssyncset.done $0x0  }
0x17a: {  	s25 =	rddreg [dreg:$0xa];
	[sflag:s18] =	ssyncadd.s32 $0xFFFFD800  }
0x17b: {  	[spmem:s2] =	stream.indirect.scatter.add.f32 [tilespmem:s22], [sflag:$0x7], $0x80, s25, s29, $0xb8;
	[tilespmem:$0x1D000] =	vst v63  }
0x17c: {  	_ =	swait.ge [sflag:s20], $0x2800  }
0x17d: {  	[sflag:s20] =	ssyncset.done $0x0  }
0x17e: {  	s26 =	rddreg [dreg:$0xb];
	[sflag:s20] =	ssyncadd.s32 $0xFFFFD800  }
0x17f: {  	[tilespmem:s31], [sflag:$0x6] =	stream.indirect.gather [hbm4b:s4+s29], $0x80, s26, s29, $0xb8;
	[tilespmem:$0x1D000] =	vst v63  }
0x180: {  	_ =	swait.ge [sflag:s0], $0x2800  }
0x181: {  	[sflag:s0] =	ssyncset.done $0x0  }
0x182: {  	[sflag:s0] =	ssyncadd.s32 $0xFFFFD800  }
0x183: {  	[spmem:s2] =	stream.indirect.scatter.add.f32 [tilespmem:s8], [sflag:$0x8], $0x80, s11, s29, $0xb8;
	[tilespmem:$0x1D000] =	vst v63  }
0x184: {  	_ =	swait.ge [sflag:s9], $0x2800  }
0x185: {  	s7 =	sadd.s32 @!p2 $0x14, s7;
	[sflag:s9] =	ssyncset.done $0x0  }
0x186: {  	s7 =	sand.u32 @!p2 $0xFF, s7;
	s30 =	rddreg [dreg:$0xc];
	[sflag:s9] =	ssyncadd.s32 $0xFFFFD800  }
0x187: {  	[tilespmem:s22], [sflag:$0x4] =	stream.indirect.gather [hbm4b:s4+s29], $0x80, s30, s29, $0xb8;
	[tilespmem:$0x1D000] =	vst v63  }
0x188: {  	s7 =	smul.u32 @!p2 $0xCD, s7;
	_ =	swait.ge [sflag:s13], $0x2800  }
0x189: {  	[sflag:s13] =	ssyncset.done $0x0  }
0x18a: {  	s7 =	sand.u32 @!p2 $0xFC00, s7;
	s12 =	rddreg [dreg:$0xd];
	[sflag:s13] =	ssyncadd.s32 $0xFFFFD800  }
0x18b: {  	[spmem:s2] =	stream.indirect.scatter.add.f32 [tilespmem:s31], [sflag:$0x9], $0x80, s12, s29, $0xb8;
	[tilespmem:$0x1D000] =	vst v63  }
0x18c: {  	s7 =	sadd.s32 @!p2 s14, s7;
	_ =	swait.ge [sflag:s1], $0x2800  }
0x18d: {  	s24 =	sshrl.u32 @!p2 s7, $0x3;
	s7 =	simm.s32 @!p2 $0x400;
	[sflag:s1] =	ssyncset.done $0x0  }
0x18e: {  	s24 =	sadd.s32 @!p2 s5, s24;
	s26 =	simm.s32 @!p2 $0x0;
	[sflag:s1] =	ssyncadd.s32 $0xFFFFD800  }
0x18f: {  	[tilespmem:s7], [sflag:$0x2] =	stream.linear.gather @!p2 [hbm4b:s24+s26], $0x280, $0x38;
	[tilespmem:$0x1D000] =	vst v63  }
0x190: {  	s25 =	simm.s32 @!p2 $0x1000;
	s30 =	sadd.s32 @!p2 $0x19000, s24  }
0x191: {  	[tilespmem:s25], [sflag:$0x2] =	stream.linear.gather @!p2 [hbm4b:s30+s26], $0x280, $0x38;
	[tilespmem:$0x1D000] =	vst v63  }
0x192: {  	s12 =	rddreg [dreg:$0xe]  }
0x193: {  	[tilespmem:s8], [sflag:$0x5] =	stream.indirect.gather [hbm4b:s4+s29], $0x80, s12, s29, $0xb8;
	[tilespmem:$0x1D000] =	vst v63  }
0x194: {  	_ =	swait.ge [sflag:s18], $0x2800  }
0x195: {  	[sflag:s18] =	ssyncset.done $0x0  }
0x196: {  	s25 =	rddreg [dreg:$0xf];
	[sflag:s18] =	ssyncadd.s32 $0xFFFFD800  }
0x197: {  	[spmem:s2] =	stream.indirect.scatter.add.f32 [tilespmem:s22], [sflag:$0x7], $0x80, s25, s29, $0xb8;
	[tilespmem:$0x1D000] =	vst v63  }
0x198: {  	_ =	swait.ge [sflag:s20], $0x2800  }
0x199: {  	[sflag:s20] =	ssyncset.done $0x0  }
0x19a: {  	s26 =	rddreg [dreg:$0x10];
	[sflag:s20] =	ssyncadd.s32 $0xFFFFD800  }
0x19b: {  	[tilespmem:s31], [sflag:$0x6] =	stream.indirect.gather [hbm4b:s4+s29], $0x80, s26, s29, $0xb8;
	[tilespmem:$0x1D000] =	vst v63  }
0x19c: {  	_ =	swait.ge [sflag:s0], $0x2800  }
0x19d: {  	[sflag:s0] =	ssyncset.done $0x0  }
0x19e: {  	s30 =	rddreg [dreg:$0x11];
	[sflag:s0] =	ssyncadd.s32 $0xFFFFD800  }
0x19f: {  	[spmem:s2] =	stream.indirect.scatter.add.f32 [tilespmem:s8], [sflag:$0x8], $0x80, s30, s29, $0xb8;
	[tilespmem:$0x1D000] =	vst v63  }
0x1a0: {  	_ =	swait.ge [sflag:s9], $0x2800  }
0x1a1: {  	[sflag:s9] =	ssyncset.done $0x0  }
0x1a2: {  	[sflag:s9] =	ssyncadd.s32 $0xFFFFD800  }
0x1a3: {  	_ =	swait.ge [sflag:s28], $0x280  }
0x1a4: {  	[sflag:s28] =	ssyncset.done $0x0  }
0x1a5: {  	s23 =	sadd.s32 $0x1, s23;
	[sflag:s28] =	ssyncadd.s32 $0xFFFFFD80  }
0x1a6: {  	p1 =	sne.s32 s23, $0x8;
	_ =	swait.ge [sflag:s28], $0x280  }
.Ltmp3:
0x1a7: {  	[sflag:s28] =	ssyncset.done $0x0;
	(pc) =	sbr.rel @p1 .LBB2_7-.Ltmp3, $4  }
0x1a8: {  	[sflag:s28] =	ssyncadd.s32 $0xFFFFFD80  }
0x1a9: {  	[tilespmem:s22], [sflag:$0x4] =	stream.indirect.gather [hbm4b:s4+s29], $0x80, s3, s29, $0xb8;
	[tilespmem:$0x1D000] =	vst v63  }
0x1aa: {  	_ =	swait.ge [sflag:s13], $0x2800  }
0x1ab: {  	s12 =	simm.s32 $0xD00;
	[sflag:s13] =	ssyncset.done $0x0;
	s24 =	rddreg [dreg:$0x12]  }
0x1ac: {  	[sflag:s13] =	ssyncadd.s32 $0xFFFFD800  }
0x1ad: {  	[spmem:s2] =	stream.indirect.scatter.add.f32 [tilespmem:s31], [sflag:$0x9], $0x80, s24, s29, $0xb8;
	[tilespmem:$0x1D000] =	vst v63  }
0x1ae: {  	_ =	swait.ge [sflag:s1], $0x2800  }
0x1af: {  	[sflag:s1] =	ssyncset.done $0x0  }
0x1b0: {  	s7 =	simm.s32 $0x80;
	[sflag:s1] =	ssyncadd.s32 $0xFFFFD800  }
0x1b1: {  	[tilespmem:s8], [sflag:$0x5] =	stream.indirect.gather [hbm4b:s4+s29], $0x80, s7, s29, $0xb8;
	[tilespmem:$0x1D000] =	vst v63  }
0x1b2: {  	_ =	swait.ge [sflag:s18], $0x2800  }
0x1b3: {  	[sflag:s18] =	ssyncset.done $0x0  }
0x1b4: {  	[sflag:s18] =	ssyncadd.s32 $0xFFFFD800  }
0x1b5: {  	[spmem:s2] =	stream.indirect.scatter.add.f32 [tilespmem:s22], [sflag:$0x7], $0x80, s15, s29, $0xb8;
	[tilespmem:$0x1D000] =	vst v63  }
0x1b6: {  	_ =	swait.ge [sflag:s20], $0x2800  }
0x1b7: {  	[sflag:s20] =	ssyncset.done $0x0  }
0x1b8: {  	[sflag:s20] =	ssyncadd.s32 $0xFFFFD800  }
0x1b9: {  	[tilespmem:s31], [sflag:$0x6] =	stream.indirect.gather [hbm4b:s4+s29], $0x80, s16, s29, $0xb8;
	[tilespmem:$0x1D000] =	vst v63  }
0x1ba: {  	_ =	swait.ge [sflag:s0], $0x2800  }
0x1bb: {  	[sflag:s0] =	ssyncset.done $0x0  }
0x1bc: {  	s25 =	simm.s32 $0xC80;
	[sflag:s0] =	ssyncadd.s32 $0xFFFFD800  }
0x1bd: {  	[spmem:s2] =	stream.indirect.scatter.add.f32 [tilespmem:s8], [sflag:$0x8], $0x80, s25, s29, $0xb8;
	[tilespmem:$0x1D000] =	vst v63  }
0x1be: {  	_ =	swait.ge [sflag:s9], $0x2800  }
0x1bf: {  	[sflag:s9] =	ssyncset.done $0x0  }
0x1c0: {  	s26 =	simm.s32 $0x180;
	[sflag:s9] =	ssyncadd.s32 $0xFFFFD800  }
0x1c1: {  	[tilespmem:s22], [sflag:$0x4] =	stream.indirect.gather [hbm4b:s4+s29], $0x80, s26, s29, $0xb8;
	[tilespmem:$0x1D000] =	vst v63  }
0x1c2: {  	_ =	swait.ge [sflag:s13], $0x2800  }
0x1c3: {  	[sflag:s13] =	ssyncset.done $0x0  }
0x1c4: {  	[sflag:s13] =	ssyncadd.s32 $0xFFFFD800  }
0x1c5: {  	[spmem:s2] =	stream.indirect.scatter.add.f32 [tilespmem:s31], [sflag:$0x9], $0x80, s12, s29, $0xb8;
	[tilespmem:$0x1D000] =	vst v63  }
0x1c6: {  	_ =	swait.ge [sflag:s1], $0x2800  }
0x1c7: {  	[sflag:s1] =	ssyncset.done $0x0  }
0x1c8: {  	s12 =	simm.s32 $0x200;
	[sflag:s1] =	ssyncadd.s32 $0xFFFFD800  }
0x1c9: {  	[tilespmem:s8], [sflag:$0x5] =	stream.indirect.gather [hbm4b:s4+s29], $0x80, s12, s29, $0xb8;
	[tilespmem:$0x1D000] =	vst v63  }
0x1ca: {  	_ =	swait.ge [sflag:s18], $0x2800  }
0x1cb: {  	[sflag:s18] =	ssyncset.done $0x0  }
0x1cc: {  	s15 =	simm.s32 $0xD80;
	[sflag:s18] =	ssyncadd.s32 $0xFFFFD800  }
0x1cd: {  	[spmem:s2] =	stream.indirect.scatter.add.f32 [tilespmem:s22], [sflag:$0x7], $0x80, s15, s29, $0xb8;
	[tilespmem:$0x1D000] =	vst v63  }
0x1ce: {  	_ =	swait.ge [sflag:s20], $0x2800  }
0x1cf: {  	[sflag:s20] =	ssyncset.done $0x0  }
0x1d0: {  	[sflag:s20] =	ssyncadd.s32 $0xFFFFD800  }
0x1d1: {  	_ =	swait.ge [sflag:s0], $0x2800  }
0x1d2: {  	[sflag:s0] =	ssyncset.done $0x0  }
0x1d3: {  	s16 =	simm.s32 $0xE00;
	[sflag:s0] =	ssyncadd.s32 $0xFFFFD800  }
0x1d4: {  	[spmem:s2] =	stream.indirect.scatter.add.f32 [tilespmem:s8], [sflag:$0x8], $0x80, s16, s29, $0xb8;
	[tilespmem:$0x1D000] =	vst v63  }
0x1d5: {  	_ =	swait.ge [sflag:s9], $0x2800  }
0x1d6: {  	[sflag:s9] =	ssyncset.done $0x0  }
0x1d7: {  	[sflag:s9] =	ssyncadd.s32 $0xFFFFD800  }
0x1d8: {  	_ =	swait.ge [sflag:s1], $0x2800  }
0x1d9: {  	[sflag:s1] =	ssyncset.done $0x0  }
0x1da: {  	[sflag:s1] =	ssyncadd.s32 $0xFFFFD800  }
0x1db: {  	[bflag:$0x0] =	sbarrier.arrive $0xFFFF  }
0x1dc: {  	s17 =	stileid.u32;
	s23 =	sld [smem:$0x7FC]  }
0x1dd: {  	s7 =	sshll.u32 s17, $0x6;
	s25 =	rddreg [dreg:$0x13]  }
0x1de: {  	s7 =	sor.u32 $0x1C0A, s7;
	s12 =	simm.s32 $0xA;
	s19 =	sshrl.u32 s25, $0x3  }
0x1df: {  	[hbm:s23], [sflag:s7] =	dma.local [spmem:s19], $0x2800  }
0x1e0: {  	_ =	swait.ge [sflag:s12], $0x2800  }
0x1e1: {  	s24 =	sld [smem:$0x7FB]  }
0x1e2: {  	s26 =	sld [smem:$0x7FD];
	_ =	sdelay $0x1  }
0x1e3: {  	s23 =	sadd.s32 $0x1, s24  }
0x1e4: {  	p1 =	sne.s32 s23, s26  }
.Ltmp4:
0x1e5: {  	_ = 	snop;
	(pc) =	sbr.rel @p1 .LBB2_1-.Ltmp4, $4  }
0x1e6: {  	_ = 	snop  }
0x1e7: {  	s30 =	simm.s32 $0x180;
	s17 =	simm.s32 $0x400  }
0x1e8: {  	s15 =	simm.s32 $0xC00;
	s16 =	simm.s32 $0x100;
	[sflag:s12] =	ssyncset.done $0x0  }
0x1e9: {  	s19 =	simm.s32 $0x1000;
	[sflag:s12] =	ssyncadd.s32 $0xFFFFD800;
	s26 =	simm.s32 $0xC80  }
0x1ea: {  	_ =	sfence.sel $0x180000  }
0x1eb: {  	[bflag:$0x0] =	sbarrier.arrive $0xFFFF  }
0x1ec: {  	_ =	strace $0x9000004A  }
0x1ed: {  	s0 =	stileid.u32;
	[bflag:$0x2] =	sbarrier.arrive $0xFFFF  }
0x1ee: {  	p0 =	sne.s32 s0, $0x0;
	s0 =	rddreg [dreg:$0x2]  }
0x1ef: {  	s0 =	sadd.s32 @!p0 $0x100000, s0  }
0x1f0: {  	[sflag:s0] =	ssyncadd.tile.s32 @!p0 $0x1;
	_ =	shalt  }
.Lfunc_end2:
_tile_overlayer_lowered:
.L_overlay_start_2:
0x1f1: {  	(tag) =	ssettag $0x2  }
0x1f2: {  	s0 =	rddreg [dreg:$0x0];
	s2 =	stileid.u32  }
0x1f3: {  	s1 =	rddreg [dreg:$0x1];
	p0 =	sne.s32 s2, $0x0  }
0x1f4: {  	s3 =	rddreg [dreg:$0x2];
	[bflag:$0x3] =	sbarrier.arrive $0xFFFF;
	s2 =	simm.s32 @!p0 $0x1C0A  }
0x1f5: {  	[timem:s3], [sflag:s2] =	dma.local @!p0 [hbm:s0], s1  }
0x1f6: {  	s0 =	simm.s32 @!p0 $0xA  }
0x1f7: {  	_ =	swait.ge @!p0 [sflag:s0], s1  }
0x1f8: {  	s1 =	ssub.s32 @!p0 $0x0, s1;
	[sflag:s0] =	ssyncset.done @!p0 $0x0  }
0x1f9: {  	[sflag:s0] =	ssyncadd.s32 @!p0 s1  }
0x1fa: {  	[bflag:$0x3] =	sbarrier.arrive $0xFFFF  }
0x1fb: {  	_ =	shalt  }

// kernel: kernel.14.cloned.1.call-start
scs
__scs_entry_jumppad:
0x0: {  	(pc) =	sbr.rel $0x88, $3  }
0x1: {  	(tag) =	ssettag $0x0;
	lr =	simm.s32 $0x1  }
0x2: {  	[smem:$0x3F98] =	sst lr;
	_ =	strace $0xD0000000  }
0x3: {  	_ = 	snop  }
0x4: {  	_ = 	snop  }
0x5: {  	_ = 	snop  }
0x6: {  	_ = 	snop  }
0x7: {  	_ = 	snop  }
__scs_overlays_trampoline_lowered:
0x8: {  	[smem:$0x3FA7] =	sst s0  }
0x9: {  	[smem:$0x3FA8] =	sst s1  }
0xa: {  	[smem:$0x3FA9] =	sst s2  }
0xb: {  	[smem:$0x3FAA] =	sst s3  }
0xc: {  	[smem:$0x3FAB] =	sst s4  }
0xd: {  	[smem:$0x3FAC] =	sst s5  }
0xe: {  	[smem:$0x3FAD] =	sst s6  }
0xf: {  	[smem:$0x3FAE] =	sst s7  }
0x10: {  	[smem:$0x3FAF] =	sst s8  }
0x11: {  	[smem:$0x3FB0] =	sst s9;
	s0 =	simm.s32 @!p0 $0x0  }
0x12: {  	s1 =	sld [smem:$0x3F96];
	s0 =	simm.s32 @p0 $0x1  }
0x13: {  	[smem:$0x3FB1] =	sst s0;
	s0 =	simm.s32 @!p1 $0x0  }
0x14: {  	s2 =	sld [smem:$0x3F95];
	s0 =	simm.s32 @p1 $0x1  }
0x15: {  	[smem:$0x3FB2] =	sst s0;
	s0 =	simm.s32 @!p2 $0x0  }
0x16: {  	s3 =	sld [smem:$0x3FDB];
	s0 =	simm.s32 @p2 $0x1  }
0x17: {  	s4 =	simm.s32 $0x1BF5;
	[smem:$0x3FB4] =	sst s0  }
0x18: {  	s0 =	sld [smem:$0x3F97];
	_ =	swait.ge [sflag:s4], $0x0  }
0x19: {  	s7 =	sld [smem:$0x3F98]  }
0x1a: {  	s8 =	sadd.s32 $0xFFFFE003, lr  }
0x1b: {  	s9 =	sadd.s32 $0xFFFFFEF7, lr;
	s5 =	simm.s32 $0xFFFFFFFF;
	p2 =	slt.u32 s8, $0xFFFFF086  }
0x1c: {  	p1 =	slt.u32 s9, $0xF7A;
	s5 =	simm.s32 @!p2 $0x0  }
0x1d: {  	s5 =	simm.s32 @p1 $0x1;
	p0 =	seq.s32 s7, s2  }
0x1e: {  	s7 =	smul.u32 @!p0 $0xF7A, s2;
	p2 =	seq.s32 @!p0 s5, $0x0  }
0x1f: {  	s9 =	smul.u32 $0xF7A, s1;
	s8 =	simm.s32 @!p0 $0x1BF5;
	p2 =	por !p2, p0  }
0x20: {  	[sflag:s8] =	ssyncset.s32 @!p0 $0xFFFFF086;
	s6 =	sadd.s32 @!p0 s3, s7;
	s7 =	simm.s32 @!p0 $0x108  }
0x21: {  	s3 =	sadd.s32 s3, s9;
	s6 =	sadd.s32 @!p0 $0x88, s6;
	s7 =	simm.s32 @p2 $0x1082  }
0x22: {  	[simem:s7], [sflag:s8] =	dma.local @!p0 [hbm:s6], $0xF7A  }
0x23: {  	s9 =	sor.u32 $0xD0000000, s2;
	s6 =	simm.s32 $0x108;
	_ =	swait.ge @!p0 [sflag:s8], $0x0  }
0x24: {  	s3 =	sadd.s32 $0x88, s3;
	s6 =	simm.s32 @!p1 $0x1082;
	[sflag:s4] =	ssyncset.s32 $0xFFFFF086  }
0x25: {  	[simem:s6], [sflag:s4] =	dma.local [hbm:s3], $0xF7A  }
0x26: {  	[smem:$0x3F98] =	sst s1;
	(tag) =	ssettag s2;
	_ =	strace s9  }
0x27: {  	s1 =	sld [smem:$0x3FA8]  }
0x28: {  	s2 =	sld [smem:$0x3FA9]  }
0x29: {  	s4 =	sld [smem:$0x3FAB]  }
0x2a: {  	p0 =	seq.s32 s5, $0x0;
	s5 =	sld [smem:$0x3FAC]  }
0x2b: {  	s6 =	sld [smem:$0x3FAD]  }
0x2c: {  	s7 =	sld [smem:$0x3FAE]  }
0x2d: {  	s3 =	simm.s32 $0x108;
	s8 =	sld [smem:$0x3FAF]  }
0x2e: {  	s3 =	simm.s32 @!p0 $0x1082;
	s9 =	sld [smem:$0x3FB0]  }
0x2f: {  	lr =	sadd.s32 s0, s3;
	s0 =	sld [smem:$0x3FA7]  }
0x30: {  	s3 =	sld [smem:$0x3FAA]  }
0x31: {  	[smem:$0x3FB3] =	sst s10  }
0x32: {  	s10 =	sld [smem:$0x3FB1];
	_ =	sdelay $0x3  }
0x33: {  	p0 =	seq.s32 s10, $0x1;
	s10 =	sld [smem:$0x3FB3];
	_ =	sdelay $0x3  }
0x34: {  	[smem:$0x3FB3] =	sst s10  }
0x35: {  	s10 =	sld [smem:$0x3FB2];
	_ =	sdelay $0x3  }
0x36: {  	p1 =	seq.s32 s10, $0x1;
	s10 =	sld [smem:$0x3FB3];
	_ =	sdelay $0x3  }
0x37: {  	[smem:$0x3FB3] =	sst s10  }
0x38: {  	s10 =	sld [smem:$0x3FB4]  }
0x39: {  	_ = 	snop;
	(pc) =	sbr.ind lr, $3  }
0x3a: {  	_ = 	snop  }
0x3b: {  	_ = 	snop  }
0x3c: {  	p2 =	seq.s32 s10, $0x1;
	s10 =	sld [smem:$0x3FB3]  }
0x3d: {  	_ =	shalt  }
0x3e: {  	_ =	shalt  }
0x3f: {  	_ =	shalt  }
0x40: {  	_ =	shalt  }
0x41: {  	_ =	shalt  }
0x42: {  	_ =	shalt  }
0x43: {  	_ =	shalt  }
0x44: {  	_ =	shalt  }
0x45: {  	_ =	shalt  }
0x46: {  	_ =	shalt  }
0x47: {  	_ =	shalt  }
0x48: {  	_ =	shalt  }
0x49: {  	_ =	shalt  }
0x4a: {  	_ =	shalt  }
0x4b: {  	_ =	shalt  }
0x4c: {  	_ =	shalt  }
0x4d: {  	_ =	shalt  }
0x4e: {  	_ =	shalt  }
0x4f: {  	_ =	shalt  }
0x50: {  	_ =	shalt  }
0x51: {  	_ =	shalt  }
0x52: {  	_ =	shalt  }
0x53: {  	_ =	shalt  }
0x54: {  	_ =	shalt  }
0x55: {  	_ =	shalt  }
0x56: {  	_ =	shalt  }
0x57: {  	_ =	shalt  }
0x58: {  	_ =	shalt  }
0x59: {  	_ =	shalt  }
0x5a: {  	_ =	shalt  }
0x5b: {  	_ =	shalt  }
0x5c: {  	_ =	shalt  }
0x5d: {  	_ =	shalt  }
0x5e: {  	_ =	shalt  }
0x5f: {  	_ =	shalt  }
0x60: {  	_ =	shalt  }
0x61: {  	_ =	shalt  }
0x62: {  	_ =	shalt  }
0x63: {  	_ =	shalt  }
0x64: {  	_ =	shalt  }
0x65: {  	_ =	shalt  }
0x66: {  	_ =	shalt  }
0x67: {  	_ =	shalt  }
0x68: {  	_ =	shalt  }
0x69: {  	_ =	shalt  }
0x6a: {  	_ =	shalt  }
0x6b: {  	_ =	shalt  }
0x6c: {  	_ =	shalt  }
0x6d: {  	_ =	shalt  }
0x6e: {  	_ =	shalt  }
0x6f: {  	_ =	shalt  }
0x70: {  	_ =	shalt  }
0x71: {  	_ =	shalt  }
0x72: {  	_ =	shalt  }
0x73: {  	_ =	shalt  }
0x74: {  	_ =	shalt  }
0x75: {  	_ =	shalt  }
0x76: {  	_ =	shalt  }
0x77: {  	_ =	shalt  }
0x78: {  	_ =	shalt  }
0x79: {  	_ =	shalt  }
0x7a: {  	_ =	shalt  }
0x7b: {  	_ =	shalt  }
0x7c: {  	_ =	shalt  }
0x7d: {  	_ =	shalt  }
0x7e: {  	_ =	shalt  }
0x7f: {  	_ =	shalt  }
0x80: {  	_ =	shalt  }
0x81: {  	_ =	shalt  }
0x82: {  	_ =	shalt  }
0x83: {  	_ =	shalt  }
0x84: {  	_ =	shalt  }
0x85: {  	_ =	shalt  }
0x86: {  	_ =	shalt  }
0x87: {  	_ =	shalt  }
.Lfunc_end0:
.L_simem_size_0:
called_computation.2_lowered:
.L_overlay_start_0:
0x88: {  	s2 =	sld [smem:$0x3FD9]  }
0x89: {  	s3 =	sld [smem:$0x3FFE];
	_ =	sdelay $0x1  }
0x8a: {  	s1 =	srdreg.scid  }
0x8b: {  	s0 =	sand.u32 $0x1, s1  }
0x8c: {  	s16 =	sshll.u32 s0, $0xA;
	s2 =	sadd.s32 s3, s2  }
0x8d: {  	s2 =	sadd.s32 s2, s16  }
0x8e: {  	[smem:$0x3FBF] =	sst s2  }
0x8f: {  	_ = 	snop  }
0x90: {  	(tm) =	ssettm $0x1  }
0x91: {  	s17 =	sld [smem:$0x3FFB];
	_ =	sdelay $0x3  }
0x92: {  	_ =	strace s17  }
0x93: {  	s2 =	sld [smem:$0x3FFC];
	_ =	sdelay $0x3  }
0x94: {  	_ =	strace s2  }
0x95: {  	s2 =	sld [smem:$0x3FFD];
	_ =	sdelay $0x3  }
0x96: {  	_ =	strace s2  }
0x97: {  	_ =	strace $0x8FFFFFFF  }
0x98: {  	s18 =	sld [smem:$0x3FDB];
	_ =	sdelay $0x1  }
0x99: {  	s19 =	simm.s32 $_scs_section_size  }
0x9a: {  	s4 =	simm.s32 $_size__tile_overlayer_lowered;
	s5 =	simm.s32 $_tile_overlayer_lowered  }
0x9b: {  	s22 =	simm.s32 $0x1BFF;
	s21 =	sshll.u32 s5, $0x1;
	s2 =	sadd.s32 s19, s18  }
0x9c: {  	s6 =	simm.s32 $0x0;
	s20 =	sshll.u32 s4, $0x1;
	s4 =	sadd.s32 s21, s2  }
0x9d: {  	[timem:s6], [sflag:s22] =	dma.local [hbm:s4], s20  }
0x9e: {  	_ =	swait.ge [sflag:s22], s20  }
0x9f: {  	s3 =	ssub.s32 $0x0, s20;
	[sflag:s22] =	ssyncset.done $0x0  }
0xa0: {  	[sflag:s22] =	ssyncadd.s32 s3;
	_ =	sdelay $0x1  }
0xa1: {  	s23 =	simm.s32 $0x1B8B  }
0xa2: {  	_ =	swait.ge [sflag:s23], $0x1  }
0xa3: {  	[sflag:s23] =	ssyncset.done $0x0  }
0xa4: {  	s25 =	simm.s32 $0x1B8E;
	s24 =	sld [smem:$0x3FFE];
	[sflag:s23] =	ssyncadd.s32 $0xFFFFFFFF  }
0xa5: {  	s26 =	simm.s32 $execute0_lowered;
	[smem:$0x3FD2] =	sst s25  }
0xa6: {  	s4 =	sshll.u32 s26, $0x1;
	_ =	strace $0x8000004C;
	[dreg:$0x1] =	wrdreg $0xFFFFFFFF  }
0xa7: {  	s28 =	simm.s32 $_size_execute0_lowered;
	s2 =	sadd.s32 s2, s4;
	[dreg:$0x0] =	wrdreg $0x0  }
0xa8: {  	s4 =	sshll.u32 s28, $0x1;
	[dreg:$0x2] =	wrdreg s2  }
0xa9: {  	[dreg:$0x3] =	wrdreg s4  }
0xaa: {  	[dreg:$0x4] =	wrdreg $0xC0  }
0xab: {  	_ =	task [dreg:s6], $0x5FFFF  }
0xac: {  	[dreg:$0x1] =	wrdreg $0xFFFFFFFF  }
0xad: {  	[dreg:$0x0] =	wrdreg $0x60  }
0xae: {  	[dreg:$0x2] =	wrdreg s24  }
0xaf: {  	[dreg:$0x3] =	wrdreg $0x90000  }
0xb0: {  	[dreg:$0x4] =	wrdreg $0x9  }
0xb1: {  	_ =	task.clear_ibuf [dreg:s6], $0x5FFFF;
	_ =	strace $0x9000004C  }
0xb2: {  	s29 =	simm.s32 $0x9;
	_ =	strace $0x8000004E  }
0xb3: {  	_ =	swait.ge [sflag:s29], $0x1  }
0xb4: {  	[sflag:s29] =	ssyncadd.s32 $0xFFFFFFFF  }
0xb5: {  	_ =	strace $0x9000004E  }
0xb6: {  	_ =	sfence  }
0xb7: {  	s30 =	sld [smem:$0x0];
	_ =	sdelay $0x2  }
0xb8: {  	s31 =	sshll.u32 s1, $0xD;
	s1 =	sshrl.u32 s1, $0x2  }
0xb9: {  	s3 =	sand.u32 $0x4000, s31;
	s1 =	sadd.s32 s1, s30  }
0xba: {  	s0 =	sor.u32 s3, s0;
	s1 =	sshll.u32 s1, $0x11  }
0xbb: {  	s0 =	sor.u32 s1, s0  }
0xbc: {  	s0 =	sadd.s32 $0x8F2B, s0  }
0xbd: {  	[sflag:s0] =	ssyncadd.remote.s32 $0x1  }
0xbe: {  	_ =	sfence.sel $0xFFFF  }
0xbf: {  	[dreg:$0x0] =	wrdreg $0xFFFFFFFF;
	(pc) =	sbr.abs _section_cstart, $3  }
0xc0: {  	[dreg:$0x1] =	wrdreg $0xFFFFFFFF  }
0xc1: {  	_ =	task.clear_ibuf [dreg:s6], $0x2FFFF;
	_ =	strace $0x9FFFFFFF  }
0xc2: {  	(tm) =	ssettm $0x7FFFFFFF  }
0xc3: {  	_ =	shalt  }
tec
execute0_lowered:
.L_overlay_start_1:
0x0: {  	(tag) =	ssettag $0x1  }
0x1: {  	s0 =	rddreg [dreg:$0x0]  }
0x2: {  	s1 =	srdreg.scid;
	s2 =	rddreg [dreg:$0x1]  }
0x3: {  	s10 =	stileid.u32;
	s3 =	simm.s32 $0x0;
	s19 =	simm.s32 $0x480  }
0x4: {  	s20 =	simm.s32 $0x500;
	s22 =	simm.s32 $0x1080;
	s24 =	simm.s32 $0x580  }
0x5: {  	s11 =	simm.s32 $0x1180;
	s13 =	simm.s32 $0x1200;
	[smem:$0x7FF] =	sst s3  }
0x6: {  	s28 =	simm.s32 $0x1;
	_ =	strace $0x8000004D;
	[dreg:$0x3] =	wrdreg s19  }
0x7: {  	s29 =	simm.s32 $0x50;
	s31 =	simm.s32 $0x6800;
	[dreg:$0x4] =	wrdreg s20  }
0x8: {  	s30 =	simm.s32 $0x180;
	s5 =	smul.u32 $0x14000, s10;
	[dreg:$0x5] =	wrdreg s22  }
0x9: {  	s1 =	sand.u32 $0x1, s1;
	s7 =	smul.u32 $0x50000, s10;
	[dreg:$0x6] =	wrdreg s24  }
0xa: {  	s9 =	sshll.u32 s10, $0x1;
	s10 =	smul.u32 $0x2800, s10;
	[dreg:$0x9] =	wrdreg s11  }
0xb: {  	s15 =	sor.u32 s1, s9;
	s9 =	simm.s32 $0x600;
	[dreg:$0xa] =	wrdreg s13  }
0xc: {  	s4 =	smul.u32 $0x140000, s1;
	s19 =	simm.s32 $0x1480;
	[dreg:$0x8] =	wrdreg s9  }
0xd: {  	s14 =	ssub.s32 $0x2, s1;
	s20 =	simm.s32 $0x980;
	[dreg:$0xd] =	wrdreg s19  }
0xe: {  	p0 =	seq.s32 s1, $0x1;
	s24 =	simm.s32 $0x1580;
	[dreg:$0xe] =	wrdreg s20  }
0xf: {  	s11 =	simm.s32 $0x1400;
	s7 =	sshrl.u32 s7, $0x2;
	[dreg:$0x11] =	wrdreg s24  }
0x10: {  	s6 =	sadd.s32 s5, s4;
	s4 =	sadd.s32 $0x34C00, s0;
	s25 =	sadd.s32 s7, s2  }
0x11: {  	s13 =	simm.s32 $0x6;
	s16 =	sadd.s32 s4, s10;
	[dreg:$0x13] =	wrdreg s25  }
0x12: {  	s1 =	simm.s32 $0x8;
	s17 =	sadd.s32 $0x2800, s25;
	[dreg:$0x14] =	wrdreg s16  }
0x13: {  	s8 =	sshrl.u32 s14, $0x1;
	s18 =	sadd.s32 $0x5000, s25;
	[dreg:$0x15] =	wrdreg s17  }
0x14: {  	s19 =	simm.s32 $0x1000;
	s7 =	sadd.s32 $0x7800, s25;
	[dreg:$0x16] =	wrdreg s18  }
0x15: {  	s9 =	simm.s32 $0x7;
	s21 =	sadd.s32 $0xA000, s25;
	[dreg:$0x17] =	wrdreg s7  }
0x16: {  	s5 =	sadd.s32 $0x2C00, s0;
	s23 =	sadd.s32 $0xC800, s25;
	[dreg:$0x18] =	wrdreg s21  }
0x17: {  	s6 =	sshrl.u32 s6, $0x3;
	s26 =	sadd.s32 $0xF000, s25;
	[dreg:$0x19] =	wrdreg s23  }
0x18: {  	s10 =	sadd.s32 $0x11800, s25;
	s0 =	sadd.s32 s6, s0;
	[dreg:$0x1a] =	wrdreg s26  }
0x19: {  	s6 =	ssub.s32 s14, s8;
	s7 =	simm.s32 $0x1100;
	[dreg:$0x1b] =	wrdreg s10  }
0x1a: {  	s14 =	smul.u32 $0x6400, s15;
	s15 =	simm.s32 $0x880;
	[dreg:$0x7] =	wrdreg s7  }
0x1b: {  	s20 =	simm.s32 $0x9;
	s17 =	simm.s32 $0x900;
	[dreg:$0xb] =	wrdreg s15  }
0x1c: {  	s21 =	simm.s32 $0x1500;
	s23 =	simm.s32 $0xA00;
	[dreg:$0xc] =	wrdreg s17  }
0x1d: {  	s26 =	simm.s32 $0x1600;
	s8 =	simm.s32 $0x4000;
	[dreg:$0xf] =	wrdreg s21  }
0x1e: {  	s10 =	simm.s32 $0x800;
	s0 =	sadd.s32 $0x5CC00, s0;
	[dreg:$0x10] =	wrdreg s23  }
0x1f: {  	s22 =	smax.u32 s6, $0x1;
	s15 =	simm.s32 $0xC00;
	[dreg:$0x12] =	wrdreg s26  }
0x20: {  	s17 =	simm.s32 $0x400;
	s26 =	simm.s32 $0xC80;
	s21 =	simm.s32 $0x2  }
0x21: {  	s6 =	simm.s32 $0x3;
	s12 =	sshrl.u32 s14, $0x3;
	[smem:$0x7FC] =	sst s0  }
0x22: {  	s23 =	simm.s32 $0x0;
	[smem:$0x7FD] =	sst s22;
	s7 =	sadd.s32 s5, s12  }
0x23: {  	s22 =	simm.s32 $0x1800;
	s16 =	sadd.s32 $0x19000, s7;
	[dreg:$0x1c] =	wrdreg s7  }
0x24: {  	s0 =	simm.s32 $0x5;
	s18 =	sadd.s32 $0x80, s7;
	[dreg:$0x1d] =	wrdreg s16  }
0x25: {  	s12 =	simm.s32 $0xA;
	s7 =	sadd.s32 $0x19080, s7;
	[dreg:$0x1e] =	wrdreg s18  }
0x26: {  	v0 =	vimm.f32 $0.0e+00;
	[dreg:$0x1f] =	wrdreg s7;
	s16 =	simm.s32 $0x100;
	s18 =	simm.s32 $0x4  }
.LBB2_1:
.Ltmp0:
0x27: {  	(pc) =	sbr.rel @!p0 .LBB2_2-.Ltmp0, $2  }
0x28: {  	_ =	sdelay $0x2  }
0x29: {  	[smem:$0x7FB] =	sst s23  }
0x2a: {  	s23 =	sshra.s32 s3, $0x2;
	s24 =	sadd.s32 $0x200, s3  }
.LBB2_4:
0x2b: {  	p1 =	sne.s32 s24, $0x9E00;
	[tilespmem:s23+$0x1870] =	vst v0  }
0x2c: {  	[tilespmem:s23+$0x1800] =	vst v0  }
0x2d: {  	[tilespmem:s23+$0x1810] =	vst v0  }
.Ltmp1:
0x2e: {  	[tilespmem:s23+$0x1820] =	vst v0;
	(pc) =	sbr.rel @p1 .LBB2_4-.Ltmp1, $4  }
0x2f: {  	[tilespmem:s23+$0x1830] =	vst v0  }
0x30: {  	[tilespmem:s23+$0x1840] =	vst v0  }
0x31: {  	[tilespmem:s23+$0x1850] =	vst v0  }
0x32: {  	[tilespmem:s23+$0x1860] =	vst v0;
	s23 =	sshra.s32 s24, $0x2;
	s24 =	sadd.s32 $0x200, s24  }
0x33: {  	[tilespmem:s23+$0x1870] =	vst v0  }
0x34: {  	[tilespmem:s23+$0x1800] =	vst v0  }
0x35: {  	[tilespmem:s23+$0x1810] =	vst v0  }
0x36: {  	[tilespmem:s23+$0x1820] =	vst v0  }
0x37: {  	[tilespmem:s23+$0x1830] =	vst v0  }
0x38: {  	[tilespmem:s23+$0x1840] =	vst v0  }
0x39: {  	[tilespmem:s23+$0x1850] =	vst v0  }
0x3a: {  	[tilespmem:s23+$0x1860] =	vst v0  }
0x3b: {  	[spmem:s25] =	stream.linear.scatter [tilespmem:s22], [sflag:$0xA], $0x2800, $0x38;
	[tilespmem:$0x1D000] =	vst v63  }
0x3c: {  	_ =	swait.ge [sflag:s12], $0x2800  }
0x3d: {  	[sflag:s12] =	ssyncset.done $0x0  }
0x3e: {  	s7 =	rddreg [dreg:$0x15];
	[sflag:s12] =	ssyncadd.s32 $0xFFFFD800  }
0x3f: {  	[spmem:s7] =	stream.linear.scatter [tilespmem:s22], [sflag:$0xA], $0x2800, $0x38;
	[tilespmem:$0x1D000] =	vst v63  }
0x40: {  	_ =	swait.ge [sflag:s12], $0x2800  }
0x41: {  	[sflag:s12] =	ssyncset.done $0x0  }
0x42: {  	s23 =	rddreg [dreg:$0x16];
	[sflag:s12] =	ssyncadd.s32 $0xFFFFD800  }
0x43: {  	[spmem:s23] =	stream.linear.scatter [tilespmem:s22], [sflag:$0xA], $0x2800, $0x38;
	[tilespmem:$0x1D000] =	vst v63  }
0x44: {  	_ =	swait.ge [sflag:s12], $0x2800  }
0x45: {  	[sflag:s12] =	ssyncset.done $0x0  }
0x46: {  	s24 =	rddreg [dreg:$0x17];
	[sflag:s12] =	ssyncadd.s32 $0xFFFFD800  }
0x47: {  	[spmem:s24] =	stream.linear.scatter [tilespmem:s22], [sflag:$0xA], $0x2800, $0x38;
	[tilespmem:$0x1D000] =	vst v63  }
0x48: {  	_ =	swait.ge [sflag:s12], $0x2800  }
0x49: {  	[sflag:s12] =	ssyncset.done $0x0  }
0x4a: {  	s25 =	rddreg [dreg:$0x18];
	[sflag:s12] =	ssyncadd.s32 $0xFFFFD800  }
0x4b: {  	[spmem:s25] =	stream.linear.scatter [tilespmem:s22], [sflag:$0xA], $0x2800, $0x38;
	[tilespmem:$0x1D000] =	vst v63  }
0x4c: {  	_ =	swait.ge [sflag:s12], $0x2800  }
0x4d: {  	[sflag:s12] =	ssyncset.done $0x0  }
0x4e: {  	s23 =	rddreg [dreg:$0x19];
	[sflag:s12] =	ssyncadd.s32 $0xFFFFD800  }
0x4f: {  	[spmem:s23] =	stream.linear.scatter [tilespmem:s22], [sflag:$0xA], $0x2800, $0x38;
	[tilespmem:$0x1D000] =	vst v63  }
0x50: {  	_ =	swait.ge [sflag:s12], $0x2800  }
0x51: {  	[sflag:s12] =	ssyncset.done $0x0  }
0x52: {  	s24 =	rddreg [dreg:$0x1a];
	[sflag:s12] =	ssyncadd.s32 $0xFFFFD800  }
0x53: {  	[spmem:s24] =	stream.linear.scatter [tilespmem:s22], [sflag:$0xA], $0x2800, $0x38;
	[tilespmem:$0x1D000] =	vst v63  }
.Ltmp2:
0x54: {  	_ = 	snop;
	(pc) =	sbr.rel .LBB2_6-.Ltmp2, $4  }
0x55: {  	_ =	swait.ge [sflag:s12], $0x2800  }
0x56: {  	[sflag:s12] =	ssyncset.done $0x0  }
0x57: {  	s25 =	rddreg [dreg:$0x1b];
	[sflag:s12] =	ssyncadd.s32 $0xFFFFD800  }
0x58: {  	[spmem:s25] =	stream.linear.scatter [tilespmem:s22], [sflag:$0xA], $0x2800, $0x38;
	[tilespmem:$0x1D000] =	vst v63  }
.LBB2_2:
0x59: {  	s7 =	stileid.u32  }
0x5a: {  	s23 =	sshll.u32 s7, $0x6  }
0x5b: {  	s24 =	sshrl.u32 s25, $0x3;
	s25 =	rddreg [dreg:$0x14];
	s23 =	sor.u32 $0x1C0A, s23  }
0x5c: {  	[spmem:s24], [sflag:s23] =	dma.local [hbm:s25], $0x2800  }
.LBB2_6:
0x5d: {  	_ =	swait.ge [sflag:s12], $0x2800  }
0x5e: {  	[sflag:s12] =	ssyncset.done $0x0  }
0x5f: {  	[sflag:s12] =	ssyncadd.s32 $0xFFFFD800  }
0x60: {  	[bflag:$0x0] =	sbarrier.arrive $0xFFFF  }
0x61: {  	s23 =	simm.s32 $0x0;
	s7 =	rddreg [dreg:$0x1c]  }
0x62: {  	[tilespmem:s23], [sflag:$0x1] =	stream.linear.gather [hbm4b:s7+s23], $0x280, $0x38;
	[tilespmem:$0x1D000] =	vst v63  }
0x63: {  	s12 =	rddreg [dreg:$0x1d]  }
0x64: {  	[tilespmem:s15], [sflag:$0x1] =	stream.linear.gather [hbm4b:s12+s23], $0x280, $0x38;
	[tilespmem:$0x1D000] =	vst v63  }
0x65: {  	s24 =	rddreg [dreg:$0x1e]  }
0x66: {  	[tilespmem:s17], [sflag:$0x2] =	stream.linear.gather [hbm4b:s24+s23], $0x280, $0x38;
	[tilespmem:$0x1D000] =	vst v63  }
0x67: {  	s25 =	rddreg [dreg:$0x1f]  }
0x68: {  	[tilespmem:s19], [sflag:$0x2] =	stream.linear.gather [hbm4b:s25+s23], $0x280, $0x38;
	[tilespmem:$0x1D000] =	vst v63  }
0x69: {  	_ =	swait.ge [sflag:s28], $0x280  }
0x6a: {  	[sflag:s28] =	ssyncset.done $0x0  }
0x6b: {  	[sflag:s28] =	ssyncadd.s32 $0xFFFFFD80  }
0x6c: {  	_ =	swait.ge [sflag:s28], $0x280  }
0x6d: {  	[sflag:s28] =	ssyncset.done $0x0  }
0x6e: {  	p1 =	por $0x1, $0x1;
	[sflag:s28] =	ssyncadd.s32 $0xFFFFFD80  }
0x6f: {  	[tilespmem:s22], [sflag:$0x4] =	stream.indirect.gather [hbm4b:s4+s29], $0x80, s23, s29, $0xb8;
	[tilespmem:$0x1D000] =	vst v63  }
0x70: {  	s7 =	simm.s32 @p1 $0x80;
	s24 =	simm.s32 @p1 $0x50;
	s25 =	simm.s32 @p1 $0x4000  }
0x71: {  	[tilespmem:s25], [sflag:$0x5] =	stream.indirect.gather @p1 [hbm4b:s4+s24], $0x80, s7, s24, $0xb8;
	[tilespmem:$0x1D000] =	vst v63  }
0x72: {  	s25 =	simm.s32 @p1 $0x4  }
0x73: {  	_ =	swait.ge @p1 [sflag:s25], $0x2800  }
0x74: {  	[sflag:s25] =	ssyncset.done @p1 $0x0  }
0x75: {  	s7 =	simm.s32 @p1 $0xC00;
	[sflag:s25] =	ssyncadd.s32 @p1 $0xFFFFD800;
	s25 =	simm.s32 @p1 $0x1800  }
0x76: {  	[spmem:s2] =	stream.indirect.scatter.add.f32 @p1 [tilespmem:s25], [sflag:$0x7], $0x80, s7, s24, $0xb8;
	[tilespmem:$0x1D000] =	vst v63  }
0x77: {  	s24 =	simm.s32 @!p1 $0x8  }
0x78: {  	_ =	swait.ge @!p1 [sflag:s24], $0x2800  }
0x79: {  	s7 =	simm.s32 @!p1 $0x4000;
	[sflag:s24] =	ssyncset.done @!p1 $0x0  }
0x7a: {  	s25 =	simm.s32 @!p1 $0x50;
	[sflag:s24] =	ssyncadd.s32 @!p1 $0xFFFFD800;
	s24 =	simm.s32 @!p1 $0x80  }
0x7b: {  	[tilespmem:s7], [sflag:$0x5] =	stream.indirect.gather @!p1 [hbm4b:s4+s25], $0x80, s24, s25, $0xb8;
	[tilespmem:$0x1D000] =	vst v63  }
0x7c: {  	s24 =	simm.s32 @!p1 $0x4  }
0x7d: {  	_ =	swait.ge @!p1 [sflag:s24], $0x2800  }
0x7e: {  	[sflag:s24] =	ssyncset.done @!p1 $0x0  }
0x7f: {  	s7 =	simm.s32 @!p1 $0xC00;
	[sflag:s24] =	ssyncadd.s32 @!p1 $0xFFFFD800;
	s24 =	simm.s32 @!p1 $0x1800  }
0x80: {  	[spmem:s2] =	stream.indirect.scatter.add.f32 @!p1 [tilespmem:s24], [sflag:$0x7], $0x80, s7, s25, $0xb8;
	[tilespmem:$0x1D000] =	vst v63  }
0x81: {  	s23 =	smul.u32 $0xF, s23;
	s24 =	simm.s32 @!p1 $0x9  }
0x82: {  	_ =	swait.ge @!p1 [sflag:s24], $0x2800  }
0x83: {  	s12 =	sadd.s32 $0xA, s23;
	[sflag:s24] =	ssyncset.done @!p1 $0x0  }
0x84: {  	[sflag:s24] =	ssyncadd.s32 @!p1 $0xFFFFD800;
	s24 =	sand.u32 $0xFF, s12  }
0x85: {  	[tilespmem:s31], [sflag:$0x6] =	stream.indirect.gather [hbm4b:s4+s29], $0x80, s16, s29, $0xb8;
	[tilespmem:$0x1D000] =	vst v63  }
0x86: {  	s24 =	smul.u32 $0xCD, s24;
	_ =	swait.ge [sflag:s0], $0x2800  }
0x87: {  	[sflag:s0] =	ssyncset.done $0x0  }
0x88: {  	s24 =	sand.u32 $0xFC00, s24;
	[sflag:s0] =	ssyncadd.s32 $0xFFFFD800  }
0x89: {  	[spmem:s2] =	stream.indirect.scatter.add.f32 [tilespmem:s8], [sflag:$0x8], $0x80, s26, s29, $0xb8;
	[tilespmem:$0x1D000] =	vst v63  }
0x8a: {  	s24 =	sadd.s32 s14, s24;
	_ =	swait.ge [sflag:s9], $0x2800  }
0x8b: {  	s24 =	sshrl.u32 s24, $0x3;
	[sflag:s9] =	ssyncset.done $0x0  }
0x8c: {  	s24 =	sadd.s32 s5, s24;
	[sflag:s9] =	ssyncadd.s32 $0xFFFFD800  }
0x8d: {  	[tilespmem:s10], [sflag:$0x3] =	stream.linear.gather [hbm4b:s24+s3], $0x280, $0x38;
	[tilespmem:$0x1D000] =	vst v63  }
0x8e: {  	s24 =	sadd.s32 $0x19000, s24  }
0x8f: {  	[tilespmem:s11], [sflag:$0x3] =	stream.linear.gather [hbm4b:s24+s3], $0x280, $0x38;
	[tilespmem:$0x1D000] =	vst v63  }
0x90: {  	_ = 	snop  }
0x91: {  	[tilespmem:s22], [sflag:$0x4] =	stream.indirect.gather [hbm4b:s4+s29], $0x80, s30, s29, $0xb8;
	[tilespmem:$0x1D000] =	vst v63  }
0x92: {  	_ =	swait.ge [sflag:s13], $0x2800  }
0x93: {  	[sflag:s13] =	ssyncset.done $0x0  }
0x94: {  	s12 =	simm.s32 $0xD00;
	[sflag:s13] =	ssyncadd.s32 $0xFFFFD800  }
0x95: {  	[spmem:s2] =	stream.indirect.scatter.add.f32 [tilespmem:s31], [sflag:$0x9], $0x80, s12, s29, $0xb8;
	[tilespmem:$0x1D000] =	vst v63  }
0x96: {  	_ =	swait.ge [sflag:s1], $0x2800  }
0x97: {  	[sflag:s1] =	ssyncset.done $0x0  }
0x98: {  	s16 =	simm.s32 $0x200;
	[sflag:s1] =	ssyncadd.s32 $0xFFFFD800  }
0x99: {  	[tilespmem:s8], [sflag:$0x5] =	stream.indirect.gather [hbm4b:s4+s29], $0x80, s16, s29, $0xb8;
	[tilespmem:$0x1D000] =	vst v63  }
0x9a: {  	_ =	swait.ge [sflag:s18], $0x2800  }
0x9b: {  	[sflag:s18] =	ssyncset.done $0x0  }
0x9c: {  	s24 =	simm.s32 $0xD80;
	[sflag:s18] =	ssyncadd.s32 $0xFFFFD800  }
0x9d: {  	[spmem:s2] =	stream.indirect.scatter.add.f32 [tilespmem:s22], [sflag:$0x7], $0x80, s24, s29, $0xb8;
	[tilespmem:$0x1D000] =	vst v63  }
0x9e: {  	_ =	swait.ge [sflag:s20], $0x2800  }
0x9f: {  	[sflag:s20] =	ssyncset.done $0x0  }
0xa0: {  	[sflag:s20] =	ssyncadd.s32 $0xFFFFD800  }
0xa1: {  	_ =	swait.ge [sflag:s21], $0x280  }
0xa2: {  	[sflag:s21] =	ssyncset.done $0x0  }
0xa3: {  	[sflag:s21] =	ssyncadd.s32 $0xFFFFFD80  }
0xa4: {  	_ =	swait.ge [sflag:s21], $0x280  }
0xa5: {  	[sflag:s21] =	ssyncset.done $0x0  }
0xa6: {  	[sflag:s21] =	ssyncadd.s32 $0xFFFFFD80  }
0xa7: {  	[tilespmem:s31], [sflag:$0x6] =	stream.indirect.gather [hbm4b:s4+s29], $0x80, s17, s29, $0xb8;
	[tilespmem:$0x1D000] =	vst v63  }
0xa8: {  	_ =	swait.ge [sflag:s0], $0x2800  }
0xa9: {  	[sflag:s0] =	ssyncset.done $0x0  }
0xaa: {  	s25 =	simm.s32 $0xE00;
	[sflag:s0] =	ssyncadd.s32 $0xFFFFD800  }
0xab: {  	[spmem:s2] =	stream.indirect.scatter.add.f32 [tilespmem:s8], [sflag:$0x8], $0x80, s25, s29, $0xb8;
	[tilespmem:$0x1D000] =	vst v63  }
0xac: {  	_ =	swait.ge [sflag:s9], $0x2800  }
0xad: {  	[sflag:s9] =	ssyncset.done $0x0  }
0xae: {  	s26 =	rddreg [dreg:$0x3];
	[sflag:s9] =	ssyncadd.s32 $0xFFFFD800  }
0xaf: {  	[tilespmem:s22], [sflag:$0x4] =	stream.indirect.gather [hbm4b:s4+s29], $0x80, s26, s29, $0xb8;
	[tilespmem:$0x1D000] =	vst v63  }
0xb0: {  	_ =	swait.ge [sflag:s13], $0x2800  }
0xb1: {  	[sflag:s13] =	ssyncset.done $0x0  }
0xb2: {  	[sflag:s13] =	ssyncadd.s32 $0xFFFFD800  }
0xb3: {  	[spmem:s2] =	stream.indirect.scatter.add.f32 [tilespmem:s31], [sflag:$0x9], $0x80, s19, s29, $0xb8;
	[tilespmem:$0x1D000] =	vst v63  }
0xb4: {  	_ =	swait.ge [sflag:s1], $0x2800  }
0xb5: {  	s7 =	sadd.s32 $0xF, s23;
	[sflag:s1] =	ssyncset.done $0x0  }
0xb6: {  	s16 =	sand.u32 $0xFF, s7;
	s30 =	rddreg [dreg:$0x4];
	[sflag:s1] =	ssyncadd.s32 $0xFFFFD800  }
0xb7: {  	[tilespmem:s8], [sflag:$0x5] =	stream.indirect.gather [hbm4b:s4+s29], $0x80, s30, s29, $0xb8;
	[tilespmem:$0x1D000] =	vst v63  }
0xb8: {  	s24 =	smul.u32 $0xCD, s16;
	_ =	swait.ge [sflag:s18], $0x2800  }
0xb9: {  	[sflag:s18] =	ssyncset.done $0x0  }
0xba: {  	s24 =	sand.u32 $0xFC00, s24;
	s17 =	rddreg [dreg:$0x5];
	[sflag:s18] =	ssyncadd.s32 $0xFFFFD800  }
0xbb: {  	[spmem:s2] =	stream.indirect.scatter.add.f32 [tilespmem:s22], [sflag:$0x7], $0x80, s17, s29, $0xb8;
	[tilespmem:$0x1D000] =	vst v63  }
0xbc: {  	s24 =	sadd.s32 s14, s24;
	_ =	swait.ge [sflag:s20], $0x2800  }
0xbd: {  	s24 =	sshrl.u32 s24, $0x3;
	[sflag:s20] =	ssyncset.done $0x0  }
0xbe: {  	s24 =	sadd.s32 s5, s24;
	[sflag:s20] =	ssyncadd.s32 $0xFFFFD800  }
0xbf: {  	[tilespmem:s3], [sflag:$0x1] =	stream.linear.gather [hbm4b:s24+s3], $0x280, $0x38;
	[tilespmem:$0x1D000] =	vst v63  }
0xc0: {  	s24 =	sadd.s32 $0x19000, s24  }
0xc1: {  	[tilespmem:s15], [sflag:$0x1] =	stream.linear.gather [hbm4b:s24+s3], $0x280, $0x38;
	[tilespmem:$0x1D000] =	vst v63  }
0xc2: {  	s19 =	rddreg [dreg:$0x6]  }
0xc3: {  	[tilespmem:s31], [sflag:$0x6] =	stream.indirect.gather [hbm4b:s4+s29], $0x80, s19, s29, $0xb8;
	[tilespmem:$0x1D000] =	vst v63  }
0xc4: {  	_ =	swait.ge [sflag:s0], $0x2800  }
0xc5: {  	[sflag:s0] =	ssyncset.done $0x0  }
0xc6: {  	s25 =	rddreg [dreg:$0x7];
	[sflag:s0] =	ssyncadd.s32 $0xFFFFD800  }
0xc7: {  	[spmem:s2] =	stream.indirect.scatter.add.f32 [tilespmem:s8], [sflag:$0x8], $0x80, s25, s29, $0xb8;
	[tilespmem:$0x1D000] =	vst v63  }
0xc8: {  	_ =	swait.ge [sflag:s9], $0x2800  }
0xc9: {  	[sflag:s9] =	ssyncset.done $0x0  }
0xca: {  	s26 =	rddreg [dreg:$0x8];
	[sflag:s9] =	ssyncadd.s32 $0xFFFFD800  }
0xcb: {  	[tilespmem:s22], [sflag:$0x4] =	stream.indirect.gather [hbm4b:s4+s29], $0x80, s26, s29, $0xb8;
	[tilespmem:$0x1D000] =	vst v63  }
0xcc: {  	_ =	swait.ge [sflag:s13], $0x2800  }
0xcd: {  	[sflag:s13] =	ssyncset.done $0x0  }
0xce: {  	s30 =	rddreg [dreg:$0x9];
	[sflag:s13] =	ssyncadd.s32 $0xFFFFD800  }
0xcf: {  	[spmem:s2] =	stream.indirect.scatter.add.f32 [tilespmem:s31], [sflag:$0x9], $0x80, s30, s29, $0xb8;
	[tilespmem:$0x1D000] =	vst v63  }
0xd0: {  	_ =	swait.ge [sflag:s1], $0x2800  }
0xd1: {  	[sflag:s1] =	ssyncset.done $0x0  }
0xd2: {  	[sflag:s1] =	ssyncadd.s32 $0xFFFFD800  }
0xd3: {  	_ =	swait.ge [sflag:s6], $0x280  }
0xd4: {  	[sflag:s6] =	ssyncset.done $0x0  }
0xd5: {  	[sflag:s6] =	ssyncadd.s32 $0xFFFFFD80  }
0xd6: {  	_ =	swait.ge [sflag:s6], $0x280  }
0xd7: {  	[sflag:s6] =	ssyncset.done $0x0  }
0xd8: {  	[sflag:s6] =	ssyncadd.s32 $0xFFFFFD80  }
0xd9: {  	[tilespmem:s8], [sflag:$0x5] =	stream.indirect.gather [hbm4b:s4+s29], $0x80, s10, s29, $0xb8;
	[tilespmem:$0x1D000] =	vst v63  }
0xda: {  	_ =	swait.ge [sflag:s18], $0x2800  }
0xdb: {  	[sflag:s18] =	ssyncset.done $0x0  }
0xdc: {  	s7 =	rddreg [dreg:$0xa];
	[sflag:s18] =	ssyncadd.s32 $0xFFFFD800  }
0xdd: {  	[spmem:s2] =	stream.indirect.scatter.add.f32 [tilespmem:s22], [sflag:$0x7], $0x80, s7, s29, $0xb8;
	[tilespmem:$0x1D000] =	vst v63  }
0xde: {  	_ =	swait.ge [sflag:s20], $0x2800  }
0xdf: {  	[sflag:s20] =	ssyncset.done $0x0  }
0xe0: {  	s15 =	rddreg [dreg:$0xb];
	[sflag:s20] =	ssyncadd.s32 $0xFFFFD800  }
0xe1: {  	[tilespmem:s31], [sflag:$0x6] =	stream.indirect.gather [hbm4b:s4+s29], $0x80, s15, s29, $0xb8;
	[tilespmem:$0x1D000] =	vst v63  }
0xe2: {  	_ =	swait.ge [sflag:s0], $0x2800  }
0xe3: {  	[sflag:s0] =	ssyncset.done $0x0  }
0xe4: {  	p1 =	por $0x0, $0x0;
	[sflag:s0] =	ssyncadd.s32 $0xFFFFD800  }
0xe5: {  	[spmem:s2] =	stream.indirect.scatter.add.f32 [tilespmem:s8], [sflag:$0x8], $0x80, s11, s29, $0xb8;
	[tilespmem:$0x1D000] =	vst v63  }
0xe6: {  	s23 =	sadd.s32 @!p1 $0x14, s23;
	_ =	swait.ge [sflag:s9], $0x2800  }
0xe7: {  	s23 =	sand.u32 @!p1 $0xFF, s23;
	[sflag:s9] =	ssyncset.done $0x0  }
0xe8: {  	s23 =	smul.u32 @!p1 $0xCD, s23;
	s16 =	rddreg [dreg:$0xc];
	[sflag:s9] =	ssyncadd.s32 $0xFFFFD800  }
0xe9: {  	[tilespmem:s22], [sflag:$0x4] =	stream.indirect.gather [hbm4b:s4+s29], $0x80, s16, s29, $0xb8;
	[tilespmem:$0x1D000] =	vst v63  }
0xea: {  	_ =	swait.ge [sflag:s13], $0x2800  }
0xeb: {  	s23 =	sand.u32 @!p1 $0xFC00, s23;
	[sflag:s13] =	ssyncset.done $0x0  }
0xec: {  	s23 =	sadd.s32 @!p1 s14, s23;
	s17 =	rddreg [dreg:$0xd];
	[sflag:s13] =	ssyncadd.s32 $0xFFFFD800  }
0xed: {  	[spmem:s2] =	stream.indirect.scatter.add.f32 [tilespmem:s31], [sflag:$0x9], $0x80, s17, s29, $0xb8;
	[tilespmem:$0x1D000] =	vst v63  }
0xee: {  	s23 =	sshrl.u32 @!p1 s23, $0x3;
	_ =	swait.ge [sflag:s1], $0x2800  }
0xef: {  	s23 =	sadd.s32 @!p1 s5, s23;
	[sflag:s1] =	ssyncset.done $0x0  }
0xf0: {  	s24 =	simm.s32 @!p1 $0x400;
	s25 =	simm.s32 @!p1 $0x0;
	[sflag:s1] =	ssyncadd.s32 $0xFFFFD800  }
0xf1: {  	[tilespmem:s24], [sflag:$0x2] =	stream.linear.gather @!p1 [hbm4b:s23+s25], $0x280, $0x38;
	[tilespmem:$0x1D000] =	vst v63  }
0xf2: {  	s7 =	simm.s32 @!p1 $0x1000;
	s23 =	sadd.s32 @!p1 $0x19000, s23  }
0xf3: {  	[tilespmem:s7], [sflag:$0x2] =	stream.linear.gather @!p1 [hbm4b:s23+s25], $0x280, $0x38;
	[tilespmem:$0x1D000] =	vst v63  }
0xf4: {  	s19 =	rddreg [dreg:$0xe]  }
0xf5: {  	[tilespmem:s8], [sflag:$0x5] =	stream.indirect.gather [hbm4b:s4+s29], $0x80, s19, s29, $0xb8;
	[tilespmem:$0x1D000] =	vst v63  }
0xf6: {  	_ =	swait.ge [sflag:s18], $0x2800  }
0xf7: {  	[sflag:s18] =	ssyncset.done $0x0  }
0xf8: {  	s25 =	rddreg [dreg:$0xf];
	[sflag:s18] =	ssyncadd.s32 $0xFFFFD800  }
0xf9: {  	[spmem:s2] =	stream.indirect.scatter.add.f32 [tilespmem:s22], [sflag:$0x7], $0x80, s25, s29, $0xb8;
	[tilespmem:$0x1D000] =	vst v63  }
0xfa: {  	_ =	swait.ge [sflag:s20], $0x2800  }
0xfb: {  	[sflag:s20] =	ssyncset.done $0x0  }
0xfc: {  	s26 =	rddreg [dreg:$0x10];
	[sflag:s20] =	ssyncadd.s32 $0xFFFFD800  }
0xfd: {  	[tilespmem:s31], [sflag:$0x6] =	stream.indirect.gather [hbm4b:s4+s29], $0x80, s26, s29, $0xb8;
	[tilespmem:$0x1D000] =	vst v63  }
0xfe: {  	_ =	swait.ge [sflag:s0], $0x2800  }
0xff: {  	[sflag:s0] =	ssyncset.done $0x0  }
0x100: {  	s30 =	rddreg [dreg:$0x11];
	[sflag:s0] =	ssyncadd.s32 $0xFFFFD800  }
0x101: {  	[spmem:s2] =	stream.indirect.scatter.add.f32 [tilespmem:s8], [sflag:$0x8], $0x80, s30, s29, $0xb8;
	[tilespmem:$0x1D000] =	vst v63  }
0x102: {  	_ =	swait.ge [sflag:s9], $0x2800  }
0x103: {  	[sflag:s9] =	ssyncset.done $0x0  }
0x104: {  	[sflag:s9] =	ssyncadd.s32 $0xFFFFD800  }
0x105: {  	_ =	swait.ge [sflag:s28], $0x280  }
0x106: {  	[sflag:s28] =	ssyncset.done $0x0  }
0x107: {  	[sflag:s28] =	ssyncadd.s32 $0xFFFFFD80  }
0x108: {  	_ =	swait.ge [sflag:s28], $0x280  }
0x109: {  	[sflag:s28] =	ssyncset.done $0x0  }
0x10a: {  	s15 =	simm.s32 $0xC00;
	s16 =	simm.s32 $0x100;
	[sflag:s28] =	ssyncadd.s32 $0xFFFFFD80  }
0x10b: {  	[tilespmem:s22], [sflag:$0x4] =	stream.indirect.gather [hbm4b:s4+s29], $0x80, s3, s29, $0xb8;
	[tilespmem:$0x1D000] =	vst v63  }
0x10c: {  	s17 =	simm.s32 $0x400;
	s23 =	simm.s32 $0x1;
	_ =	swait.ge [sflag:s13], $0x2800  }
0x10d: {  	s19 =	simm.s32 $0x1000;
	[sflag:s13] =	ssyncset.done $0x0;
	s24 =	rddreg [dreg:$0x12]  }
.LBB2_7:
0x10e: {  	p3 =	seq.s32 s23, $0x0  }
0x10f: {  	[sflag:s13] =	ssyncadd.s32 $0xFFFFD800;
	s26 =	simm.s32 @p3 $0x4  }
0x110: {  	[spmem:s2] =	stream.indirect.scatter.add.f32 [tilespmem:s31], [sflag:$0x9], $0x80, s24, s29, $0xb8;
	[tilespmem:$0x1D000] =	vst v63  }
0x111: {  	s24 =	simm.s32 @p3 $0x50;
	s30 =	simm.s32 @p3 $0x80;
	s7 =	simm.s32 @p3 $0x4000  }
0x112: {  	[tilespmem:s7], [sflag:$0x5] =	stream.indirect.gather @p3 [hbm4b:s4+s24], $0x80, s30, s24, $0xb8;
	[tilespmem:$0x1D000] =	vst v63  }
0x113: {  	_ =	swait.ge @p3 [sflag:s26], $0x2800  }
0x114: {  	s7 =	simm.s32 @p3 $0xC00;
	[sflag:s26] =	ssyncset.done @p3 $0x0  }
0x115: {  	s30 =	simm.s32 @p3 $0x1800;
	[sflag:s26] =	ssyncadd.s32 @p3 $0xFFFFD800;
	s26 =	simm.s32 @!p3 $0x8  }
0x116: {  	[spmem:s2] =	stream.indirect.scatter.add.f32 @p3 [tilespmem:s30], [sflag:$0x7], $0x80, s7, s24, $0xb8;
	[tilespmem:$0x1D000] =	vst v63  }
0x117: {  	_ =	swait.ge @!p3 [sflag:s26], $0x2800  }
0x118: {  	s7 =	simm.s32 @!p3 $0x4000;
	s24 =	simm.s32 @!p3 $0x50;
	[sflag:s26] =	ssyncset.done @!p3 $0x0  }
0x119: {  	s30 =	simm.s32 @!p3 $0x80;
	[sflag:s26] =	ssyncadd.s32 @!p3 $0xFFFFD800;
	s26 =	simm.s32 @!p3 $0x4  }
0x11a: {  	[tilespmem:s7], [sflag:$0x5] =	stream.indirect.gather @!p3 [hbm4b:s4+s24], $0x80, s30, s24, $0xb8;
	[tilespmem:$0x1D000] =	vst v63  }
0x11b: {  	_ =	swait.ge @!p3 [sflag:s26], $0x2800  }
0x11c: {  	s25 =	smov.u32 s23;
	[sflag:s26] =	ssyncset.done @!p3 $0x0  }
0x11d: {  	s7 =	simm.s32 @!p3 $0xC00;
	s30 =	simm.s32 @!p3 $0x1800;
	[sflag:s26] =	ssyncadd.s32 @!p3 $0xFFFFD800  }
0x11e: {  	[spmem:s2] =	stream.indirect.scatter.add.f32 @!p3 [tilespmem:s30], [sflag:$0x7], $0x80, s7, s24, $0xb8;
	[tilespmem:$0x1D000] =	vst v63  }
0x11f: {  	s26 =	simm.s32 @!p3 $0x9;
	s7 =	smul.u32 $0xF, s25  }
0x120: {  	_ =	swait.ge @!p3 [sflag:s26], $0x2800  }
0x121: {  	p2 =	seq.s32 s25, $0x7;
	[sflag:s26] =	ssyncset.done @!p3 $0x0;
	s25 =	sadd.s32 $0xA, s7  }
0x122: {  	[sflag:s26] =	ssyncadd.s32 @!p3 $0xFFFFD800;
	s24 =	sand.u32 $0xFF, s25  }
0x123: {  	[tilespmem:s31], [sflag:$0x6] =	stream.indirect.gather [hbm4b:s4+s29], $0x80, s16, s29, $0xb8;
	[tilespmem:$0x1D000] =	vst v63  }
0x124: {  	s24 =	smul.u32 $0xCD, s24;
	_ =	swait.ge [sflag:s0], $0x2800  }
0x125: {  	[sflag:s0] =	ssyncset.done $0x0  }
0x126: {  	s30 =	simm.s32 $0xC80;
	s24 =	sand.u32 $0xFC00, s24;
	[sflag:s0] =	ssyncadd.s32 $0xFFFFD800  }
0x127: {  	[spmem:s2] =	stream.indirect.scatter.add.f32 [tilespmem:s8], [sflag:$0x8], $0x80, s30, s29, $0xb8;
	[tilespmem:$0x1D000] =	vst v63  }
0x128: {  	s24 =	sadd.s32 s14, s24;
	_ =	swait.ge [sflag:s9], $0x2800  }
0x129: {  	s24 =	sshrl.u32 s24, $0x3;
	[sflag:s9] =	ssyncset.done $0x0  }
0x12a: {  	s24 =	sadd.s32 s5, s24;
	[sflag:s9] =	ssyncadd.s32 $0xFFFFD800  }
0x12b: {  	[tilespmem:s10], [sflag:$0x3] =	stream.linear.gather [hbm4b:s24+s3], $0x280, $0x38;
	[tilespmem:$0x1D000] =	vst v63  }
0x12c: {  	s26 =	sadd.s32 $0xF, s7;
	s24 =	sadd.s32 $0x19000, s24  }
0x12d: {  	[tilespmem:s11], [sflag:$0x3] =	stream.linear.gather [hbm4b:s24+s3], $0x280, $0x38;
	[tilespmem:$0x1D000] =	vst v63  }
0x12e: {  	s25 =	sand.u32 $0xFF, s26;
	s26 =	simm.s32 $0x180  }
0x12f: {  	[tilespmem:s22], [sflag:$0x4] =	stream.indirect.gather [hbm4b:s4+s29], $0x80, s26, s29, $0xb8;
	[tilespmem:$0x1D000] =	vst v63  }
0x130: {  	_ =	swait.ge [sflag:s13], $0x2800  }
0x131: {  	[sflag:s13] =	ssyncset.done $0x0  }
0x132: {  	[sflag:s13] =	ssyncadd.s32 $0xFFFFD800  }
0x133: {  	[spmem:s2] =	stream.indirect.scatter.add.f32 [tilespmem:s31], [sflag:$0x9], $0x80, s12, s29, $0xb8;
	[tilespmem:$0x1D000] =	vst v63  }
0x134: {  	_ =	swait.ge [sflag:s1], $0x2800  }
0x135: {  	[sflag:s1] =	ssyncset.done $0x0  }
0x136: {  	s30 =	simm.s32 $0x200;
	[sflag:s1] =	ssyncadd.s32 $0xFFFFD800  }
0x137: {  	[tilespmem:s8], [sflag:$0x5] =	stream.indirect.gather [hbm4b:s4+s29], $0x80, s30, s29, $0xb8;
	[tilespmem:$0x1D000] =	vst v63  }
0x138: {  	_ =	swait.ge [sflag:s18], $0x2800  }
0x139: {  	[sflag:s18] =	ssyncset.done $0x0  }
0x13a: {  	s12 =	simm.s32 $0xD80;
	[sflag:s18] =	ssyncadd.s32 $0xFFFFD800  }
0x13b: {  	[spmem:s2] =	stream.indirect.scatter.add.f32 [tilespmem:s22], [sflag:$0x7], $0x80, s12, s29, $0xb8;
	[tilespmem:$0x1D000] =	vst v63  }
0x13c: {  	_ =	swait.ge [sflag:s20], $0x2800  }
0x13d: {  	[sflag:s20] =	ssyncset.done $0x0  }
0x13e: {  	[sflag:s20] =	ssyncadd.s32 $0xFFFFD800  }
0x13f: {  	_ =	swait.ge [sflag:s21], $0x280  }
0x140: {  	[sflag:s21] =	ssyncset.done $0x0  }
0x141: {  	[sflag:s21] =	ssyncadd.s32 $0xFFFFFD80  }
0x142: {  	_ =	swait.ge [sflag:s21], $0x280  }
0x143: {  	[sflag:s21] =	ssyncset.done $0x0  }
0x144: {  	[sflag:s21] =	ssyncadd.s32 $0xFFFFFD80  }
0x145: {  	[tilespmem:s31], [sflag:$0x6] =	stream.indirect.gather [hbm4b:s4+s29], $0x80, s17, s29, $0xb8;
	[tilespmem:$0x1D000] =	vst v63  }
0x146: {  	_ =	swait.ge [sflag:s0], $0x2800  }
0x147: {  	[sflag:s0] =	ssyncset.done $0x0  }
0x148: {  	s26 =	simm.s32 $0xE00;
	[sflag:s0] =	ssyncadd.s32 $0xFFFFD800  }
0x149: {  	[spmem:s2] =	stream.indirect.scatter.add.f32 [tilespmem:s8], [sflag:$0x8], $0x80, s26, s29, $0xb8;
	[tilespmem:$0x1D000] =	vst v63  }
0x14a: {  	_ =	swait.ge [sflag:s9], $0x2800  }
0x14b: {  	[sflag:s9] =	ssyncset.done $0x0  }
0x14c: {  	s30 =	rddreg [dreg:$0x3];
	[sflag:s9] =	ssyncadd.s32 $0xFFFFD800  }
0x14d: {  	[tilespmem:s22], [sflag:$0x4] =	stream.indirect.gather [hbm4b:s4+s29], $0x80, s30, s29, $0xb8;
	[tilespmem:$0x1D000] =	vst v63  }
0x14e: {  	_ =	swait.ge [sflag:s13], $0x2800  }
0x14f: {  	[sflag:s13] =	ssyncset.done $0x0  }
0x150: {  	[sflag:s13] =	ssyncadd.s32 $0xFFFFD800  }
0x151: {  	[spmem:s2] =	stream.indirect.scatter.add.f32 [tilespmem:s31], [sflag:$0x9], $0x80, s19, s29, $0xb8;
	[tilespmem:$0x1D000] =	vst v63  }
0x152: {  	_ =	swait.ge [sflag:s1], $0x2800  }
0x153: {  	[sflag:s1] =	ssyncset.done $0x0  }
0x154: {  	s12 =	rddreg [dreg:$0x4];
	[sflag:s1] =	ssyncadd.s32 $0xFFFFD800  }
0x155: {  	[tilespmem:s8], [sflag:$0x5] =	stream.indirect.gather [hbm4b:s4+s29], $0x80, s12, s29, $0xb8;
	[tilespmem:$0x1D000] =	vst v63  }
0x156: {  	s25 =	smul.u32 $0xCD, s25;
	_ =	swait.ge [sflag:s18], $0x2800  }
0x157: {  	[sflag:s18] =	ssyncset.done $0x0  }
0x158: {  	s25 =	sand.u32 $0xFC00, s25;
	s26 =	rddreg [dreg:$0x5];
	[sflag:s18] =	ssyncadd.s32 $0xFFFFD800  }
0x159: {  	[spmem:s2] =	stream.indirect.scatter.add.f32 [tilespmem:s22], [sflag:$0x7], $0x80, s26, s29, $0xb8;
	[tilespmem:$0x1D000] =	vst v63  }
0x15a: {  	s25 =	sadd.s32 s14, s25;
	_ =	swait.ge [sflag:s20], $0x2800  }
0x15b: {  	s25 =	sshrl.u32 s25, $0x3;
	[sflag:s20] =	ssyncset.done $0x0  }
0x15c: {  	s30 =	sadd.s32 s5, s25;
	[sflag:s20] =	ssyncadd.s32 $0xFFFFD800  }
0x15d: {  	[tilespmem:s3], [sflag:$0x1] =	stream.linear.gather [hbm4b:s30+s3], $0x280, $0x38;
	[tilespmem:$0x1D000] =	vst v63  }
0x15e: {  	s25 =	sadd.s32 $0x19000, s30  }
0x15f: {  	[tilespmem:s15], [sflag:$0x1] =	stream.linear.gather [hbm4b:s25+s3], $0x280, $0x38;
	[tilespmem:$0x1D000] =	vst v63  }
0x160: {  	s12 =	rddreg [dreg:$0x6]  }
0x161: {  	[tilespmem:s31], [sflag:$0x6] =	stream.indirect.gather [hbm4b:s4+s29], $0x80, s12, s29, $0xb8;
	[tilespmem:$0x1D000] =	vst v63  }
0x162: {  	_ =	swait.ge [sflag:s0], $0x2800  }
0x163: {  	[sflag:s0] =	ssyncset.done $0x0  }
0x164: {  	s26 =	rddreg [dreg:$0x7];
	[sflag:s0] =	ssyncadd.s32 $0xFFFFD800  }
0x165: {  	[spmem:s2] =	stream.indirect.scatter.add.f32 [tilespmem:s8], [sflag:$0x8], $0x80, s26, s29, $0xb8;
	[tilespmem:$0x1D000] =	vst v63  }
0x166: {  	_ =	swait.ge [sflag:s9], $0x2800  }
0x167: {  	[sflag:s9] =	ssyncset.done $0x0  }
0x168: {  	s30 =	rddreg [dreg:$0x8];
	[sflag:s9] =	ssyncadd.s32 $0xFFFFD800  }
0x169: {  	[tilespmem:s22], [sflag:$0x4] =	stream.indirect.gather [hbm4b:s4+s29], $0x80, s30, s29, $0xb8;
	[tilespmem:$0x1D000] =	vst v63  }
0x16a: {  	_ =	swait.ge [sflag:s13], $0x2800  }
0x16b: {  	[sflag:s13] =	ssyncset.done $0x0  }
0x16c: {  	s12 =	rddreg [dreg:$0x9];
	[sflag:s13] =	ssyncadd.s32 $0xFFFFD800  }
0x16d: {  	[spmem:s2] =	stream.indirect.scatter.add.f32 [tilespmem:s31], [sflag:$0x9], $0x80, s12, s29, $0xb8;
	[tilespmem:$0x1D000] =	vst v63  }
0x16e: {  	_ =	swait.ge [sflag:s1], $0x2800  }
0x16f: {  	[sflag:s1] =	ssyncset.done $0x0  }
0x170: {  	[sflag:s1] =	ssyncadd.s32 $0xFFFFD800  }
0x171: {  	_ =	swait.ge [sflag:s6], $0x280  }
0x172: {  	[sflag:s6] =	ssyncset.done $0x0  }
0x173: {  	[sflag:s6] =	ssyncadd.s32 $0xFFFFFD80  }
0x174: {  	_ =	swait.ge [sflag:s6], $0x280  }
0x175: {  	[sflag:s6] =	ssyncset.done $0x0  }
0x176: {  	[sflag:s6] =	ssyncadd.s32 $0xFFFFFD80  }
0x177: {  	[tilespmem:s8], [sflag:$0x5] =	stream.indirect.gather [hbm4b:s4+s29], $0x80, s10, s29, $0xb8;
	[tilespmem:$0x1D000] =	vst v63  }
0x178: {  	_ =	swait.ge [sflag:s18], $0x2800  }
0x179: {  	[sflag:s18] =	ssyncset.done $0x0  }
0x17a: {  	s25 =	rddreg [dreg:$0xa];
	[sflag:s18] =	ssyncadd.s32 $0xFFFFD800  }
0x17b: {  	[spmem:s2] =	stream.indirect.scatter.add.f32 [tilespmem:s22], [sflag:$0x7], $0x80, s25, s29, $0xb8;
	[tilespmem:$0x1D000] =	vst v63  }
0x17c: {  	_ =	swait.ge [sflag:s20], $0x2800  }
0x17d: {  	[sflag:s20] =	ssyncset.done $0x0  }
0x17e: {  	s26 =	rddreg [dreg:$0xb];
	[sflag:s20] =	ssyncadd.s32 $0xFFFFD800  }
0x17f: {  	[tilespmem:s31], [sflag:$0x6] =	stream.indirect.gather [hbm4b:s4+s29], $0x80, s26, s29, $0xb8;
	[tilespmem:$0x1D000] =	vst v63  }
0x180: {  	_ =	swait.ge [sflag:s0], $0x2800  }
0x181: {  	[sflag:s0] =	ssyncset.done $0x0  }
0x182: {  	[sflag:s0] =	ssyncadd.s32 $0xFFFFD800  }
0x183: {  	[spmem:s2] =	stream.indirect.scatter.add.f32 [tilespmem:s8], [sflag:$0x8], $0x80, s11, s29, $0xb8;
	[tilespmem:$0x1D000] =	vst v63  }
0x184: {  	_ =	swait.ge [sflag:s9], $0x2800  }
0x185: {  	s7 =	sadd.s32 @!p2 $0x14, s7;
	[sflag:s9] =	ssyncset.done $0x0  }
0x186: {  	s7 =	sand.u32 @!p2 $0xFF, s7;
	s30 =	rddreg [dreg:$0xc];
	[sflag:s9] =	ssyncadd.s32 $0xFFFFD800  }
0x187: {  	[tilespmem:s22], [sflag:$0x4] =	stream.indirect.gather [hbm4b:s4+s29], $0x80, s30, s29, $0xb8;
	[tilespmem:$0x1D000] =	vst v63  }
0x188: {  	s7 =	smul.u32 @!p2 $0xCD, s7;
	_ =	swait.ge [sflag:s13], $0x2800  }
0x189: {  	[sflag:s13] =	ssyncset.done $0x0  }
0x18a: {  	s7 =	sand.u32 @!p2 $0xFC00, s7;
	s12 =	rddreg [dreg:$0xd];
	[sflag:s13] =	ssyncadd.s32 $0xFFFFD800  }
0x18b: {  	[spmem:s2] =	stream.indirect.scatter.add.f32 [tilespmem:s31], [sflag:$0x9], $0x80, s12, s29, $0xb8;
	[tilespmem:$0x1D000] =	vst v63  }
0x18c: {  	s7 =	sadd.s32 @!p2 s14, s7;
	_ =	swait.ge [sflag:s1], $0x2800  }
0x18d: {  	s24 =	sshrl.u32 @!p2 s7, $0x3;
	s7 =	simm.s32 @!p2 $0x400;
	[sflag:s1] =	ssyncset.done $0x0  }
0x18e: {  	s24 =	sadd.s32 @!p2 s5, s24;
	s26 =	simm.s32 @!p2 $0x0;
	[sflag:s1] =	ssyncadd.s32 $0xFFFFD800  }
0x18f: {  	[tilespmem:s7], [sflag:$0x2] =	stream.linear.gather @!p2 [hbm4b:s24+s26], $0x280, $0x38;
	[tilespmem:$0x1D000] =	vst v63  }
0x190: {  	s25 =	simm.s32 @!p2 $0x1000;
	s30 =	sadd.s32 @!p2 $0x19000, s24  }
0x191: {  	[tilespmem:s25], [sflag:$0x2] =	stream.linear.gather @!p2 [hbm4b:s30+s26], $0x280, $0x38;
	[tilespmem:$0x1D000] =	vst v63  }
0x192: {  	s12 =	rddreg [dreg:$0xe]  }
0x193: {  	[tilespmem:s8], [sflag:$0x5] =	stream.indirect.gather [hbm4b:s4+s29], $0x80, s12, s29, $0xb8;
	[tilespmem:$0x1D000] =	vst v63  }
0x194: {  	_ =	swait.ge [sflag:s18], $0x2800  }
0x195: {  	[sflag:s18] =	ssyncset.done $0x0  }
0x196: {  	s25 =	rddreg [dreg:$0xf];
	[sflag:s18] =	ssyncadd.s32 $0xFFFFD800  }
0x197: {  	[spmem:s2] =	stream.indirect.scatter.add.f32 [tilespmem:s22], [sflag:$0x7], $0x80, s25, s29, $0xb8;
	[tilespmem:$0x1D000] =	vst v63  }
0x198: {  	_ =	swait.ge [sflag:s20], $0x2800  }
0x199: {  	[sflag:s20] =	ssyncset.done $0x0  }
0x19a: {  	s26 =	rddreg [dreg:$0x10];
	[sflag:s20] =	ssyncadd.s32 $0xFFFFD800  }
0x19b: {  	[tilespmem:s31], [sflag:$0x6] =	stream.indirect.gather [hbm4b:s4+s29], $0x80, s26, s29, $0xb8;
	[tilespmem:$0x1D000] =	vst v63  }
0x19c: {  	_ =	swait.ge [sflag:s0], $0x2800  }
0x19d: {  	[sflag:s0] =	ssyncset.done $0x0  }
0x19e: {  	s30 =	rddreg [dreg:$0x11];
	[sflag:s0] =	ssyncadd.s32 $0xFFFFD800  }
0x19f: {  	[spmem:s2] =	stream.indirect.scatter.add.f32 [tilespmem:s8], [sflag:$0x8], $0x80, s30, s29, $0xb8;
	[tilespmem:$0x1D000] =	vst v63  }
0x1a0: {  	_ =	swait.ge [sflag:s9], $0x2800  }
0x1a1: {  	[sflag:s9] =	ssyncset.done $0x0  }
0x1a2: {  	[sflag:s9] =	ssyncadd.s32 $0xFFFFD800  }
0x1a3: {  	_ =	swait.ge [sflag:s28], $0x280  }
0x1a4: {  	[sflag:s28] =	ssyncset.done $0x0  }
0x1a5: {  	s23 =	sadd.s32 $0x1, s23;
	[sflag:s28] =	ssyncadd.s32 $0xFFFFFD80  }
0x1a6: {  	p1 =	sne.s32 s23, $0x8;
	_ =	swait.ge [sflag:s28], $0x280  }
.Ltmp3:
0x1a7: {  	[sflag:s28] =	ssyncset.done $0x0;
	(pc) =	sbr.rel @p1 .LBB2_7-.Ltmp3, $4  }
0x1a8: {  	[sflag:s28] =	ssyncadd.s32 $0xFFFFFD80  }
0x1a9: {  	[tilespmem:s22], [sflag:$0x4] =	stream.indirect.gather [hbm4b:s4+s29], $0x80, s3, s29, $0xb8;
	[tilespmem:$0x1D000] =	vst v63  }
0x1aa: {  	_ =	swait.ge [sflag:s13], $0x2800  }
0x1ab: {  	s12 =	simm.s32 $0xD00;
	[sflag:s13] =	ssyncset.done $0x0;
	s24 =	rddreg [dreg:$0x12]  }
0x1ac: {  	[sflag:s13] =	ssyncadd.s32 $0xFFFFD800  }
0x1ad: {  	[spmem:s2] =	stream.indirect.scatter.add.f32 [tilespmem:s31], [sflag:$0x9], $0x80, s24, s29, $0xb8;
	[tilespmem:$0x1D000] =	vst v63  }
0x1ae: {  	_ =	swait.ge [sflag:s1], $0x2800  }
0x1af: {  	[sflag:s1] =	ssyncset.done $0x0  }
0x1b0: {  	s7 =	simm.s32 $0x80;
	[sflag:s1] =	ssyncadd.s32 $0xFFFFD800  }
0x1b1: {  	[tilespmem:s8], [sflag:$0x5] =	stream.indirect.gather [hbm4b:s4+s29], $0x80, s7, s29, $0xb8;
	[tilespmem:$0x1D000] =	vst v63  }
0x1b2: {  	_ =	swait.ge [sflag:s18], $0x2800  }
0x1b3: {  	[sflag:s18] =	ssyncset.done $0x0  }
0x1b4: {  	[sflag:s18] =	ssyncadd.s32 $0xFFFFD800  }
0x1b5: {  	[spmem:s2] =	stream.indirect.scatter.add.f32 [tilespmem:s22], [sflag:$0x7], $0x80, s15, s29, $0xb8;
	[tilespmem:$0x1D000] =	vst v63  }
0x1b6: {  	_ =	swait.ge [sflag:s20], $0x2800  }
0x1b7: {  	[sflag:s20] =	ssyncset.done $0x0  }
0x1b8: {  	[sflag:s20] =	ssyncadd.s32 $0xFFFFD800  }
0x1b9: {  	[tilespmem:s31], [sflag:$0x6] =	stream.indirect.gather [hbm4b:s4+s29], $0x80, s16, s29, $0xb8;
	[tilespmem:$0x1D000] =	vst v63  }
0x1ba: {  	_ =	swait.ge [sflag:s0], $0x2800  }
0x1bb: {  	[sflag:s0] =	ssyncset.done $0x0  }
0x1bc: {  	s25 =	simm.s32 $0xC80;
	[sflag:s0] =	ssyncadd.s32 $0xFFFFD800  }
0x1bd: {  	[spmem:s2] =	stream.indirect.scatter.add.f32 [tilespmem:s8], [sflag:$0x8], $0x80, s25, s29, $0xb8;
	[tilespmem:$0x1D000] =	vst v63  }
0x1be: {  	_ =	swait.ge [sflag:s9], $0x2800  }
0x1bf: {  	[sflag:s9] =	ssyncset.done $0x0  }
0x1c0: {  	s26 =	simm.s32 $0x180;
	[sflag:s9] =	ssyncadd.s32 $0xFFFFD800  }
0x1c1: {  	[tilespmem:s22], [sflag:$0x4] =	stream.indirect.gather [hbm4b:s4+s29], $0x80, s26, s29, $0xb8;
	[tilespmem:$0x1D000] =	vst v63  }
0x1c2: {  	_ =	swait.ge [sflag:s13], $0x2800  }
0x1c3: {  	[sflag:s13] =	ssyncset.done $0x0  }
0x1c4: {  	[sflag:s13] =	ssyncadd.s32 $0xFFFFD800  }
0x1c5: {  	[spmem:s2] =	stream.indirect.scatter.add.f32 [tilespmem:s31], [sflag:$0x9], $0x80, s12, s29, $0xb8;
	[tilespmem:$0x1D000] =	vst v63  }
0x1c6: {  	_ =	swait.ge [sflag:s1], $0x2800  }
0x1c7: {  	[sflag:s1] =	ssyncset.done $0x0  }
0x1c8: {  	s12 =	simm.s32 $0x200;
	[sflag:s1] =	ssyncadd.s32 $0xFFFFD800  }
0x1c9: {  	[tilespmem:s8], [sflag:$0x5] =	stream.indirect.gather [hbm4b:s4+s29], $0x80, s12, s29, $0xb8;
	[tilespmem:$0x1D000] =	vst v63  }
0x1ca: {  	_ =	swait.ge [sflag:s18], $0x2800  }
0x1cb: {  	[sflag:s18] =	ssyncset.done $0x0  }
0x1cc: {  	s15 =	simm.s32 $0xD80;
	[sflag:s18] =	ssyncadd.s32 $0xFFFFD800  }
0x1cd: {  	[spmem:s2] =	stream.indirect.scatter.add.f32 [tilespmem:s22], [sflag:$0x7], $0x80, s15, s29, $0xb8;
	[tilespmem:$0x1D000] =	vst v63  }
0x1ce: {  	_ =	swait.ge [sflag:s20], $0x2800  }
0x1cf: {  	[sflag:s20] =	ssyncset.done $0x0  }
0x1d0: {  	[sflag:s20] =	ssyncadd.s32 $0xFFFFD800  }
0x1d1: {  	_ =	swait.ge [sflag:s0], $0x2800  }
0x1d2: {  	[sflag:s0] =	ssyncset.done $0x0  }
0x1d3: {  	s16 =	simm.s32 $0xE00;
	[sflag:s0] =	ssyncadd.s32 $0xFFFFD800  }
0x1d4: {  	[spmem:s2] =	stream.indirect.scatter.add.f32 [tilespmem:s8], [sflag:$0x8], $0x80, s16, s29, $0xb8;
	[tilespmem:$0x1D000] =	vst v63  }
0x1d5: {  	_ =	swait.ge [sflag:s9], $0x2800  }
0x1d6: {  	[sflag:s9] =	ssyncset.done $0x0  }
0x1d7: {  	[sflag:s9] =	ssyncadd.s32 $0xFFFFD800  }
0x1d8: {  	_ =	swait.ge [sflag:s1], $0x2800  }
0x1d9: {  	[sflag:s1] =	ssyncset.done $0x0  }
0x1da: {  	[sflag:s1] =	ssyncadd.s32 $0xFFFFD800  }
0x1db: {  	[bflag:$0x0] =	sbarrier.arrive $0xFFFF  }
0x1dc: {  	s17 =	stileid.u32;
	s23 =	sld [smem:$0x7FC]  }
0x1dd: {  	s7 =	sshll.u32 s17, $0x6;
	s25 =	rddreg [dreg:$0x13]  }
0x1de: {  	s7 =	sor.u32 $0x1C0A, s7;
	s12 =	simm.s32 $0xA;
	s19 =	sshrl.u32 s25, $0x3  }
0x1df: {  	[hbm:s23], [sflag:s7] =	dma.local [spmem:s19], $0x2800  }
0x1e0: {  	_ =	swait.ge [sflag:s12], $0x2800  }
0x1e1: {  	s24 =	sld [smem:$0x7FB]  }
0x1e2: {  	s26 =	sld [smem:$0x7FD];
	_ =	sdelay $0x1  }
0x1e3: {  	s23 =	sadd.s32 $0x1, s24  }
0x1e4: {  	p1 =	sne.s32 s23, s26  }
.Ltmp4:
0x1e5: {  	_ = 	snop;
	(pc) =	sbr.rel @p1 .LBB2_1-.Ltmp4, $4  }
0x1e6: {  	_ = 	snop  }
0x1e7: {  	s30 =	simm.s32 $0x180;
	s17 =	simm.s32 $0x400  }
0x1e8: {  	s15 =	simm.s32 $0xC00;
	s16 =	simm.s32 $0x100;
	[sflag:s12] =	ssyncset.done $0x0  }
0x1e9: {  	s19 =	simm.s32 $0x1000;
	[sflag:s12] =	ssyncadd.s32 $0xFFFFD800;
	s26 =	simm.s32 $0xC80  }
0x1ea: {  	_ =	sfence.sel $0x180000  }
0x1eb: {  	[bflag:$0x0] =	sbarrier.arrive $0xFFFF  }
0x1ec: {  	_ =	strace $0x9000004D  }
0x1ed: {  	s0 =	stileid.u32;
	[bflag:$0x2] =	sbarrier.arrive $0xFFFF  }
0x1ee: {  	p0 =	sne.s32 s0, $0x0;
	s0 =	rddreg [dreg:$0x2]  }
0x1ef: {  	s0 =	sadd.s32 @!p0 $0x100000, s0  }
0x1f0: {  	[sflag:s0] =	ssyncadd.tile.s32 @!p0 $0x1;
	_ =	shalt  }
.Lfunc_end2:
_tile_overlayer_lowered:
.L_overlay_start_2:
0x1f1: {  	(tag) =	ssettag $0x2  }
0x1f2: {  	s0 =	rddreg [dreg:$0x0];
	s2 =	stileid.u32  }
0x1f3: {  	s1 =	rddreg [dreg:$0x1];
	p0 =	sne.s32 s2, $0x0  }
0x1f4: {  	s3 =	rddreg [dreg:$0x2];
	[bflag:$0x3] =	sbarrier.arrive $0xFFFF;
	s2 =	simm.s32 @!p0 $0x1C0A  }
0x1f5: {  	[timem:s3], [sflag:s2] =	dma.local @!p0 [hbm:s0], s1  }
0x1f6: {  	s0 =	simm.s32 @!p0 $0xA  }
0x1f7: {  	_ =	swait.ge @!p0 [sflag:s0], s1  }
0x1f8: {  	s1 =	ssub.s32 @!p0 $0x0, s1;
	[sflag:s0] =	ssyncset.done @!p0 $0x0  }
0x1f9: {  	[sflag:s0] =	ssyncadd.s32 @!p0 s1  }
0x1fa: {  	[bflag:$0x3] =	sbarrier.arrive $0xFFFF  }
0x1fb: {  	_ =	shalt  }

// kernel: kernel.8.cloned.1.call-start
scs
__scs_entry_jumppad:
0x0: {  	(pc) =	sbr.rel $0x88, $3  }
0x1: {  	(tag) =	ssettag $0x0;
	lr =	simm.s32 $0x1  }
0x2: {  	[smem:$0x3F98] =	sst lr;
	_ =	strace $0xD0000000  }
0x3: {  	_ = 	snop  }
0x4: {  	_ = 	snop  }
0x5: {  	_ = 	snop  }
0x6: {  	_ = 	snop  }
0x7: {  	_ = 	snop  }
__scs_overlays_trampoline_lowered:
0x8: {  	[smem:$0x3FA7] =	sst s0  }
0x9: {  	[smem:$0x3FA8] =	sst s1  }
0xa: {  	[smem:$0x3FA9] =	sst s2  }
0xb: {  	[smem:$0x3FAA] =	sst s3  }
0xc: {  	[smem:$0x3FAB] =	sst s4  }
0xd: {  	[smem:$0x3FAC] =	sst s5  }
0xe: {  	[smem:$0x3FAD] =	sst s6  }
0xf: {  	[smem:$0x3FAE] =	sst s7  }
0x10: {  	[smem:$0x3FAF] =	sst s8  }
0x11: {  	[smem:$0x3FB0] =	sst s9;
	s0 =	simm.s32 @!p0 $0x0  }
0x12: {  	s1 =	sld [smem:$0x3F96];
	s0 =	simm.s32 @p0 $0x1  }
0x13: {  	[smem:$0x3FB1] =	sst s0;
	s0 =	simm.s32 @!p1 $0x0  }
0x14: {  	s2 =	sld [smem:$0x3F95];
	s0 =	simm.s32 @p1 $0x1  }
0x15: {  	[smem:$0x3FB2] =	sst s0;
	s0 =	simm.s32 @!p2 $0x0  }
0x16: {  	s3 =	sld [smem:$0x3FDB];
	s0 =	simm.s32 @p2 $0x1  }
0x17: {  	s4 =	simm.s32 $0x1BF5;
	[smem:$0x3FB4] =	sst s0  }
0x18: {  	s0 =	sld [smem:$0x3F97];
	_ =	swait.ge [sflag:s4], $0x0  }
0x19: {  	s7 =	sld [smem:$0x3F98]  }
0x1a: {  	s8 =	sadd.s32 $0xFFFFE003, lr  }
0x1b: {  	s9 =	sadd.s32 $0xFFFFFEF7, lr;
	s5 =	simm.s32 $0xFFFFFFFF;
	p2 =	slt.u32 s8, $0xFFFFF086  }
0x1c: {  	p1 =	slt.u32 s9, $0xF7A;
	s5 =	simm.s32 @!p2 $0x0  }
0x1d: {  	s5 =	simm.s32 @p1 $0x1;
	p0 =	seq.s32 s7, s2  }
0x1e: {  	s7 =	smul.u32 @!p0 $0xF7A, s2;
	p2 =	seq.s32 @!p0 s5, $0x0  }
0x1f: {  	s9 =	smul.u32 $0xF7A, s1;
	s8 =	simm.s32 @!p0 $0x1BF5;
	p2 =	por !p2, p0  }
0x20: {  	[sflag:s8] =	ssyncset.s32 @!p0 $0xFFFFF086;
	s6 =	sadd.s32 @!p0 s3, s7;
	s7 =	simm.s32 @!p0 $0x108  }
0x21: {  	s3 =	sadd.s32 s3, s9;
	s6 =	sadd.s32 @!p0 $0x88, s6;
	s7 =	simm.s32 @p2 $0x1082  }
0x22: {  	[simem:s7], [sflag:s8] =	dma.local @!p0 [hbm:s6], $0xF7A  }
0x23: {  	s9 =	sor.u32 $0xD0000000, s2;
	s6 =	simm.s32 $0x108;
	_ =	swait.ge @!p0 [sflag:s8], $0x0  }
0x24: {  	s3 =	sadd.s32 $0x88, s3;
	s6 =	simm.s32 @!p1 $0x1082;
	[sflag:s4] =	ssyncset.s32 $0xFFFFF086  }
0x25: {  	[simem:s6], [sflag:s4] =	dma.local [hbm:s3], $0xF7A  }
0x26: {  	[smem:$0x3F98] =	sst s1;
	(tag) =	ssettag s2;
	_ =	strace s9  }
0x27: {  	s1 =	sld [smem:$0x3FA8]  }
0x28: {  	s2 =	sld [smem:$0x3FA9]  }
0x29: {  	s4 =	sld [smem:$0x3FAB]  }
0x2a: {  	p0 =	seq.s32 s5, $0x0;
	s5 =	sld [smem:$0x3FAC]  }
0x2b: {  	s6 =	sld [smem:$0x3FAD]  }
0x2c: {  	s7 =	sld [smem:$0x3FAE]  }
0x2d: {  	s3 =	simm.s32 $0x108;
	s8 =	sld [smem:$0x3FAF]  }
0x2e: {  	s3 =	simm.s32 @!p0 $0x1082;
	s9 =	sld [smem:$0x3FB0]  }
0x2f: {  	lr =	sadd.s32 s0, s3;
	s0 =	sld [smem:$0x3FA7]  }
0x30: {  	s3 =	sld [smem:$0x3FAA]  }
0x31: {  	[smem:$0x3FB3] =	sst s10  }
0x32: {  	s10 =	sld [smem:$0x3FB1];
	_ =	sdelay $0x3  }
0x33: {  	p0 =	seq.s32 s10, $0x1;
	s10 =	sld [smem:$0x3FB3];
	_ =	sdelay $0x3  }
0x34: {  	[smem:$0x3FB3] =	sst s10  }
0x35: {  	s10 =	sld [smem:$0x3FB2];
	_ =	sdelay $0x3  }
0x36: {  	p1 =	seq.s32 s10, $0x1;
	s10 =	sld [smem:$0x3FB3];
	_ =	sdelay $0x3  }
0x37: {  	[smem:$0x3FB3] =	sst s10  }
0x38: {  	s10 =	sld [smem:$0x3FB4]  }
0x39: {  	_ = 	snop;
	(pc) =	sbr.ind lr, $3  }
0x3a: {  	_ = 	snop  }
0x3b: {  	_ = 	snop  }
0x3c: {  	p2 =	seq.s32 s10, $0x1;
	s10 =	sld [smem:$0x3FB3]  }
0x3d: {  	_ =	shalt  }
0x3e: {  	_ =	shalt  }
0x3f: {  	_ =	shalt  }
0x40: {  	_ =	shalt  }
0x41: {  	_ =	shalt  }
0x42: {  	_ =	shalt  }
0x43: {  	_ =	shalt  }
0x44: {  	_ =	shalt  }
0x45: {  	_ =	shalt  }
0x46: {  	_ =	shalt  }
0x47: {  	_ =	shalt  }
0x48: {  	_ =	shalt  }
0x49: {  	_ =	shalt  }
0x4a: {  	_ =	shalt  }
0x4b: {  	_ =	shalt  }
0x4c: {  	_ =	shalt  }
0x4d: {  	_ =	shalt  }
0x4e: {  	_ =	shalt  }
0x4f: {  	_ =	shalt  }
0x50: {  	_ =	shalt  }
0x51: {  	_ =	shalt  }
0x52: {  	_ =	shalt  }
0x53: {  	_ =	shalt  }
0x54: {  	_ =	shalt  }
0x55: {  	_ =	shalt  }
0x56: {  	_ =	shalt  }
0x57: {  	_ =	shalt  }
0x58: {  	_ =	shalt  }
0x59: {  	_ =	shalt  }
0x5a: {  	_ =	shalt  }
0x5b: {  	_ =	shalt  }
0x5c: {  	_ =	shalt  }
0x5d: {  	_ =	shalt  }
0x5e: {  	_ =	shalt  }
0x5f: {  	_ =	shalt  }
0x60: {  	_ =	shalt  }
0x61: {  	_ =	shalt  }
0x62: {  	_ =	shalt  }
0x63: {  	_ =	shalt  }
0x64: {  	_ =	shalt  }
0x65: {  	_ =	shalt  }
0x66: {  	_ =	shalt  }
0x67: {  	_ =	shalt  }
0x68: {  	_ =	shalt  }
0x69: {  	_ =	shalt  }
0x6a: {  	_ =	shalt  }
0x6b: {  	_ =	shalt  }
0x6c: {  	_ =	shalt  }
0x6d: {  	_ =	shalt  }
0x6e: {  	_ =	shalt  }
0x6f: {  	_ =	shalt  }
0x70: {  	_ =	shalt  }
0x71: {  	_ =	shalt  }
0x72: {  	_ =	shalt  }
0x73: {  	_ =	shalt  }
0x74: {  	_ =	shalt  }
0x75: {  	_ =	shalt  }
0x76: {  	_ =	shalt  }
0x77: {  	_ =	shalt  }
0x78: {  	_ =	shalt  }
0x79: {  	_ =	shalt  }
0x7a: {  	_ =	shalt  }
0x7b: {  	_ =	shalt  }
0x7c: {  	_ =	shalt  }
0x7d: {  	_ =	shalt  }
0x7e: {  	_ =	shalt  }
0x7f: {  	_ =	shalt  }
0x80: {  	_ =	shalt  }
0x81: {  	_ =	shalt  }
0x82: {  	_ =	shalt  }
0x83: {  	_ =	shalt  }
0x84: {  	_ =	shalt  }
0x85: {  	_ =	shalt  }
0x86: {  	_ =	shalt  }
0x87: {  	_ =	shalt  }
.Lfunc_end0:
.L_simem_size_0:
called_computation_lowered:
.L_overlay_start_0:
0x88: {  	s2 =	sld [smem:$0x3FD9]  }
0x89: {  	s3 =	sld [smem:$0x3FFE];
	_ =	sdelay $0x1  }
0x8a: {  	s1 =	srdreg.scid  }
0x8b: {  	s0 =	sand.u32 $0x1, s1  }
0x8c: {  	s16 =	sshll.u32 s0, $0xA;
	s2 =	sadd.s32 s3, s2  }
0x8d: {  	s2 =	sadd.s32 s2, s16  }
0x8e: {  	[smem:$0x3FBF] =	sst s2  }
0x8f: {  	_ = 	snop  }
0x90: {  	(tm) =	ssettm $0x1  }
0x91: {  	s17 =	sld [smem:$0x3FFB];
	_ =	sdelay $0x3  }
0x92: {  	_ =	strace s17  }
0x93: {  	s2 =	sld [smem:$0x3FFC];
	_ =	sdelay $0x3  }
0x94: {  	_ =	strace s2  }
0x95: {  	s2 =	sld [smem:$0x3FFD];
	_ =	sdelay $0x3  }
0x96: {  	_ =	strace s2  }
0x97: {  	_ =	strace $0x8FFFFFFF  }
0x98: {  	s18 =	sld [smem:$0x3FDB];
	_ =	sdelay $0x1  }
0x99: {  	s19 =	simm.s32 $_scs_section_size  }
0x9a: {  	s4 =	simm.s32 $_size__tile_overlayer_lowered;
	s5 =	simm.s32 $_tile_overlayer_lowered  }
0x9b: {  	s22 =	simm.s32 $0x1BFF;
	s21 =	sshll.u32 s5, $0x1;
	s2 =	sadd.s32 s19, s18  }
0x9c: {  	s6 =	simm.s32 $0x0;
	s20 =	sshll.u32 s4, $0x1;
	s4 =	sadd.s32 s21, s2  }
0x9d: {  	[timem:s6], [sflag:s22] =	dma.local [hbm:s4], s20  }
0x9e: {  	_ =	swait.ge [sflag:s22], s20  }
0x9f: {  	s3 =	ssub.s32 $0x0, s20;
	[sflag:s22] =	ssyncset.done $0x0  }
0xa0: {  	[sflag:s22] =	ssyncadd.s32 s3;
	_ =	sdelay $0x1  }
0xa1: {  	s23 =	simm.s32 $0x1B8B  }
0xa2: {  	_ =	swait.ge [sflag:s23], $0x1  }
0xa3: {  	[sflag:s23] =	ssyncset.done $0x0  }
0xa4: {  	s25 =	simm.s32 $0x1B8E;
	s24 =	sld [smem:$0x3FFE];
	[sflag:s23] =	ssyncadd.s32 $0xFFFFFFFF  }
0xa5: {  	s26 =	simm.s32 $execute0_lowered;
	[smem:$0x3FD2] =	sst s25  }
0xa6: {  	s4 =	sshll.u32 s26, $0x1;
	_ =	strace $0x80000046;
	[dreg:$0x1] =	wrdreg $0xFFFFFFFF  }
0xa7: {  	s28 =	simm.s32 $_size_execute0_lowered;
	s2 =	sadd.s32 s2, s4;
	[dreg:$0x0] =	wrdreg $0x0  }
0xa8: {  	s4 =	sshll.u32 s28, $0x1;
	[dreg:$0x2] =	wrdreg s2  }
0xa9: {  	[dreg:$0x3] =	wrdreg s4  }
0xaa: {  	[dreg:$0x4] =	wrdreg $0xC0  }
0xab: {  	_ =	task [dreg:s6], $0x5FFFF  }
0xac: {  	[dreg:$0x1] =	wrdreg $0xFFFFFFFF  }
0xad: {  	[dreg:$0x0] =	wrdreg $0x60  }
0xae: {  	[dreg:$0x2] =	wrdreg s24  }
0xaf: {  	[dreg:$0x3] =	wrdreg $0x67000  }
0xb0: {  	[dreg:$0x4] =	wrdreg $0x9  }
0xb1: {  	_ =	task.clear_ibuf [dreg:s6], $0x5FFFF;
	_ =	strace $0x90000046  }
0xb2: {  	s29 =	simm.s32 $0x9;
	_ =	strace $0x80000048  }
0xb3: {  	_ =	swait.ge [sflag:s29], $0x1  }
0xb4: {  	[sflag:s29] =	ssyncadd.s32 $0xFFFFFFFF  }
0xb5: {  	_ =	strace $0x90000048  }
0xb6: {  	_ =	sfence  }
0xb7: {  	s30 =	sld [smem:$0x0];
	_ =	sdelay $0x2  }
0xb8: {  	s31 =	sshll.u32 s1, $0xD;
	s1 =	sshrl.u32 s1, $0x2  }
0xb9: {  	s3 =	sand.u32 $0x4000, s31;
	s1 =	sadd.s32 s1, s30  }
0xba: {  	s0 =	sor.u32 s3, s0;
	s1 =	sshll.u32 s1, $0x11  }
0xbb: {  	s0 =	sor.u32 s1, s0  }
0xbc: {  	s0 =	sadd.s32 $0x8F2B, s0  }
0xbd: {  	[sflag:s0] =	ssyncadd.remote.s32 $0x1  }
0xbe: {  	_ =	sfence.sel $0xFFFF  }
0xbf: {  	[dreg:$0x0] =	wrdreg $0xFFFFFFFF;
	(pc) =	sbr.abs _section_cstart, $3  }
0xc0: {  	[dreg:$0x1] =	wrdreg $0xFFFFFFFF  }
0xc1: {  	_ =	task.clear_ibuf [dreg:s6], $0x2FFFF;
	_ =	strace $0x9FFFFFFF  }
0xc2: {  	(tm) =	ssettm $0x7FFFFFFF  }
0xc3: {  	_ =	shalt  }
tec
execute0_lowered:
.L_overlay_start_1:
0x0: {  	(tag) =	ssettag $0x1  }
0x1: {  	s4 =	rddreg [dreg:$0x0]  }
0x2: {  	s2 =	rddreg [dreg:$0x1]  }
0x3: {  	s0 =	rddreg [dreg:$0x2]  }
0x4: {  	s3 =	srdreg.scid;
	s1 =	stileid.u32  }
0x5: {  	s10 =	simm.s32 $0x50;
	s11 =	simm.s32 $0x6400;
	s14 =	simm.s32 $0x20  }
0x6: {  	s15 =	simm.s32 $0x10;
	s16 =	simm.s32 $0x0;
	s5 =	sand.u32 $0x1, s3  }
0x7: {  	s6 =	smul.u32 $0x500, s1;
	s7 =	sshll.u32 s1, $0x1;
	s3 =	simm.s32 $0x0  }
0x8: {  	s29 =	smul.u32 $0xA00, s1;
	s12 =	sshll.u32 s1, $0x6;
	s8 =	sshll.u32 s5, $0x7  }
0x9: {  	s7 =	sor.u32 s5, s7;
	[smem:$0x7FF] =	sst s3;
	s5 =	ssub.s32 $0x2, s5  }
0xa: {  	s12 =	sor.u32 $0x1C01, s12;
	s6 =	sor.u32 s8, s6;
	s7 =	smul.u32 $0x6400, s7  }
0xb: {  	_ =	strace $0x80000047;
	s9 =	sshrl.u32 s5, $0x1;
	s30 =	sshrl.u32 s29, $0x2  }
0xc: {  	s8 =	simm.s32 $0x1;
	s6 =	sshrl.u32 s6, $0x3;
	s31 =	ssub.s32 s5, s9  }
0xd: {  	s5 =	sadd.s32 s30, s2;
	s9 =	simm.s32 $0x6480;
	s7 =	sshrl.u32 s7, $0x3  }
0xe: {  	s6 =	sadd.s32 s6, s4;
	s13 =	sshrl.u32 s5, $0x3;
	s4 =	sadd.s32 s4, s7  }
0xf: {  	v0 =	vimm.f32 $1.000000000e+00;
	v1 =	vimm.f32 $0.0e+00;
	s6 =	sadd.s32 $0x34C00, s6;
	s7 =	smax.u32 s31, $0x1;
	s4 =	sadd.s32 $0x1BC00, s4  }
.LBB2_1:
0x10: {  	s17 =	simm.s32 $0x80  }
0x11: {  	s20 =	sadd.s32 $0x0, s4;
	s18 =	simm.s32 $0x400;
	s19 =	simm.s32 $0x0  }
.LBB2_2:
0x12: {  	[tilespmem:s19], [sflag:$0x1] =	stream.linear.gather [hbm4b:s20+s3], $0x280, $0x38;
	[tilespmem:$0x6980] =	vst v63  }
0x13: {  	s20 =	smov.u32 s17;
	s19 =	smov.u32 s18;
	p0 =	sne.s32 s17, $0xC00  }
.Ltmp0:
0x14: {  	s17 =	sadd.s32 $0x80, s17;
	(pc) =	sbr.rel @p0 .LBB2_2-.Ltmp0, $2  }
0x15: {  	_ =	sdelay $0x2  }
0x16: {  	s18 =	sadd.s32 $0x400, s18;
	s20 =	sadd.s32 s20, s4  }
0x17: {  	[tilespmem:s19], [sflag:$0x1] =	stream.linear.gather [hbm4b:s20+s3], $0x280, $0x38;
	[tilespmem:$0x6980] =	vst v63  }
0x18: {  	_ =	swait.ge [sflag:s8], $0x3E80  }
0x19: {  	[sflag:s8] =	ssyncset.done $0x0  }
0x1a: {  	[sflag:s8] =	ssyncadd.s32 $0xFFFFC180  }
0x1b: {  	[tilespmem:$0x6400] =	vst v0  }
0x1c: {  	[tilespmem:$0x6410] =	vst v0  }
0x1d: {  	[tilespmem:$0x6420] =	vst v0  }
0x1e: {  	[tilespmem:$0x6430] =	vst v0  }
0x1f: {  	[tilespmem:$0x6440] =	vst v0  }
0x20: {  	[tilespmem:$0x6480] =	vst v1  }
0x21: {  	[tilespmem:$0x6490] =	vst v1  }
0x22: {  	[tilespmem:$0x64A0] =	vst v1  }
0x23: {  	[tilespmem:$0x64B0] =	vst v1  }
0x24: {  	[tilespmem:$0x64C0] =	vst v1  }
0x25: {  	[tilespmem:$0x64D0] =	vst v1  }
0x26: {  	[tilespmem:$0x64E0] =	vst v1  }
0x27: {  	[tilespmem:$0x64F0] =	vst v1  }
0x28: {  	[tilespmem:$0x6500] =	vst v1  }
0x29: {  	[tilespmem:$0x6510] =	vst v1  }
0x2a: {  	[tilespmem:$0x6520] =	vst v1  }
0x2b: {  	[tilespmem:$0x6530] =	vst v1  }
0x2c: {  	[tilespmem:$0x6540] =	vst v1  }
0x2d: {  	[tilespmem:$0x6550] =	vst v1  }
0x2e: {  	[tilespmem:$0x6560] =	vst v1  }
0x2f: {  	[tilespmem:$0x6570] =	vst v1  }
0x30: {  	[tilespmem:$0x6580] =	vst v1  }
0x31: {  	[tilespmem:$0x6590] =	vst v1  }
0x32: {  	[tilespmem:$0x65A0] =	vst v1  }
0x33: {  	[tilespmem:$0x65B0] =	vst v1  }
0x34: {  	[tilespmem:$0x65C0] =	vst v1  }
0x35: {  	[tilespmem:$0x65D0] =	vst v1  }
0x36: {  	[tilespmem:$0x65E0] =	vst v1  }
0x37: {  	[tilespmem:$0x65F0] =	vst v1  }
0x38: {  	[tilespmem:$0x6600] =	vst v1  }
0x39: {  	[tilespmem:$0x6610] =	vst v1  }
0x3a: {  	[tilespmem:$0x6620] =	vst v1  }
0x3b: {  	[tilespmem:$0x6630] =	vst v1  }
0x3c: {  	[tilespmem:$0x6640] =	vst v1  }
0x3d: {  	[tilespmem:$0x6650] =	vst v1  }
0x3e: {  	[tilespmem:$0x6660] =	vst v1  }
0x3f: {  	[tilespmem:$0x6670] =	vst v1  }
0x40: {  	[tilespmem:$0x6680] =	vst v1  }
0x41: {  	[tilespmem:$0x6690] =	vst v1  }
0x42: {  	s17 =	simm.s32 $0x0;
	[tilespmem:$0x66A0] =	vst v1  }
0x43: {  	s29 =	smul.u32 $0xCD, s17;
	[tilespmem:$0x66B0] =	vst v1  }
0x44: {  	[tilespmem:$0x66C0] =	vst v1  }
0x45: {  	s17 =	sshrl.u32 s29, $0xA;
	[tilespmem:$0x66D0] =	vst v1  }
0x46: {  	[tilespmem:$0x66E0] =	vst v1;
	s17 =	sand.u32 $0x3F, s17  }
0x47: {  	[tilespmem:$0x66F0] =	vst v1;
	s18 =	smul.u32 $0x5, s17  }
0x48: {  	[spmem:s5] =	stream.linear.scatter [tilespmem:s9], [sflag:$0x1], $0x280, $0x38;
	[tilespmem:$0x6980] =	vst v63  }
0x49: {  	s17 =	simm.s32 $0x1  }
0x4a: {  	_ =	swait.ge [sflag:s8], $0x280;
	s30 =	ssub.s32 $0x0, s18;
	s18 =	smul.u32 $0xCD, s17  }
0x4b: {  	s19 =	sand.u32 $0xFC00, s29;
	[sflag:s8] =	ssyncset.done $0x0;
	s20 =	sand.u32 $0xFF, s30  }
0x4c: {  	[sflag:s8] =	ssyncadd.s32 $0xFFFFFD80;
	s20 =	sshll.u32 s20, $0x7;
	s21 =	sshrl.u32 s18, $0xA  }
0x4d: {  	[bflag:$0x0] =	sbarrier.arrive $0xFFFF;
	s19 =	sor.u32 s20, s19;
	s31 =	sand.u32 $0x3F, s21  }
0x4e: {  	[spmem:s2] =	stream.indirect.scatter.add.f32 [tilespmem:s11], [sflag:$0x1], $0x1, s19, s10, $0xb8;
	[tilespmem:$0x6980] =	vst v63  }
0x4f: {  	s20 =	smul.u32 $0x5, s31;
	s19 =	simm.s32 $0x2  }
.LBB2_4:
0x50: {  	p0 =	sne.s32 s19, $0x7C;
	s21 =	smul.u32 $0xCD, s19  }
0x51: {  	s18 =	sand.u32 $0xFC00, s18;
	s20 =	ssub.s32 s17, s20;
	s17 =	smov.u32 s19  }
.Ltmp1:
0x52: {  	s20 =	sand.u32 $0xFF, s20;
	_ =	swait.ge [sflag:s8], $0x50;
	(pc) =	sbr.rel @p0 .LBB2_4-.Ltmp1, $4  }
0x53: {  	s22 =	sshrl.u32 s21, $0xA;
	s20 =	sshll.u32 s20, $0x7;
	[sflag:s8] =	ssyncset.done $0x0  }
0x54: {  	s22 =	sand.u32 $0x3F, s22;
	s18 =	sor.u32 s20, s18;
	[sflag:s8] =	ssyncadd.s32 $0xFFFFFFB0  }
0x55: {  	[spmem:s2] =	stream.indirect.scatter.add.f32 [tilespmem:s11], [sflag:$0x1], $0x1, s18, s10, $0xb8;
	[tilespmem:$0x6980] =	vst v63  }
0x56: {  	s19 =	sadd.s32 $0x1, s19;
	s20 =	smul.u32 $0x5, s22;
	s18 =	smov.u32 s21  }
0x57: {  	_ = 	snop  }
0x58: {  	s17 =	ssub.s32 s17, s20  }
0x59: {  	_ =	swait.ge [sflag:s8], $0x50;
	s17 =	sand.u32 $0xFF, s17  }
0x5a: {  	s18 =	sand.u32 $0xFC00, s18;
	[sflag:s8] =	ssyncset.done $0x0;
	s17 =	sshll.u32 s17, $0x7  }
0x5b: {  	[sflag:s8] =	ssyncadd.s32 $0xFFFFFFB0;
	s17 =	sor.u32 s17, s18  }
0x5c: {  	[spmem:s2] =	stream.indirect.scatter.add.f32 [tilespmem:s11], [sflag:$0x1], $0x1, s17, s10, $0xb8;
	[tilespmem:$0x6980] =	vst v63  }
0x5d: {  	_ =	swait.ge [sflag:s8], $0x50  }
0x5e: {  	s16 =	sadd.s32 $0x1, s16;
	[sflag:s8] =	ssyncset.done $0x0  }
0x5f: {  	p0 =	sne.s32 s16, s7;
	[sflag:s8] =	ssyncadd.s32 $0xFFFFFFB0  }
.Ltmp2:
0x60: {  	[bflag:$0x0] =	sbarrier.arrive $0xFFFF;
	(pc) =	sbr.rel @p0 .LBB2_1-.Ltmp2, $4  }
0x61: {  	[hbm:s6@s14], [sflag:s12] =	dma.strided [spmem:s13@s15], $0x50, s8, $0x10   }
0x62: {  	_ =	swait.ge [sflag:s8], $0x50  }
0x63: {  	[sflag:s8] =	ssyncset.done $0x0  }
0x64: {  	[sflag:s8] =	ssyncadd.s32 $0xFFFFFFB0  }
0x65: {  	_ =	sfence.sel $0x180000  }
0x66: {  	[bflag:$0x0] =	sbarrier.arrive $0xFFFF  }
0x67: {  	p0 =	sne.s32 s1, $0x0;
	_ =	strace $0x90000047  }
0x68: {  	s0 =	sadd.s32 @!p0 $0x100000, s0;
	[bflag:$0x2] =	sbarrier.arrive $0xFFFF  }
0x69: {  	[sflag:s0] =	ssyncadd.tile.s32 @!p0 $0x1;
	_ =	shalt  }
.Lfunc_end2:
_tile_overlayer_lowered:
.L_overlay_start_2:
0x6a: {  	(tag) =	ssettag $0x2  }
0x6b: {  	s0 =	rddreg [dreg:$0x0];
	s2 =	stileid.u32  }
0x6c: {  	s1 =	rddreg [dreg:$0x1];
	p0 =	sne.s32 s2, $0x0  }
0x6d: {  	s3 =	rddreg [dreg:$0x2];
	[bflag:$0x3] =	sbarrier.arrive $0xFFFF;
	s2 =	simm.s32 @!p0 $0x1C01  }
0x6e: {  	[timem:s3], [sflag:s2] =	dma.local @!p0 [hbm:s0], s1  }
0x6f: {  	s0 =	simm.s32 @!p0 $0x1  }
0x70: {  	_ =	swait.ge @!p0 [sflag:s0], s1  }
0x71: {  	s1 =	ssub.s32 @!p0 $0x0, s1;
	[sflag:s0] =	ssyncset.done @!p0 $0x0  }
0x72: {  	[sflag:s0] =	ssyncadd.s32 @!p0 s1  }
0x73: {  	[bflag:$0x3] =	sbarrier.arrive $0xFFFF  }
0x74: {  	_ =	shalt  }

</sc_bundles>
